<compile_context>
chip_gen: v7x
topology: tpu7x:2x2x1
jax: 0.10.2.dev20260603
libtpu: 0.0.44.dev20260713+nightly
codegen_flags: <defaults>
</compile_context>

<pallas_src>
import functools

import jax
import jax.numpy as jnp
from jax import lax
from jax.experimental import pallas as pl
from jax.experimental.pallas import tpu as pltpu
from jax.experimental.pallas import tpu_sc as plsc

NC = 2
NS = 16
NW = NC * NS
LANES = 16
CHUNK = 128
GCHUNKS = 4
BK = CHUNK * GCHUNKS
SGC = 2
SBK = CHUNK * SGC


def _sc_mesh(num_cores=NC):
    return plsc.VectorSubcoreMesh(core_axis_name="c", subcore_axis_name="s",
                                  num_cores=num_cores, num_subcores=NS)


def _gather_call(nodes, s2d, r2d, E, D):
    GB = CHUNK
    n_groups = E // GB
    steps = (n_groups + NW - 1) // NW
    steps2 = (steps + 1) // 2
    dt = nodes.dtype

    @functools.partial(
        pl.kernel,
        out_type=jax.ShapeDtypeStruct((E, 2 * D), dt),
        mesh=_sc_mesh(),
        scratch_types=[
            pltpu.VMEM((2, CHUNK), jnp.int32),
            pltpu.VMEM((2, CHUNK), jnp.int32),
            pltpu.VMEM((GB, D), dt),
            pltpu.VMEM((GB, D), dt),
            pltpu.VMEM((GB, D), dt),
            pltpu.VMEM((GB, D), dt),
            pltpu.SemaphoreType.DMA,
            pltpu.SemaphoreType.DMA,
            pltpu.SemaphoreType.DMA,
        ],
    )
    def k(nodes_h, s_h, r_h, sfrf_h, idxs_v, idxr_v, rs0, rs1, rr0, rr1,
          sem_g, sem_w0, sem_w1):
        wid = lax.axis_index("s") * NC + lax.axis_index("c")
        bufs = ((rs0, rr0, sem_w0), (rs1, rr1, sem_w1))

        @pl.loop(0, steps2)
        def _(o):
            for par in range(2):
                rows_s, rows_r, sem_w = bufs[par]
                i = 2 * o + par
                b = wid + i * NW

                @pl.when(b < n_groups)
                def _():
                    ebase = b * GB

                    @pl.when(o > 0)
                    def _():
                        pltpu.make_async_copy(
                            rows_s, sfrf_h.at[pl.ds(0, GB), pl.ds(0, D)],
                            sem_w).wait()
                        pltpu.make_async_copy(
                            rows_r, sfrf_h.at[pl.ds(0, GB), pl.ds(D, D)],
                            sem_w).wait()

                    pltpu.sync_copy(s_h.at[pl.ds(b, 1)],
                                    idxs_v.at[pl.ds(par, 1)])
                    pltpu.sync_copy(r_h.at[pl.ds(b, 1)],
                                    idxr_v.at[pl.ds(par, 1)])
                    g1 = pltpu.async_copy(
                        nodes_h.at[idxs_v.at[par]], rows_s, sem_g)
                    g2 = pltpu.async_copy(
                        nodes_h.at[idxr_v.at[par]], rows_r, sem_g)
                    g1.wait()
                    g2.wait()
                    pltpu.async_copy(
                        rows_s, sfrf_h.at[pl.ds(ebase, GB), pl.ds(0, D)],
                        sem_w)
                    pltpu.async_copy(
                        rows_r, sfrf_h.at[pl.ds(ebase, GB), pl.ds(D, D)],
                        sem_w)

        for par in range(2):
            rows_s, rows_r, sem_w = bufs[par]
            pltpu.make_async_copy(
                rows_s, sfrf_h.at[pl.ds(0, GB), pl.ds(0, D)], sem_w).wait()
            pltpu.make_async_copy(
                rows_r, sfrf_h.at[pl.ds(0, GB), pl.ds(D, D)], sem_w).wait()

    return k(nodes, s2d, r2d)


NPH = 5120
DUMP = 512
ACC_R = NPH + DUMP


def _remap_call(r_rs):
    R0, R1 = r_rs.shape

    def body(r_ref, o_ref):
        idx = r_ref[...]
        for c in range(NC):
            rel = idx - c * NPH
            inr = (rel >= 0) & (rel < NPH)
            o_ref[c, :, :] = jnp.where(inr, rel, NPH + (idx & (DUMP - 1)))

    return pl.pallas_call(
        body,
        out_shape=jax.ShapeDtypeStruct((NC, R0, R1), jnp.int32),
    )(r_rs)


def _scatter_call(msgs, idx_rm, g0, g1, D):
    rows_per_tile = ACC_R // NS
    zrows = 32
    assert rows_per_tile % zrows == 0

    @functools.partial(
        pl.kernel,
        out_type=jax.ShapeDtypeStruct((NC, ACC_R, D), jnp.float32),
        mesh=_sc_mesh(),
        scratch_types=[
            pltpu.VMEM((2, SGC, CHUNK), jnp.int32),
            pltpu.VMEM((2, SBK, D), jnp.float32),
            pltpu.VMEM((zrows, D), jnp.float32),
            pltpu.VMEM_SHARED((ACC_R, D), jnp.float32),
            pltpu.SemaphoreType.DMA,
            pltpu.SemaphoreType.DMA,
        ],
    )
    def k(m_h, r_h, out_h, idx_v, vals01_v, zbuf_v, acc_s, sem_l0, sem_l1):
        cid = lax.axis_index("c")
        sid = lax.axis_index("s")

        @pl.loop(0, zrows)
        def _(r):
            @pl.loop(0, D, step=LANES)
            def _(c2):
                zbuf_v[r, pl.ds(c2, LANES)] = jnp.zeros((LANES,), jnp.float32)

        @pl.loop(0, rows_per_tile // zrows)
        def _(bz):
            pltpu.sync_copy(
                zbuf_v, acc_s.at[pl.ds(sid * rows_per_tile + bz * zrows, zrows)]
            )

        plsc.subcore_barrier()

        sg0 = g0 * (BK // SBK)
        sg1 = g1 * (BK // SBK)
        steps = (sg1 - sg0 + NS - 1) // NS
        steps2 = (steps + 1) // 2
        vals = (vals01_v.at[0], vals01_v.at[1])
        sems = (sem_l0, sem_l1)

        def fire(b, buf):
            pltpu.async_copy(
                m_h.at[pl.ds((b - sg0) * SBK, SBK)], vals[buf], sems[buf])
            pltpu.async_copy(
                r_h.at[cid, pl.ds(b * SGC, SGC)],
                idx_v.at[buf], sems[buf])

        def drain(buf):
            pltpu.make_async_copy(
                m_h.at[pl.ds(0, SBK)], vals[buf], sems[buf]).wait()
            pltpu.make_async_copy(
                r_h.at[cid, pl.ds(0, SGC)], idx_v.at[buf], sems[buf]).wait()

        b0 = sg0 + sid

        @pl.when(b0 < sg1)
        def _():
            fire(b0, 0)

        @pl.loop(0, steps2)
        def _(o):
            for par in range(2):
                i = 2 * o + par
                b = sg0 + sid + i * NS

                @pl.when(b < sg1)
                def _():
                    drain(par)
                    nb = b + NS

                    @pl.when(nb < sg1)
                    def _():
                        fire(nb, 1 - par)

                    for j in range(SGC):
                        pltpu.sync_copy(
                            vals[par].at[pl.ds(j * CHUNK, CHUNK)],
                            acc_s.at[idx_v.at[par, j]],
                            add=True,
                        )

        plsc.subcore_barrier()

        @pl.loop(0, rows_per_tile // zrows)
        def _(bz):
            base = sid * rows_per_tile + bz * zrows
            pltpu.sync_copy(
                acc_s.at[pl.ds(base, zrows)], out_h.at[cid, pl.ds(base, zrows)]
            )

    return k(msgs, idx_rm)


def _edge_call(sfrf, ed, W1, W1e, b1, W2, W2e, b2, ln_s, ln_b,
               E_c, off_e, E, D, DE, prev=None):
    BE = 4000
    grid = (E_c // BE,)
    off = off_e // BE
    D2 = 2 * D

    def body(x_r, ed_r, W1_r, W1e_r, b1_r, W2_r, W2e_r, b2_r, ln_s_r,
             ln_b_r, *rest):
        msgs_r, enew_r = rest[-2], rest[-1]
        xb = x_r[...].astype(jnp.bfloat16)
        edb = ed_r[...].astype(jnp.bfloat16)
        dot = functools.partial(jnp.dot, preferred_element_type=jnp.float32)
        x1 = dot(xb, W1_r[...]) + dot(edb, W1e_r[...]) + b1_r[...]
        h = jnp.maximum(x1, 0.0).astype(jnp.bfloat16)
        o2 = dot(h, W2_r[...]) + dot(edb, W2e_r[...]) + b2_r[...]
        msgs_r[...] = o2[:, :D]
        res = o2[:, D:]
        mu = jnp.mean(res, axis=-1, keepdims=True)
        var = jnp.mean((res - mu) ** 2, axis=-1, keepdims=True)
        enew_r[...] = ((res - mu) * lax.rsqrt(var + 1e-6) * ln_s_r[...]
                       + ln_b_r[...])

    full = lambda shape: pl.BlockSpec(shape, lambda i: (0,) * len(shape))
    in_specs = [
        pl.BlockSpec((BE, D2), lambda i: (i, 0)),
        pl.BlockSpec((BE, DE), lambda i: (i + off, 0)),
        full((D2, D2)), full((DE, D2)), full((1, D2)),
        full((D2, D2)), full((DE, D2)), full((1, D2)),
        full((1, D)), full((1, D)),
    ]
    args = [sfrf, ed, W1, W1e, b1, W2, W2e, b2, ln_s, ln_b]
    aliases = {}
    if prev is not None:
        in_specs += [pl.BlockSpec(memory_space=pl.ANY)]
        args += [prev]
        aliases = {len(args) - 1: 1}
    return pl.pallas_call(
        body,
        grid=grid,
        in_specs=in_specs,
        out_specs=[
            pl.BlockSpec((BE, D), lambda i: (i, 0)),
            pl.BlockSpec((BE, D), lambda i: (i + off, 0)),
        ],
        out_shape=[
            jax.ShapeDtypeStruct((E_c, D), jnp.float32),
            jax.ShapeDtypeStruct((E, D), jnp.float32),
        ],
        input_output_aliases=aliases,
    )(*args)


def _node_call(nodes, p0, p1, Wn1n, Wn1a, bn1, Wn2, bn2, W_node, ln_s, ln_b,
               N, D, H):
    BN = 2000
    grid = (N // BN,)

    def body(x_r, p0_r, p1_r, Wn1n_r, Wn1a_r, bn1_r, Wn2_r, bn2_r, W_node_r,
             ln_s_r, ln_b_r, out_r):
        x = x_r[...].astype(jnp.bfloat16)
        agg = (p0_r[...] + p1_r[...]).astype(jnp.bfloat16)
        dot = functools.partial(jnp.dot, preferred_element_type=jnp.float32)
        h = jnp.maximum(dot(x, Wn1n_r[...]) + dot(agg, Wn1a_r[...])
                        + bn1_r[...], 0.0).astype(jnp.bfloat16)
        res = dot(x, W_node_r[...]) + dot(h, Wn2_r[...]) + bn2_r[...]
        mu = jnp.mean(res, axis=-1, keepdims=True)
        var = jnp.mean((res - mu) ** 2, axis=-1, keepdims=True)
        out_r[...] = ((res - mu) * lax.rsqrt(var + 1e-6) * ln_s_r[...]
                      + ln_b_r[...])

    full = lambda shape: pl.BlockSpec(shape, lambda i: (0,) * len(shape))
    return pl.pallas_call(
        body,
        grid=grid,
        in_specs=[
            pl.BlockSpec((BN, D), lambda i: (i, 0)),
            pl.BlockSpec((BN, D), lambda i: (i, 0)),
            pl.BlockSpec((BN, D), lambda i: (i, 0)),
            full((D, H)), full((D, H)), full((1, H)),
            full((H, D)), full((1, D)), full((D, D)),
            full((1, D)), full((1, D)),
        ],
        out_specs=[pl.BlockSpec((BN, D), lambda i: (i, 0))],
        out_shape=[jax.ShapeDtypeStruct((N, D), jnp.float32)],
    )(nodes, p0, p1, Wn1n, Wn1a, bn1, Wn2, bn2, W_node, ln_s, ln_b)[0]


def kernel(nodes, edges, senders, receivers, W_node, W_edge, Wm1, bm1, Wm2,
           bm2, Wn1, bn1, Wn2, bn2, We1, be1, We2, be2, ln_scale, ln_bias):
    N, D = nodes.shape
    E, DE = edges.shape
    H = Wm1.shape[1]

    s2d = senders.reshape(E // CHUNK, CHUNK)
    r2d = receivers.reshape(E // CHUNK, CHUNK)

    bf = jnp.bfloat16
    W1 = jnp.concatenate([
        jnp.concatenate([Wm1[:D], We1[:D]], axis=1),
        jnp.concatenate([Wm1[D:2 * D], We1[D:2 * D]], axis=1)], axis=0)
    W1e = jnp.concatenate([Wm1[2 * D:], We1[2 * D:]], axis=1)
    b1 = jnp.concatenate([bm1, be1]).reshape(1, 2 * H)
    zz = jnp.zeros((H, D), jnp.float32)
    W2 = jnp.concatenate([
        jnp.concatenate([Wm2, zz], axis=1),
        jnp.concatenate([zz, We2], axis=1)], axis=0)
    W2e = jnp.concatenate([jnp.zeros((DE, D), jnp.float32), W_edge], axis=1)
    b2 = jnp.concatenate([bm2, be2]).reshape(1, 2 * D)
    Wn1n, Wn1a = Wn1[:D].astype(bf), Wn1[D:].astype(bf)
    bn1_, bn2_ = bn1.reshape(1, H), bn2.reshape(1, D)
    ln_s, ln_b = ln_scale.reshape(1, D), ln_bias.reshape(1, D)

    idx_rm = _remap_call(receivers.reshape(E // 512, 512))
    idx_rm = idx_rm.reshape(NC, E // CHUNK, CHUNK)

    C1 = 192000
    C2 = E - C1
    Wb = (W1.astype(bf), W1e.astype(bf), b1, W2.astype(bf), W2e.astype(bf),
          b2, ln_s, ln_b)
    sfrf1 = _gather_call(nodes, s2d[:C1 // CHUNK], r2d[:C1 // CHUNK], C1, D)
    sfrf2 = _gather_call(nodes, s2d[C1 // CHUNK:], r2d[C1 // CHUNK:], C2, D)
    msgs, edges_new = _edge_call(sfrf1, edges, *Wb, C1, 0, E, D, DE)
    p1 = _scatter_call(msgs, idx_rm, 0, C1 // BK, D)
    msgs, edges_new = _edge_call(sfrf2, edges, *Wb, C2, C1, E, D, DE,
                                 prev=edges_new)
    p2 = _scatter_call(msgs, idx_rm, C1 // BK, E // BK, D)
    agg1 = jnp.concatenate([p1[0, :NPH], p1[1, :N - NPH]], axis=0)
    agg2 = jnp.concatenate([p2[0, :NPH], p2[1, :N - NPH]], axis=0)
    nodes_new = _node_call(nodes, agg1, agg2, Wn1n, Wn1a, bn1_,
                           Wn2.astype(bf), bn2_, W_node.astype(bf),
                           ln_s, ln_b, N, D, H)
    return nodes_new, edges_new

# --- scband reference (transcript-rebuilt; emitter-appended) ---
"""Pipeline reference for scband-non-linear-message-passing-layer-32109175505235 (READ-ONLY COPY).

The authoritative reference and input builder live on the scoring server;
editing this copy changes nothing except your own understanding.
"""

import jax, jax.numpy as jnp
import numpy as np

N = 10000
E = 320000
D = 128
DE = 16
H = 128

def setup_inputs(seed: int = 0):
    key = jax.random.key(seed)
    ks = jax.random.split(key, 20)
    s = 0.02
    inp = {}
    inp["nodes"] = jax.random.normal(ks[0], (N, D), dtype=jnp.float32)
    inp["edges"] = jax.random.normal(ks[1], (E, DE), dtype=jnp.float32)
    inp["senders"] = jax.random.randint(ks[2], (E,), 0, N, dtype=jnp.int32)
    inp["receivers"] = jax.random.randint(ks[3], (E,), 0, N, dtype=jnp.int32)
    inp["W_node"] = jax.random.normal(ks[4], (D, D), dtype=jnp.float32) * s
    inp["W_edge"] = jax.random.normal(ks[5], (DE, D), dtype=jnp.float32) * s
    inp["Wm1"] = jax.random.normal(ks[6], (2 * D + DE, H), dtype=jnp.float32) * s
    inp["bm1"] = jnp.zeros((H,), dtype=jnp.float32)
    inp["Wm2"] = jax.random.normal(ks[7], (H, D), dtype=jnp.float32) * s
    inp["bm2"] = jnp.zeros((D,), dtype=jnp.float32)
    inp["Wn1"] = jax.random.normal(ks[8], (2 * D, H), dtype=jnp.float32) * s
    inp["bn1"] = jnp.zeros((H,), dtype=jnp.float32)
    inp["Wn2"] = jax.random.normal(ks[9], (H, D), dtype=jnp.float32) * s
    inp["bn2"] = jnp.zeros((D,), dtype=jnp.float32)
    inp["We1"] = jax.random.normal(ks[10], (2 * D + DE, H), dtype=jnp.float32) * s
    inp["be1"] = jnp.zeros((H,), dtype=jnp.float32)
    inp["We2"] = jax.random.normal(ks[11], (H, D), dtype=jnp.float32) * s
    inp["be2"] = jnp.zeros((D,), dtype=jnp.float32)
    inp["ln_scale"] = jnp.ones((D,), dtype=jnp.float32)
    inp["ln_bias"] = jnp.zeros((D,), dtype=jnp.float32)
    return inp

def _mlp(x, W1, b1, W2, b2):
    h = jax.nn.relu(x @ W1 + b1)
    return h @ W2 + b2

def _layer_norm(x, scale, bias, eps=1e-6):
    mu = jnp.mean(x, axis=-1, keepdims=True)
    var = jnp.var(x, axis=-1, keepdims=True)
    return (x - mu) * jax.lax.rsqrt(var + eps) * scale + bias

def reference(nodes, edges, senders, receivers, W_node, W_edge, Wm1, bm1, Wm2, bm2, Wn1, bn1, Wn2, bn2, We1, be1, We2, be2, ln_scale, ln_bias):
    total_nodes = nodes.shape[0]
    sender_features = nodes[senders]
    receiver_features = nodes[receivers]
    messageMLP_input = jnp.concatenate([sender_features, receiver_features, edges], axis=-1)
    messages_out = _mlp(messageMLP_input, Wm1, bm1, Wm2, bm2)
    aggregated_messages = jax.ops.segment_sum(data=messages_out, segment_ids=receivers, num_segments=total_nodes)
    nodeMLP_input = jnp.concatenate([nodes, aggregated_messages], axis=-1)
    nodes_out = _mlp(nodeMLP_input, Wn1, bn1, Wn2, bn2)
    nodes_new = _layer_norm(nodes @ W_node + nodes_out, ln_scale, ln_bias)
    edges_out = _mlp(messageMLP_input, We1, be1, We2, be2)
    edges_new = _layer_norm(edges @ W_edge + edges_out, ln_scale, ln_bias)
    return nodes_new, edges_new

if __name__ == "__main__":
    import jax
    _d = setup_inputs()
    print(jax.jit(kernel)(*tuple(_d.values())))

</pallas_src>

<mosaic_0001>
#map = affine_map<(d0, d1) -> (0, 0)>
#map1 = affine_map<(d0, d1) -> (0, 0, 0)>
module attributes {stable_mosaic.version = 14 : i64} {
  func.func @k(%arg0: i32, %arg1: i32, %arg2: memref<192000x128xf32, #tpu.memory_space<hbm>>, %arg3: memref<2x2500x128xi32, #tpu.memory_space<hbm>>, %arg4: memref<2x5632x128xf32, #tpu.memory_space<hbm>>, %arg5: memref<2x2x128xi32, #tpu.memory_space<vmem>>, %arg6: memref<2x256x128xf32, #tpu.memory_space<vmem>>, %arg7: memref<32x128xf32, #tpu.memory_space<vmem>>, %arg8: memref<5632x128xf32, #tpu.memory_space<vmem_shared>>, %arg9: memref<!tpu.dma_semaphore, #tpu.memory_space<semaphore_mem>>, %arg10: memref<!tpu.dma_semaphore, #tpu.memory_space<semaphore_mem>>) attributes {dimension_semantics = [#tpu.dimension_semantics<core_parallel>, #tpu.dimension_semantics<subcore_parallel>], iteration_bounds = array<i64: 2, 16>, scalar_prefetch = 0 : i64, scratch_operands = 6 : i64, tpu.core_type = #tpu.core_type<sc_vector_subcore>, window_params = [{transform_indices = #map}, {transform_indices = #map1}, {transform_indices = #map1}]} {
    %scan3A = arith.constant 0 : i32
    %scan3A_0 = arith.constant 32 : i32
    %scan3A_1 = arith.addi %scan3A, %scan3A_0 : i32
    %scan3A_2 = arith.constant 1 : i32
    scf.for %scan3A_26 = %scan3A to %scan3A_1 step %scan3A_2  : i32 {
      %mul3A = arith.constant 1 : i32
      %mul3A_27 = arith.muli %scan3A_26, %mul3A : i32
      %add3A_28 = arith.constant 0 : i32
      %add3A_29 = arith.addi %add3A_28, %mul3A_27 : i32
      %scan3A_30 = arith.constant 0 : i32
      %scan3A_31 = arith.constant 8 : i32
      %scan3A_32 = arith.addi %scan3A_30, %scan3A_31 : i32
      %scan3A_33 = arith.constant 1 : i32
      scf.for %scan3A_35 = %scan3A_30 to %scan3A_32 step %scan3A_33  : i32 {
        %mul3A_36 = arith.constant 16 : i32
        %mul3A_37 = arith.muli %scan3A_35, %mul3A_36 : i32
        %add3A_38 = arith.constant 0 : i32
        %add3A_39 = arith.addi %add3A_38, %mul3A_37 : i32
        %broadcast_in_dim3A = arith.constant 0.000000e+00 : f32
        %broadcast_in_dim3A_40 = vector.broadcast %broadcast_in_dim3A : f32 to vector<16xf32>
        %swap3A = arith.index_cast %add3A_29 : i32 to index
        %swap3A_41 = arith.index_cast %add3A_39 : i32 to index
        %swap3A_42 = tpu.vector_load %arg7[%swap3A, %swap3A_41] {strides = array<i32>} : memref<32x128xf32, #tpu.memory_space<vmem>>, vector<1x16xf32>,
        %swap3A_43 = vector.shape_cast %swap3A_42 : vector<1x16xf32> to vector<16xf32>
        %swap3A_44 = vector.shape_cast %broadcast_in_dim3A_40 : vector<16xf32> to vector<1x16xf32>
        tpu.vector_store %arg7[%swap3A, %swap3A_41], %swap3A_44 {strides = array<i32>} : memref<32x128xf32, #tpu.memory_space<vmem>>, vector<1x16xf32>,
      }
      %scan3A_34 = arith.constant 8 : i32
    }
    %scan3A_3 = arith.constant 32 : i32
    %scan3A_4 = arith.constant 0 : i32
    %scan3A_5 = arith.constant 11 : i32
    %scan3A_6 = arith.addi %scan3A_4, %scan3A_5 : i32
    %scan3A_7 = arith.constant 1 : i32
    scf.for %scan3A_26 = %scan3A_4 to %scan3A_6 step %scan3A_7  : i32 {
      %mul3A = arith.constant 1 : i32
      %mul3A_27 = arith.muli %scan3A_26, %mul3A : i32
      %add3A_28 = arith.constant 0 : i32
      %add3A_29 = arith.addi %add3A_28, %mul3A_27 : i32
      %mul3A_30 = arith.constant 352 : i32
      %mul3A_31 = arith.muli %arg1, %mul3A_30 : i32
      %mul3A_32 = arith.constant 32 : i32
      %mul3A_33 = arith.muli %add3A_29, %mul3A_32 : i32
      %add3A_34 = arith.addi %mul3A_31, %mul3A_33 : i32
      "tpu.region"() ({
        %run_scoped3A = tpu.sem_alloc : memref<!tpu.dma_semaphore, #tpu.memory_space<semaphore_mem>>
        %dma_start3A = arith.constant 0 : i32
        %dma_start3A_35 = tpu.memref_slice %arg8[%add3A_34, %dma_start3A] : memref<5632x128xf32, #tpu.memory_space<vmem_shared>> -> memref<32x128xf32, #tpu.memory_space<vmem_shared>>
        %dma_start3A_36 = arith.constant 0 : i32
        %dma_start3A_37 = tpu.memref_slice %arg8[%add3A_34, %dma_start3A_36] : memref<5632x128xf32, #tpu.memory_space<vmem_shared>> -> memref<32x128xf32, #tpu.memory_space<vmem_shared>>
        tpu.enqueue_dma source(%arg7 : memref<32x128xf32, #tpu.memory_space<vmem>>) target(%dma_start3A_37 : memref<32x128xf32, #tpu.memory_space<vmem_shared>>) target_semaphore(%run_scoped3A : memref<!tpu.dma_semaphore, #tpu.memory_space<semaphore_mem>>)
        %dma_wait3A = arith.constant 0 : i32
        %dma_wait3A_38 = tpu.memref_slice %arg8[%add3A_34, %dma_wait3A] : memref<5632x128xf32, #tpu.memory_space<vmem_shared>> -> memref<32x128xf32, #tpu.memory_space<vmem_shared>>
        %dma_wait3A_39 = arith.constant 0 : i32
        %dma_wait3A_40 = tpu.memref_slice %arg8[%add3A_34, %dma_wait3A_39] : memref<5632x128xf32, #tpu.memory_space<vmem_shared>> -> memref<32x128xf32, #tpu.memory_space<vmem_shared>>
        tpu.wait_dma2 semaphore(%run_scoped3A : memref<!tpu.dma_semaphore, #tpu.memory_space<semaphore_mem>>) src(%arg7 : memref<32x128xf32, #tpu.memory_space<vmem>>) dst(%dma_wait3A_40 : memref<32x128xf32, #tpu.memory_space<vmem_shared>>)
        tpu.yield
      }) : () -> ()
    }
    %scan3A_8 = arith.constant 11 : i32
    %barrier3A = arith.constant 0 : index
    tpu.barrier barrier_id(%barrier3A)
    %add3A = arith.constant 0 : i32
    %add3A_9 = arith.addi %add3A, %arg1 : i32
    %lt3A = arith.constant 750 : i32
    %lt3A_10 = arith.cmpi slt, %add3A_9, %lt3A : i32
    %convert_element_type3A = arith.extui %lt3A_10 : i1 to i32
    %cond3A = arith.constant 0 : i32
    %cond3A_11 = arith.constant 0 : i32
    %cond3A_12 = arith.cmpi ne, %convert_element_type3A, %cond3A_11 : i32
    scf.if %cond3A_12 {
      %sub3A = arith.constant 0 : i32
      %sub3A_26 = arith.subi %add3A_9, %sub3A : i32
      %mul3A = arith.constant 256 : i32
      %mul3A_27 = arith.muli %sub3A_26, %mul3A : i32
      %dma_start3A = arith.constant 0 : i32
      %dma_start3A_28 = arith.constant 0 : i32
      %dma_start3A_29 = tpu.memref_slice %arg6[%cond3A, %dma_start3A, %dma_start3A_28] : memref<2x256x128xf32, #tpu.memory_space<vmem>> -> memref<1x256x128xf32, #tpu.memory_space<vmem>>
      %dma_start3A_30 = tpu.memref_squeeze %dma_start3A_29 : memref<1x256x128xf32, #tpu.memory_space<vmem>> -> memref<256x128xf32, #tpu.memory_space<vmem>>
      %dma_start3A_31 = arith.constant 0 : i32
      %dma_start3A_32 = tpu.memref_slice %arg2[%mul3A_27, %dma_start3A_31] : memref<192000x128xf32, #tpu.memory_space<hbm>> -> memref<256x128xf32, #tpu.memory_space<hbm>>
      %dma_start3A_33 = arith.constant 0 : i32
      %dma_start3A_34 = arith.constant 0 : i32
      %dma_start3A_35 = tpu.memref_slice %arg6[%cond3A, %dma_start3A_33, %dma_start3A_34] : memref<2x256x128xf32, #tpu.memory_space<vmem>> -> memref<1x256x128xf32, #tpu.memory_space<vmem>>
      %dma_start3A_36 = tpu.memref_squeeze %dma_start3A_35 : memref<1x256x128xf32, #tpu.memory_space<vmem>> -> memref<256x128xf32, #tpu.memory_space<vmem>>
      %dma_start3A_37 = arith.constant 0 : i32
      %dma_start3A_38 = tpu.memref_slice %arg2[%mul3A_27, %dma_start3A_37] : memref<192000x128xf32, #tpu.memory_space<hbm>> -> memref<256x128xf32, #tpu.memory_space<hbm>>
      tpu.enqueue_dma source(%dma_start3A_38 : memref<256x128xf32, #tpu.memory_space<hbm>>) target(%dma_start3A_36 : memref<256x128xf32, #tpu.memory_space<vmem>>) target_semaphore(%arg9 : memref<!tpu.dma_semaphore, #tpu.memory_space<semaphore_mem>>)
      %mul3A_39 = arith.constant 2 : i32
      %mul3A_40 = arith.muli %add3A_9, %mul3A_39 : i32
      %dma_start3A_41 = arith.constant 0 : i32
      %dma_start3A_42 = arith.constant 0 : i32
      %dma_start3A_43 = arith.constant 0 : i32
      %dma_start3A_44 = tpu.memref_slice %arg5[%dma_start3A_41, %dma_start3A_42, %dma_start3A_43] : memref<2x2x128xi32, #tpu.memory_space<vmem>> -> memref<1x2x128xi32, #tpu.memory_space<vmem>>
      %dma_start3A_45 = tpu.memref_squeeze %dma_start3A_44 : memref<1x2x128xi32, #tpu.memory_space<vmem>> -> memref<2x128xi32, #tpu.memory_space<vmem>>
      %dma_start3A_46 = arith.constant 0 : i32
      %dma_start3A_47 = tpu.memref_slice %arg3[%arg0, %mul3A_40, %dma_start3A_46] : memref<2x2500x128xi32, #tpu.memory_space<hbm>> -> memref<1x2x128xi32, #tpu.memory_space<hbm>>
      %dma_start3A_48 = tpu.memref_squeeze %dma_start3A_47 : memref<1x2x128xi32, #tpu.memory_space<hbm>> -> memref<2x128xi32, #tpu.memory_space<hbm>>
      %dma_start3A_49 = arith.constant 0 : i32
      %dma_start3A_50 = arith.constant 0 : i32
      %dma_start3A_51 = tpu.memref_slice %arg5[%dma_start3A_41, %dma_start3A_49, %dma_start3A_50] : memref<2x2x128xi32, #tpu.memory_space<vmem>> -> memref<1x2x128xi32, #tpu.memory_space<vmem>>
      %dma_start3A_52 = tpu.memref_squeeze %dma_start3A_51 : memref<1x2x128xi32, #tpu.memory_space<vmem>> -> memref<2x128xi32, #tpu.memory_space<vmem>>
      %dma_start3A_53 = arith.constant 0 : i32
      %dma_start3A_54 = tpu.memref_slice %arg3[%arg0, %mul3A_40, %dma_start3A_53] : memref<2x2500x128xi32, #tpu.memory_space<hbm>> -> memref<1x2x128xi32, #tpu.memory_space<hbm>>
      %dma_start3A_55 = tpu.memref_squeeze %dma_start3A_54 : memref<1x2x128xi32, #tpu.memory_space<hbm>> -> memref<2x128xi32, #tpu.memory_space<hbm>>
      tpu.enqueue_dma source(%dma_start3A_55 : memref<2x128xi32, #tpu.memory_space<hbm>>) target(%dma_start3A_52 : memref<2x128xi32, #tpu.memory_space<vmem>>) target_semaphore(%arg9 : memref<!tpu.dma_semaphore, #tpu.memory_space<semaphore_mem>>)
    } else {
    }
    %scan3A_13 = arith.constant 0 : i32
    %scan3A_14 = arith.constant 1 : i32
    %scan3A_15 = arith.constant 0 : i32
    %scan3A_16 = arith.constant 24 : i32
    %scan3A_17 = arith.addi %scan3A_15, %scan3A_16 : i32
    %scan3A_18 = arith.constant 1 : i32
    scf.for %scan3A_26 = %scan3A_15 to %scan3A_17 step %scan3A_18  : i32 {
      %mul3A = arith.constant 1 : i32
      %mul3A_27 = arith.muli %scan3A_26, %mul3A : i32
      %add3A_28 = arith.constant 0 : i32
      %add3A_29 = arith.addi %add3A_28, %mul3A_27 : i32
      %mul3A_30 = arith.constant 2 : i32
      %mul3A_31 = arith.muli %mul3A_30, %add3A_29 : i32
      %add3A_32 = arith.constant 0 : i32
      %add3A_33 = arith.addi %mul3A_31, %add3A_32 : i32
      %add3A_34 = arith.constant 0 : i32
      %add3A_35 = arith.addi %add3A_34, %arg1 : i32
      %mul3A_36 = arith.constant 16 : i32
      %mul3A_37 = arith.muli %add3A_33, %mul3A_36 : i32
      %add3A_38 = arith.addi %add3A_35, %mul3A_37 : i32
      %lt3A_39 = arith.constant 750 : i32
      %lt3A_40 = arith.cmpi slt, %add3A_38, %lt3A_39 : i32
      %convert_element_type3A_41 = arith.extui %lt3A_40 : i1 to i32
      %cond3A_42 = arith.constant 0 : i32
      %cond3A_43 = arith.cmpi ne, %convert_element_type3A_41, %cond3A_42 : i32
      scf.if %cond3A_43 {
        %dma_wait3A = arith.constant 0 : i32
        %dma_wait3A_58 = arith.constant 0 : i32
        %dma_wait3A_59 = tpu.memref_slice %arg6[%scan3A_13, %dma_wait3A, %dma_wait3A_58] : memref<2x256x128xf32, #tpu.memory_space<vmem>> -> memref<1x256x128xf32, #tpu.memory_space<vmem>>
        %dma_wait3A_60 = tpu.memref_squeeze %dma_wait3A_59 : memref<1x256x128xf32, #tpu.memory_space<vmem>> -> memref<256x128xf32, #tpu.memory_space<vmem>>
        %dma_wait3A_61 = arith.constant 0 : i32
        %dma_wait3A_62 = arith.constant 0 : i32
        %dma_wait3A_63 = tpu.memref_slice %arg2[%dma_wait3A_61, %dma_wait3A_62] : memref<192000x128xf32, #tpu.memory_space<hbm>> -> memref<256x128xf32, #tpu.memory_space<hbm>>
        %dma_wait3A_64 = arith.constant 0 : i32
        %dma_wait3A_65 = arith.constant 0 : i32
        %dma_wait3A_66 = tpu.memref_slice %arg6[%scan3A_13, %dma_wait3A_64, %dma_wait3A_65] : memref<2x256x128xf32, #tpu.memory_space<vmem>> -> memref<1x256x128xf32, #tpu.memory_space<vmem>>
        %dma_wait3A_67 = tpu.memref_squeeze %dma_wait3A_66 : memref<1x256x128xf32, #tpu.memory_space<vmem>> -> memref<256x128xf32, #tpu.memory_space<vmem>>
        %dma_wait3A_68 = arith.constant 0 : i32
        %dma_wait3A_69 = arith.constant 0 : i32
        %dma_wait3A_70 = tpu.memref_slice %arg2[%dma_wait3A_68, %dma_wait3A_69] : memref<192000x128xf32, #tpu.memory_space<hbm>> -> memref<256x128xf32, #tpu.memory_space<hbm>>
        tpu.wait_dma2 semaphore(%arg9 : memref<!tpu.dma_semaphore, #tpu.memory_space<semaphore_mem>>) src(%dma_wait3A_70 : memref<256x128xf32, #tpu.memory_space<hbm>>) dst(%dma_wait3A_67 : memref<256x128xf32, #tpu.memory_space<vmem>>)
        %dma_wait3A_71 = arith.constant 0 : i32
        %dma_wait3A_72 = arith.constant 0 : i32
        %dma_wait3A_73 = arith.constant 0 : i32
        %dma_wait3A_74 = tpu.memref_slice %arg5[%dma_wait3A_71, %dma_wait3A_72, %dma_wait3A_73] : memref<2x2x128xi32, #tpu.memory_space<vmem>> -> memref<1x2x128xi32, #tpu.memory_space<vmem>>
        %dma_wait3A_75 = tpu.memref_squeeze %dma_wait3A_74 : memref<1x2x128xi32, #tpu.memory_space<vmem>> -> memref<2x128xi32, #tpu.memory_space<vmem>>
        %dma_wait3A_76 = arith.constant 0 : i32
        %dma_wait3A_77 = arith.constant 0 : i32
        %dma_wait3A_78 = tpu.memref_slice %arg3[%arg0, %dma_wait3A_76, %dma_wait3A_77] : memref<2x2500x128xi32, #tpu.memory_space<hbm>> -> memref<1x2x128xi32, #tpu.memory_space<hbm>>
        %dma_wait3A_79 = tpu.memref_squeeze %dma_wait3A_78 : memref<1x2x128xi32, #tpu.memory_space<hbm>> -> memref<2x128xi32, #tpu.memory_space<hbm>>
        %dma_wait3A_80 = arith.constant 0 : i32
        %dma_wait3A_81 = arith.constant 0 : i32
        %dma_wait3A_82 = tpu.memref_slice %arg5[%dma_wait3A_71, %dma_wait3A_80, %dma_wait3A_81] : memref<2x2x128xi32, #tpu.memory_space<vmem>> -> memref<1x2x128xi32, #tpu.memory_space<vmem>>
        %dma_wait3A_83 = tpu.memref_squeeze %dma_wait3A_82 : memref<1x2x128xi32, #tpu.memory_space<vmem>> -> memref<2x128xi32, #tpu.memory_space<vmem>>
        %dma_wait3A_84 = arith.constant 0 : i32
        %dma_wait3A_85 = arith.constant 0 : i32
        %dma_wait3A_86 = tpu.memref_slice %arg3[%arg0, %dma_wait3A_84, %dma_wait3A_85] : memref<2x2500x128xi32, #tpu.memory_space<hbm>> -> memref<1x2x128xi32, #tpu.memory_space<hbm>>
        %dma_wait3A_87 = tpu.memref_squeeze %dma_wait3A_86 : memref<1x2x128xi32, #tpu.memory_space<hbm>> -> memref<2x128xi32, #tpu.memory_space<hbm>>
        tpu.wait_dma2 semaphore(%arg9 : memref<!tpu.dma_semaphore, #tpu.memory_space<semaphore_mem>>) src(%dma_wait3A_87 : memref<2x128xi32, #tpu.memory_space<hbm>>) dst(%dma_wait3A_83 : memref<2x128xi32, #tpu.memory_space<vmem>>)
        %add3A_88 = arith.constant 16 : i32
        %add3A_89 = arith.addi %add3A_38, %add3A_88 : i32
        %lt3A_90 = arith.constant 750 : i32
        %lt3A_91 = arith.cmpi slt, %add3A_89, %lt3A_90 : i32
        %convert_element_type3A_92 = arith.extui %lt3A_91 : i1 to i32
        %cond3A_93 = arith.constant 0 : i32
        %cond3A_94 = arith.cmpi ne, %convert_element_type3A_92, %cond3A_93 : i32
        scf.if %cond3A_94 {
          %sub3A = arith.constant 0 : i32
          %sub3A_98 = arith.subi %add3A_89, %sub3A : i32
          %mul3A_99 = arith.constant 256 : i32
          %mul3A_100 = arith.muli %sub3A_98, %mul3A_99 : i32
          %dma_start3A = arith.constant 0 : i32
          %dma_start3A_101 = arith.constant 0 : i32
          %dma_start3A_102 = tpu.memref_slice %arg6[%scan3A_14, %dma_start3A, %dma_start3A_101] : memref<2x256x128xf32, #tpu.memory_space<vmem>> -> memref<1x256x128xf32, #tpu.memory_space<vmem>>
          %dma_start3A_103 = tpu.memref_squeeze %dma_start3A_102 : memref<1x256x128xf32, #tpu.memory_space<vmem>> -> memref<256x128xf32, #tpu.memory_space<vmem>>
          %dma_start3A_104 = arith.constant 0 : i32
          %dma_start3A_105 = tpu.memref_slice %arg2[%mul3A_100, %dma_start3A_104] : memref<192000x128xf32, #tpu.memory_space<hbm>> -> memref<256x128xf32, #tpu.memory_space<hbm>>
          %dma_start3A_106 = arith.constant 0 : i32
          %dma_start3A_107 = arith.constant 0 : i32
          %dma_start3A_108 = tpu.memref_slice %arg6[%scan3A_14, %dma_start3A_106, %dma_start3A_107] : memref<2x256x128xf32, #tpu.memory_space<vmem>> -> memref<1x256x128xf32, #tpu.memory_space<vmem>>
          %dma_start3A_109 = tpu.memref_squeeze %dma_start3A_108 : memref<1x256x128xf32, #tpu.memory_space<vmem>> -> memref<256x128xf32, #tpu.memory_space<vmem>>
          %dma_start3A_110 = arith.constant 0 : i32
          %dma_start3A_111 = tpu.memref_slice %arg2[%mul3A_100, %dma_start3A_110] : memref<192000x128xf32, #tpu.memory_space<hbm>> -> memref<256x128xf32, #tpu.memory_space<hbm>>
          tpu.enqueue_dma source(%dma_start3A_111 : memref<256x128xf32, #tpu.memory_space<hbm>>) target(%dma_start3A_109 : memref<256x128xf32, #tpu.memory_space<vmem>>) target_semaphore(%arg10 : memref<!tpu.dma_semaphore, #tpu.memory_space<semaphore_mem>>)
          %mul3A_112 = arith.constant 2 : i32
          %mul3A_113 = arith.muli %add3A_89, %mul3A_112 : i32
          %dma_start3A_114 = arith.constant 1 : i32
          %dma_start3A_115 = arith.constant 0 : i32
          %dma_start3A_116 = arith.constant 0 : i32
          %dma_start3A_117 = tpu.memref_slice %arg5[%dma_start3A_114, %dma_start3A_115, %dma_start3A_116] : memref<2x2x128xi32, #tpu.memory_space<vmem>> -> memref<1x2x128xi32, #tpu.memory_space<vmem>>
          %dma_start3A_118 = tpu.memref_squeeze %dma_start3A_117 : memref<1x2x128xi32, #tpu.memory_space<vmem>> -> memref<2x128xi32, #tpu.memory_space<vmem>>
          %dma_start3A_119 = arith.constant 0 : i32
          %dma_start3A_120 = tpu.memref_slice %arg3[%arg0, %mul3A_113, %dma_start3A_119] : memref<2x2500x128xi32, #tpu.memory_space<hbm>> -> memref<1x2x128xi32, #tpu.memory_space<hbm>>
          %dma_start3A_121 = tpu.memref_squeeze %dma_start3A_120 : memref<1x2x128xi32, #tpu.memory_space<hbm>> -> memref<2x128xi32, #tpu.memory_space<hbm>>
          %dma_start3A_122 = arith.constant 0 : i32
          %dma_start3A_123 = arith.constant 0 : i32
          %dma_start3A_124 = tpu.memref_slice %arg5[%dma_start3A_114, %dma_start3A_122, %dma_start3A_123] : memref<2x2x128xi32, #tpu.memory_space<vmem>> -> memref<1x2x128xi32, #tpu.memory_space<vmem>>
          %dma_start3A_125 = tpu.memref_squeeze %dma_start3A_124 : memref<1x2x128xi32, #tpu.memory_space<vmem>> -> memref<2x128xi32, #tpu.memory_space<vmem>>
          %dma_start3A_126 = arith.constant 0 : i32
          %dma_start3A_127 = tpu.memref_slice %arg3[%arg0, %mul3A_113, %dma_start3A_126] : memref<2x2500x128xi32, #tpu.memory_space<hbm>> -> memref<1x2x128xi32, #tpu.memory_space<hbm>>
          %dma_start3A_128 = tpu.memref_squeeze %dma_start3A_127 : memref<1x2x128xi32, #tpu.memory_space<hbm>> -> memref<2x128xi32, #tpu.memory_space<hbm>>
          tpu.enqueue_dma source(%dma_start3A_128 : memref<2x128xi32, #tpu.memory_space<hbm>>) target(%dma_start3A_125 : memref<2x128xi32, #tpu.memory_space<vmem>>) target_semaphore(%arg10 : memref<!tpu.dma_semaphore, #tpu.memory_space<semaphore_mem>>)
        } else {
        }
        %run_scoped3A = arith.constant 0 : i32
        %run_scoped3A_95 = arith.constant 0 : i32
        "tpu.region"() ({
          %run_scoped3A_98 = tpu.sem_alloc : memref<!tpu.dma_semaphore, #tpu.memory_space<semaphore_mem>>
          %dma_start3A = arith.constant 0 : i32
          %dma_start3A_99 = arith.constant 0 : i32
          %dma_start3A_100 = tpu.memref_slice %arg6[%scan3A_13, %dma_start3A, %dma_start3A_99] : memref<2x256x128xf32, #tpu.memory_space<vmem>> -> memref<1x256x128xf32, #tpu.memory_space<vmem>>
          %dma_start3A_101 = tpu.memref_squeeze %dma_start3A_100 : memref<1x256x128xf32, #tpu.memory_space<vmem>> -> memref<256x128xf32, #tpu.memory_space<vmem>>
          %dma_start3A_102 = arith.constant 0 : i32
          %dma_start3A_103 = arith.constant 0 : i32
          %dma_start3A_104 = tpu.memref_slice %dma_start3A_101[%dma_start3A_102, %dma_start3A_103] : memref<256x128xf32, #tpu.memory_space<vmem>> -> memref<128x128xf32, #tpu.memory_space<vmem>>
          %dma_start3A_105 = arith.constant 0 : i32
          %dma_start3A_106 = tpu.memref_slice %arg5[%run_scoped3A, %run_scoped3A_95, %dma_start3A_105] : memref<2x2x128xi32, #tpu.memory_space<vmem>> -> memref<1x1x128xi32, #tpu.memory_space<vmem>>
          %dma_start3A_107 = tpu.memref_squeeze %dma_start3A_106 : memref<1x1x128xi32, #tpu.memory_space<vmem>> -> memref<128xi32, #tpu.memory_space<vmem>>
          %dma_start3A_108 = arith.constant 0 : i32
          %dma_start3A_109 = arith.constant 0 : i32
          %dma_start3A_110 = tpu.memref_slice %arg8[%dma_start3A_108, %dma_start3A_109] : memref<5632x128xf32, #tpu.memory_space<vmem_shared>> -> memref<5632x128xf32, #tpu.memory_space<vmem_shared>>
          tpu.enqueue_indirect_dma source(%dma_start3A_104 : memref<128x128xf32, #tpu.memory_space<vmem>>) target(%dma_start3A_110 : memref<5632x128xf32, #tpu.memory_space<vmem_shared>>) offsets(%dma_start3A_107 : memref<128xi32, #tpu.memory_space<vmem>>) semaphore(%run_scoped3A_98 : memref<!tpu.dma_semaphore, #tpu.memory_space<semaphore_mem>>) {add = true}
          %dma_wait3A_111 = arith.constant 0 : i32
          %dma_wait3A_112 = arith.constant 0 : i32
          %dma_wait3A_113 = tpu.memref_slice %arg6[%scan3A_13, %dma_wait3A_111, %dma_wait3A_112] : memref<2x256x128xf32, #tpu.memory_space<vmem>> -> memref<1x256x128xf32, #tpu.memory_space<vmem>>
          %dma_wait3A_114 = tpu.memref_squeeze %dma_wait3A_113 : memref<1x256x128xf32, #tpu.memory_space<vmem>> -> memref<256x128xf32, #tpu.memory_space<vmem>>
          %dma_wait3A_115 = arith.constant 0 : i32
          %dma_wait3A_116 = arith.constant 0 : i32
          %dma_wait3A_117 = tpu.memref_slice %dma_wait3A_114[%dma_wait3A_115, %dma_wait3A_116] : memref<256x128xf32, #tpu.memory_space<vmem>> -> memref<128x128xf32, #tpu.memory_space<vmem>>
          %dma_wait3A_118 = arith.constant 0 : i32
          %dma_wait3A_119 = tpu.memref_slice %arg5[%run_scoped3A, %run_scoped3A_95, %dma_wait3A_118] : memref<2x2x128xi32, #tpu.memory_space<vmem>> -> memref<1x1x128xi32, #tpu.memory_space<vmem>>
          %dma_wait3A_120 = tpu.memref_squeeze %dma_wait3A_119 : memref<1x1x128xi32, #tpu.memory_space<vmem>> -> memref<128xi32, #tpu.memory_space<vmem>>
          %dma_wait3A_121 = arith.constant 0 : i32
          %dma_wait3A_122 = arith.constant 0 : i32
          %dma_wait3A_123 = tpu.memref_slice %arg8[%dma_wait3A_121, %dma_wait3A_122] : memref<5632x128xf32, #tpu.memory_space<vmem_shared>> -> memref<5632x128xf32, #tpu.memory_space<vmem_shared>>
          tpu.wait_indirect_dma semaphore(%run_scoped3A_98 : memref<!tpu.dma_semaphore, #tpu.memory_space<semaphore_mem>>) src(%dma_wait3A_117 : memref<128x128xf32, #tpu.memory_space<vmem>>) dst(%dma_wait3A_123 : memref<5632x128xf32, #tpu.memory_space<vmem_shared>>)
          tpu.yield
        }) : () -> ()
        %run_scoped3A_96 = arith.constant 0 : i32
        %run_scoped3A_97 = arith.constant 1 : i32
        "tpu.region"() ({
          %run_scoped3A_98 = tpu.sem_alloc : memref<!tpu.dma_semaphore, #tpu.memory_space<semaphore_mem>>
          %dma_start3A = arith.constant 0 : i32
          %dma_start3A_99 = arith.constant 0 : i32
          %dma_start3A_100 = tpu.memref_slice %arg6[%scan3A_13, %dma_start3A, %dma_start3A_99] : memref<2x256x128xf32, #tpu.memory_space<vmem>> -> memref<1x256x128xf32, #tpu.memory_space<vmem>>
          %dma_start3A_101 = tpu.memref_squeeze %dma_start3A_100 : memref<1x256x128xf32, #tpu.memory_space<vmem>> -> memref<256x128xf32, #tpu.memory_space<vmem>>
          %dma_start3A_102 = arith.constant 128 : i32
          %dma_start3A_103 = arith.constant 0 : i32
          %dma_start3A_104 = tpu.memref_slice %dma_start3A_101[%dma_start3A_102, %dma_start3A_103] : memref<256x128xf32, #tpu.memory_space<vmem>> -> memref<128x128xf32, #tpu.memory_space<vmem>>
          %dma_start3A_105 = arith.constant 0 : i32
          %dma_start3A_106 = tpu.memref_slice %arg5[%run_scoped3A_96, %run_scoped3A_97, %dma_start3A_105] : memref<2x2x128xi32, #tpu.memory_space<vmem>> -> memref<1x1x128xi32, #tpu.memory_space<vmem>>
          %dma_start3A_107 = tpu.memref_squeeze %dma_start3A_106 : memref<1x1x128xi32, #tpu.memory_space<vmem>> -> memref<128xi32, #tpu.memory_space<vmem>>
          %dma_start3A_108 = arith.constant 0 : i32
          %dma_start3A_109 = arith.constant 0 : i32
          %dma_start3A_110 = tpu.memref_slice %arg8[%dma_start3A_108, %dma_start3A_109] : memref<5632x128xf32, #tpu.memory_space<vmem_shared>> -> memref<5632x128xf32, #tpu.memory_space<vmem_shared>>
          tpu.enqueue_indirect_dma source(%dma_start3A_104 : memref<128x128xf32, #tpu.memory_space<vmem>>) target(%dma_start3A_110 : memref<5632x128xf32, #tpu.memory_space<vmem_shared>>) offsets(%dma_start3A_107 : memref<128xi32, #tpu.memory_space<vmem>>) semaphore(%run_scoped3A_98 : memref<!tpu.dma_semaphore, #tpu.memory_space<semaphore_mem>>) {add = true}
          %dma_wait3A_111 = arith.constant 0 : i32
          %dma_wait3A_112 = arith.constant 0 : i32
          %dma_wait3A_113 = tpu.memref_slice %arg6[%scan3A_13, %dma_wait3A_111, %dma_wait3A_112] : memref<2x256x128xf32, #tpu.memory_space<vmem>> -> memref<1x256x128xf32, #tpu.memory_space<vmem>>
          %dma_wait3A_114 = tpu.memref_squeeze %dma_wait3A_113 : memref<1x256x128xf32, #tpu.memory_space<vmem>> -> memref<256x128xf32, #tpu.memory_space<vmem>>
          %dma_wait3A_115 = arith.constant 128 : i32
          %dma_wait3A_116 = arith.constant 0 : i32
          %dma_wait3A_117 = tpu.memref_slice %dma_wait3A_114[%dma_wait3A_115, %dma_wait3A_116] : memref<256x128xf32, #tpu.memory_space<vmem>> -> memref<128x128xf32, #tpu.memory_space<vmem>>
          %dma_wait3A_118 = arith.constant 0 : i32
          %dma_wait3A_119 = tpu.memref_slice %arg5[%run_scoped3A_96, %run_scoped3A_97, %dma_wait3A_118] : memref<2x2x128xi32, #tpu.memory_space<vmem>> -> memref<1x1x128xi32, #tpu.memory_space<vmem>>
          %dma_wait3A_120 = tpu.memref_squeeze %dma_wait3A_119 : memref<1x1x128xi32, #tpu.memory_space<vmem>> -> memref<128xi32, #tpu.memory_space<vmem>>
          %dma_wait3A_121 = arith.constant 0 : i32
          %dma_wait3A_122 = arith.constant 0 : i32
          %dma_wait3A_123 = tpu.memref_slice %arg8[%dma_wait3A_121, %dma_wait3A_122] : memref<5632x128xf32, #tpu.memory_space<vmem_shared>> -> memref<5632x128xf32, #tpu.memory_space<vmem_shared>>
          tpu.wait_indirect_dma semaphore(%run_scoped3A_98 : memref<!tpu.dma_semaphore, #tpu.memory_space<semaphore_mem>>) src(%dma_wait3A_117 : memref<128x128xf32, #tpu.memory_space<vmem>>) dst(%dma_wait3A_123 : memref<5632x128xf32, #tpu.memory_space<vmem_shared>>)
          tpu.yield
        }) : () -> ()
      } else {
      }
      %mul3A_44 = arith.constant 2 : i32
      %mul3A_45 = arith.muli %mul3A_44, %add3A_29 : i32
      %add3A_46 = arith.constant 1 : i32
      %add3A_47 = arith.addi %mul3A_45, %add3A_46 : i32
      %add3A_48 = arith.constant 0 : i32
      %add3A_49 = arith.addi %add3A_48, %arg1 : i32
      %mul3A_50 = arith.constant 16 : i32
      %mul3A_51 = arith.muli %add3A_47, %mul3A_50 : i32
      %add3A_52 = arith.addi %add3A_49, %mul3A_51 : i32
      %lt3A_53 = arith.constant 750 : i32
      %lt3A_54 = arith.cmpi slt, %add3A_52, %lt3A_53 : i32
      %convert_element_type3A_55 = arith.extui %lt3A_54 : i1 to i32
      %cond3A_56 = arith.constant 0 : i32
      %cond3A_57 = arith.cmpi ne, %convert_element_type3A_55, %cond3A_56 : i32
      scf.if %cond3A_57 {
        %dma_wait3A = arith.constant 0 : i32
        %dma_wait3A_58 = arith.constant 0 : i32
        %dma_wait3A_59 = tpu.memref_slice %arg6[%scan3A_14, %dma_wait3A, %dma_wait3A_58] : memref<2x256x128xf32, #tpu.memory_space<vmem>> -> memref<1x256x128xf32, #tpu.memory_space<vmem>>
        %dma_wait3A_60 = tpu.memref_squeeze %dma_wait3A_59 : memref<1x256x128xf32, #tpu.memory_space<vmem>> -> memref<256x128xf32, #tpu.memory_space<vmem>>
        %dma_wait3A_61 = arith.constant 0 : i32
        %dma_wait3A_62 = arith.constant 0 : i32
        %dma_wait3A_63 = tpu.memref_slice %arg2[%dma_wait3A_61, %dma_wait3A_62] : memref<192000x128xf32, #tpu.memory_space<hbm>> -> memref<256x128xf32, #tpu.memory_space<hbm>>
        %dma_wait3A_64 = arith.constant 0 : i32
        %dma_wait3A_65 = arith.constant 0 : i32
        %dma_wait3A_66 = tpu.memref_slice %arg6[%scan3A_14, %dma_wait3A_64, %dma_wait3A_65] : memref<2x256x128xf32, #tpu.memory_space<vmem>> -> memref<1x256x128xf32, #tpu.memory_space<vmem>>
        %dma_wait3A_67 = tpu.memref_squeeze %dma_wait3A_66 : memref<1x256x128xf32, #tpu.memory_space<vmem>> -> memref<256x128xf32, #tpu.memory_space<vmem>>
        %dma_wait3A_68 = arith.constant 0 : i32
        %dma_wait3A_69 = arith.constant 0 : i32
        %dma_wait3A_70 = tpu.memref_slice %arg2[%dma_wait3A_68, %dma_wait3A_69] : memref<192000x128xf32, #tpu.memory_space<hbm>> -> memref<256x128xf32, #tpu.memory_space<hbm>>
        tpu.wait_dma2 semaphore(%arg10 : memref<!tpu.dma_semaphore, #tpu.memory_space<semaphore_mem>>) src(%dma_wait3A_70 : memref<256x128xf32, #tpu.memory_space<hbm>>) dst(%dma_wait3A_67 : memref<256x128xf32, #tpu.memory_space<vmem>>)
        %dma_wait3A_71 = arith.constant 1 : i32
        %dma_wait3A_72 = arith.constant 0 : i32
        %dma_wait3A_73 = arith.constant 0 : i32
        %dma_wait3A_74 = tpu.memref_slice %arg5[%dma_wait3A_71, %dma_wait3A_72, %dma_wait3A_73] : memref<2x2x128xi32, #tpu.memory_space<vmem>> -> memref<1x2x128xi32, #tpu.memory_space<vmem>>
        %dma_wait3A_75 = tpu.memref_squeeze %dma_wait3A_74 : memref<1x2x128xi32, #tpu.memory_space<vmem>> -> memref<2x128xi32, #tpu.memory_space<vmem>>
        %dma_wait3A_76 = arith.constant 0 : i32
        %dma_wait3A_77 = arith.constant 0 : i32
        %dma_wait3A_78 = tpu.memref_slice %arg3[%arg0, %dma_wait3A_76, %dma_wait3A_77] : memref<2x2500x128xi32, #tpu.memory_space<hbm>> -> memref<1x2x128xi32, #tpu.memory_space<hbm>>
        %dma_wait3A_79 = tpu.memref_squeeze %dma_wait3A_78 : memref<1x2x128xi32, #tpu.memory_space<hbm>> -> memref<2x128xi32, #tpu.memory_space<hbm>>
        %dma_wait3A_80 = arith.constant 0 : i32
        %dma_wait3A_81 = arith.constant 0 : i32
        %dma_wait3A_82 = tpu.memref_slice %arg5[%dma_wait3A_71, %dma_wait3A_80, %dma_wait3A_81] : memref<2x2x128xi32, #tpu.memory_space<vmem>> -> memref<1x2x128xi32, #tpu.memory_space<vmem>>
        %dma_wait3A_83 = tpu.memref_squeeze %dma_wait3A_82 : memref<1x2x128xi32, #tpu.memory_space<vmem>> -> memref<2x128xi32, #tpu.memory_space<vmem>>
        %dma_wait3A_84 = arith.constant 0 : i32
        %dma_wait3A_85 = arith.constant 0 : i32
        %dma_wait3A_86 = tpu.memref_slice %arg3[%arg0, %dma_wait3A_84, %dma_wait3A_85] : memref<2x2500x128xi32, #tpu.memory_space<hbm>> -> memref<1x2x128xi32, #tpu.memory_space<hbm>>
        %dma_wait3A_87 = tpu.memref_squeeze %dma_wait3A_86 : memref<1x2x128xi32, #tpu.memory_space<hbm>> -> memref<2x128xi32, #tpu.memory_space<hbm>>
        tpu.wait_dma2 semaphore(%arg10 : memref<!tpu.dma_semaphore, #tpu.memory_space<semaphore_mem>>) src(%dma_wait3A_87 : memref<2x128xi32, #tpu.memory_space<hbm>>) dst(%dma_wait3A_83 : memref<2x128xi32, #tpu.memory_space<vmem>>)
        %add3A_88 = arith.constant 16 : i32
        %add3A_89 = arith.addi %add3A_52, %add3A_88 : i32
        %lt3A_90 = arith.constant 750 : i32
        %lt3A_91 = arith.cmpi slt, %add3A_89, %lt3A_90 : i32
        %convert_element_type3A_92 = arith.extui %lt3A_91 : i1 to i32
        %cond3A_93 = arith.constant 0 : i32
        %cond3A_94 = arith.cmpi ne, %convert_element_type3A_92, %cond3A_93 : i32
        scf.if %cond3A_94 {
          %sub3A = arith.constant 0 : i32
          %sub3A_98 = arith.subi %add3A_89, %sub3A : i32
          %mul3A_99 = arith.constant 256 : i32
          %mul3A_100 = arith.muli %sub3A_98, %mul3A_99 : i32
          %dma_start3A = arith.constant 0 : i32
          %dma_start3A_101 = arith.constant 0 : i32
          %dma_start3A_102 = tpu.memref_slice %arg6[%scan3A_13, %dma_start3A, %dma_start3A_101] : memref<2x256x128xf32, #tpu.memory_space<vmem>> -> memref<1x256x128xf32, #tpu.memory_space<vmem>>
          %dma_start3A_103 = tpu.memref_squeeze %dma_start3A_102 : memref<1x256x128xf32, #tpu.memory_space<vmem>> -> memref<256x128xf32, #tpu.memory_space<vmem>>
          %dma_start3A_104 = arith.constant 0 : i32
          %dma_start3A_105 = tpu.memref_slice %arg2[%mul3A_100, %dma_start3A_104] : memref<192000x128xf32, #tpu.memory_space<hbm>> -> memref<256x128xf32, #tpu.memory_space<hbm>>
          %dma_start3A_106 = arith.constant 0 : i32
          %dma_start3A_107 = arith.constant 0 : i32
          %dma_start3A_108 = tpu.memref_slice %arg6[%scan3A_13, %dma_start3A_106, %dma_start3A_107] : memref<2x256x128xf32, #tpu.memory_space<vmem>> -> memref<1x256x128xf32, #tpu.memory_space<vmem>>
          %dma_start3A_109 = tpu.memref_squeeze %dma_start3A_108 : memref<1x256x128xf32, #tpu.memory_space<vmem>> -> memref<256x128xf32, #tpu.memory_space<vmem>>
          %dma_start3A_110 = arith.constant 0 : i32
          %dma_start3A_111 = tpu.memref_slice %arg2[%mul3A_100, %dma_start3A_110] : memref<192000x128xf32, #tpu.memory_space<hbm>> -> memref<256x128xf32, #tpu.memory_space<hbm>>
          tpu.enqueue_dma source(%dma_start3A_111 : memref<256x128xf32, #tpu.memory_space<hbm>>) target(%dma_start3A_109 : memref<256x128xf32, #tpu.memory_space<vmem>>) target_semaphore(%arg9 : memref<!tpu.dma_semaphore, #tpu.memory_space<semaphore_mem>>)
          %mul3A_112 = arith.constant 2 : i32
          %mul3A_113 = arith.muli %add3A_89, %mul3A_112 : i32
          %dma_start3A_114 = arith.constant 0 : i32
          %dma_start3A_115 = arith.constant 0 : i32
          %dma_start3A_116 = arith.constant 0 : i32
          %dma_start3A_117 = tpu.memref_slice %arg5[%dma_start3A_114, %dma_start3A_115, %dma_start3A_116] : memref<2x2x128xi32, #tpu.memory_space<vmem>> -> memref<1x2x128xi32, #tpu.memory_space<vmem>>
          %dma_start3A_118 = tpu.memref_squeeze %dma_start3A_117 : memref<1x2x128xi32, #tpu.memory_space<vmem>> -> memref<2x128xi32, #tpu.memory_space<vmem>>
          %dma_start3A_119 = arith.constant 0 : i32
          %dma_start3A_120 = tpu.memref_slice %arg3[%arg0, %mul3A_113, %dma_start3A_119] : memref<2x2500x128xi32, #tpu.memory_space<hbm>> -> memref<1x2x128xi32, #tpu.memory_space<hbm>>
          %dma_start3A_121 = tpu.memref_squeeze %dma_start3A_120 : memref<1x2x128xi32, #tpu.memory_space<hbm>> -> memref<2x128xi32, #tpu.memory_space<hbm>>
          %dma_start3A_122 = arith.constant 0 : i32
          %dma_start3A_123 = arith.constant 0 : i32
          %dma_start3A_124 = tpu.memref_slice %arg5[%dma_start3A_114, %dma_start3A_122, %dma_start3A_123] : memref<2x2x128xi32, #tpu.memory_space<vmem>> -> memref<1x2x128xi32, #tpu.memory_space<vmem>>
          %dma_start3A_125 = tpu.memref_squeeze %dma_start3A_124 : memref<1x2x128xi32, #tpu.memory_space<vmem>> -> memref<2x128xi32, #tpu.memory_space<vmem>>
          %dma_start3A_126 = arith.constant 0 : i32
          %dma_start3A_127 = tpu.memref_slice %arg3[%arg0, %mul3A_113, %dma_start3A_126] : memref<2x2500x128xi32, #tpu.memory_space<hbm>> -> memref<1x2x128xi32, #tpu.memory_space<hbm>>
          %dma_start3A_128 = tpu.memref_squeeze %dma_start3A_127 : memref<1x2x128xi32, #tpu.memory_space<hbm>> -> memref<2x128xi32, #tpu.memory_space<hbm>>
          tpu.enqueue_dma source(%dma_start3A_128 : memref<2x128xi32, #tpu.memory_space<hbm>>) target(%dma_start3A_125 : memref<2x128xi32, #tpu.memory_space<vmem>>) target_semaphore(%arg9 : memref<!tpu.dma_semaphore, #tpu.memory_space<semaphore_mem>>)
        } else {
        }
        %run_scoped3A = arith.constant 1 : i32
        %run_scoped3A_95 = arith.constant 0 : i32
        "tpu.region"() ({
          %run_scoped3A_98 = tpu.sem_alloc : memref<!tpu.dma_semaphore, #tpu.memory_space<semaphore_mem>>
          %dma_start3A = arith.constant 0 : i32
          %dma_start3A_99 = arith.constant 0 : i32
          %dma_start3A_100 = tpu.memref_slice %arg6[%scan3A_14, %dma_start3A, %dma_start3A_99] : memref<2x256x128xf32, #tpu.memory_space<vmem>> -> memref<1x256x128xf32, #tpu.memory_space<vmem>>
          %dma_start3A_101 = tpu.memref_squeeze %dma_start3A_100 : memref<1x256x128xf32, #tpu.memory_space<vmem>> -> memref<256x128xf32, #tpu.memory_space<vmem>>
          %dma_start3A_102 = arith.constant 0 : i32
          %dma_start3A_103 = arith.constant 0 : i32
          %dma_start3A_104 = tpu.memref_slice %dma_start3A_101[%dma_start3A_102, %dma_start3A_103] : memref<256x128xf32, #tpu.memory_space<vmem>> -> memref<128x128xf32, #tpu.memory_space<vmem>>
          %dma_start3A_105 = arith.constant 0 : i32
          %dma_start3A_106 = tpu.memref_slice %arg5[%run_scoped3A, %run_scoped3A_95, %dma_start3A_105] : memref<2x2x128xi32, #tpu.memory_space<vmem>> -> memref<1x1x128xi32, #tpu.memory_space<vmem>>
          %dma_start3A_107 = tpu.memref_squeeze %dma_start3A_106 : memref<1x1x128xi32, #tpu.memory_space<vmem>> -> memref<128xi32, #tpu.memory_space<vmem>>
          %dma_start3A_108 = arith.constant 0 : i32
          %dma_start3A_109 = arith.constant 0 : i32
          %dma_start3A_110 = tpu.memref_slice %arg8[%dma_start3A_108, %dma_start3A_109] : memref<5632x128xf32, #tpu.memory_space<vmem_shared>> -> memref<5632x128xf32, #tpu.memory_space<vmem_shared>>
          tpu.enqueue_indirect_dma source(%dma_start3A_104 : memref<128x128xf32, #tpu.memory_space<vmem>>) target(%dma_start3A_110 : memref<5632x128xf32, #tpu.memory_space<vmem_shared>>) offsets(%dma_start3A_107 : memref<128xi32, #tpu.memory_space<vmem>>) semaphore(%run_scoped3A_98 : memref<!tpu.dma_semaphore, #tpu.memory_space<semaphore_mem>>) {add = true}
          %dma_wait3A_111 = arith.constant 0 : i32
          %dma_wait3A_112 = arith.constant 0 : i32
          %dma_wait3A_113 = tpu.memref_slice %arg6[%scan3A_14, %dma_wait3A_111, %dma_wait3A_112] : memref<2x256x128xf32, #tpu.memory_space<vmem>> -> memref<1x256x128xf32, #tpu.memory_space<vmem>>
          %dma_wait3A_114 = tpu.memref_squeeze %dma_wait3A_113 : memref<1x256x128xf32, #tpu.memory_space<vmem>> -> memref<256x128xf32, #tpu.memory_space<vmem>>
          %dma_wait3A_115 = arith.constant 0 : i32
          %dma_wait3A_116 = arith.constant 0 : i32
          %dma_wait3A_117 = tpu.memref_slice %dma_wait3A_114[%dma_wait3A_115, %dma_wait3A_116] : memref<256x128xf32, #tpu.memory_space<vmem>> -> memref<128x128xf32, #tpu.memory_space<vmem>>
          %dma_wait3A_118 = arith.constant 0 : i32
          %dma_wait3A_119 = tpu.memref_slice %arg5[%run_scoped3A, %run_scoped3A_95, %dma_wait3A_118] : memref<2x2x128xi32, #tpu.memory_space<vmem>> -> memref<1x1x128xi32, #tpu.memory_space<vmem>>
          %dma_wait3A_120 = tpu.memref_squeeze %dma_wait3A_119 : memref<1x1x128xi32, #tpu.memory_space<vmem>> -> memref<128xi32, #tpu.memory_space<vmem>>
          %dma_wait3A_121 = arith.constant 0 : i32
          %dma_wait3A_122 = arith.constant 0 : i32
          %dma_wait3A_123 = tpu.memref_slice %arg8[%dma_wait3A_121, %dma_wait3A_122] : memref<5632x128xf32, #tpu.memory_space<vmem_shared>> -> memref<5632x128xf32, #tpu.memory_space<vmem_shared>>
          tpu.wait_indirect_dma semaphore(%run_scoped3A_98 : memref<!tpu.dma_semaphore, #tpu.memory_space<semaphore_mem>>) src(%dma_wait3A_117 : memref<128x128xf32, #tpu.memory_space<vmem>>) dst(%dma_wait3A_123 : memref<5632x128xf32, #tpu.memory_space<vmem_shared>>)
          tpu.yield
        }) : () -> ()
        %run_scoped3A_96 = arith.constant 1 : i32
        %run_scoped3A_97 = arith.constant 1 : i32
        "tpu.region"() ({
          %run_scoped3A_98 = tpu.sem_alloc : memref<!tpu.dma_semaphore, #tpu.memory_space<semaphore_mem>>
          %dma_start3A = arith.constant 0 : i32
          %dma_start3A_99 = arith.constant 0 : i32
          %dma_start3A_100 = tpu.memref_slice %arg6[%scan3A_14, %dma_start3A, %dma_start3A_99] : memref<2x256x128xf32, #tpu.memory_space<vmem>> -> memref<1x256x128xf32, #tpu.memory_space<vmem>>
          %dma_start3A_101 = tpu.memref_squeeze %dma_start3A_100 : memref<1x256x128xf32, #tpu.memory_space<vmem>> -> memref<256x128xf32, #tpu.memory_space<vmem>>
          %dma_start3A_102 = arith.constant 128 : i32
          %dma_start3A_103 = arith.constant 0 : i32
          %dma_start3A_104 = tpu.memref_slice %dma_start3A_101[%dma_start3A_102, %dma_start3A_103] : memref<256x128xf32, #tpu.memory_space<vmem>> -> memref<128x128xf32, #tpu.memory_space<vmem>>
          %dma_start3A_105 = arith.constant 0 : i32
          %dma_start3A_106 = tpu.memref_slice %arg5[%run_scoped3A_96, %run_scoped3A_97, %dma_start3A_105] : memref<2x2x128xi32, #tpu.memory_space<vmem>> -> memref<1x1x128xi32, #tpu.memory_space<vmem>>
          %dma_start3A_107 = tpu.memref_squeeze %dma_start3A_106 : memref<1x1x128xi32, #tpu.memory_space<vmem>> -> memref<128xi32, #tpu.memory_space<vmem>>
          %dma_start3A_108 = arith.constant 0 : i32
          %dma_start3A_109 = arith.constant 0 : i32
          %dma_start3A_110 = tpu.memref_slice %arg8[%dma_start3A_108, %dma_start3A_109] : memref<5632x128xf32, #tpu.memory_space<vmem_shared>> -> memref<5632x128xf32, #tpu.memory_space<vmem_shared>>
          tpu.enqueue_indirect_dma source(%dma_start3A_104 : memref<128x128xf32, #tpu.memory_space<vmem>>) target(%dma_start3A_110 : memref<5632x128xf32, #tpu.memory_space<vmem_shared>>) offsets(%dma_start3A_107 : memref<128xi32, #tpu.memory_space<vmem>>) semaphore(%run_scoped3A_98 : memref<!tpu.dma_semaphore, #tpu.memory_space<semaphore_mem>>) {add = true}
          %dma_wait3A_111 = arith.constant 0 : i32
          %dma_wait3A_112 = arith.constant 0 : i32
          %dma_wait3A_113 = tpu.memref_slice %arg6[%scan3A_14, %dma_wait3A_111, %dma_wait3A_112] : memref<2x256x128xf32, #tpu.memory_space<vmem>> -> memref<1x256x128xf32, #tpu.memory_space<vmem>>
          %dma_wait3A_114 = tpu.memref_squeeze %dma_wait3A_113 : memref<1x256x128xf32, #tpu.memory_space<vmem>> -> memref<256x128xf32, #tpu.memory_space<vmem>>
          %dma_wait3A_115 = arith.constant 128 : i32
          %dma_wait3A_116 = arith.constant 0 : i32
          %dma_wait3A_117 = tpu.memref_slice %dma_wait3A_114[%dma_wait3A_115, %dma_wait3A_116] : memref<256x128xf32, #tpu.memory_space<vmem>> -> memref<128x128xf32, #tpu.memory_space<vmem>>
          %dma_wait3A_118 = arith.constant 0 : i32
          %dma_wait3A_119 = tpu.memref_slice %arg5[%run_scoped3A_96, %run_scoped3A_97, %dma_wait3A_118] : memref<2x2x128xi32, #tpu.memory_space<vmem>> -> memref<1x1x128xi32, #tpu.memory_space<vmem>>
          %dma_wait3A_120 = tpu.memref_squeeze %dma_wait3A_119 : memref<1x1x128xi32, #tpu.memory_space<vmem>> -> memref<128xi32, #tpu.memory_space<vmem>>
          %dma_wait3A_121 = arith.constant 0 : i32
          %dma_wait3A_122 = arith.constant 0 : i32
          %dma_wait3A_123 = tpu.memref_slice %arg8[%dma_wait3A_121, %dma_wait3A_122] : memref<5632x128xf32, #tpu.memory_space<vmem_shared>> -> memref<5632x128xf32, #tpu.memory_space<vmem_shared>>
          tpu.wait_indirect_dma semaphore(%run_scoped3A_98 : memref<!tpu.dma_semaphore, #tpu.memory_space<semaphore_mem>>) src(%dma_wait3A_117 : memref<128x128xf32, #tpu.memory_space<vmem>>) dst(%dma_wait3A_123 : memref<5632x128xf32, #tpu.memory_space<vmem_shared>>)
          tpu.yield
        }) : () -> ()
      } else {
      }
    }
    %scan3A_19 = arith.constant 24 : i32
    %barrier3A_20 = arith.constant 0 : index
    tpu.barrier barrier_id(%barrier3A_20)
    %scan3A_21 = arith.constant 0 : i32
    %scan3A_22 = arith.constant 11 : i32
    %scan3A_23 = arith.addi %scan3A_21, %scan3A_22 : i32
    %scan3A_24 = arith.constant 1 : i32
    scf.for %scan3A_26 = %scan3A_21 to %scan3A_23 step %scan3A_24  : i32 {
      %mul3A = arith.constant 1 : i32
      %mul3A_27 = arith.muli %scan3A_26, %mul3A : i32
      %add3A_28 = arith.constant 0 : i32
      %add3A_29 = arith.addi %add3A_28, %mul3A_27 : i32
      %mul3A_30 = arith.constant 352 : i32
      %mul3A_31 = arith.muli %arg1, %mul3A_30 : i32
      %mul3A_32 = arith.constant 32 : i32
      %mul3A_33 = arith.muli %add3A_29, %mul3A_32 : i32
      %add3A_34 = arith.addi %mul3A_31, %mul3A_33 : i32
      "tpu.region"() ({
        %run_scoped3A = tpu.sem_alloc : memref<!tpu.dma_semaphore, #tpu.memory_space<semaphore_mem>>
        %dma_start3A = arith.constant 0 : i32
        %dma_start3A_35 = tpu.memref_slice %arg4[%arg0, %add3A_34, %dma_start3A] : memref<2x5632x128xf32, #tpu.memory_space<hbm>> -> memref<1x32x128xf32, #tpu.memory_space<hbm>>
        %dma_start3A_36 = tpu.memref_squeeze %dma_start3A_35 : memref<1x32x128xf32, #tpu.memory_space<hbm>> -> memref<32x128xf32, #tpu.memory_space<hbm>>
        %dma_start3A_37 = arith.constant 0 : i32
        %dma_start3A_38 = tpu.memref_slice %arg8[%add3A_34, %dma_start3A_37] : memref<5632x128xf32, #tpu.memory_space<vmem_shared>> -> memref<32x128xf32, #tpu.memory_space<vmem_shared>>
        tpu.enqueue_dma source(%dma_start3A_38 : memref<32x128xf32, #tpu.memory_space<vmem_shared>>) target(%dma_start3A_36 : memref<32x128xf32, #tpu.memory_space<hbm>>) target_semaphore(%run_scoped3A : memref<!tpu.dma_semaphore, #tpu.memory_space<semaphore_mem>>)
        %dma_wait3A = arith.constant 0 : i32
        %dma_wait3A_39 = tpu.memref_slice %arg4[%arg0, %add3A_34, %dma_wait3A] : memref<2x5632x128xf32, #tpu.memory_space<hbm>> -> memref<1x32x128xf32, #tpu.memory_space<hbm>>
        %dma_wait3A_40 = tpu.memref_squeeze %dma_wait3A_39 : memref<1x32x128xf32, #tpu.memory_space<hbm>> -> memref<32x128xf32, #tpu.memory_space<hbm>>
        %dma_wait3A_41 = arith.constant 0 : i32
        %dma_wait3A_42 = tpu.memref_slice %arg8[%add3A_34, %dma_wait3A_41] : memref<5632x128xf32, #tpu.memory_space<vmem_shared>> -> memref<32x128xf32, #tpu.memory_space<vmem_shared>>
        tpu.wait_dma2 semaphore(%run_scoped3A : memref<!tpu.dma_semaphore, #tpu.memory_space<semaphore_mem>>) src(%dma_wait3A_42 : memref<32x128xf32, #tpu.memory_space<vmem_shared>>) dst(%dma_wait3A_40 : memref<32x128xf32, #tpu.memory_space<hbm>>)
        tpu.yield
      }) : () -> ()
    }
    %scan3A_25 = arith.constant 11 : i32
    return
  }
}

#map = affine_map<(d0, d1) -> (0, 0)>
module attributes {stable_mosaic.version = 14 : i64} {
  func.func @k(%arg0: i32, %arg1: i32, %arg2: memref<10000x128xf32, #tpu.memory_space<hbm>>, %arg3: memref<1500x128xi32, #tpu.memory_space<hbm>>, %arg4: memref<1500x128xi32, #tpu.memory_space<hbm>>, %arg5: memref<192000x256xf32, #tpu.memory_space<hbm>>, %arg6: memref<2x128xi32, #tpu.memory_space<vmem>>, %arg7: memref<2x128xi32, #tpu.memory_space<vmem>>, %arg8: memref<128x128xf32, #tpu.memory_space<vmem>>, %arg9: memref<128x128xf32, #tpu.memory_space<vmem>>, %arg10: memref<128x128xf32, #tpu.memory_space<vmem>>, %arg11: memref<128x128xf32, #tpu.memory_space<vmem>>, %arg12: memref<!tpu.dma_semaphore, #tpu.memory_space<semaphore_mem>>, %arg13: memref<!tpu.dma_semaphore, #tpu.memory_space<semaphore_mem>>, %arg14: memref<!tpu.dma_semaphore, #tpu.memory_space<semaphore_mem>>) attributes {dimension_semantics = [#tpu.dimension_semantics<core_parallel>, #tpu.dimension_semantics<subcore_parallel>], iteration_bounds = array<i64: 2, 16>, scalar_prefetch = 0 : i64, scratch_operands = 9 : i64, tpu.core_type = #tpu.core_type<sc_vector_subcore>, window_params = [{transform_indices = #map}, {transform_indices = #map}, {transform_indices = #map}, {transform_indices = #map}]} {
    %mul3A = arith.constant 2 : i32
    %mul3A_0 = arith.muli %arg1, %mul3A : i32
    %add3A = arith.addi %mul3A_0, %arg0 : i32
    %scan3A = arith.constant 0 : i32
    %scan3A_1 = arith.constant 24 : i32
    %scan3A_2 = arith.addi %scan3A, %scan3A_1 : i32
    %scan3A_3 = arith.constant 1 : i32
    scf.for %scan3A_28 = %scan3A to %scan3A_2 step %scan3A_3  : i32 {
      %mul3A_29 = arith.constant 1 : i32
      %mul3A_30 = arith.muli %scan3A_28, %mul3A_29 : i32
      %add3A_31 = arith.constant 0 : i32
      %add3A_32 = arith.addi %add3A_31, %mul3A_30 : i32
      %mul3A_33 = arith.constant 2 : i32
      %mul3A_34 = arith.muli %mul3A_33, %add3A_32 : i32
      %add3A_35 = arith.constant 0 : i32
      %add3A_36 = arith.addi %mul3A_34, %add3A_35 : i32
      %mul3A_37 = arith.constant 32 : i32
      %mul3A_38 = arith.muli %add3A_36, %mul3A_37 : i32
      %add3A_39 = arith.addi %add3A, %mul3A_38 : i32
      %lt3A = arith.constant 1500 : i32
      %lt3A_40 = arith.cmpi slt, %add3A_39, %lt3A : i32
      %convert_element_type3A = arith.extui %lt3A_40 : i1 to i32
      %cond3A = arith.constant 0 : i32
      %cond3A_41 = arith.cmpi ne, %convert_element_type3A, %cond3A : i32
      scf.if %cond3A_41 {
        %mul3A_54 = arith.constant 128 : i32
        %mul3A_55 = arith.muli %add3A_39, %mul3A_54 : i32
        %gt3A = arith.constant 0 : i32
        %gt3A_56 = arith.cmpi sgt, %add3A_32, %gt3A : i32
        %convert_element_type3A_57 = arith.extui %gt3A_56 : i1 to i32
        %cond3A_58 = arith.constant 0 : i32
        %cond3A_59 = arith.cmpi ne, %convert_element_type3A_57, %cond3A_58 : i32
        scf.if %cond3A_59 {
          %dma_wait3A_95 = arith.constant 0 : i32
          %dma_wait3A_96 = arith.constant 0 : i32
          %dma_wait3A_97 = tpu.memref_slice %arg5[%dma_wait3A_95, %dma_wait3A_96] : memref<192000x256xf32, #tpu.memory_space<hbm>> -> memref<128x128xf32, #tpu.memory_space<hbm>>
          %dma_wait3A_98 = arith.constant 0 : i32
          %dma_wait3A_99 = arith.constant 0 : i32
          %dma_wait3A_100 = tpu.memref_slice %arg5[%dma_wait3A_98, %dma_wait3A_99] : memref<192000x256xf32, #tpu.memory_space<hbm>> -> memref<128x128xf32, #tpu.memory_space<hbm>>
          tpu.wait_dma2 semaphore(%arg13 : memref<!tpu.dma_semaphore, #tpu.memory_space<semaphore_mem>>) src(%arg8 : memref<128x128xf32, #tpu.memory_space<vmem>>) dst(%dma_wait3A_100 : memref<128x128xf32, #tpu.memory_space<hbm>>)
          %dma_wait3A_101 = arith.constant 0 : i32
          %dma_wait3A_102 = arith.constant 128 : i32
          %dma_wait3A_103 = tpu.memref_slice %arg5[%dma_wait3A_101, %dma_wait3A_102] : memref<192000x256xf32, #tpu.memory_space<hbm>> -> memref<128x128xf32, #tpu.memory_space<hbm>>
          %dma_wait3A_104 = arith.constant 0 : i32
          %dma_wait3A_105 = arith.constant 128 : i32
          %dma_wait3A_106 = tpu.memref_slice %arg5[%dma_wait3A_104, %dma_wait3A_105] : memref<192000x256xf32, #tpu.memory_space<hbm>> -> memref<128x128xf32, #tpu.memory_space<hbm>>
          tpu.wait_dma2 semaphore(%arg13 : memref<!tpu.dma_semaphore, #tpu.memory_space<semaphore_mem>>) src(%arg10 : memref<128x128xf32, #tpu.memory_space<vmem>>) dst(%dma_wait3A_106 : memref<128x128xf32, #tpu.memory_space<hbm>>)
        } else {
        }
        "tpu.region"() ({
          %run_scoped3A = tpu.sem_alloc : memref<!tpu.dma_semaphore, #tpu.memory_space<semaphore_mem>>
          %dma_start3A_95 = arith.constant 0 : i32
          %dma_start3A_96 = arith.constant 0 : i32
          %dma_start3A_97 = tpu.memref_slice %arg6[%dma_start3A_95, %dma_start3A_96] : memref<2x128xi32, #tpu.memory_space<vmem>> -> memref<1x128xi32, #tpu.memory_space<vmem>>
          %dma_start3A_98 = arith.constant 0 : i32
          %dma_start3A_99 = tpu.memref_slice %arg3[%add3A_39, %dma_start3A_98] : memref<1500x128xi32, #tpu.memory_space<hbm>> -> memref<1x128xi32, #tpu.memory_space<hbm>>
          %dma_start3A_100 = arith.constant 0 : i32
          %dma_start3A_101 = arith.constant 0 : i32
          %dma_start3A_102 = tpu.memref_slice %arg6[%dma_start3A_100, %dma_start3A_101] : memref<2x128xi32, #tpu.memory_space<vmem>> -> memref<1x128xi32, #tpu.memory_space<vmem>>
          %dma_start3A_103 = arith.constant 0 : i32
          %dma_start3A_104 = tpu.memref_slice %arg3[%add3A_39, %dma_start3A_103] : memref<1500x128xi32, #tpu.memory_space<hbm>> -> memref<1x128xi32, #tpu.memory_space<hbm>>
          tpu.enqueue_dma source(%dma_start3A_104 : memref<1x128xi32, #tpu.memory_space<hbm>>) target(%dma_start3A_102 : memref<1x128xi32, #tpu.memory_space<vmem>>) target_semaphore(%run_scoped3A : memref<!tpu.dma_semaphore, #tpu.memory_space<semaphore_mem>>)
          %dma_wait3A_105 = arith.constant 0 : i32
          %dma_wait3A_106 = arith.constant 0 : i32
          %dma_wait3A_107 = tpu.memref_slice %arg6[%dma_wait3A_105, %dma_wait3A_106] : memref<2x128xi32, #tpu.memory_space<vmem>> -> memref<1x128xi32, #tpu.memory_space<vmem>>
          %dma_wait3A_108 = arith.constant 0 : i32
          %dma_wait3A_109 = tpu.memref_slice %arg3[%add3A_39, %dma_wait3A_108] : memref<1500x128xi32, #tpu.memory_space<hbm>> -> memref<1x128xi32, #tpu.memory_space<hbm>>
          %dma_wait3A_110 = arith.constant 0 : i32
          %dma_wait3A_111 = arith.constant 0 : i32
          %dma_wait3A_112 = tpu.memref_slice %arg6[%dma_wait3A_110, %dma_wait3A_111] : memref<2x128xi32, #tpu.memory_space<vmem>> -> memref<1x128xi32, #tpu.memory_space<vmem>>
          %dma_wait3A_113 = arith.constant 0 : i32
          %dma_wait3A_114 = tpu.memref_slice %arg3[%add3A_39, %dma_wait3A_113] : memref<1500x128xi32, #tpu.memory_space<hbm>> -> memref<1x128xi32, #tpu.memory_space<hbm>>
          tpu.wait_dma2 semaphore(%run_scoped3A : memref<!tpu.dma_semaphore, #tpu.memory_space<semaphore_mem>>) src(%dma_wait3A_114 : memref<1x128xi32, #tpu.memory_space<hbm>>) dst(%dma_wait3A_112 : memref<1x128xi32, #tpu.memory_space<vmem>>)
          tpu.yield
        }) : () -> ()
        "tpu.region"() ({
          %run_scoped3A = tpu.sem_alloc : memref<!tpu.dma_semaphore, #tpu.memory_space<semaphore_mem>>
          %dma_start3A_95 = arith.constant 0 : i32
          %dma_start3A_96 = arith.constant 0 : i32
          %dma_start3A_97 = tpu.memref_slice %arg7[%dma_start3A_95, %dma_start3A_96] : memref<2x128xi32, #tpu.memory_space<vmem>> -> memref<1x128xi32, #tpu.memory_space<vmem>>
          %dma_start3A_98 = arith.constant 0 : i32
          %dma_start3A_99 = tpu.memref_slice %arg4[%add3A_39, %dma_start3A_98] : memref<1500x128xi32, #tpu.memory_space<hbm>> -> memref<1x128xi32, #tpu.memory_space<hbm>>
          %dma_start3A_100 = arith.constant 0 : i32
          %dma_start3A_101 = arith.constant 0 : i32
          %dma_start3A_102 = tpu.memref_slice %arg7[%dma_start3A_100, %dma_start3A_101] : memref<2x128xi32, #tpu.memory_space<vmem>> -> memref<1x128xi32, #tpu.memory_space<vmem>>
          %dma_start3A_103 = arith.constant 0 : i32
          %dma_start3A_104 = tpu.memref_slice %arg4[%add3A_39, %dma_start3A_103] : memref<1500x128xi32, #tpu.memory_space<hbm>> -> memref<1x128xi32, #tpu.memory_space<hbm>>
          tpu.enqueue_dma source(%dma_start3A_104 : memref<1x128xi32, #tpu.memory_space<hbm>>) target(%dma_start3A_102 : memref<1x128xi32, #tpu.memory_space<vmem>>) target_semaphore(%run_scoped3A : memref<!tpu.dma_semaphore, #tpu.memory_space<semaphore_mem>>)
          %dma_wait3A_105 = arith.constant 0 : i32
          %dma_wait3A_106 = arith.constant 0 : i32
          %dma_wait3A_107 = tpu.memref_slice %arg7[%dma_wait3A_105, %dma_wait3A_106] : memref<2x128xi32, #tpu.memory_space<vmem>> -> memref<1x128xi32, #tpu.memory_space<vmem>>
          %dma_wait3A_108 = arith.constant 0 : i32
          %dma_wait3A_109 = tpu.memref_slice %arg4[%add3A_39, %dma_wait3A_108] : memref<1500x128xi32, #tpu.memory_space<hbm>> -> memref<1x128xi32, #tpu.memory_space<hbm>>
          %dma_wait3A_110 = arith.constant 0 : i32
          %dma_wait3A_111 = arith.constant 0 : i32
          %dma_wait3A_112 = tpu.memref_slice %arg7[%dma_wait3A_110, %dma_wait3A_111] : memref<2x128xi32, #tpu.memory_space<vmem>> -> memref<1x128xi32, #tpu.memory_space<vmem>>
          %dma_wait3A_113 = arith.constant 0 : i32
          %dma_wait3A_114 = tpu.memref_slice %arg4[%add3A_39, %dma_wait3A_113] : memref<1500x128xi32, #tpu.memory_space<hbm>> -> memref<1x128xi32, #tpu.memory_space<hbm>>
          tpu.wait_dma2 semaphore(%run_scoped3A : memref<!tpu.dma_semaphore, #tpu.memory_space<semaphore_mem>>) src(%dma_wait3A_114 : memref<1x128xi32, #tpu.memory_space<hbm>>) dst(%dma_wait3A_112 : memref<1x128xi32, #tpu.memory_space<vmem>>)
          tpu.yield
        }) : () -> ()
        %dma_start3A = arith.constant 0 : i32
        %dma_start3A_60 = arith.constant 0 : i32
        %dma_start3A_61 = tpu.memref_slice %arg6[%dma_start3A, %dma_start3A_60] : memref<2x128xi32, #tpu.memory_space<vmem>> -> memref<1x128xi32, #tpu.memory_space<vmem>>
        %dma_start3A_62 = tpu.memref_squeeze %dma_start3A_61 : memref<1x128xi32, #tpu.memory_space<vmem>> -> memref<128xi32, #tpu.memory_space<vmem>>
        %dma_start3A_63 = arith.constant 0 : i32
        %dma_start3A_64 = arith.constant 0 : i32
        %dma_start3A_65 = tpu.memref_slice %arg2[%dma_start3A_63, %dma_start3A_64] : memref<10000x128xf32, #tpu.memory_space<hbm>> -> memref<10000x128xf32, #tpu.memory_space<hbm>>
        tpu.enqueue_indirect_dma source(%dma_start3A_65 : memref<10000x128xf32, #tpu.memory_space<hbm>>) target(%arg8 : memref<128x128xf32, #tpu.memory_space<vmem>>) offsets(%dma_start3A_62 : memref<128xi32, #tpu.memory_space<vmem>>) semaphore(%arg12 : memref<!tpu.dma_semaphore, #tpu.memory_space<semaphore_mem>>)
        %dma_start3A_66 = arith.constant 0 : i32
        %dma_start3A_67 = arith.constant 0 : i32
        %dma_start3A_68 = tpu.memref_slice %arg7[%dma_start3A_66, %dma_start3A_67] : memref<2x128xi32, #tpu.memory_space<vmem>> -> memref<1x128xi32, #tpu.memory_space<vmem>>
        %dma_start3A_69 = tpu.memref_squeeze %dma_start3A_68 : memref<1x128xi32, #tpu.memory_space<vmem>> -> memref<128xi32, #tpu.memory_space<vmem>>
        %dma_start3A_70 = arith.constant 0 : i32
        %dma_start3A_71 = arith.constant 0 : i32
        %dma_start3A_72 = tpu.memref_slice %arg2[%dma_start3A_70, %dma_start3A_71] : memref<10000x128xf32, #tpu.memory_space<hbm>> -> memref<10000x128xf32, #tpu.memory_space<hbm>>
        tpu.enqueue_indirect_dma source(%dma_start3A_72 : memref<10000x128xf32, #tpu.memory_space<hbm>>) target(%arg10 : memref<128x128xf32, #tpu.memory_space<vmem>>) offsets(%dma_start3A_69 : memref<128xi32, #tpu.memory_space<vmem>>) semaphore(%arg12 : memref<!tpu.dma_semaphore, #tpu.memory_space<semaphore_mem>>)
        %dma_wait3A_73 = arith.constant 0 : i32
        %dma_wait3A_74 = arith.constant 0 : i32
        %dma_wait3A_75 = tpu.memref_slice %arg6[%dma_wait3A_73, %dma_wait3A_74] : memref<2x128xi32, #tpu.memory_space<vmem>> -> memref<1x128xi32, #tpu.memory_space<vmem>>
        %dma_wait3A_76 = tpu.memref_squeeze %dma_wait3A_75 : memref<1x128xi32, #tpu.memory_space<vmem>> -> memref<128xi32, #tpu.memory_space<vmem>>
        %dma_wait3A_77 = arith.constant 0 : i32
        %dma_wait3A_78 = arith.constant 0 : i32
        %dma_wait3A_79 = tpu.memref_slice %arg2[%dma_wait3A_77, %dma_wait3A_78] : memref<10000x128xf32, #tpu.memory_space<hbm>> -> memref<10000x128xf32, #tpu.memory_space<hbm>>
        tpu.wait_indirect_dma semaphore(%arg12 : memref<!tpu.dma_semaphore, #tpu.memory_space<semaphore_mem>>) src(%dma_wait3A_79 : memref<10000x128xf32, #tpu.memory_space<hbm>>) dst(%arg8 : memref<128x128xf32, #tpu.memory_space<vmem>>)
        %dma_wait3A_80 = arith.constant 0 : i32
        %dma_wait3A_81 = arith.constant 0 : i32
        %dma_wait3A_82 = tpu.memref_slice %arg7[%dma_wait3A_80, %dma_wait3A_81] : memref<2x128xi32, #tpu.memory_space<vmem>> -> memref<1x128xi32, #tpu.memory_space<vmem>>
        %dma_wait3A_83 = tpu.memref_squeeze %dma_wait3A_82 : memref<1x128xi32, #tpu.memory_space<vmem>> -> memref<128xi32, #tpu.memory_space<vmem>>
        %dma_wait3A_84 = arith.constant 0 : i32
        %dma_wait3A_85 = arith.constant 0 : i32
        %dma_wait3A_86 = tpu.memref_slice %arg2[%dma_wait3A_84, %dma_wait3A_85] : memref<10000x128xf32, #tpu.memory_space<hbm>> -> memref<10000x128xf32, #tpu.memory_space<hbm>>
        tpu.wait_indirect_dma semaphore(%arg12 : memref<!tpu.dma_semaphore, #tpu.memory_space<semaphore_mem>>) src(%dma_wait3A_86 : memref<10000x128xf32, #tpu.memory_space<hbm>>) dst(%arg10 : memref<128x128xf32, #tpu.memory_space<vmem>>)
        %dma_start3A_87 = arith.constant 0 : i32
        %dma_start3A_88 = tpu.memref_slice %arg5[%mul3A_55, %dma_start3A_87] : memref<192000x256xf32, #tpu.memory_space<hbm>> -> memref<128x128xf32, #tpu.memory_space<hbm>>
        %dma_start3A_89 = arith.constant 0 : i32
        %dma_start3A_90 = tpu.memref_slice %arg5[%mul3A_55, %dma_start3A_89] : memref<192000x256xf32, #tpu.memory_space<hbm>> -> memref<128x128xf32, #tpu.memory_space<hbm>>
        tpu.enqueue_dma source(%arg8 : memref<128x128xf32, #tpu.memory_space<vmem>>) target(%dma_start3A_90 : memref<128x128xf32, #tpu.memory_space<hbm>>) target_semaphore(%arg13 : memref<!tpu.dma_semaphore, #tpu.memory_space<semaphore_mem>>)
        %dma_start3A_91 = arith.constant 128 : i32
        %dma_start3A_92 = tpu.memref_slice %arg5[%mul3A_55, %dma_start3A_91] : memref<192000x256xf32, #tpu.memory_space<hbm>> -> memref<128x128xf32, #tpu.memory_space<hbm>>
        %dma_start3A_93 = arith.constant 128 : i32
        %dma_start3A_94 = tpu.memref_slice %arg5[%mul3A_55, %dma_start3A_93] : memref<192000x256xf32, #tpu.memory_space<hbm>> -> memref<128x128xf32, #tpu.memory_space<hbm>>
        tpu.enqueue_dma source(%arg10 : memref<128x128xf32, #tpu.memory_space<vmem>>) target(%dma_start3A_94 : memref<128x128xf32, #tpu.memory_space<hbm>>) target_semaphore(%arg13 : memref<!tpu.dma_semaphore, #tpu.memory_space<semaphore_mem>>)
      } else {
      }
      %mul3A_42 = arith.constant 2 : i32
      %mul3A_43 = arith.muli %mul3A_42, %add3A_32 : i32
      %add3A_44 = arith.constant 1 : i32
      %add3A_45 = arith.addi %mul3A_43, %add3A_44 : i32
      %mul3A_46 = arith.constant 32 : i32
      %mul3A_47 = arith.muli %add3A_45, %mul3A_46 : i32
      %add3A_48 = arith.addi %add3A, %mul3A_47 : i32
      %lt3A_49 = arith.constant 1500 : i32
      %lt3A_50 = arith.cmpi slt, %add3A_48, %lt3A_49 : i32
      %convert_element_type3A_51 = arith.extui %lt3A_50 : i1 to i32
      %cond3A_52 = arith.constant 0 : i32
      %cond3A_53 = arith.cmpi ne, %convert_element_type3A_51, %cond3A_52 : i32
      scf.if %cond3A_53 {
        %mul3A_54 = arith.constant 128 : i32
        %mul3A_55 = arith.muli %add3A_48, %mul3A_54 : i32
        %gt3A = arith.constant 0 : i32
        %gt3A_56 = arith.cmpi sgt, %add3A_32, %gt3A : i32
        %convert_element_type3A_57 = arith.extui %gt3A_56 : i1 to i32
        %cond3A_58 = arith.constant 0 : i32
        %cond3A_59 = arith.cmpi ne, %convert_element_type3A_57, %cond3A_58 : i32
        scf.if %cond3A_59 {
          %dma_wait3A_95 = arith.constant 0 : i32
          %dma_wait3A_96 = arith.constant 0 : i32
          %dma_wait3A_97 = tpu.memref_slice %arg5[%dma_wait3A_95, %dma_wait3A_96] : memref<192000x256xf32, #tpu.memory_space<hbm>> -> memref<128x128xf32, #tpu.memory_space<hbm>>
          %dma_wait3A_98 = arith.constant 0 : i32
          %dma_wait3A_99 = arith.constant 0 : i32
          %dma_wait3A_100 = tpu.memref_slice %arg5[%dma_wait3A_98, %dma_wait3A_99] : memref<192000x256xf32, #tpu.memory_space<hbm>> -> memref<128x128xf32, #tpu.memory_space<hbm>>
          tpu.wait_dma2 semaphore(%arg14 : memref<!tpu.dma_semaphore, #tpu.memory_space<semaphore_mem>>) src(%arg9 : memref<128x128xf32, #tpu.memory_space<vmem>>) dst(%dma_wait3A_100 : memref<128x128xf32, #tpu.memory_space<hbm>>)
          %dma_wait3A_101 = arith.constant 0 : i32
          %dma_wait3A_102 = arith.constant 128 : i32
          %dma_wait3A_103 = tpu.memref_slice %arg5[%dma_wait3A_101, %dma_wait3A_102] : memref<192000x256xf32, #tpu.memory_space<hbm>> -> memref<128x128xf32, #tpu.memory_space<hbm>>
          %dma_wait3A_104 = arith.constant 0 : i32
          %dma_wait3A_105 = arith.constant 128 : i32
          %dma_wait3A_106 = tpu.memref_slice %arg5[%dma_wait3A_104, %dma_wait3A_105] : memref<192000x256xf32, #tpu.memory_space<hbm>> -> memref<128x128xf32, #tpu.memory_space<hbm>>
          tpu.wait_dma2 semaphore(%arg14 : memref<!tpu.dma_semaphore, #tpu.memory_space<semaphore_mem>>) src(%arg11 : memref<128x128xf32, #tpu.memory_space<vmem>>) dst(%dma_wait3A_106 : memref<128x128xf32, #tpu.memory_space<hbm>>)
        } else {
        }
        "tpu.region"() ({
          %run_scoped3A = tpu.sem_alloc : memref<!tpu.dma_semaphore, #tpu.memory_space<semaphore_mem>>
          %dma_start3A_95 = arith.constant 1 : i32
          %dma_start3A_96 = arith.constant 0 : i32
          %dma_start3A_97 = tpu.memref_slice %arg6[%dma_start3A_95, %dma_start3A_96] : memref<2x128xi32, #tpu.memory_space<vmem>> -> memref<1x128xi32, #tpu.memory_space<vmem>>
          %dma_start3A_98 = arith.constant 0 : i32
          %dma_start3A_99 = tpu.memref_slice %arg3[%add3A_48, %dma_start3A_98] : memref<1500x128xi32, #tpu.memory_space<hbm>> -> memref<1x128xi32, #tpu.memory_space<hbm>>
          %dma_start3A_100 = arith.constant 1 : i32
          %dma_start3A_101 = arith.constant 0 : i32
          %dma_start3A_102 = tpu.memref_slice %arg6[%dma_start3A_100, %dma_start3A_101] : memref<2x128xi32, #tpu.memory_space<vmem>> -> memref<1x128xi32, #tpu.memory_space<vmem>>
          %dma_start3A_103 = arith.constant 0 : i32
          %dma_start3A_104 = tpu.memref_slice %arg3[%add3A_48, %dma_start3A_103] : memref<1500x128xi32, #tpu.memory_space<hbm>> -> memref<1x128xi32, #tpu.memory_space<hbm>>
          tpu.enqueue_dma source(%dma_start3A_104 : memref<1x128xi32, #tpu.memory_space<hbm>>) target(%dma_start3A_102 : memref<1x128xi32, #tpu.memory_space<vmem>>) target_semaphore(%run_scoped3A : memref<!tpu.dma_semaphore, #tpu.memory_space<semaphore_mem>>)
          %dma_wait3A_105 = arith.constant 1 : i32
          %dma_wait3A_106 = arith.constant 0 : i32
          %dma_wait3A_107 = tpu.memref_slice %arg6[%dma_wait3A_105, %dma_wait3A_106] : memref<2x128xi32, #tpu.memory_space<vmem>> -> memref<1x128xi32, #tpu.memory_space<vmem>>
          %dma_wait3A_108 = arith.constant 0 : i32
          %dma_wait3A_109 = tpu.memref_slice %arg3[%add3A_48, %dma_wait3A_108] : memref<1500x128xi32, #tpu.memory_space<hbm>> -> memref<1x128xi32, #tpu.memory_space<hbm>>
          %dma_wait3A_110 = arith.constant 1 : i32
          %dma_wait3A_111 = arith.constant 0 : i32
          %dma_wait3A_112 = tpu.memref_slice %arg6[%dma_wait3A_110, %dma_wait3A_111] : memref<2x128xi32, #tpu.memory_space<vmem>> -> memref<1x128xi32, #tpu.memory_space<vmem>>
          %dma_wait3A_113 = arith.constant 0 : i32
          %dma_wait3A_114 = tpu.memref_slice %arg3[%add3A_48, %dma_wait3A_113] : memref<1500x128xi32, #tpu.memory_space<hbm>> -> memref<1x128xi32, #tpu.memory_space<hbm>>
          tpu.wait_dma2 semaphore(%run_scoped3A : memref<!tpu.dma_semaphore, #tpu.memory_space<semaphore_mem>>) src(%dma_wait3A_114 : memref<1x128xi32, #tpu.memory_space<hbm>>) dst(%dma_wait3A_112 : memref<1x128xi32, #tpu.memory_space<vmem>>)
          tpu.yield
        }) : () -> ()
        "tpu.region"() ({
          %run_scoped3A = tpu.sem_alloc : memref<!tpu.dma_semaphore, #tpu.memory_space<semaphore_mem>>
          %dma_start3A_95 = arith.constant 1 : i32
          %dma_start3A_96 = arith.constant 0 : i32
          %dma_start3A_97 = tpu.memref_slice %arg7[%dma_start3A_95, %dma_start3A_96] : memref<2x128xi32, #tpu.memory_space<vmem>> -> memref<1x128xi32, #tpu.memory_space<vmem>>
          %dma_start3A_98 = arith.constant 0 : i32
          %dma_start3A_99 = tpu.memref_slice %arg4[%add3A_48, %dma_start3A_98] : memref<1500x128xi32, #tpu.memory_space<hbm>> -> memref<1x128xi32, #tpu.memory_space<hbm>>
          %dma_start3A_100 = arith.constant 1 : i32
          %dma_start3A_101 = arith.constant 0 : i32
          %dma_start3A_102 = tpu.memref_slice %arg7[%dma_start3A_100, %dma_start3A_101] : memref<2x128xi32, #tpu.memory_space<vmem>> -> memref<1x128xi32, #tpu.memory_space<vmem>>
          %dma_start3A_103 = arith.constant 0 : i32
          %dma_start3A_104 = tpu.memref_slice %arg4[%add3A_48, %dma_start3A_103] : memref<1500x128xi32, #tpu.memory_space<hbm>> -> memref<1x128xi32, #tpu.memory_space<hbm>>
          tpu.enqueue_dma source(%dma_start3A_104 : memref<1x128xi32, #tpu.memory_space<hbm>>) target(%dma_start3A_102 : memref<1x128xi32, #tpu.memory_space<vmem>>) target_semaphore(%run_scoped3A : memref<!tpu.dma_semaphore, #tpu.memory_space<semaphore_mem>>)
          %dma_wait3A_105 = arith.constant 1 : i32
          %dma_wait3A_106 = arith.constant 0 : i32
          %dma_wait3A_107 = tpu.memref_slice %arg7[%dma_wait3A_105, %dma_wait3A_106] : memref<2x128xi32, #tpu.memory_space<vmem>> -> memref<1x128xi32, #tpu.memory_space<vmem>>
          %dma_wait3A_108 = arith.constant 0 : i32
          %dma_wait3A_109 = tpu.memref_slice %arg4[%add3A_48, %dma_wait3A_108] : memref<1500x128xi32, #tpu.memory_space<hbm>> -> memref<1x128xi32, #tpu.memory_space<hbm>>
          %dma_wait3A_110 = arith.constant 1 : i32
          %dma_wait3A_111 = arith.constant 0 : i32
          %dma_wait3A_112 = tpu.memref_slice %arg7[%dma_wait3A_110, %dma_wait3A_111] : memref<2x128xi32, #tpu.memory_space<vmem>> -> memref<1x128xi32, #tpu.memory_space<vmem>>
          %dma_wait3A_113 = arith.constant 0 : i32
          %dma_wait3A_114 = tpu.memref_slice %arg4[%add3A_48, %dma_wait3A_113] : memref<1500x128xi32, #tpu.memory_space<hbm>> -> memref<1x128xi32, #tpu.memory_space<hbm>>
          tpu.wait_dma2 semaphore(%run_scoped3A : memref<!tpu.dma_semaphore, #tpu.memory_space<semaphore_mem>>) src(%dma_wait3A_114 : memref<1x128xi32, #tpu.memory_space<hbm>>) dst(%dma_wait3A_112 : memref<1x128xi32, #tpu.memory_space<vmem>>)
          tpu.yield
        }) : () -> ()
        %dma_start3A = arith.constant 1 : i32
        %dma_start3A_60 = arith.constant 0 : i32
        %dma_start3A_61 = tpu.memref_slice %arg6[%dma_start3A, %dma_start3A_60] : memref<2x128xi32, #tpu.memory_space<vmem>> -> memref<1x128xi32, #tpu.memory_space<vmem>>
        %dma_start3A_62 = tpu.memref_squeeze %dma_start3A_61 : memref<1x128xi32, #tpu.memory_space<vmem>> -> memref<128xi32, #tpu.memory_space<vmem>>
        %dma_start3A_63 = arith.constant 0 : i32
        %dma_start3A_64 = arith.constant 0 : i32
        %dma_start3A_65 = tpu.memref_slice %arg2[%dma_start3A_63, %dma_start3A_64] : memref<10000x128xf32, #tpu.memory_space<hbm>> -> memref<10000x128xf32, #tpu.memory_space<hbm>>
        tpu.enqueue_indirect_dma source(%dma_start3A_65 : memref<10000x128xf32, #tpu.memory_space<hbm>>) target(%arg9 : memref<128x128xf32, #tpu.memory_space<vmem>>) offsets(%dma_start3A_62 : memref<128xi32, #tpu.memory_space<vmem>>) semaphore(%arg12 : memref<!tpu.dma_semaphore, #tpu.memory_space<semaphore_mem>>)
        %dma_start3A_66 = arith.constant 1 : i32
        %dma_start3A_67 = arith.constant 0 : i32
        %dma_start3A_68 = tpu.memref_slice %arg7[%dma_start3A_66, %dma_start3A_67] : memref<2x128xi32, #tpu.memory_space<vmem>> -> memref<1x128xi32, #tpu.memory_space<vmem>>
        %dma_start3A_69 = tpu.memref_squeeze %dma_start3A_68 : memref<1x128xi32, #tpu.memory_space<vmem>> -> memref<128xi32, #tpu.memory_space<vmem>>
        %dma_start3A_70 = arith.constant 0 : i32
        %dma_start3A_71 = arith.constant 0 : i32
        %dma_start3A_72 = tpu.memref_slice %arg2[%dma_start3A_70, %dma_start3A_71] : memref<10000x128xf32, #tpu.memory_space<hbm>> -> memref<10000x128xf32, #tpu.memory_space<hbm>>
        tpu.enqueue_indirect_dma source(%dma_start3A_72 : memref<10000x128xf32, #tpu.memory_space<hbm>>) target(%arg11 : memref<128x128xf32, #tpu.memory_space<vmem>>) offsets(%dma_start3A_69 : memref<128xi32, #tpu.memory_space<vmem>>) semaphore(%arg12 : memref<!tpu.dma_semaphore, #tpu.memory_space<semaphore_mem>>)
        %dma_wait3A_73 = arith.constant 1 : i32
        %dma_wait3A_74 = arith.constant 0 : i32
        %dma_wait3A_75 = tpu.memref_slice %arg6[%dma_wait3A_73, %dma_wait3A_74] : memref<2x128xi32, #tpu.memory_space<vmem>> -> memref<1x128xi32, #tpu.memory_space<vmem>>
        %dma_wait3A_76 = tpu.memref_squeeze %dma_wait3A_75 : memref<1x128xi32, #tpu.memory_space<vmem>> -> memref<128xi32, #tpu.memory_space<vmem>>
        %dma_wait3A_77 = arith.constant 0 : i32
        %dma_wait3A_78 = arith.constant 0 : i32
        %dma_wait3A_79 = tpu.memref_slice %arg2[%dma_wait3A_77, %dma_wait3A_78] : memref<10000x128xf32, #tpu.memory_space<hbm>> -> memref<10000x128xf32, #tpu.memory_space<hbm>>
        tpu.wait_indirect_dma semaphore(%arg12 : memref<!tpu.dma_semaphore, #tpu.memory_space<semaphore_mem>>) src(%dma_wait3A_79 : memref<10000x128xf32, #tpu.memory_space<hbm>>) dst(%arg9 : memref<128x128xf32, #tpu.memory_space<vmem>>)
        %dma_wait3A_80 = arith.constant 1 : i32
        %dma_wait3A_81 = arith.constant 0 : i32
        %dma_wait3A_82 = tpu.memref_slice %arg7[%dma_wait3A_80, %dma_wait3A_81] : memref<2x128xi32, #tpu.memory_space<vmem>> -> memref<1x128xi32, #tpu.memory_space<vmem>>
        %dma_wait3A_83 = tpu.memref_squeeze %dma_wait3A_82 : memref<1x128xi32, #tpu.memory_space<vmem>> -> memref<128xi32, #tpu.memory_space<vmem>>
        %dma_wait3A_84 = arith.constant 0 : i32
        %dma_wait3A_85 = arith.constant 0 : i32
        %dma_wait3A_86 = tpu.memref_slice %arg2[%dma_wait3A_84, %dma_wait3A_85] : memref<10000x128xf32, #tpu.memory_space<hbm>> -> memref<10000x128xf32, #tpu.memory_space<hbm>>
        tpu.wait_indirect_dma semaphore(%arg12 : memref<!tpu.dma_semaphore, #tpu.memory_space<semaphore_mem>>) src(%dma_wait3A_86 : memref<10000x128xf32, #tpu.memory_space<hbm>>) dst(%arg11 : memref<128x128xf32, #tpu.memory_space<vmem>>)
        %dma_start3A_87 = arith.constant 0 : i32
        %dma_start3A_88 = tpu.memref_slice %arg5[%mul3A_55, %dma_start3A_87] : memref<192000x256xf32, #tpu.memory_space<hbm>> -> memref<128x128xf32, #tpu.memory_space<hbm>>
        %dma_start3A_89 = arith.constant 0 : i32
        %dma_start3A_90 = tpu.memref_slice %arg5[%mul3A_55, %dma_start3A_89] : memref<192000x256xf32, #tpu.memory_space<hbm>> -> memref<128x128xf32, #tpu.memory_space<hbm>>
        tpu.enqueue_dma source(%arg9 : memref<128x128xf32, #tpu.memory_space<vmem>>) target(%dma_start3A_90 : memref<128x128xf32, #tpu.memory_space<hbm>>) target_semaphore(%arg14 : memref<!tpu.dma_semaphore, #tpu.memory_space<semaphore_mem>>)
        %dma_start3A_91 = arith.constant 128 : i32
        %dma_start3A_92 = tpu.memref_slice %arg5[%mul3A_55, %dma_start3A_91] : memref<192000x256xf32, #tpu.memory_space<hbm>> -> memref<128x128xf32, #tpu.memory_space<hbm>>
        %dma_start3A_93 = arith.constant 128 : i32
        %dma_start3A_94 = tpu.memref_slice %arg5[%mul3A_55, %dma_start3A_93] : memref<192000x256xf32, #tpu.memory_space<hbm>> -> memref<128x128xf32, #tpu.memory_space<hbm>>
        tpu.enqueue_dma source(%arg11 : memref<128x128xf32, #tpu.memory_space<vmem>>) target(%dma_start3A_94 : memref<128x128xf32, #tpu.memory_space<hbm>>) target_semaphore(%arg14 : memref<!tpu.dma_semaphore, #tpu.memory_space<semaphore_mem>>)
      } else {
      }
    }
    %scan3A_4 = arith.constant 24 : i32
    %dma_wait3A = arith.constant 0 : i32
    %dma_wait3A_5 = arith.constant 0 : i32
    %dma_wait3A_6 = tpu.memref_slice %arg5[%dma_wait3A, %dma_wait3A_5] : memref<192000x256xf32, #tpu.memory_space<hbm>> -> memref<128x128xf32, #tpu.memory_space<hbm>>
    %dma_wait3A_7 = arith.constant 0 : i32
    %dma_wait3A_8 = arith.constant 0 : i32
    %dma_wait3A_9 = tpu.memref_slice %arg5[%dma_wait3A_7, %dma_wait3A_8] : memref<192000x256xf32, #tpu.memory_space<hbm>> -> memref<128x128xf32, #tpu.memory_space<hbm>>
    tpu.wait_dma2 semaphore(%arg13 : memref<!tpu.dma_semaphore, #tpu.memory_space<semaphore_mem>>) src(%arg8 : memref<128x128xf32, #tpu.memory_space<vmem>>) dst(%dma_wait3A_9 : memref<128x128xf32, #tpu.memory_space<hbm>>)
    %dma_wait3A_10 = arith.constant 0 : i32
    %dma_wait3A_11 = arith.constant 128 : i32
    %dma_wait3A_12 = tpu.memref_slice %arg5[%dma_wait3A_10, %dma_wait3A_11] : memref<192000x256xf32, #tpu.memory_space<hbm>> -> memref<128x128xf32, #tpu.memory_space<hbm>>
    %dma_wait3A_13 = arith.constant 0 : i32
    %dma_wait3A_14 = arith.constant 128 : i32
    %dma_wait3A_15 = tpu.memref_slice %arg5[%dma_wait3A_13, %dma_wait3A_14] : memref<192000x256xf32, #tpu.memory_space<hbm>> -> memref<128x128xf32, #tpu.memory_space<hbm>>
    tpu.wait_dma2 semaphore(%arg13 : memref<!tpu.dma_semaphore, #tpu.memory_space<semaphore_mem>>) src(%arg10 : memref<128x128xf32, #tpu.memory_space<vmem>>) dst(%dma_wait3A_15 : memref<128x128xf32, #tpu.memory_space<hbm>>)
    %dma_wait3A_16 = arith.constant 0 : i32
    %dma_wait3A_17 = arith.constant 0 : i32
    %dma_wait3A_18 = tpu.memref_slice %arg5[%dma_wait3A_16, %dma_wait3A_17] : memref<192000x256xf32, #tpu.memory_space<hbm>> -> memref<128x128xf32, #tpu.memory_space<hbm>>
    %dma_wait3A_19 = arith.constant 0 : i32
    %dma_wait3A_20 = arith.constant 0 : i32
    %dma_wait3A_21 = tpu.memref_slice %arg5[%dma_wait3A_19, %dma_wait3A_20] : memref<192000x256xf32, #tpu.memory_space<hbm>> -> memref<128x128xf32, #tpu.memory_space<hbm>>
    tpu.wait_dma2 semaphore(%arg14 : memref<!tpu.dma_semaphore, #tpu.memory_space<semaphore_mem>>) src(%arg9 : memref<128x128xf32, #tpu.memory_space<vmem>>) dst(%dma_wait3A_21 : memref<128x128xf32, #tpu.memory_space<hbm>>)
    %dma_wait3A_22 = arith.constant 0 : i32
    %dma_wait3A_23 = arith.constant 128 : i32
    %dma_wait3A_24 = tpu.memref_slice %arg5[%dma_wait3A_22, %dma_wait3A_23] : memref<192000x256xf32, #tpu.memory_space<hbm>> -> memref<128x128xf32, #tpu.memory_space<hbm>>
    %dma_wait3A_25 = arith.constant 0 : i32
    %dma_wait3A_26 = arith.constant 128 : i32
    %dma_wait3A_27 = tpu.memref_slice %arg5[%dma_wait3A_25, %dma_wait3A_26] : memref<192000x256xf32, #tpu.memory_space<hbm>> -> memref<128x128xf32, #tpu.memory_space<hbm>>
    tpu.wait_dma2 semaphore(%arg14 : memref<!tpu.dma_semaphore, #tpu.memory_space<semaphore_mem>>) src(%arg11 : memref<128x128xf32, #tpu.memory_space<vmem>>) dst(%dma_wait3A_27 : memref<128x128xf32, #tpu.memory_space<hbm>>)
    return
  }
}

#map = affine_map<(d0, d1) -> (0, 0)>
module attributes {stable_mosaic.version = 14 : i64} {
  func.func @k(%arg0: i32, %arg1: i32, %arg2: memref<10000x128xf32, #tpu.memory_space<hbm>>, %arg3: memref<1000x128xi32, #tpu.memory_space<hbm>>, %arg4: memref<1000x128xi32, #tpu.memory_space<hbm>>, %arg5: memref<128000x256xf32, #tpu.memory_space<hbm>>, %arg6: memref<2x128xi32, #tpu.memory_space<vmem>>, %arg7: memref<2x128xi32, #tpu.memory_space<vmem>>, %arg8: memref<128x128xf32, #tpu.memory_space<vmem>>, %arg9: memref<128x128xf32, #tpu.memory_space<vmem>>, %arg10: memref<128x128xf32, #tpu.memory_space<vmem>>, %arg11: memref<128x128xf32, #tpu.memory_space<vmem>>, %arg12: memref<!tpu.dma_semaphore, #tpu.memory_space<semaphore_mem>>, %arg13: memref<!tpu.dma_semaphore, #tpu.memory_space<semaphore_mem>>, %arg14: memref<!tpu.dma_semaphore, #tpu.memory_space<semaphore_mem>>) attributes {dimension_semantics = [#tpu.dimension_semantics<core_parallel>, #tpu.dimension_semantics<subcore_parallel>], iteration_bounds = array<i64: 2, 16>, scalar_prefetch = 0 : i64, scratch_operands = 9 : i64, tpu.core_type = #tpu.core_type<sc_vector_subcore>, window_params = [{transform_indices = #map}, {transform_indices = #map}, {transform_indices = #map}, {transform_indices = #map}]} {
    %mul3A = arith.constant 2 : i32
    %mul3A_0 = arith.muli %arg1, %mul3A : i32
    %add3A = arith.addi %mul3A_0, %arg0 : i32
    %scan3A = arith.constant 0 : i32
    %scan3A_1 = arith.constant 16 : i32
    %scan3A_2 = arith.addi %scan3A, %scan3A_1 : i32
    %scan3A_3 = arith.constant 1 : i32
    scf.for %scan3A_28 = %scan3A to %scan3A_2 step %scan3A_3  : i32 {
      %mul3A_29 = arith.constant 1 : i32
      %mul3A_30 = arith.muli %scan3A_28, %mul3A_29 : i32
      %add3A_31 = arith.constant 0 : i32
      %add3A_32 = arith.addi %add3A_31, %mul3A_30 : i32
      %mul3A_33 = arith.constant 2 : i32
      %mul3A_34 = arith.muli %mul3A_33, %add3A_32 : i32
      %add3A_35 = arith.constant 0 : i32
      %add3A_36 = arith.addi %mul3A_34, %add3A_35 : i32
      %mul3A_37 = arith.constant 32 : i32
      %mul3A_38 = arith.muli %add3A_36, %mul3A_37 : i32
      %add3A_39 = arith.addi %add3A, %mul3A_38 : i32
      %lt3A = arith.constant 1000 : i32
      %lt3A_40 = arith.cmpi slt, %add3A_39, %lt3A : i32
      %convert_element_type3A = arith.extui %lt3A_40 : i1 to i32
      %cond3A = arith.constant 0 : i32
      %cond3A_41 = arith.cmpi ne, %convert_element_type3A, %cond3A : i32
      scf.if %cond3A_41 {
        %mul3A_54 = arith.constant 128 : i32
        %mul3A_55 = arith.muli %add3A_39, %mul3A_54 : i32
        %gt3A = arith.constant 0 : i32
        %gt3A_56 = arith.cmpi sgt, %add3A_32, %gt3A : i32
        %convert_element_type3A_57 = arith.extui %gt3A_56 : i1 to i32
        %cond3A_58 = arith.constant 0 : i32
        %cond3A_59 = arith.cmpi ne, %convert_element_type3A_57, %cond3A_58 : i32
        scf.if %cond3A_59 {
          %dma_wait3A_95 = arith.constant 0 : i32
          %dma_wait3A_96 = arith.constant 0 : i32
          %dma_wait3A_97 = tpu.memref_slice %arg5[%dma_wait3A_95, %dma_wait3A_96] : memref<128000x256xf32, #tpu.memory_space<hbm>> -> memref<128x128xf32, #tpu.memory_space<hbm>>
          %dma_wait3A_98 = arith.constant 0 : i32
          %dma_wait3A_99 = arith.constant 0 : i32
          %dma_wait3A_100 = tpu.memref_slice %arg5[%dma_wait3A_98, %dma_wait3A_99] : memref<128000x256xf32, #tpu.memory_space<hbm>> -> memref<128x128xf32, #tpu.memory_space<hbm>>
          tpu.wait_dma2 semaphore(%arg13 : memref<!tpu.dma_semaphore, #tpu.memory_space<semaphore_mem>>) src(%arg8 : memref<128x128xf32, #tpu.memory_space<vmem>>) dst(%dma_wait3A_100 : memref<128x128xf32, #tpu.memory_space<hbm>>)
          %dma_wait3A_101 = arith.constant 0 : i32
          %dma_wait3A_102 = arith.constant 128 : i32
          %dma_wait3A_103 = tpu.memref_slice %arg5[%dma_wait3A_101, %dma_wait3A_102] : memref<128000x256xf32, #tpu.memory_space<hbm>> -> memref<128x128xf32, #tpu.memory_space<hbm>>
          %dma_wait3A_104 = arith.constant 0 : i32
          %dma_wait3A_105 = arith.constant 128 : i32
          %dma_wait3A_106 = tpu.memref_slice %arg5[%dma_wait3A_104, %dma_wait3A_105] : memref<128000x256xf32, #tpu.memory_space<hbm>> -> memref<128x128xf32, #tpu.memory_space<hbm>>
          tpu.wait_dma2 semaphore(%arg13 : memref<!tpu.dma_semaphore, #tpu.memory_space<semaphore_mem>>) src(%arg10 : memref<128x128xf32, #tpu.memory_space<vmem>>) dst(%dma_wait3A_106 : memref<128x128xf32, #tpu.memory_space<hbm>>)
        } else {
        }
        "tpu.region"() ({
          %run_scoped3A = tpu.sem_alloc : memref<!tpu.dma_semaphore, #tpu.memory_space<semaphore_mem>>
          %dma_start3A_95 = arith.constant 0 : i32
          %dma_start3A_96 = arith.constant 0 : i32
          %dma_start3A_97 = tpu.memref_slice %arg6[%dma_start3A_95, %dma_start3A_96] : memref<2x128xi32, #tpu.memory_space<vmem>> -> memref<1x128xi32, #tpu.memory_space<vmem>>
          %dma_start3A_98 = arith.constant 0 : i32
          %dma_start3A_99 = tpu.memref_slice %arg3[%add3A_39, %dma_start3A_98] : memref<1000x128xi32, #tpu.memory_space<hbm>> -> memref<1x128xi32, #tpu.memory_space<hbm>>
          %dma_start3A_100 = arith.constant 0 : i32
          %dma_start3A_101 = arith.constant 0 : i32
          %dma_start3A_102 = tpu.memref_slice %arg6[%dma_start3A_100, %dma_start3A_101] : memref<2x128xi32, #tpu.memory_space<vmem>> -> memref<1x128xi32, #tpu.memory_space<vmem>>
          %dma_start3A_103 = arith.constant 0 : i32
          %dma_start3A_104 = tpu.memref_slice %arg3[%add3A_39, %dma_start3A_103] : memref<1000x128xi32, #tpu.memory_space<hbm>> -> memref<1x128xi32, #tpu.memory_space<hbm>>
          tpu.enqueue_dma source(%dma_start3A_104 : memref<1x128xi32, #tpu.memory_space<hbm>>) target(%dma_start3A_102 : memref<1x128xi32, #tpu.memory_space<vmem>>) target_semaphore(%run_scoped3A : memref<!tpu.dma_semaphore, #tpu.memory_space<semaphore_mem>>)
          %dma_wait3A_105 = arith.constant 0 : i32
          %dma_wait3A_106 = arith.constant 0 : i32
          %dma_wait3A_107 = tpu.memref_slice %arg6[%dma_wait3A_105, %dma_wait3A_106] : memref<2x128xi32, #tpu.memory_space<vmem>> -> memref<1x128xi32, #tpu.memory_space<vmem>>
          %dma_wait3A_108 = arith.constant 0 : i32
          %dma_wait3A_109 = tpu.memref_slice %arg3[%add3A_39, %dma_wait3A_108] : memref<1000x128xi32, #tpu.memory_space<hbm>> -> memref<1x128xi32, #tpu.memory_space<hbm>>
          %dma_wait3A_110 = arith.constant 0 : i32
          %dma_wait3A_111 = arith.constant 0 : i32
          %dma_wait3A_112 = tpu.memref_slice %arg6[%dma_wait3A_110, %dma_wait3A_111] : memref<2x128xi32, #tpu.memory_space<vmem>> -> memref<1x128xi32, #tpu.memory_space<vmem>>
          %dma_wait3A_113 = arith.constant 0 : i32
          %dma_wait3A_114 = tpu.memref_slice %arg3[%add3A_39, %dma_wait3A_113] : memref<1000x128xi32, #tpu.memory_space<hbm>> -> memref<1x128xi32, #tpu.memory_space<hbm>>
          tpu.wait_dma2 semaphore(%run_scoped3A : memref<!tpu.dma_semaphore, #tpu.memory_space<semaphore_mem>>) src(%dma_wait3A_114 : memref<1x128xi32, #tpu.memory_space<hbm>>) dst(%dma_wait3A_112 : memref<1x128xi32, #tpu.memory_space<vmem>>)
          tpu.yield
        }) : () -> ()
        "tpu.region"() ({
          %run_scoped3A = tpu.sem_alloc : memref<!tpu.dma_semaphore, #tpu.memory_space<semaphore_mem>>
          %dma_start3A_95 = arith.constant 0 : i32
          %dma_start3A_96 = arith.constant 0 : i32
          %dma_start3A_97 = tpu.memref_slice %arg7[%dma_start3A_95, %dma_start3A_96] : memref<2x128xi32, #tpu.memory_space<vmem>> -> memref<1x128xi32, #tpu.memory_space<vmem>>
          %dma_start3A_98 = arith.constant 0 : i32
          %dma_start3A_99 = tpu.memref_slice %arg4[%add3A_39, %dma_start3A_98] : memref<1000x128xi32, #tpu.memory_space<hbm>> -> memref<1x128xi32, #tpu.memory_space<hbm>>
          %dma_start3A_100 = arith.constant 0 : i32
          %dma_start3A_101 = arith.constant 0 : i32
          %dma_start3A_102 = tpu.memref_slice %arg7[%dma_start3A_100, %dma_start3A_101] : memref<2x128xi32, #tpu.memory_space<vmem>> -> memref<1x128xi32, #tpu.memory_space<vmem>>
          %dma_start3A_103 = arith.constant 0 : i32
          %dma_start3A_104 = tpu.memref_slice %arg4[%add3A_39, %dma_start3A_103] : memref<1000x128xi32, #tpu.memory_space<hbm>> -> memref<1x128xi32, #tpu.memory_space<hbm>>
          tpu.enqueue_dma source(%dma_start3A_104 : memref<1x128xi32, #tpu.memory_space<hbm>>) target(%dma_start3A_102 : memref<1x128xi32, #tpu.memory_space<vmem>>) target_semaphore(%run_scoped3A : memref<!tpu.dma_semaphore, #tpu.memory_space<semaphore_mem>>)
          %dma_wait3A_105 = arith.constant 0 : i32
          %dma_wait3A_106 = arith.constant 0 : i32
          %dma_wait3A_107 = tpu.memref_slice %arg7[%dma_wait3A_105, %dma_wait3A_106] : memref<2x128xi32, #tpu.memory_space<vmem>> -> memref<1x128xi32, #tpu.memory_space<vmem>>
          %dma_wait3A_108 = arith.constant 0 : i32
          %dma_wait3A_109 = tpu.memref_slice %arg4[%add3A_39, %dma_wait3A_108] : memref<1000x128xi32, #tpu.memory_space<hbm>> -> memref<1x128xi32, #tpu.memory_space<hbm>>
          %dma_wait3A_110 = arith.constant 0 : i32
          %dma_wait3A_111 = arith.constant 0 : i32
          %dma_wait3A_112 = tpu.memref_slice %arg7[%dma_wait3A_110, %dma_wait3A_111] : memref<2x128xi32, #tpu.memory_space<vmem>> -> memref<1x128xi32, #tpu.memory_space<vmem>>
          %dma_wait3A_113 = arith.constant 0 : i32
          %dma_wait3A_114 = tpu.memref_slice %arg4[%add3A_39, %dma_wait3A_113] : memref<1000x128xi32, #tpu.memory_space<hbm>> -> memref<1x128xi32, #tpu.memory_space<hbm>>
          tpu.wait_dma2 semaphore(%run_scoped3A : memref<!tpu.dma_semaphore, #tpu.memory_space<semaphore_mem>>) src(%dma_wait3A_114 : memref<1x128xi32, #tpu.memory_space<hbm>>) dst(%dma_wait3A_112 : memref<1x128xi32, #tpu.memory_space<vmem>>)
          tpu.yield
        }) : () -> ()
        %dma_start3A = arith.constant 0 : i32
        %dma_start3A_60 = arith.constant 0 : i32
        %dma_start3A_61 = tpu.memref_slice %arg6[%dma_start3A, %dma_start3A_60] : memref<2x128xi32, #tpu.memory_space<vmem>> -> memref<1x128xi32, #tpu.memory_space<vmem>>
        %dma_start3A_62 = tpu.memref_squeeze %dma_start3A_61 : memref<1x128xi32, #tpu.memory_space<vmem>> -> memref<128xi32, #tpu.memory_space<vmem>>
        %dma_start3A_63 = arith.constant 0 : i32
        %dma_start3A_64 = arith.constant 0 : i32
        %dma_start3A_65 = tpu.memref_slice %arg2[%dma_start3A_63, %dma_start3A_64] : memref<10000x128xf32, #tpu.memory_space<hbm>> -> memref<10000x128xf32, #tpu.memory_space<hbm>>
        tpu.enqueue_indirect_dma source(%dma_start3A_65 : memref<10000x128xf32, #tpu.memory_space<hbm>>) target(%arg8 : memref<128x128xf32, #tpu.memory_space<vmem>>) offsets(%dma_start3A_62 : memref<128xi32, #tpu.memory_space<vmem>>) semaphore(%arg12 : memref<!tpu.dma_semaphore, #tpu.memory_space<semaphore_mem>>)
        %dma_start3A_66 = arith.constant 0 : i32
        %dma_start3A_67 = arith.constant 0 : i32
        %dma_start3A_68 = tpu.memref_slice %arg7[%dma_start3A_66, %dma_start3A_67] : memref<2x128xi32, #tpu.memory_space<vmem>> -> memref<1x128xi32, #tpu.memory_space<vmem>>
        %dma_start3A_69 = tpu.memref_squeeze %dma_start3A_68 : memref<1x128xi32, #tpu.memory_space<vmem>> -> memref<128xi32, #tpu.memory_space<vmem>>
        %dma_start3A_70 = arith.constant 0 : i32
        %dma_start3A_71 = arith.constant 0 : i32
        %dma_start3A_72 = tpu.memref_slice %arg2[%dma_start3A_70, %dma_start3A_71] : memref<10000x128xf32, #tpu.memory_space<hbm>> -> memref<10000x128xf32, #tpu.memory_space<hbm>>
        tpu.enqueue_indirect_dma source(%dma_start3A_72 : memref<10000x128xf32, #tpu.memory_space<hbm>>) target(%arg10 : memref<128x128xf32, #tpu.memory_space<vmem>>) offsets(%dma_start3A_69 : memref<128xi32, #tpu.memory_space<vmem>>) semaphore(%arg12 : memref<!tpu.dma_semaphore, #tpu.memory_space<semaphore_mem>>)
        %dma_wait3A_73 = arith.constant 0 : i32
        %dma_wait3A_74 = arith.constant 0 : i32
        %dma_wait3A_75 = tpu.memref_slice %arg6[%dma_wait3A_73, %dma_wait3A_74] : memref<2x128xi32, #tpu.memory_space<vmem>> -> memref<1x128xi32, #tpu.memory_space<vmem>>
        %dma_wait3A_76 = tpu.memref_squeeze %dma_wait3A_75 : memref<1x128xi32, #tpu.memory_space<vmem>> -> memref<128xi32, #tpu.memory_space<vmem>>
        %dma_wait3A_77 = arith.constant 0 : i32
        %dma_wait3A_78 = arith.constant 0 : i32
        %dma_wait3A_79 = tpu.memref_slice %arg2[%dma_wait3A_77, %dma_wait3A_78] : memref<10000x128xf32, #tpu.memory_space<hbm>> -> memref<10000x128xf32, #tpu.memory_space<hbm>>
        tpu.wait_indirect_dma semaphore(%arg12 : memref<!tpu.dma_semaphore, #tpu.memory_space<semaphore_mem>>) src(%dma_wait3A_79 : memref<10000x128xf32, #tpu.memory_space<hbm>>) dst(%arg8 : memref<128x128xf32, #tpu.memory_space<vmem>>)
        %dma_wait3A_80 = arith.constant 0 : i32
        %dma_wait3A_81 = arith.constant 0 : i32
        %dma_wait3A_82 = tpu.memref_slice %arg7[%dma_wait3A_80, %dma_wait3A_81] : memref<2x128xi32, #tpu.memory_space<vmem>> -> memref<1x128xi32, #tpu.memory_space<vmem>>
        %dma_wait3A_83 = tpu.memref_squeeze %dma_wait3A_82 : memref<1x128xi32, #tpu.memory_space<vmem>> -> memref<128xi32, #tpu.memory_space<vmem>>
        %dma_wait3A_84 = arith.constant 0 : i32
        %dma_wait3A_85 = arith.constant 0 : i32
        %dma_wait3A_86 = tpu.memref_slice %arg2[%dma_wait3A_84, %dma_wait3A_85] : memref<10000x128xf32, #tpu.memory_space<hbm>> -> memref<10000x128xf32, #tpu.memory_space<hbm>>
        tpu.wait_indirect_dma semaphore(%arg12 : memref<!tpu.dma_semaphore, #tpu.memory_space<semaphore_mem>>) src(%dma_wait3A_86 : memref<10000x128xf32, #tpu.memory_space<hbm>>) dst(%arg10 : memref<128x128xf32, #tpu.memory_space<vmem>>)
        %dma_start3A_87 = arith.constant 0 : i32
        %dma_start3A_88 = tpu.memref_slice %arg5[%mul3A_55, %dma_start3A_87] : memref<128000x256xf32, #tpu.memory_space<hbm>> -> memref<128x128xf32, #tpu.memory_space<hbm>>
        %dma_start3A_89 = arith.constant 0 : i32
        %dma_start3A_90 = tpu.memref_slice %arg5[%mul3A_55, %dma_start3A_89] : memref<128000x256xf32, #tpu.memory_space<hbm>> -> memref<128x128xf32, #tpu.memory_space<hbm>>
        tpu.enqueue_dma source(%arg8 : memref<128x128xf32, #tpu.memory_space<vmem>>) target(%dma_start3A_90 : memref<128x128xf32, #tpu.memory_space<hbm>>) target_semaphore(%arg13 : memref<!tpu.dma_semaphore, #tpu.memory_space<semaphore_mem>>)
        %dma_start3A_91 = arith.constant 128 : i32
        %dma_start3A_92 = tpu.memref_slice %arg5[%mul3A_55, %dma_start3A_91] : memref<128000x256xf32, #tpu.memory_space<hbm>> -> memref<128x128xf32, #tpu.memory_space<hbm>>
        %dma_start3A_93 = arith.constant 128 : i32
        %dma_start3A_94 = tpu.memref_slice %arg5[%mul3A_55, %dma_start3A_93] : memref<128000x256xf32, #tpu.memory_space<hbm>> -> memref<128x128xf32, #tpu.memory_space<hbm>>
        tpu.enqueue_dma source(%arg10 : memref<128x128xf32, #tpu.memory_space<vmem>>) target(%dma_start3A_94 : memref<128x128xf32, #tpu.memory_space<hbm>>) target_semaphore(%arg13 : memref<!tpu.dma_semaphore, #tpu.memory_space<semaphore_mem>>)
      } else {
      }
      %mul3A_42 = arith.constant 2 : i32
      %mul3A_43 = arith.muli %mul3A_42, %add3A_32 : i32
      %add3A_44 = arith.constant 1 : i32
      %add3A_45 = arith.addi %mul3A_43, %add3A_44 : i32
      %mul3A_46 = arith.constant 32 : i32
      %mul3A_47 = arith.muli %add3A_45, %mul3A_46 : i32
      %add3A_48 = arith.addi %add3A, %mul3A_47 : i32
      %lt3A_49 = arith.constant 1000 : i32
      %lt3A_50 = arith.cmpi slt, %add3A_48, %lt3A_49 : i32
      %convert_element_type3A_51 = arith.extui %lt3A_50 : i1 to i32
      %cond3A_52 = arith.constant 0 : i32
      %cond3A_53 = arith.cmpi ne, %convert_element_type3A_51, %cond3A_52 : i32
      scf.if %cond3A_53 {
        %mul3A_54 = arith.constant 128 : i32
        %mul3A_55 = arith.muli %add3A_48, %mul3A_54 : i32
        %gt3A = arith.constant 0 : i32
        %gt3A_56 = arith.cmpi sgt, %add3A_32, %gt3A : i32
        %convert_element_type3A_57 = arith.extui %gt3A_56 : i1 to i32
        %cond3A_58 = arith.constant 0 : i32
        %cond3A_59 = arith.cmpi ne, %convert_element_type3A_57, %cond3A_58 : i32
        scf.if %cond3A_59 {
          %dma_wait3A_95 = arith.constant 0 : i32
          %dma_wait3A_96 = arith.constant 0 : i32
          %dma_wait3A_97 = tpu.memref_slice %arg5[%dma_wait3A_95, %dma_wait3A_96] : memref<128000x256xf32, #tpu.memory_space<hbm>> -> memref<128x128xf32, #tpu.memory_space<hbm>>
          %dma_wait3A_98 = arith.constant 0 : i32
          %dma_wait3A_99 = arith.constant 0 : i32
          %dma_wait3A_100 = tpu.memref_slice %arg5[%dma_wait3A_98, %dma_wait3A_99] : memref<128000x256xf32, #tpu.memory_space<hbm>> -> memref<128x128xf32, #tpu.memory_space<hbm>>
          tpu.wait_dma2 semaphore(%arg14 : memref<!tpu.dma_semaphore, #tpu.memory_space<semaphore_mem>>) src(%arg9 : memref<128x128xf32, #tpu.memory_space<vmem>>) dst(%dma_wait3A_100 : memref<128x128xf32, #tpu.memory_space<hbm>>)
          %dma_wait3A_101 = arith.constant 0 : i32
          %dma_wait3A_102 = arith.constant 128 : i32
          %dma_wait3A_103 = tpu.memref_slice %arg5[%dma_wait3A_101, %dma_wait3A_102] : memref<128000x256xf32, #tpu.memory_space<hbm>> -> memref<128x128xf32, #tpu.memory_space<hbm>>
          %dma_wait3A_104 = arith.constant 0 : i32
          %dma_wait3A_105 = arith.constant 128 : i32
          %dma_wait3A_106 = tpu.memref_slice %arg5[%dma_wait3A_104, %dma_wait3A_105] : memref<128000x256xf32, #tpu.memory_space<hbm>> -> memref<128x128xf32, #tpu.memory_space<hbm>>
          tpu.wait_dma2 semaphore(%arg14 : memref<!tpu.dma_semaphore, #tpu.memory_space<semaphore_mem>>) src(%arg11 : memref<128x128xf32, #tpu.memory_space<vmem>>) dst(%dma_wait3A_106 : memref<128x128xf32, #tpu.memory_space<hbm>>)
        } else {
        }
        "tpu.region"() ({
          %run_scoped3A = tpu.sem_alloc : memref<!tpu.dma_semaphore, #tpu.memory_space<semaphore_mem>>
          %dma_start3A_95 = arith.constant 1 : i32
          %dma_start3A_96 = arith.constant 0 : i32
          %dma_start3A_97 = tpu.memref_slice %arg6[%dma_start3A_95, %dma_start3A_96] : memref<2x128xi32, #tpu.memory_space<vmem>> -> memref<1x128xi32, #tpu.memory_space<vmem>>
          %dma_start3A_98 = arith.constant 0 : i32
          %dma_start3A_99 = tpu.memref_slice %arg3[%add3A_48, %dma_start3A_98] : memref<1000x128xi32, #tpu.memory_space<hbm>> -> memref<1x128xi32, #tpu.memory_space<hbm>>
          %dma_start3A_100 = arith.constant 1 : i32
          %dma_start3A_101 = arith.constant 0 : i32
          %dma_start3A_102 = tpu.memref_slice %arg6[%dma_start3A_100, %dma_start3A_101] : memref<2x128xi32, #tpu.memory_space<vmem>> -> memref<1x128xi32, #tpu.memory_space<vmem>>
          %dma_start3A_103 = arith.constant 0 : i32
          %dma_start3A_104 = tpu.memref_slice %arg3[%add3A_48, %dma_start3A_103] : memref<1000x128xi32, #tpu.memory_space<hbm>> -> memref<1x128xi32, #tpu.memory_space<hbm>>
          tpu.enqueue_dma source(%dma_start3A_104 : memref<1x128xi32, #tpu.memory_space<hbm>>) target(%dma_start3A_102 : memref<1x128xi32, #tpu.memory_space<vmem>>) target_semaphore(%run_scoped3A : memref<!tpu.dma_semaphore, #tpu.memory_space<semaphore_mem>>)
          %dma_wait3A_105 = arith.constant 1 : i32
          %dma_wait3A_106 = arith.constant 0 : i32
          %dma_wait3A_107 = tpu.memref_slice %arg6[%dma_wait3A_105, %dma_wait3A_106] : memref<2x128xi32, #tpu.memory_space<vmem>> -> memref<1x128xi32, #tpu.memory_space<vmem>>
          %dma_wait3A_108 = arith.constant 0 : i32
          %dma_wait3A_109 = tpu.memref_slice %arg3[%add3A_48, %dma_wait3A_108] : memref<1000x128xi32, #tpu.memory_space<hbm>> -> memref<1x128xi32, #tpu.memory_space<hbm>>
          %dma_wait3A_110 = arith.constant 1 : i32
          %dma_wait3A_111 = arith.constant 0 : i32
          %dma_wait3A_112 = tpu.memref_slice %arg6[%dma_wait3A_110, %dma_wait3A_111] : memref<2x128xi32, #tpu.memory_space<vmem>> -> memref<1x128xi32, #tpu.memory_space<vmem>>
          %dma_wait3A_113 = arith.constant 0 : i32
          %dma_wait3A_114 = tpu.memref_slice %arg3[%add3A_48, %dma_wait3A_113] : memref<1000x128xi32, #tpu.memory_space<hbm>> -> memref<1x128xi32, #tpu.memory_space<hbm>>
          tpu.wait_dma2 semaphore(%run_scoped3A : memref<!tpu.dma_semaphore, #tpu.memory_space<semaphore_mem>>) src(%dma_wait3A_114 : memref<1x128xi32, #tpu.memory_space<hbm>>) dst(%dma_wait3A_112 : memref<1x128xi32, #tpu.memory_space<vmem>>)
          tpu.yield
        }) : () -> ()
        "tpu.region"() ({
          %run_scoped3A = tpu.sem_alloc : memref<!tpu.dma_semaphore, #tpu.memory_space<semaphore_mem>>
          %dma_start3A_95 = arith.constant 1 : i32
          %dma_start3A_96 = arith.constant 0 : i32
          %dma_start3A_97 = tpu.memref_slice %arg7[%dma_start3A_95, %dma_start3A_96] : memref<2x128xi32, #tpu.memory_space<vmem>> -> memref<1x128xi32, #tpu.memory_space<vmem>>
          %dma_start3A_98 = arith.constant 0 : i32
          %dma_start3A_99 = tpu.memref_slice %arg4[%add3A_48, %dma_start3A_98] : memref<1000x128xi32, #tpu.memory_space<hbm>> -> memref<1x128xi32, #tpu.memory_space<hbm>>
          %dma_start3A_100 = arith.constant 1 : i32
          %dma_start3A_101 = arith.constant 0 : i32
          %dma_start3A_102 = tpu.memref_slice %arg7[%dma_start3A_100, %dma_start3A_101] : memref<2x128xi32, #tpu.memory_space<vmem>> -> memref<1x128xi32, #tpu.memory_space<vmem>>
          %dma_start3A_103 = arith.constant 0 : i32
          %dma_start3A_104 = tpu.memref_slice %arg4[%add3A_48, %dma_start3A_103] : memref<1000x128xi32, #tpu.memory_space<hbm>> -> memref<1x128xi32, #tpu.memory_space<hbm>>
          tpu.enqueue_dma source(%dma_start3A_104 : memref<1x128xi32, #tpu.memory_space<hbm>>) target(%dma_start3A_102 : memref<1x128xi32, #tpu.memory_space<vmem>>) target_semaphore(%run_scoped3A : memref<!tpu.dma_semaphore, #tpu.memory_space<semaphore_mem>>)
          %dma_wait3A_105 = arith.constant 1 : i32
          %dma_wait3A_106 = arith.constant 0 : i32
          %dma_wait3A_107 = tpu.memref_slice %arg7[%dma_wait3A_105, %dma_wait3A_106] : memref<2x128xi32, #tpu.memory_space<vmem>> -> memref<1x128xi32, #tpu.memory_space<vmem>>
          %dma_wait3A_108 = arith.constant 0 : i32
          %dma_wait3A_109 = tpu.memref_slice %arg4[%add3A_48, %dma_wait3A_108] : memref<1000x128xi32, #tpu.memory_space<hbm>> -> memref<1x128xi32, #tpu.memory_space<hbm>>
          %dma_wait3A_110 = arith.constant 1 : i32
          %dma_wait3A_111 = arith.constant 0 : i32
          %dma_wait3A_112 = tpu.memref_slice %arg7[%dma_wait3A_110, %dma_wait3A_111] : memref<2x128xi32, #tpu.memory_space<vmem>> -> memref<1x128xi32, #tpu.memory_space<vmem>>
          %dma_wait3A_113 = arith.constant 0 : i32
          %dma_wait3A_114 = tpu.memref_slice %arg4[%add3A_48, %dma_wait3A_113] : memref<1000x128xi32, #tpu.memory_space<hbm>> -> memref<1x128xi32, #tpu.memory_space<hbm>>
          tpu.wait_dma2 semaphore(%run_scoped3A : memref<!tpu.dma_semaphore, #tpu.memory_space<semaphore_mem>>) src(%dma_wait3A_114 : memref<1x128xi32, #tpu.memory_space<hbm>>) dst(%dma_wait3A_112 : memref<1x128xi32, #tpu.memory_space<vmem>>)
          tpu.yield
        }) : () -> ()
        %dma_start3A = arith.constant 1 : i32
        %dma_start3A_60 = arith.constant 0 : i32
        %dma_start3A_61 = tpu.memref_slice %arg6[%dma_start3A, %dma_start3A_60] : memref<2x128xi32, #tpu.memory_space<vmem>> -> memref<1x128xi32, #tpu.memory_space<vmem>>
        %dma_start3A_62 = tpu.memref_squeeze %dma_start3A_61 : memref<1x128xi32, #tpu.memory_space<vmem>> -> memref<128xi32, #tpu.memory_space<vmem>>
        %dma_start3A_63 = arith.constant 0 : i32
        %dma_start3A_64 = arith.constant 0 : i32
        %dma_start3A_65 = tpu.memref_slice %arg2[%dma_start3A_63, %dma_start3A_64] : memref<10000x128xf32, #tpu.memory_space<hbm>> -> memref<10000x128xf32, #tpu.memory_space<hbm>>
        tpu.enqueue_indirect_dma source(%dma_start3A_65 : memref<10000x128xf32, #tpu.memory_space<hbm>>) target(%arg9 : memref<128x128xf32, #tpu.memory_space<vmem>>) offsets(%dma_start3A_62 : memref<128xi32, #tpu.memory_space<vmem>>) semaphore(%arg12 : memref<!tpu.dma_semaphore, #tpu.memory_space<semaphore_mem>>)
        %dma_start3A_66 = arith.constant 1 : i32
        %dma_start3A_67 = arith.constant 0 : i32
        %dma_start3A_68 = tpu.memref_slice %arg7[%dma_start3A_66, %dma_start3A_67] : memref<2x128xi32, #tpu.memory_space<vmem>> -> memref<1x128xi32, #tpu.memory_space<vmem>>
        %dma_start3A_69 = tpu.memref_squeeze %dma_start3A_68 : memref<1x128xi32, #tpu.memory_space<vmem>> -> memref<128xi32, #tpu.memory_space<vmem>>
        %dma_start3A_70 = arith.constant 0 : i32
        %dma_start3A_71 = arith.constant 0 : i32
        %dma_start3A_72 = tpu.memref_slice %arg2[%dma_start3A_70, %dma_start3A_71] : memref<10000x128xf32, #tpu.memory_space<hbm>> -> memref<10000x128xf32, #tpu.memory_space<hbm>>
        tpu.enqueue_indirect_dma source(%dma_start3A_72 : memref<10000x128xf32, #tpu.memory_space<hbm>>) target(%arg11 : memref<128x128xf32, #tpu.memory_space<vmem>>) offsets(%dma_start3A_69 : memref<128xi32, #tpu.memory_space<vmem>>) semaphore(%arg12 : memref<!tpu.dma_semaphore, #tpu.memory_space<semaphore_mem>>)
        %dma_wait3A_73 = arith.constant 1 : i32
        %dma_wait3A_74 = arith.constant 0 : i32
        %dma_wait3A_75 = tpu.memref_slice %arg6[%dma_wait3A_73, %dma_wait3A_74] : memref<2x128xi32, #tpu.memory_space<vmem>> -> memref<1x128xi32, #tpu.memory_space<vmem>>
        %dma_wait3A_76 = tpu.memref_squeeze %dma_wait3A_75 : memref<1x128xi32, #tpu.memory_space<vmem>> -> memref<128xi32, #tpu.memory_space<vmem>>
        %dma_wait3A_77 = arith.constant 0 : i32
        %dma_wait3A_78 = arith.constant 0 : i32
        %dma_wait3A_79 = tpu.memref_slice %arg2[%dma_wait3A_77, %dma_wait3A_78] : memref<10000x128xf32, #tpu.memory_space<hbm>> -> memref<10000x128xf32, #tpu.memory_space<hbm>>
        tpu.wait_indirect_dma semaphore(%arg12 : memref<!tpu.dma_semaphore, #tpu.memory_space<semaphore_mem>>) src(%dma_wait3A_79 : memref<10000x128xf32, #tpu.memory_space<hbm>>) dst(%arg9 : memref<128x128xf32, #tpu.memory_space<vmem>>)
        %dma_wait3A_80 = arith.constant 1 : i32
        %dma_wait3A_81 = arith.constant 0 : i32
        %dma_wait3A_82 = tpu.memref_slice %arg7[%dma_wait3A_80, %dma_wait3A_81] : memref<2x128xi32, #tpu.memory_space<vmem>> -> memref<1x128xi32, #tpu.memory_space<vmem>>
        %dma_wait3A_83 = tpu.memref_squeeze %dma_wait3A_82 : memref<1x128xi32, #tpu.memory_space<vmem>> -> memref<128xi32, #tpu.memory_space<vmem>>
        %dma_wait3A_84 = arith.constant 0 : i32
        %dma_wait3A_85 = arith.constant 0 : i32
        %dma_wait3A_86 = tpu.memref_slice %arg2[%dma_wait3A_84, %dma_wait3A_85] : memref<10000x128xf32, #tpu.memory_space<hbm>> -> memref<10000x128xf32, #tpu.memory_space<hbm>>
        tpu.wait_indirect_dma semaphore(%arg12 : memref<!tpu.dma_semaphore, #tpu.memory_space<semaphore_mem>>) src(%dma_wait3A_86 : memref<10000x128xf32, #tpu.memory_space<hbm>>) dst(%arg11 : memref<128x128xf32, #tpu.memory_space<vmem>>)
        %dma_start3A_87 = arith.constant 0 : i32
        %dma_start3A_88 = tpu.memref_slice %arg5[%mul3A_55, %dma_start3A_87] : memref<128000x256xf32, #tpu.memory_space<hbm>> -> memref<128x128xf32, #tpu.memory_space<hbm>>
        %dma_start3A_89 = arith.constant 0 : i32
        %dma_start3A_90 = tpu.memref_slice %arg5[%mul3A_55, %dma_start3A_89] : memref<128000x256xf32, #tpu.memory_space<hbm>> -> memref<128x128xf32, #tpu.memory_space<hbm>>
        tpu.enqueue_dma source(%arg9 : memref<128x128xf32, #tpu.memory_space<vmem>>) target(%dma_start3A_90 : memref<128x128xf32, #tpu.memory_space<hbm>>) target_semaphore(%arg14 : memref<!tpu.dma_semaphore, #tpu.memory_space<semaphore_mem>>)
        %dma_start3A_91 = arith.constant 128 : i32
        %dma_start3A_92 = tpu.memref_slice %arg5[%mul3A_55, %dma_start3A_91] : memref<128000x256xf32, #tpu.memory_space<hbm>> -> memref<128x128xf32, #tpu.memory_space<hbm>>
        %dma_start3A_93 = arith.constant 128 : i32
        %dma_start3A_94 = tpu.memref_slice %arg5[%mul3A_55, %dma_start3A_93] : memref<128000x256xf32, #tpu.memory_space<hbm>> -> memref<128x128xf32, #tpu.memory_space<hbm>>
        tpu.enqueue_dma source(%arg11 : memref<128x128xf32, #tpu.memory_space<vmem>>) target(%dma_start3A_94 : memref<128x128xf32, #tpu.memory_space<hbm>>) target_semaphore(%arg14 : memref<!tpu.dma_semaphore, #tpu.memory_space<semaphore_mem>>)
      } else {
      }
    }
    %scan3A_4 = arith.constant 16 : i32
    %dma_wait3A = arith.constant 0 : i32
    %dma_wait3A_5 = arith.constant 0 : i32
    %dma_wait3A_6 = tpu.memref_slice %arg5[%dma_wait3A, %dma_wait3A_5] : memref<128000x256xf32, #tpu.memory_space<hbm>> -> memref<128x128xf32, #tpu.memory_space<hbm>>
    %dma_wait3A_7 = arith.constant 0 : i32
    %dma_wait3A_8 = arith.constant 0 : i32
    %dma_wait3A_9 = tpu.memref_slice %arg5[%dma_wait3A_7, %dma_wait3A_8] : memref<128000x256xf32, #tpu.memory_space<hbm>> -> memref<128x128xf32, #tpu.memory_space<hbm>>
    tpu.wait_dma2 semaphore(%arg13 : memref<!tpu.dma_semaphore, #tpu.memory_space<semaphore_mem>>) src(%arg8 : memref<128x128xf32, #tpu.memory_space<vmem>>) dst(%dma_wait3A_9 : memref<128x128xf32, #tpu.memory_space<hbm>>)
    %dma_wait3A_10 = arith.constant 0 : i32
    %dma_wait3A_11 = arith.constant 128 : i32
    %dma_wait3A_12 = tpu.memref_slice %arg5[%dma_wait3A_10, %dma_wait3A_11] : memref<128000x256xf32, #tpu.memory_space<hbm>> -> memref<128x128xf32, #tpu.memory_space<hbm>>
    %dma_wait3A_13 = arith.constant 0 : i32
    %dma_wait3A_14 = arith.constant 128 : i32
    %dma_wait3A_15 = tpu.memref_slice %arg5[%dma_wait3A_13, %dma_wait3A_14] : memref<128000x256xf32, #tpu.memory_space<hbm>> -> memref<128x128xf32, #tpu.memory_space<hbm>>
    tpu.wait_dma2 semaphore(%arg13 : memref<!tpu.dma_semaphore, #tpu.memory_space<semaphore_mem>>) src(%arg10 : memref<128x128xf32, #tpu.memory_space<vmem>>) dst(%dma_wait3A_15 : memref<128x128xf32, #tpu.memory_space<hbm>>)
    %dma_wait3A_16 = arith.constant 0 : i32
    %dma_wait3A_17 = arith.constant 0 : i32
    %dma_wait3A_18 = tpu.memref_slice %arg5[%dma_wait3A_16, %dma_wait3A_17] : memref<128000x256xf32, #tpu.memory_space<hbm>> -> memref<128x128xf32, #tpu.memory_space<hbm>>
    %dma_wait3A_19 = arith.constant 0 : i32
    %dma_wait3A_20 = arith.constant 0 : i32
    %dma_wait3A_21 = tpu.memref_slice %arg5[%dma_wait3A_19, %dma_wait3A_20] : memref<128000x256xf32, #tpu.memory_space<hbm>> -> memref<128x128xf32, #tpu.memory_space<hbm>>
    tpu.wait_dma2 semaphore(%arg14 : memref<!tpu.dma_semaphore, #tpu.memory_space<semaphore_mem>>) src(%arg9 : memref<128x128xf32, #tpu.memory_space<vmem>>) dst(%dma_wait3A_21 : memref<128x128xf32, #tpu.memory_space<hbm>>)
    %dma_wait3A_22 = arith.constant 0 : i32
    %dma_wait3A_23 = arith.constant 128 : i32
    %dma_wait3A_24 = tpu.memref_slice %arg5[%dma_wait3A_22, %dma_wait3A_23] : memref<128000x256xf32, #tpu.memory_space<hbm>> -> memref<128x128xf32, #tpu.memory_space<hbm>>
    %dma_wait3A_25 = arith.constant 0 : i32
    %dma_wait3A_26 = arith.constant 128 : i32
    %dma_wait3A_27 = tpu.memref_slice %arg5[%dma_wait3A_25, %dma_wait3A_26] : memref<128000x256xf32, #tpu.memory_space<hbm>> -> memref<128x128xf32, #tpu.memory_space<hbm>>
    tpu.wait_dma2 semaphore(%arg14 : memref<!tpu.dma_semaphore, #tpu.memory_space<semaphore_mem>>) src(%arg11 : memref<128x128xf32, #tpu.memory_space<vmem>>) dst(%dma_wait3A_27 : memref<128x128xf32, #tpu.memory_space<hbm>>)
    return
  }
}

#map = affine_map<(d0, d1) -> (0, 0)>
#map1 = affine_map<(d0, d1) -> (0, 0, 0)>
module attributes {stable_mosaic.version = 14 : i64} {
  func.func @k(%arg0: i32, %arg1: i32, %arg2: memref<128000x128xf32, #tpu.memory_space<hbm>>, %arg3: memref<2x2500x128xi32, #tpu.memory_space<hbm>>, %arg4: memref<2x5632x128xf32, #tpu.memory_space<hbm>>, %arg5: memref<2x2x128xi32, #tpu.memory_space<vmem>>, %arg6: memref<2x256x128xf32, #tpu.memory_space<vmem>>, %arg7: memref<32x128xf32, #tpu.memory_space<vmem>>, %arg8: memref<5632x128xf32, #tpu.memory_space<vmem_shared>>, %arg9: memref<!tpu.dma_semaphore, #tpu.memory_space<semaphore_mem>>, %arg10: memref<!tpu.dma_semaphore, #tpu.memory_space<semaphore_mem>>) attributes {dimension_semantics = [#tpu.dimension_semantics<core_parallel>, #tpu.dimension_semantics<subcore_parallel>], iteration_bounds = array<i64: 2, 16>, scalar_prefetch = 0 : i64, scratch_operands = 6 : i64, tpu.core_type = #tpu.core_type<sc_vector_subcore>, window_params = [{transform_indices = #map}, {transform_indices = #map1}, {transform_indices = #map1}]} {
    %scan3A = arith.constant 0 : i32
    %scan3A_0 = arith.constant 32 : i32
    %scan3A_1 = arith.addi %scan3A, %scan3A_0 : i32
    %scan3A_2 = arith.constant 1 : i32
    scf.for %scan3A_26 = %scan3A to %scan3A_1 step %scan3A_2  : i32 {
      %mul3A = arith.constant 1 : i32
      %mul3A_27 = arith.muli %scan3A_26, %mul3A : i32
      %add3A_28 = arith.constant 0 : i32
      %add3A_29 = arith.addi %add3A_28, %mul3A_27 : i32
      %scan3A_30 = arith.constant 0 : i32
      %scan3A_31 = arith.constant 8 : i32
      %scan3A_32 = arith.addi %scan3A_30, %scan3A_31 : i32
      %scan3A_33 = arith.constant 1 : i32
      scf.for %scan3A_35 = %scan3A_30 to %scan3A_32 step %scan3A_33  : i32 {
        %mul3A_36 = arith.constant 16 : i32
        %mul3A_37 = arith.muli %scan3A_35, %mul3A_36 : i32
        %add3A_38 = arith.constant 0 : i32
        %add3A_39 = arith.addi %add3A_38, %mul3A_37 : i32
        %broadcast_in_dim3A = arith.constant 0.000000e+00 : f32
        %broadcast_in_dim3A_40 = vector.broadcast %broadcast_in_dim3A : f32 to vector<16xf32>
        %swap3A = arith.index_cast %add3A_29 : i32 to index
        %swap3A_41 = arith.index_cast %add3A_39 : i32 to index
        %swap3A_42 = tpu.vector_load %arg7[%swap3A, %swap3A_41] {strides = array<i32>} : memref<32x128xf32, #tpu.memory_space<vmem>>, vector<1x16xf32>,
        %swap3A_43 = vector.shape_cast %swap3A_42 : vector<1x16xf32> to vector<16xf32>
        %swap3A_44 = vector.shape_cast %broadcast_in_dim3A_40 : vector<16xf32> to vector<1x16xf32>
        tpu.vector_store %arg7[%swap3A, %swap3A_41], %swap3A_44 {strides = array<i32>} : memref<32x128xf32, #tpu.memory_space<vmem>>, vector<1x16xf32>,
      }
      %scan3A_34 = arith.constant 8 : i32
    }
    %scan3A_3 = arith.constant 32 : i32
    %scan3A_4 = arith.constant 0 : i32
    %scan3A_5 = arith.constant 11 : i32
    %scan3A_6 = arith.addi %scan3A_4, %scan3A_5 : i32
    %scan3A_7 = arith.constant 1 : i32
    scf.for %scan3A_26 = %scan3A_4 to %scan3A_6 step %scan3A_7  : i32 {
      %mul3A = arith.constant 1 : i32
      %mul3A_27 = arith.muli %scan3A_26, %mul3A : i32
      %add3A_28 = arith.constant 0 : i32
      %add3A_29 = arith.addi %add3A_28, %mul3A_27 : i32
      %mul3A_30 = arith.constant 352 : i32
      %mul3A_31 = arith.muli %arg1, %mul3A_30 : i32
      %mul3A_32 = arith.constant 32 : i32
      %mul3A_33 = arith.muli %add3A_29, %mul3A_32 : i32
      %add3A_34 = arith.addi %mul3A_31, %mul3A_33 : i32
      "tpu.region"() ({
        %run_scoped3A = tpu.sem_alloc : memref<!tpu.dma_semaphore, #tpu.memory_space<semaphore_mem>>
        %dma_start3A = arith.constant 0 : i32
        %dma_start3A_35 = tpu.memref_slice %arg8[%add3A_34, %dma_start3A] : memref<5632x128xf32, #tpu.memory_space<vmem_shared>> -> memref<32x128xf32, #tpu.memory_space<vmem_shared>>
        %dma_start3A_36 = arith.constant 0 : i32
        %dma_start3A_37 = tpu.memref_slice %arg8[%add3A_34, %dma_start3A_36] : memref<5632x128xf32, #tpu.memory_space<vmem_shared>> -> memref<32x128xf32, #tpu.memory_space<vmem_shared>>
        tpu.enqueue_dma source(%arg7 : memref<32x128xf32, #tpu.memory_space<vmem>>) target(%dma_start3A_37 : memref<32x128xf32, #tpu.memory_space<vmem_shared>>) target_semaphore(%run_scoped3A : memref<!tpu.dma_semaphore, #tpu.memory_space<semaphore_mem>>)
        %dma_wait3A = arith.constant 0 : i32
        %dma_wait3A_38 = tpu.memref_slice %arg8[%add3A_34, %dma_wait3A] : memref<5632x128xf32, #tpu.memory_space<vmem_shared>> -> memref<32x128xf32, #tpu.memory_space<vmem_shared>>
        %dma_wait3A_39 = arith.constant 0 : i32
        %dma_wait3A_40 = tpu.memref_slice %arg8[%add3A_34, %dma_wait3A_39] : memref<5632x128xf32, #tpu.memory_space<vmem_shared>> -> memref<32x128xf32, #tpu.memory_space<vmem_shared>>
        tpu.wait_dma2 semaphore(%run_scoped3A : memref<!tpu.dma_semaphore, #tpu.memory_space<semaphore_mem>>) src(%arg7 : memref<32x128xf32, #tpu.memory_space<vmem>>) dst(%dma_wait3A_40 : memref<32x128xf32, #tpu.memory_space<vmem_shared>>)
        tpu.yield
      }) : () -> ()
    }
    %scan3A_8 = arith.constant 11 : i32
    %barrier3A = arith.constant 0 : index
    tpu.barrier barrier_id(%barrier3A)
    %add3A = arith.constant 750 : i32
    %add3A_9 = arith.addi %add3A, %arg1 : i32
    %lt3A = arith.constant 1250 : i32
    %lt3A_10 = arith.cmpi slt, %add3A_9, %lt3A : i32
    %convert_element_type3A = arith.extui %lt3A_10 : i1 to i32
    %cond3A = arith.constant 0 : i32
    %cond3A_11 = arith.constant 0 : i32
    %cond3A_12 = arith.cmpi ne, %convert_element_type3A, %cond3A_11 : i32
    scf.if %cond3A_12 {
      %sub3A = arith.constant 750 : i32
      %sub3A_26 = arith.subi %add3A_9, %sub3A : i32
      %mul3A = arith.constant 256 : i32
      %mul3A_27 = arith.muli %sub3A_26, %mul3A : i32
      %dma_start3A = arith.constant 0 : i32
      %dma_start3A_28 = arith.constant 0 : i32
      %dma_start3A_29 = tpu.memref_slice %arg6[%cond3A, %dma_start3A, %dma_start3A_28] : memref<2x256x128xf32, #tpu.memory_space<vmem>> -> memref<1x256x128xf32, #tpu.memory_space<vmem>>
      %dma_start3A_30 = tpu.memref_squeeze %dma_start3A_29 : memref<1x256x128xf32, #tpu.memory_space<vmem>> -> memref<256x128xf32, #tpu.memory_space<vmem>>
      %dma_start3A_31 = arith.constant 0 : i32
      %dma_start3A_32 = tpu.memref_slice %arg2[%mul3A_27, %dma_start3A_31] : memref<128000x128xf32, #tpu.memory_space<hbm>> -> memref<256x128xf32, #tpu.memory_space<hbm>>
      %dma_start3A_33 = arith.constant 0 : i32
      %dma_start3A_34 = arith.constant 0 : i32
      %dma_start3A_35 = tpu.memref_slice %arg6[%cond3A, %dma_start3A_33, %dma_start3A_34] : memref<2x256x128xf32, #tpu.memory_space<vmem>> -> memref<1x256x128xf32, #tpu.memory_space<vmem>>
      %dma_start3A_36 = tpu.memref_squeeze %dma_start3A_35 : memref<1x256x128xf32, #tpu.memory_space<vmem>> -> memref<256x128xf32, #tpu.memory_space<vmem>>
      %dma_start3A_37 = arith.constant 0 : i32
      %dma_start3A_38 = tpu.memref_slice %arg2[%mul3A_27, %dma_start3A_37] : memref<128000x128xf32, #tpu.memory_space<hbm>> -> memref<256x128xf32, #tpu.memory_space<hbm>>
      tpu.enqueue_dma source(%dma_start3A_38 : memref<256x128xf32, #tpu.memory_space<hbm>>) target(%dma_start3A_36 : memref<256x128xf32, #tpu.memory_space<vmem>>) target_semaphore(%arg9 : memref<!tpu.dma_semaphore, #tpu.memory_space<semaphore_mem>>)
      %mul3A_39 = arith.constant 2 : i32
      %mul3A_40 = arith.muli %add3A_9, %mul3A_39 : i32
      %dma_start3A_41 = arith.constant 0 : i32
      %dma_start3A_42 = arith.constant 0 : i32
      %dma_start3A_43 = arith.constant 0 : i32
      %dma_start3A_44 = tpu.memref_slice %arg5[%dma_start3A_41, %dma_start3A_42, %dma_start3A_43] : memref<2x2x128xi32, #tpu.memory_space<vmem>> -> memref<1x2x128xi32, #tpu.memory_space<vmem>>
      %dma_start3A_45 = tpu.memref_squeeze %dma_start3A_44 : memref<1x2x128xi32, #tpu.memory_space<vmem>> -> memref<2x128xi32, #tpu.memory_space<vmem>>
      %dma_start3A_46 = arith.constant 0 : i32
      %dma_start3A_47 = tpu.memref_slice %arg3[%arg0, %mul3A_40, %dma_start3A_46] : memref<2x2500x128xi32, #tpu.memory_space<hbm>> -> memref<1x2x128xi32, #tpu.memory_space<hbm>>
      %dma_start3A_48 = tpu.memref_squeeze %dma_start3A_47 : memref<1x2x128xi32, #tpu.memory_space<hbm>> -> memref<2x128xi32, #tpu.memory_space<hbm>>
      %dma_start3A_49 = arith.constant 0 : i32
      %dma_start3A_50 = arith.constant 0 : i32
      %dma_start3A_51 = tpu.memref_slice %arg5[%dma_start3A_41, %dma_start3A_49, %dma_start3A_50] : memref<2x2x128xi32, #tpu.memory_space<vmem>> -> memref<1x2x128xi32, #tpu.memory_space<vmem>>
      %dma_start3A_52 = tpu.memref_squeeze %dma_start3A_51 : memref<1x2x128xi32, #tpu.memory_space<vmem>> -> memref<2x128xi32, #tpu.memory_space<vmem>>
      %dma_start3A_53 = arith.constant 0 : i32
      %dma_start3A_54 = tpu.memref_slice %arg3[%arg0, %mul3A_40, %dma_start3A_53] : memref<2x2500x128xi32, #tpu.memory_space<hbm>> -> memref<1x2x128xi32, #tpu.memory_space<hbm>>
      %dma_start3A_55 = tpu.memref_squeeze %dma_start3A_54 : memref<1x2x128xi32, #tpu.memory_space<hbm>> -> memref<2x128xi32, #tpu.memory_space<hbm>>
      tpu.enqueue_dma source(%dma_start3A_55 : memref<2x128xi32, #tpu.memory_space<hbm>>) target(%dma_start3A_52 : memref<2x128xi32, #tpu.memory_space<vmem>>) target_semaphore(%arg9 : memref<!tpu.dma_semaphore, #tpu.memory_space<semaphore_mem>>)
    } else {
    }
    %scan3A_13 = arith.constant 0 : i32
    %scan3A_14 = arith.constant 1 : i32
    %scan3A_15 = arith.constant 0 : i32
    %scan3A_16 = arith.constant 16 : i32
    %scan3A_17 = arith.addi %scan3A_15, %scan3A_16 : i32
    %scan3A_18 = arith.constant 1 : i32
    scf.for %scan3A_26 = %scan3A_15 to %scan3A_17 step %scan3A_18  : i32 {
      %mul3A = arith.constant 1 : i32
      %mul3A_27 = arith.muli %scan3A_26, %mul3A : i32
      %add3A_28 = arith.constant 0 : i32
      %add3A_29 = arith.addi %add3A_28, %mul3A_27 : i32
      %mul3A_30 = arith.constant 2 : i32
      %mul3A_31 = arith.muli %mul3A_30, %add3A_29 : i32
      %add3A_32 = arith.constant 0 : i32
      %add3A_33 = arith.addi %mul3A_31, %add3A_32 : i32
      %add3A_34 = arith.constant 750 : i32
      %add3A_35 = arith.addi %add3A_34, %arg1 : i32
      %mul3A_36 = arith.constant 16 : i32
      %mul3A_37 = arith.muli %add3A_33, %mul3A_36 : i32
      %add3A_38 = arith.addi %add3A_35, %mul3A_37 : i32
      %lt3A_39 = arith.constant 1250 : i32
      %lt3A_40 = arith.cmpi slt, %add3A_38, %lt3A_39 : i32
      %convert_element_type3A_41 = arith.extui %lt3A_40 : i1 to i32
      %cond3A_42 = arith.constant 0 : i32
      %cond3A_43 = arith.cmpi ne, %convert_element_type3A_41, %cond3A_42 : i32
      scf.if %cond3A_43 {
        %dma_wait3A = arith.constant 0 : i32
        %dma_wait3A_58 = arith.constant 0 : i32
        %dma_wait3A_59 = tpu.memref_slice %arg6[%scan3A_13, %dma_wait3A, %dma_wait3A_58] : memref<2x256x128xf32, #tpu.memory_space<vmem>> -> memref<1x256x128xf32, #tpu.memory_space<vmem>>
        %dma_wait3A_60 = tpu.memref_squeeze %dma_wait3A_59 : memref<1x256x128xf32, #tpu.memory_space<vmem>> -> memref<256x128xf32, #tpu.memory_space<vmem>>
        %dma_wait3A_61 = arith.constant 0 : i32
        %dma_wait3A_62 = arith.constant 0 : i32
        %dma_wait3A_63 = tpu.memref_slice %arg2[%dma_wait3A_61, %dma_wait3A_62] : memref<128000x128xf32, #tpu.memory_space<hbm>> -> memref<256x128xf32, #tpu.memory_space<hbm>>
        %dma_wait3A_64 = arith.constant 0 : i32
        %dma_wait3A_65 = arith.constant 0 : i32
        %dma_wait3A_66 = tpu.memref_slice %arg6[%scan3A_13, %dma_wait3A_64, %dma_wait3A_65] : memref<2x256x128xf32, #tpu.memory_space<vmem>> -> memref<1x256x128xf32, #tpu.memory_space<vmem>>
        %dma_wait3A_67 = tpu.memref_squeeze %dma_wait3A_66 : memref<1x256x128xf32, #tpu.memory_space<vmem>> -> memref<256x128xf32, #tpu.memory_space<vmem>>
        %dma_wait3A_68 = arith.constant 0 : i32
        %dma_wait3A_69 = arith.constant 0 : i32
        %dma_wait3A_70 = tpu.memref_slice %arg2[%dma_wait3A_68, %dma_wait3A_69] : memref<128000x128xf32, #tpu.memory_space<hbm>> -> memref<256x128xf32, #tpu.memory_space<hbm>>
        tpu.wait_dma2 semaphore(%arg9 : memref<!tpu.dma_semaphore, #tpu.memory_space<semaphore_mem>>) src(%dma_wait3A_70 : memref<256x128xf32, #tpu.memory_space<hbm>>) dst(%dma_wait3A_67 : memref<256x128xf32, #tpu.memory_space<vmem>>)
        %dma_wait3A_71 = arith.constant 0 : i32
        %dma_wait3A_72 = arith.constant 0 : i32
        %dma_wait3A_73 = arith.constant 0 : i32
        %dma_wait3A_74 = tpu.memref_slice %arg5[%dma_wait3A_71, %dma_wait3A_72, %dma_wait3A_73] : memref<2x2x128xi32, #tpu.memory_space<vmem>> -> memref<1x2x128xi32, #tpu.memory_space<vmem>>
        %dma_wait3A_75 = tpu.memref_squeeze %dma_wait3A_74 : memref<1x2x128xi32, #tpu.memory_space<vmem>> -> memref<2x128xi32, #tpu.memory_space<vmem>>
        %dma_wait3A_76 = arith.constant 0 : i32
        %dma_wait3A_77 = arith.constant 0 : i32
        %dma_wait3A_78 = tpu.memref_slice %arg3[%arg0, %dma_wait3A_76, %dma_wait3A_77] : memref<2x2500x128xi32, #tpu.memory_space<hbm>> -> memref<1x2x128xi32, #tpu.memory_space<hbm>>
        %dma_wait3A_79 = tpu.memref_squeeze %dma_wait3A_78 : memref<1x2x128xi32, #tpu.memory_space<hbm>> -> memref<2x128xi32, #tpu.memory_space<hbm>>
        %dma_wait3A_80 = arith.constant 0 : i32
        %dma_wait3A_81 = arith.constant 0 : i32
        %dma_wait3A_82 = tpu.memref_slice %arg5[%dma_wait3A_71, %dma_wait3A_80, %dma_wait3A_81] : memref<2x2x128xi32, #tpu.memory_space<vmem>> -> memref<1x2x128xi32, #tpu.memory_space<vmem>>
        %dma_wait3A_83 = tpu.memref_squeeze %dma_wait3A_82 : memref<1x2x128xi32, #tpu.memory_space<vmem>> -> memref<2x128xi32, #tpu.memory_space<vmem>>
        %dma_wait3A_84 = arith.constant 0 : i32
        %dma_wait3A_85 = arith.constant 0 : i32
        %dma_wait3A_86 = tpu.memref_slice %arg3[%arg0, %dma_wait3A_84, %dma_wait3A_85] : memref<2x2500x128xi32, #tpu.memory_space<hbm>> -> memref<1x2x128xi32, #tpu.memory_space<hbm>>
        %dma_wait3A_87 = tpu.memref_squeeze %dma_wait3A_86 : memref<1x2x128xi32, #tpu.memory_space<hbm>> -> memref<2x128xi32, #tpu.memory_space<hbm>>
        tpu.wait_dma2 semaphore(%arg9 : memref<!tpu.dma_semaphore, #tpu.memory_space<semaphore_mem>>) src(%dma_wait3A_87 : memref<2x128xi32, #tpu.memory_space<hbm>>) dst(%dma_wait3A_83 : memref<2x128xi32, #tpu.memory_space<vmem>>)
        %add3A_88 = arith.constant 16 : i32
        %add3A_89 = arith.addi %add3A_38, %add3A_88 : i32
        %lt3A_90 = arith.constant 1250 : i32
        %lt3A_91 = arith.cmpi slt, %add3A_89, %lt3A_90 : i32
        %convert_element_type3A_92 = arith.extui %lt3A_91 : i1 to i32
        %cond3A_93 = arith.constant 0 : i32
        %cond3A_94 = arith.cmpi ne, %convert_element_type3A_92, %cond3A_93 : i32
        scf.if %cond3A_94 {
          %sub3A = arith.constant 750 : i32
          %sub3A_98 = arith.subi %add3A_89, %sub3A : i32
          %mul3A_99 = arith.constant 256 : i32
          %mul3A_100 = arith.muli %sub3A_98, %mul3A_99 : i32
          %dma_start3A = arith.constant 0 : i32
          %dma_start3A_101 = arith.constant 0 : i32
          %dma_start3A_102 = tpu.memref_slice %arg6[%scan3A_14, %dma_start3A, %dma_start3A_101] : memref<2x256x128xf32, #tpu.memory_space<vmem>> -> memref<1x256x128xf32, #tpu.memory_space<vmem>>
          %dma_start3A_103 = tpu.memref_squeeze %dma_start3A_102 : memref<1x256x128xf32, #tpu.memory_space<vmem>> -> memref<256x128xf32, #tpu.memory_space<vmem>>
          %dma_start3A_104 = arith.constant 0 : i32
          %dma_start3A_105 = tpu.memref_slice %arg2[%mul3A_100, %dma_start3A_104] : memref<128000x128xf32, #tpu.memory_space<hbm>> -> memref<256x128xf32, #tpu.memory_space<hbm>>
          %dma_start3A_106 = arith.constant 0 : i32
          %dma_start3A_107 = arith.constant 0 : i32
          %dma_start3A_108 = tpu.memref_slice %arg6[%scan3A_14, %dma_start3A_106, %dma_start3A_107] : memref<2x256x128xf32, #tpu.memory_space<vmem>> -> memref<1x256x128xf32, #tpu.memory_space<vmem>>
          %dma_start3A_109 = tpu.memref_squeeze %dma_start3A_108 : memref<1x256x128xf32, #tpu.memory_space<vmem>> -> memref<256x128xf32, #tpu.memory_space<vmem>>
          %dma_start3A_110 = arith.constant 0 : i32
          %dma_start3A_111 = tpu.memref_slice %arg2[%mul3A_100, %dma_start3A_110] : memref<128000x128xf32, #tpu.memory_space<hbm>> -> memref<256x128xf32, #tpu.memory_space<hbm>>
          tpu.enqueue_dma source(%dma_start3A_111 : memref<256x128xf32, #tpu.memory_space<hbm>>) target(%dma_start3A_109 : memref<256x128xf32, #tpu.memory_space<vmem>>) target_semaphore(%arg10 : memref<!tpu.dma_semaphore, #tpu.memory_space<semaphore_mem>>)
          %mul3A_112 = arith.constant 2 : i32
          %mul3A_113 = arith.muli %add3A_89, %mul3A_112 : i32
          %dma_start3A_114 = arith.constant 1 : i32
          %dma_start3A_115 = arith.constant 0 : i32
          %dma_start3A_116 = arith.constant 0 : i32
          %dma_start3A_117 = tpu.memref_slice %arg5[%dma_start3A_114, %dma_start3A_115, %dma_start3A_116] : memref<2x2x128xi32, #tpu.memory_space<vmem>> -> memref<1x2x128xi32, #tpu.memory_space<vmem>>
          %dma_start3A_118 = tpu.memref_squeeze %dma_start3A_117 : memref<1x2x128xi32, #tpu.memory_space<vmem>> -> memref<2x128xi32, #tpu.memory_space<vmem>>
          %dma_start3A_119 = arith.constant 0 : i32
          %dma_start3A_120 = tpu.memref_slice %arg3[%arg0, %mul3A_113, %dma_start3A_119] : memref<2x2500x128xi32, #tpu.memory_space<hbm>> -> memref<1x2x128xi32, #tpu.memory_space<hbm>>
          %dma_start3A_121 = tpu.memref_squeeze %dma_start3A_120 : memref<1x2x128xi32, #tpu.memory_space<hbm>> -> memref<2x128xi32, #tpu.memory_space<hbm>>
          %dma_start3A_122 = arith.constant 0 : i32
          %dma_start3A_123 = arith.constant 0 : i32
          %dma_start3A_124 = tpu.memref_slice %arg5[%dma_start3A_114, %dma_start3A_122, %dma_start3A_123] : memref<2x2x128xi32, #tpu.memory_space<vmem>> -> memref<1x2x128xi32, #tpu.memory_space<vmem>>
          %dma_start3A_125 = tpu.memref_squeeze %dma_start3A_124 : memref<1x2x128xi32, #tpu.memory_space<vmem>> -> memref<2x128xi32, #tpu.memory_space<vmem>>
          %dma_start3A_126 = arith.constant 0 : i32
          %dma_start3A_127 = tpu.memref_slice %arg3[%arg0, %mul3A_113, %dma_start3A_126] : memref<2x2500x128xi32, #tpu.memory_space<hbm>> -> memref<1x2x128xi32, #tpu.memory_space<hbm>>
          %dma_start3A_128 = tpu.memref_squeeze %dma_start3A_127 : memref<1x2x128xi32, #tpu.memory_space<hbm>> -> memref<2x128xi32, #tpu.memory_space<hbm>>
          tpu.enqueue_dma source(%dma_start3A_128 : memref<2x128xi32, #tpu.memory_space<hbm>>) target(%dma_start3A_125 : memref<2x128xi32, #tpu.memory_space<vmem>>) target_semaphore(%arg10 : memref<!tpu.dma_semaphore, #tpu.memory_space<semaphore_mem>>)
        } else {
        }
        %run_scoped3A = arith.constant 0 : i32
        %run_scoped3A_95 = arith.constant 0 : i32
        "tpu.region"() ({
          %run_scoped3A_98 = tpu.sem_alloc : memref<!tpu.dma_semaphore, #tpu.memory_space<semaphore_mem>>
          %dma_start3A = arith.constant 0 : i32
          %dma_start3A_99 = arith.constant 0 : i32
          %dma_start3A_100 = tpu.memref_slice %arg6[%scan3A_13, %dma_start3A, %dma_start3A_99] : memref<2x256x128xf32, #tpu.memory_space<vmem>> -> memref<1x256x128xf32, #tpu.memory_space<vmem>>
          %dma_start3A_101 = tpu.memref_squeeze %dma_start3A_100 : memref<1x256x128xf32, #tpu.memory_space<vmem>> -> memref<256x128xf32, #tpu.memory_space<vmem>>
          %dma_start3A_102 = arith.constant 0 : i32
          %dma_start3A_103 = arith.constant 0 : i32
          %dma_start3A_104 = tpu.memref_slice %dma_start3A_101[%dma_start3A_102, %dma_start3A_103] : memref<256x128xf32, #tpu.memory_space<vmem>> -> memref<128x128xf32, #tpu.memory_space<vmem>>
          %dma_start3A_105 = arith.constant 0 : i32
          %dma_start3A_106 = tpu.memref_slice %arg5[%run_scoped3A, %run_scoped3A_95, %dma_start3A_105] : memref<2x2x128xi32, #tpu.memory_space<vmem>> -> memref<1x1x128xi32, #tpu.memory_space<vmem>>
          %dma_start3A_107 = tpu.memref_squeeze %dma_start3A_106 : memref<1x1x128xi32, #tpu.memory_space<vmem>> -> memref<128xi32, #tpu.memory_space<vmem>>
          %dma_start3A_108 = arith.constant 0 : i32
          %dma_start3A_109 = arith.constant 0 : i32
          %dma_start3A_110 = tpu.memref_slice %arg8[%dma_start3A_108, %dma_start3A_109] : memref<5632x128xf32, #tpu.memory_space<vmem_shared>> -> memref<5632x128xf32, #tpu.memory_space<vmem_shared>>
          tpu.enqueue_indirect_dma source(%dma_start3A_104 : memref<128x128xf32, #tpu.memory_space<vmem>>) target(%dma_start3A_110 : memref<5632x128xf32, #tpu.memory_space<vmem_shared>>) offsets(%dma_start3A_107 : memref<128xi32, #tpu.memory_space<vmem>>) semaphore(%run_scoped3A_98 : memref<!tpu.dma_semaphore, #tpu.memory_space<semaphore_mem>>) {add = true}
          %dma_wait3A_111 = arith.constant 0 : i32
          %dma_wait3A_112 = arith.constant 0 : i32
          %dma_wait3A_113 = tpu.memref_slice %arg6[%scan3A_13, %dma_wait3A_111, %dma_wait3A_112] : memref<2x256x128xf32, #tpu.memory_space<vmem>> -> memref<1x256x128xf32, #tpu.memory_space<vmem>>
          %dma_wait3A_114 = tpu.memref_squeeze %dma_wait3A_113 : memref<1x256x128xf32, #tpu.memory_space<vmem>> -> memref<256x128xf32, #tpu.memory_space<vmem>>
          %dma_wait3A_115 = arith.constant 0 : i32
          %dma_wait3A_116 = arith.constant 0 : i32
          %dma_wait3A_117 = tpu.memref_slice %dma_wait3A_114[%dma_wait3A_115, %dma_wait3A_116] : memref<256x128xf32, #tpu.memory_space<vmem>> -> memref<128x128xf32, #tpu.memory_space<vmem>>
          %dma_wait3A_118 = arith.constant 0 : i32
          %dma_wait3A_119 = tpu.memref_slice %arg5[%run_scoped3A, %run_scoped3A_95, %dma_wait3A_118] : memref<2x2x128xi32, #tpu.memory_space<vmem>> -> memref<1x1x128xi32, #tpu.memory_space<vmem>>
          %dma_wait3A_120 = tpu.memref_squeeze %dma_wait3A_119 : memref<1x1x128xi32, #tpu.memory_space<vmem>> -> memref<128xi32, #tpu.memory_space<vmem>>
          %dma_wait3A_121 = arith.constant 0 : i32
          %dma_wait3A_122 = arith.constant 0 : i32
          %dma_wait3A_123 = tpu.memref_slice %arg8[%dma_wait3A_121, %dma_wait3A_122] : memref<5632x128xf32, #tpu.memory_space<vmem_shared>> -> memref<5632x128xf32, #tpu.memory_space<vmem_shared>>
          tpu.wait_indirect_dma semaphore(%run_scoped3A_98 : memref<!tpu.dma_semaphore, #tpu.memory_space<semaphore_mem>>) src(%dma_wait3A_117 : memref<128x128xf32, #tpu.memory_space<vmem>>) dst(%dma_wait3A_123 : memref<5632x128xf32, #tpu.memory_space<vmem_shared>>)
          tpu.yield
        }) : () -> ()
        %run_scoped3A_96 = arith.constant 0 : i32
        %run_scoped3A_97 = arith.constant 1 : i32
        "tpu.region"() ({
          %run_scoped3A_98 = tpu.sem_alloc : memref<!tpu.dma_semaphore, #tpu.memory_space<semaphore_mem>>
          %dma_start3A = arith.constant 0 : i32
          %dma_start3A_99 = arith.constant 0 : i32
          %dma_start3A_100 = tpu.memref_slice %arg6[%scan3A_13, %dma_start3A, %dma_start3A_99] : memref<2x256x128xf32, #tpu.memory_space<vmem>> -> memref<1x256x128xf32, #tpu.memory_space<vmem>>
          %dma_start3A_101 = tpu.memref_squeeze %dma_start3A_100 : memref<1x256x128xf32, #tpu.memory_space<vmem>> -> memref<256x128xf32, #tpu.memory_space<vmem>>
          %dma_start3A_102 = arith.constant 128 : i32
          %dma_start3A_103 = arith.constant 0 : i32
          %dma_start3A_104 = tpu.memref_slice %dma_start3A_101[%dma_start3A_102, %dma_start3A_103] : memref<256x128xf32, #tpu.memory_space<vmem>> -> memref<128x128xf32, #tpu.memory_space<vmem>>
          %dma_start3A_105 = arith.constant 0 : i32
          %dma_start3A_106 = tpu.memref_slice %arg5[%run_scoped3A_96, %run_scoped3A_97, %dma_start3A_105] : memref<2x2x128xi32, #tpu.memory_space<vmem>> -> memref<1x1x128xi32, #tpu.memory_space<vmem>>
          %dma_start3A_107 = tpu.memref_squeeze %dma_start3A_106 : memref<1x1x128xi32, #tpu.memory_space<vmem>> -> memref<128xi32, #tpu.memory_space<vmem>>
          %dma_start3A_108 = arith.constant 0 : i32
          %dma_start3A_109 = arith.constant 0 : i32
          %dma_start3A_110 = tpu.memref_slice %arg8[%dma_start3A_108, %dma_start3A_109] : memref<5632x128xf32, #tpu.memory_space<vmem_shared>> -> memref<5632x128xf32, #tpu.memory_space<vmem_shared>>
          tpu.enqueue_indirect_dma source(%dma_start3A_104 : memref<128x128xf32, #tpu.memory_space<vmem>>) target(%dma_start3A_110 : memref<5632x128xf32, #tpu.memory_space<vmem_shared>>) offsets(%dma_start3A_107 : memref<128xi32, #tpu.memory_space<vmem>>) semaphore(%run_scoped3A_98 : memref<!tpu.dma_semaphore, #tpu.memory_space<semaphore_mem>>) {add = true}
          %dma_wait3A_111 = arith.constant 0 : i32
          %dma_wait3A_112 = arith.constant 0 : i32
          %dma_wait3A_113 = tpu.memref_slice %arg6[%scan3A_13, %dma_wait3A_111, %dma_wait3A_112] : memref<2x256x128xf32, #tpu.memory_space<vmem>> -> memref<1x256x128xf32, #tpu.memory_space<vmem>>
          %dma_wait3A_114 = tpu.memref_squeeze %dma_wait3A_113 : memref<1x256x128xf32, #tpu.memory_space<vmem>> -> memref<256x128xf32, #tpu.memory_space<vmem>>
          %dma_wait3A_115 = arith.constant 128 : i32
          %dma_wait3A_116 = arith.constant 0 : i32
          %dma_wait3A_117 = tpu.memref_slice %dma_wait3A_114[%dma_wait3A_115, %dma_wait3A_116] : memref<256x128xf32, #tpu.memory_space<vmem>> -> memref<128x128xf32, #tpu.memory_space<vmem>>
          %dma_wait3A_118 = arith.constant 0 : i32
          %dma_wait3A_119 = tpu.memref_slice %arg5[%run_scoped3A_96, %run_scoped3A_97, %dma_wait3A_118] : memref<2x2x128xi32, #tpu.memory_space<vmem>> -> memref<1x1x128xi32, #tpu.memory_space<vmem>>
          %dma_wait3A_120 = tpu.memref_squeeze %dma_wait3A_119 : memref<1x1x128xi32, #tpu.memory_space<vmem>> -> memref<128xi32, #tpu.memory_space<vmem>>
          %dma_wait3A_121 = arith.constant 0 : i32
          %dma_wait3A_122 = arith.constant 0 : i32
          %dma_wait3A_123 = tpu.memref_slice %arg8[%dma_wait3A_121, %dma_wait3A_122] : memref<5632x128xf32, #tpu.memory_space<vmem_shared>> -> memref<5632x128xf32, #tpu.memory_space<vmem_shared>>
          tpu.wait_indirect_dma semaphore(%run_scoped3A_98 : memref<!tpu.dma_semaphore, #tpu.memory_space<semaphore_mem>>) src(%dma_wait3A_117 : memref<128x128xf32, #tpu.memory_space<vmem>>) dst(%dma_wait3A_123 : memref<5632x128xf32, #tpu.memory_space<vmem_shared>>)
          tpu.yield
        }) : () -> ()
      } else {
      }
      %mul3A_44 = arith.constant 2 : i32
      %mul3A_45 = arith.muli %mul3A_44, %add3A_29 : i32
      %add3A_46 = arith.constant 1 : i32
      %add3A_47 = arith.addi %mul3A_45, %add3A_46 : i32
      %add3A_48 = arith.constant 750 : i32
      %add3A_49 = arith.addi %add3A_48, %arg1 : i32
      %mul3A_50 = arith.constant 16 : i32
      %mul3A_51 = arith.muli %add3A_47, %mul3A_50 : i32
      %add3A_52 = arith.addi %add3A_49, %mul3A_51 : i32
      %lt3A_53 = arith.constant 1250 : i32
      %lt3A_54 = arith.cmpi slt, %add3A_52, %lt3A_53 : i32
      %convert_element_type3A_55 = arith.extui %lt3A_54 : i1 to i32
      %cond3A_56 = arith.constant 0 : i32
      %cond3A_57 = arith.cmpi ne, %convert_element_type3A_55, %cond3A_56 : i32
      scf.if %cond3A_57 {
        %dma_wait3A = arith.constant 0 : i32
        %dma_wait3A_58 = arith.constant 0 : i32
        %dma_wait3A_59 = tpu.memref_slice %arg6[%scan3A_14, %dma_wait3A, %dma_wait3A_58] : memref<2x256x128xf32, #tpu.memory_space<vmem>> -> memref<1x256x128xf32, #tpu.memory_space<vmem>>
        %dma_wait3A_60 = tpu.memref_squeeze %dma_wait3A_59 : memref<1x256x128xf32, #tpu.memory_space<vmem>> -> memref<256x128xf32, #tpu.memory_space<vmem>>
        %dma_wait3A_61 = arith.constant 0 : i32
        %dma_wait3A_62 = arith.constant 0 : i32
        %dma_wait3A_63 = tpu.memref_slice %arg2[%dma_wait3A_61, %dma_wait3A_62] : memref<128000x128xf32, #tpu.memory_space<hbm>> -> memref<256x128xf32, #tpu.memory_space<hbm>>
        %dma_wait3A_64 = arith.constant 0 : i32
        %dma_wait3A_65 = arith.constant 0 : i32
        %dma_wait3A_66 = tpu.memref_slice %arg6[%scan3A_14, %dma_wait3A_64, %dma_wait3A_65] : memref<2x256x128xf32, #tpu.memory_space<vmem>> -> memref<1x256x128xf32, #tpu.memory_space<vmem>>
        %dma_wait3A_67 = tpu.memref_squeeze %dma_wait3A_66 : memref<1x256x128xf32, #tpu.memory_space<vmem>> -> memref<256x128xf32, #tpu.memory_space<vmem>>
        %dma_wait3A_68 = arith.constant 0 : i32
        %dma_wait3A_69 = arith.constant 0 : i32
        %dma_wait3A_70 = tpu.memref_slice %arg2[%dma_wait3A_68, %dma_wait3A_69] : memref<128000x128xf32, #tpu.memory_space<hbm>> -> memref<256x128xf32, #tpu.memory_space<hbm>>
        tpu.wait_dma2 semaphore(%arg10 : memref<!tpu.dma_semaphore, #tpu.memory_space<semaphore_mem>>) src(%dma_wait3A_70 : memref<256x128xf32, #tpu.memory_space<hbm>>) dst(%dma_wait3A_67 : memref<256x128xf32, #tpu.memory_space<vmem>>)
        %dma_wait3A_71 = arith.constant 1 : i32
        %dma_wait3A_72 = arith.constant 0 : i32
        %dma_wait3A_73 = arith.constant 0 : i32
        %dma_wait3A_74 = tpu.memref_slice %arg5[%dma_wait3A_71, %dma_wait3A_72, %dma_wait3A_73] : memref<2x2x128xi32, #tpu.memory_space<vmem>> -> memref<1x2x128xi32, #tpu.memory_space<vmem>>
        %dma_wait3A_75 = tpu.memref_squeeze %dma_wait3A_74 : memref<1x2x128xi32, #tpu.memory_space<vmem>> -> memref<2x128xi32, #tpu.memory_space<vmem>>
        %dma_wait3A_76 = arith.constant 0 : i32
        %dma_wait3A_77 = arith.constant 0 : i32
        %dma_wait3A_78 = tpu.memref_slice %arg3[%arg0, %dma_wait3A_76, %dma_wait3A_77] : memref<2x2500x128xi32, #tpu.memory_space<hbm>> -> memref<1x2x128xi32, #tpu.memory_space<hbm>>
        %dma_wait3A_79 = tpu.memref_squeeze %dma_wait3A_78 : memref<1x2x128xi32, #tpu.memory_space<hbm>> -> memref<2x128xi32, #tpu.memory_space<hbm>>
        %dma_wait3A_80 = arith.constant 0 : i32
        %dma_wait3A_81 = arith.constant 0 : i32
        %dma_wait3A_82 = tpu.memref_slice %arg5[%dma_wait3A_71, %dma_wait3A_80, %dma_wait3A_81] : memref<2x2x128xi32, #tpu.memory_space<vmem>> -> memref<1x2x128xi32, #tpu.memory_space<vmem>>
        %dma_wait3A_83 = tpu.memref_squeeze %dma_wait3A_82 : memref<1x2x128xi32, #tpu.memory_space<vmem>> -> memref<2x128xi32, #tpu.memory_space<vmem>>
        %dma_wait3A_84 = arith.constant 0 : i32
        %dma_wait3A_85 = arith.constant 0 : i32
        %dma_wait3A_86 = tpu.memref_slice %arg3[%arg0, %dma_wait3A_84, %dma_wait3A_85] : memref<2x2500x128xi32, #tpu.memory_space<hbm>> -> memref<1x2x128xi32, #tpu.memory_space<hbm>>
        %dma_wait3A_87 = tpu.memref_squeeze %dma_wait3A_86 : memref<1x2x128xi32, #tpu.memory_space<hbm>> -> memref<2x128xi32, #tpu.memory_space<hbm>>
        tpu.wait_dma2 semaphore(%arg10 : memref<!tpu.dma_semaphore, #tpu.memory_space<semaphore_mem>>) src(%dma_wait3A_87 : memref<2x128xi32, #tpu.memory_space<hbm>>) dst(%dma_wait3A_83 : memref<2x128xi32, #tpu.memory_space<vmem>>)
        %add3A_88 = arith.constant 16 : i32
        %add3A_89 = arith.addi %add3A_52, %add3A_88 : i32
        %lt3A_90 = arith.constant 1250 : i32
        %lt3A_91 = arith.cmpi slt, %add3A_89, %lt3A_90 : i32
        %convert_element_type3A_92 = arith.extui %lt3A_91 : i1 to i32
        %cond3A_93 = arith.constant 0 : i32
        %cond3A_94 = arith.cmpi ne, %convert_element_type3A_92, %cond3A_93 : i32
        scf.if %cond3A_94 {
          %sub3A = arith.constant 750 : i32
          %sub3A_98 = arith.subi %add3A_89, %sub3A : i32
          %mul3A_99 = arith.constant 256 : i32
          %mul3A_100 = arith.muli %sub3A_98, %mul3A_99 : i32
          %dma_start3A = arith.constant 0 : i32
          %dma_start3A_101 = arith.constant 0 : i32
          %dma_start3A_102 = tpu.memref_slice %arg6[%scan3A_13, %dma_start3A, %dma_start3A_101] : memref<2x256x128xf32, #tpu.memory_space<vmem>> -> memref<1x256x128xf32, #tpu.memory_space<vmem>>
          %dma_start3A_103 = tpu.memref_squeeze %dma_start3A_102 : memref<1x256x128xf32, #tpu.memory_space<vmem>> -> memref<256x128xf32, #tpu.memory_space<vmem>>
          %dma_start3A_104 = arith.constant 0 : i32
          %dma_start3A_105 = tpu.memref_slice %arg2[%mul3A_100, %dma_start3A_104] : memref<128000x128xf32, #tpu.memory_space<hbm>> -> memref<256x128xf32, #tpu.memory_space<hbm>>
          %dma_start3A_106 = arith.constant 0 : i32
          %dma_start3A_107 = arith.constant 0 : i32
          %dma_start3A_108 = tpu.memref_slice %arg6[%scan3A_13, %dma_start3A_106, %dma_start3A_107] : memref<2x256x128xf32, #tpu.memory_space<vmem>> -> memref<1x256x128xf32, #tpu.memory_space<vmem>>
          %dma_start3A_109 = tpu.memref_squeeze %dma_start3A_108 : memref<1x256x128xf32, #tpu.memory_space<vmem>> -> memref<256x128xf32, #tpu.memory_space<vmem>>
          %dma_start3A_110 = arith.constant 0 : i32
          %dma_start3A_111 = tpu.memref_slice %arg2[%mul3A_100, %dma_start3A_110] : memref<128000x128xf32, #tpu.memory_space<hbm>> -> memref<256x128xf32, #tpu.memory_space<hbm>>
          tpu.enqueue_dma source(%dma_start3A_111 : memref<256x128xf32, #tpu.memory_space<hbm>>) target(%dma_start3A_109 : memref<256x128xf32, #tpu.memory_space<vmem>>) target_semaphore(%arg9 : memref<!tpu.dma_semaphore, #tpu.memory_space<semaphore_mem>>)
          %mul3A_112 = arith.constant 2 : i32
          %mul3A_113 = arith.muli %add3A_89, %mul3A_112 : i32
          %dma_start3A_114 = arith.constant 0 : i32
          %dma_start3A_115 = arith.constant 0 : i32
          %dma_start3A_116 = arith.constant 0 : i32
          %dma_start3A_117 = tpu.memref_slice %arg5[%dma_start3A_114, %dma_start3A_115, %dma_start3A_116] : memref<2x2x128xi32, #tpu.memory_space<vmem>> -> memref<1x2x128xi32, #tpu.memory_space<vmem>>
          %dma_start3A_118 = tpu.memref_squeeze %dma_start3A_117 : memref<1x2x128xi32, #tpu.memory_space<vmem>> -> memref<2x128xi32, #tpu.memory_space<vmem>>
          %dma_start3A_119 = arith.constant 0 : i32
          %dma_start3A_120 = tpu.memref_slice %arg3[%arg0, %mul3A_113, %dma_start3A_119] : memref<2x2500x128xi32, #tpu.memory_space<hbm>> -> memref<1x2x128xi32, #tpu.memory_space<hbm>>
          %dma_start3A_121 = tpu.memref_squeeze %dma_start3A_120 : memref<1x2x128xi32, #tpu.memory_space<hbm>> -> memref<2x128xi32, #tpu.memory_space<hbm>>
          %dma_start3A_122 = arith.constant 0 : i32
          %dma_start3A_123 = arith.constant 0 : i32
          %dma_start3A_124 = tpu.memref_slice %arg5[%dma_start3A_114, %dma_start3A_122, %dma_start3A_123] : memref<2x2x128xi32, #tpu.memory_space<vmem>> -> memref<1x2x128xi32, #tpu.memory_space<vmem>>
          %dma_start3A_125 = tpu.memref_squeeze %dma_start3A_124 : memref<1x2x128xi32, #tpu.memory_space<vmem>> -> memref<2x128xi32, #tpu.memory_space<vmem>>
          %dma_start3A_126 = arith.constant 0 : i32
          %dma_start3A_127 = tpu.memref_slice %arg3[%arg0, %mul3A_113, %dma_start3A_126] : memref<2x2500x128xi32, #tpu.memory_space<hbm>> -> memref<1x2x128xi32, #tpu.memory_space<hbm>>
          %dma_start3A_128 = tpu.memref_squeeze %dma_start3A_127 : memref<1x2x128xi32, #tpu.memory_space<hbm>> -> memref<2x128xi32, #tpu.memory_space<hbm>>
          tpu.enqueue_dma source(%dma_start3A_128 : memref<2x128xi32, #tpu.memory_space<hbm>>) target(%dma_start3A_125 : memref<2x128xi32, #tpu.memory_space<vmem>>) target_semaphore(%arg9 : memref<!tpu.dma_semaphore, #tpu.memory_space<semaphore_mem>>)
        } else {
        }
        %run_scoped3A = arith.constant 1 : i32
        %run_scoped3A_95 = arith.constant 0 : i32
        "tpu.region"() ({
          %run_scoped3A_98 = tpu.sem_alloc : memref<!tpu.dma_semaphore, #tpu.memory_space<semaphore_mem>>
          %dma_start3A = arith.constant 0 : i32
          %dma_start3A_99 = arith.constant 0 : i32
          %dma_start3A_100 = tpu.memref_slice %arg6[%scan3A_14, %dma_start3A, %dma_start3A_99] : memref<2x256x128xf32, #tpu.memory_space<vmem>> -> memref<1x256x128xf32, #tpu.memory_space<vmem>>
          %dma_start3A_101 = tpu.memref_squeeze %dma_start3A_100 : memref<1x256x128xf32, #tpu.memory_space<vmem>> -> memref<256x128xf32, #tpu.memory_space<vmem>>
          %dma_start3A_102 = arith.constant 0 : i32
          %dma_start3A_103 = arith.constant 0 : i32
          %dma_start3A_104 = tpu.memref_slice %dma_start3A_101[%dma_start3A_102, %dma_start3A_103] : memref<256x128xf32, #tpu.memory_space<vmem>> -> memref<128x128xf32, #tpu.memory_space<vmem>>
          %dma_start3A_105 = arith.constant 0 : i32
          %dma_start3A_106 = tpu.memref_slice %arg5[%run_scoped3A, %run_scoped3A_95, %dma_start3A_105] : memref<2x2x128xi32, #tpu.memory_space<vmem>> -> memref<1x1x128xi32, #tpu.memory_space<vmem>>
          %dma_start3A_107 = tpu.memref_squeeze %dma_start3A_106 : memref<1x1x128xi32, #tpu.memory_space<vmem>> -> memref<128xi32, #tpu.memory_space<vmem>>
          %dma_start3A_108 = arith.constant 0 : i32
          %dma_start3A_109 = arith.constant 0 : i32
          %dma_start3A_110 = tpu.memref_slice %arg8[%dma_start3A_108, %dma_start3A_109] : memref<5632x128xf32, #tpu.memory_space<vmem_shared>> -> memref<5632x128xf32, #tpu.memory_space<vmem_shared>>
          tpu.enqueue_indirect_dma source(%dma_start3A_104 : memref<128x128xf32, #tpu.memory_space<vmem>>) target(%dma_start3A_110 : memref<5632x128xf32, #tpu.memory_space<vmem_shared>>) offsets(%dma_start3A_107 : memref<128xi32, #tpu.memory_space<vmem>>) semaphore(%run_scoped3A_98 : memref<!tpu.dma_semaphore, #tpu.memory_space<semaphore_mem>>) {add = true}
          %dma_wait3A_111 = arith.constant 0 : i32
          %dma_wait3A_112 = arith.constant 0 : i32
          %dma_wait3A_113 = tpu.memref_slice %arg6[%scan3A_14, %dma_wait3A_111, %dma_wait3A_112] : memref<2x256x128xf32, #tpu.memory_space<vmem>> -> memref<1x256x128xf32, #tpu.memory_space<vmem>>
          %dma_wait3A_114 = tpu.memref_squeeze %dma_wait3A_113 : memref<1x256x128xf32, #tpu.memory_space<vmem>> -> memref<256x128xf32, #tpu.memory_space<vmem>>
          %dma_wait3A_115 = arith.constant 0 : i32
          %dma_wait3A_116 = arith.constant 0 : i32
          %dma_wait3A_117 = tpu.memref_slice %dma_wait3A_114[%dma_wait3A_115, %dma_wait3A_116] : memref<256x128xf32, #tpu.memory_space<vmem>> -> memref<128x128xf32, #tpu.memory_space<vmem>>
          %dma_wait3A_118 = arith.constant 0 : i32
          %dma_wait3A_119 = tpu.memref_slice %arg5[%run_scoped3A, %run_scoped3A_95, %dma_wait3A_118] : memref<2x2x128xi32, #tpu.memory_space<vmem>> -> memref<1x1x128xi32, #tpu.memory_space<vmem>>
          %dma_wait3A_120 = tpu.memref_squeeze %dma_wait3A_119 : memref<1x1x128xi32, #tpu.memory_space<vmem>> -> memref<128xi32, #tpu.memory_space<vmem>>
          %dma_wait3A_121 = arith.constant 0 : i32
          %dma_wait3A_122 = arith.constant 0 : i32
          %dma_wait3A_123 = tpu.memref_slice %arg8[%dma_wait3A_121, %dma_wait3A_122] : memref<5632x128xf32, #tpu.memory_space<vmem_shared>> -> memref<5632x128xf32, #tpu.memory_space<vmem_shared>>
          tpu.wait_indirect_dma semaphore(%run_scoped3A_98 : memref<!tpu.dma_semaphore, #tpu.memory_space<semaphore_mem>>) src(%dma_wait3A_117 : memref<128x128xf32, #tpu.memory_space<vmem>>) dst(%dma_wait3A_123 : memref<5632x128xf32, #tpu.memory_space<vmem_shared>>)
          tpu.yield
        }) : () -> ()
        %run_scoped3A_96 = arith.constant 1 : i32
        %run_scoped3A_97 = arith.constant 1 : i32
        "tpu.region"() ({
          %run_scoped3A_98 = tpu.sem_alloc : memref<!tpu.dma_semaphore, #tpu.memory_space<semaphore_mem>>
          %dma_start3A = arith.constant 0 : i32
          %dma_start3A_99 = arith.constant 0 : i32
          %dma_start3A_100 = tpu.memref_slice %arg6[%scan3A_14, %dma_start3A, %dma_start3A_99] : memref<2x256x128xf32, #tpu.memory_space<vmem>> -> memref<1x256x128xf32, #tpu.memory_space<vmem>>
          %dma_start3A_101 = tpu.memref_squeeze %dma_start3A_100 : memref<1x256x128xf32, #tpu.memory_space<vmem>> -> memref<256x128xf32, #tpu.memory_space<vmem>>
          %dma_start3A_102 = arith.constant 128 : i32
          %dma_start3A_103 = arith.constant 0 : i32
          %dma_start3A_104 = tpu.memref_slice %dma_start3A_101[%dma_start3A_102, %dma_start3A_103] : memref<256x128xf32, #tpu.memory_space<vmem>> -> memref<128x128xf32, #tpu.memory_space<vmem>>
          %dma_start3A_105 = arith.constant 0 : i32
          %dma_start3A_106 = tpu.memref_slice %arg5[%run_scoped3A_96, %run_scoped3A_97, %dma_start3A_105] : memref<2x2x128xi32, #tpu.memory_space<vmem>> -> memref<1x1x128xi32, #tpu.memory_space<vmem>>
          %dma_start3A_107 = tpu.memref_squeeze %dma_start3A_106 : memref<1x1x128xi32, #tpu.memory_space<vmem>> -> memref<128xi32, #tpu.memory_space<vmem>>
          %dma_start3A_108 = arith.constant 0 : i32
          %dma_start3A_109 = arith.constant 0 : i32
          %dma_start3A_110 = tpu.memref_slice %arg8[%dma_start3A_108, %dma_start3A_109] : memref<5632x128xf32, #tpu.memory_space<vmem_shared>> -> memref<5632x128xf32, #tpu.memory_space<vmem_shared>>
          tpu.enqueue_indirect_dma source(%dma_start3A_104 : memref<128x128xf32, #tpu.memory_space<vmem>>) target(%dma_start3A_110 : memref<5632x128xf32, #tpu.memory_space<vmem_shared>>) offsets(%dma_start3A_107 : memref<128xi32, #tpu.memory_space<vmem>>) semaphore(%run_scoped3A_98 : memref<!tpu.dma_semaphore, #tpu.memory_space<semaphore_mem>>) {add = true}
          %dma_wait3A_111 = arith.constant 0 : i32
          %dma_wait3A_112 = arith.constant 0 : i32
          %dma_wait3A_113 = tpu.memref_slice %arg6[%scan3A_14, %dma_wait3A_111, %dma_wait3A_112] : memref<2x256x128xf32, #tpu.memory_space<vmem>> -> memref<1x256x128xf32, #tpu.memory_space<vmem>>
          %dma_wait3A_114 = tpu.memref_squeeze %dma_wait3A_113 : memref<1x256x128xf32, #tpu.memory_space<vmem>> -> memref<256x128xf32, #tpu.memory_space<vmem>>
          %dma_wait3A_115 = arith.constant 128 : i32
          %dma_wait3A_116 = arith.constant 0 : i32
          %dma_wait3A_117 = tpu.memref_slice %dma_wait3A_114[%dma_wait3A_115, %dma_wait3A_116] : memref<256x128xf32, #tpu.memory_space<vmem>> -> memref<128x128xf32, #tpu.memory_space<vmem>>
          %dma_wait3A_118 = arith.constant 0 : i32
          %dma_wait3A_119 = tpu.memref_slice %arg5[%run_scoped3A_96, %run_scoped3A_97, %dma_wait3A_118] : memref<2x2x128xi32, #tpu.memory_space<vmem>> -> memref<1x1x128xi32, #tpu.memory_space<vmem>>
          %dma_wait3A_120 = tpu.memref_squeeze %dma_wait3A_119 : memref<1x1x128xi32, #tpu.memory_space<vmem>> -> memref<128xi32, #tpu.memory_space<vmem>>
          %dma_wait3A_121 = arith.constant 0 : i32
          %dma_wait3A_122 = arith.constant 0 : i32
          %dma_wait3A_123 = tpu.memref_slice %arg8[%dma_wait3A_121, %dma_wait3A_122] : memref<5632x128xf32, #tpu.memory_space<vmem_shared>> -> memref<5632x128xf32, #tpu.memory_space<vmem_shared>>
          tpu.wait_indirect_dma semaphore(%run_scoped3A_98 : memref<!tpu.dma_semaphore, #tpu.memory_space<semaphore_mem>>) src(%dma_wait3A_117 : memref<128x128xf32, #tpu.memory_space<vmem>>) dst(%dma_wait3A_123 : memref<5632x128xf32, #tpu.memory_space<vmem_shared>>)
          tpu.yield
        }) : () -> ()
      } else {
      }
    }
    %scan3A_19 = arith.constant 16 : i32
    %barrier3A_20 = arith.constant 0 : index
    tpu.barrier barrier_id(%barrier3A_20)
    %scan3A_21 = arith.constant 0 : i32
    %scan3A_22 = arith.constant 11 : i32
    %scan3A_23 = arith.addi %scan3A_21, %scan3A_22 : i32
    %scan3A_24 = arith.constant 1 : i32
    scf.for %scan3A_26 = %scan3A_21 to %scan3A_23 step %scan3A_24  : i32 {
      %mul3A = arith.constant 1 : i32
      %mul3A_27 = arith.muli %scan3A_26, %mul3A : i32
      %add3A_28 = arith.constant 0 : i32
      %add3A_29 = arith.addi %add3A_28, %mul3A_27 : i32
      %mul3A_30 = arith.constant 352 : i32
      %mul3A_31 = arith.muli %arg1, %mul3A_30 : i32
      %mul3A_32 = arith.constant 32 : i32
      %mul3A_33 = arith.muli %add3A_29, %mul3A_32 : i32
      %add3A_34 = arith.addi %mul3A_31, %mul3A_33 : i32
      "tpu.region"() ({
        %run_scoped3A = tpu.sem_alloc : memref<!tpu.dma_semaphore, #tpu.memory_space<semaphore_mem>>
        %dma_start3A = arith.constant 0 : i32
        %dma_start3A_35 = tpu.memref_slice %arg4[%arg0, %add3A_34, %dma_start3A] : memref<2x5632x128xf32, #tpu.memory_space<hbm>> -> memref<1x32x128xf32, #tpu.memory_space<hbm>>
        %dma_start3A_36 = tpu.memref_squeeze %dma_start3A_35 : memref<1x32x128xf32, #tpu.memory_space<hbm>> -> memref<32x128xf32, #tpu.memory_space<hbm>>
        %dma_start3A_37 = arith.constant 0 : i32
        %dma_start3A_38 = tpu.memref_slice %arg8[%add3A_34, %dma_start3A_37] : memref<5632x128xf32, #tpu.memory_space<vmem_shared>> -> memref<32x128xf32, #tpu.memory_space<vmem_shared>>
        tpu.enqueue_dma source(%dma_start3A_38 : memref<32x128xf32, #tpu.memory_space<vmem_shared>>) target(%dma_start3A_36 : memref<32x128xf32, #tpu.memory_space<hbm>>) target_semaphore(%run_scoped3A : memref<!tpu.dma_semaphore, #tpu.memory_space<semaphore_mem>>)
        %dma_wait3A = arith.constant 0 : i32
        %dma_wait3A_39 = tpu.memref_slice %arg4[%arg0, %add3A_34, %dma_wait3A] : memref<2x5632x128xf32, #tpu.memory_space<hbm>> -> memref<1x32x128xf32, #tpu.memory_space<hbm>>
        %dma_wait3A_40 = tpu.memref_squeeze %dma_wait3A_39 : memref<1x32x128xf32, #tpu.memory_space<hbm>> -> memref<32x128xf32, #tpu.memory_space<hbm>>
        %dma_wait3A_41 = arith.constant 0 : i32
        %dma_wait3A_42 = tpu.memref_slice %arg8[%add3A_34, %dma_wait3A_41] : memref<5632x128xf32, #tpu.memory_space<vmem_shared>> -> memref<32x128xf32, #tpu.memory_space<vmem_shared>>
        tpu.wait_dma2 semaphore(%run_scoped3A : memref<!tpu.dma_semaphore, #tpu.memory_space<semaphore_mem>>) src(%dma_wait3A_42 : memref<32x128xf32, #tpu.memory_space<vmem_shared>>) dst(%dma_wait3A_40 : memref<32x128xf32, #tpu.memory_space<hbm>>)
        tpu.yield
      }) : () -> ()
    }
    %scan3A_25 = arith.constant 11 : i32
    return
  }
}

module attributes {stable_mosaic.version = 14 : i64} {
  func.func @body(%arg0: memref<625x512xi32, #tpu.memory_space<vmem>>, %arg1: memref<2x625x512xi32, #tpu.memory_space<vmem>>) attributes {dimension_semantics = [], scalar_prefetch = 0 : i64, scratch_operands = 0 : i64, tpu.core_type = #tpu.core_type<tc>} {
    %get3A = arith.constant 0 : index
    %get3A_0 = arith.constant 0 : index
    %get3A_1 = vector.load %arg0[%get3A, %get3A_0] : memref<625x512xi32, #tpu.memory_space<vmem>>, vector<625x512xi32>
    %sub3A = arith.constant 0 : i32
    %sub3A_2 = vector.broadcast %sub3A : i32 to vector<625x512xi32>
    %sub3A_3 = arith.subi %get3A_1, %sub3A_2 : vector<625x512xi32>
    %ge3A = arith.constant 0 : i32
    %ge3A_4 = vector.broadcast %ge3A : i32 to vector<625x512xi32>
    %ge3A_5 = arith.cmpi sge, %sub3A_3, %ge3A_4 : vector<625x512xi32>
    %lt3A = arith.constant 5120 : i32
    %lt3A_6 = vector.broadcast %lt3A : i32 to vector<625x512xi32>
    %lt3A_7 = arith.cmpi slt, %sub3A_3, %lt3A_6 : vector<625x512xi32>
    %and3A = arith.andi %ge3A_5, %lt3A_7 : vector<625x512xi1>
    %and3A_8 = arith.constant 511 : i32
    %and3A_9 = vector.broadcast %and3A_8 : i32 to vector<625x512xi32>
    %and3A_10 = arith.andi %get3A_1, %and3A_9 : vector<625x512xi32>
    %add3A = arith.constant 5120 : i32
    %add3A_11 = vector.broadcast %add3A : i32 to vector<625x512xi32>
    %add3A_12 = arith.addi %add3A_11, %and3A_10 : vector<625x512xi32>
    %select_n3A = arith.select %and3A, %sub3A_3, %add3A_12 : vector<625x512xi1>, vector<625x512xi32>
    %swap3A = arith.constant 0 : index
    %swap3A_13 = arith.constant 0 : index
    %swap3A_14 = arith.constant 0 : index
    %swap3A_15 = vector.load %arg1[%swap3A, %swap3A_13, %swap3A_14] : memref<2x625x512xi32, #tpu.memory_space<vmem>>, vector<1x625x512xi32>
    %swap3A_16 = vector.shape_cast %swap3A_15 : vector<1x625x512xi32> to vector<625x512xi32>
    %swap3A_17 = vector.shape_cast %select_n3A : vector<625x512xi32> to vector<1x625x512xi32>
    tpu.vector_store %arg1[%swap3A, %swap3A_13, %swap3A_14], %swap3A_17 {strides = array<i32>} : memref<2x625x512xi32, #tpu.memory_space<vmem>>, vector<1x625x512xi32>,
    %sub3A_18 = arith.constant 5120 : i32
    %sub3A_19 = vector.broadcast %sub3A_18 : i32 to vector<625x512xi32>
    %sub3A_20 = arith.subi %get3A_1, %sub3A_19 : vector<625x512xi32>
    %ge3A_21 = arith.constant 0 : i32
    %ge3A_22 = vector.broadcast %ge3A_21 : i32 to vector<625x512xi32>
    %ge3A_23 = arith.cmpi sge, %sub3A_20, %ge3A_22 : vector<625x512xi32>
    %lt3A_24 = arith.constant 5120 : i32
    %lt3A_25 = vector.broadcast %lt3A_24 : i32 to vector<625x512xi32>
    %lt3A_26 = arith.cmpi slt, %sub3A_20, %lt3A_25 : vector<625x512xi32>
    %and3A_27 = arith.andi %ge3A_23, %lt3A_26 : vector<625x512xi1>
    %and3A_28 = arith.constant 511 : i32
    %and3A_29 = vector.broadcast %and3A_28 : i32 to vector<625x512xi32>
    %and3A_30 = arith.andi %get3A_1, %and3A_29 : vector<625x512xi32>
    %add3A_31 = arith.constant 5120 : i32
    %add3A_32 = vector.broadcast %add3A_31 : i32 to vector<625x512xi32>
    %add3A_33 = arith.addi %add3A_32, %and3A_30 : vector<625x512xi32>
    %select_n3A_34 = arith.select %and3A_27, %sub3A_20, %add3A_33 : vector<625x512xi1>, vector<625x512xi32>
    %swap3A_35 = arith.constant 1 : index
    %swap3A_36 = arith.constant 0 : index
    %swap3A_37 = arith.constant 0 : index
    %swap3A_38 = vector.load %arg1[%swap3A_35, %swap3A_36, %swap3A_37] : memref<2x625x512xi32, #tpu.memory_space<vmem>>, vector<1x625x512xi32>
    %swap3A_39 = vector.shape_cast %swap3A_38 : vector<1x625x512xi32> to vector<625x512xi32>
    %swap3A_40 = vector.shape_cast %select_n3A_34 : vector<625x512xi32> to vector<1x625x512xi32>
    tpu.vector_store %arg1[%swap3A_35, %swap3A_36, %swap3A_37], %swap3A_40 {strides = array<i32>} : memref<2x625x512xi32, #tpu.memory_space<vmem>>, vector<1x625x512xi32>,
    return
  }
}

module attributes {stable_mosaic.version = 14 : i64} {
  func.func @body(%arg0: i32, %arg1: memref<4000x256xf32, #tpu.memory_space<vmem>>, %arg2: memref<4000x16xf32, #tpu.memory_space<vmem>>, %arg3: memref<256x256xbf16, #tpu.memory_space<vmem>>, %arg4: memref<16x256xbf16, #tpu.memory_space<vmem>>, %arg5: memref<1x256xf32, #tpu.memory_space<vmem>>, %arg6: memref<256x256xbf16, #tpu.memory_space<vmem>>, %arg7: memref<16x256xbf16, #tpu.memory_space<vmem>>, %arg8: memref<1x256xf32, #tpu.memory_space<vmem>>, %arg9: memref<1x128xf32, #tpu.memory_space<vmem>>, %arg10: memref<1x128xf32, #tpu.memory_space<vmem>>, %arg11: memref<4000x128xf32, #tpu.memory_space<vmem>>, %arg12: memref<4000x128xf32, #tpu.memory_space<vmem>>) attributes {dimension_semantics = [#tpu.dimension_semantics<arbitrary>], iteration_bounds = array<i64: 48>, scalar_prefetch = 0 : i64, scratch_operands = 0 : i64, tpu.core_type = #tpu.core_type<tc>, window_params = [{transform_indices = @transform_0, window_bounds = array<i64: 4000, 256>}, {transform_indices = @transform_1, window_bounds = array<i64: 4000, 16>}, {pipeline_mode = #tpu.pipeline_mode<synchronous>, transform_indices = @transform_2, window_bounds = array<i64: 256, 256>}, {pipeline_mode = #tpu.pipeline_mode<synchronous>, transform_indices = @transform_3, window_bounds = array<i64: 16, 256>}, {pipeline_mode = #tpu.pipeline_mode<synchronous>, transform_indices = @transform_4, window_bounds = array<i64: 1, 256>}, {pipeline_mode = #tpu.pipeline_mode<synchronous>, transform_indices = @transform_5, window_bounds = array<i64: 256, 256>}, {pipeline_mode = #tpu.pipeline_mode<synchronous>, transform_indices = @transform_6, window_bounds = array<i64: 16, 256>}, {pipeline_mode = #tpu.pipeline_mode<synchronous>, transform_indices = @transform_7, window_bounds = array<i64: 1, 256>}, {pipeline_mode = #tpu.pipeline_mode<synchronous>, transform_indices = @transform_8, window_bounds = array<i64: 1, 128>}, {pipeline_mode = #tpu.pipeline_mode<synchronous>, transform_indices = @transform_9, window_bounds = array<i64: 1, 128>}, {transform_indices = @transform_10, window_bounds = array<i64: 4000, 128>}, {transform_indices = @transform_11, window_bounds = array<i64: 4000, 128>}]} {
    %get3A = arith.constant 0 : index
    %get3A_0 = arith.constant 0 : index
    %get3A_1 = vector.load %arg1[%get3A, %get3A_0] : memref<4000x256xf32, #tpu.memory_space<vmem>>, vector<4000x256xf32>
    %convert_element_type3A = arith.truncf %get3A_1 : vector<4000x256xf32> to vector<4000x256xbf16>
    %get3A_2 = arith.constant 0 : index
    %get3A_3 = arith.constant 0 : index
    %get3A_4 = vector.load %arg2[%get3A_2, %get3A_3] : memref<4000x16xf32, #tpu.memory_space<vmem>>, vector<4000x16xf32>
    %convert_element_type3A_5 = arith.truncf %get3A_4 : vector<4000x16xf32> to vector<4000x16xbf16>
    %get3A_6 = arith.constant 0 : index
    %get3A_7 = arith.constant 0 : index
    %get3A_8 = vector.load %arg3[%get3A_6, %get3A_7] : memref<256x256xbf16, #tpu.memory_space<vmem>>, vector<256x256xbf16>
    %dot_general3A = arith.constant dense<0.000000e+00> : vector<4000x256xf32>
    %dot_general3A_9 = tpu.matmul %convert_element_type3A, %get3A_8, %dot_general3A {dimension_numbers = #tpu.dot_dimension_numbers<[1], [0], [0], [1], [0, 0, 1, 1], [], []>, transpose_lhs_hint = false} : vector<4000x256xbf16>, vector<256x256xbf16>, vector<4000x256xf32> -> vector<4000x256xf32>
    %get3A_10 = arith.constant 0 : index
    %get3A_11 = arith.constant 0 : index
    %get3A_12 = vector.load %arg4[%get3A_10, %get3A_11] : memref<16x256xbf16, #tpu.memory_space<vmem>>, vector<16x256xbf16>
    %dot_general3A_13 = arith.constant dense<0.000000e+00> : vector<4000x256xf32>
    %dot_general3A_14 = tpu.matmul %convert_element_type3A_5, %get3A_12, %dot_general3A_13 {dimension_numbers = #tpu.dot_dimension_numbers<[1], [0], [0], [1], [0, 0, 1, 1], [], []>, transpose_lhs_hint = false} : vector<4000x16xbf16>, vector<16x256xbf16>, vector<4000x256xf32> -> vector<4000x256xf32>
    %add3A = arith.addf %dot_general3A_9, %dot_general3A_14 : vector<4000x256xf32>
    %get3A_15 = arith.constant 0 : index
    %get3A_16 = arith.constant 0 : index
    %get3A_17 = vector.load %arg5[%get3A_15, %get3A_16] : memref<1x256xf32, #tpu.memory_space<vmem>>, vector<1x256xf32>
    %add3A_18 = vector.broadcast %get3A_17 : vector<1x256xf32> to vector<4000x256xf32>
    %add3A_19 = arith.addf %add3A, %add3A_18 : vector<4000x256xf32>
    %max3A = arith.constant 0.000000e+00 : f32
    %max3A_20 = vector.broadcast %max3A : f32 to vector<4000x256xf32>
    %max3A_21 = arith.maximumf %add3A_19, %max3A_20 : vector<4000x256xf32>
    %convert_element_type3A_22 = arith.truncf %max3A_21 : vector<4000x256xf32> to vector<4000x256xbf16>
    %get3A_23 = arith.constant 0 : index
    %get3A_24 = arith.constant 0 : index
    %get3A_25 = vector.load %arg6[%get3A_23, %get3A_24] : memref<256x256xbf16, #tpu.memory_space<vmem>>, vector<256x256xbf16>
    %dot_general3A_26 = arith.constant dense<0.000000e+00> : vector<4000x256xf32>
    %dot_general3A_27 = tpu.matmul %convert_element_type3A_22, %get3A_25, %dot_general3A_26 {dimension_numbers = #tpu.dot_dimension_numbers<[1], [0], [0], [1], [0, 0, 1, 1], [], []>, transpose_lhs_hint = false} : vector<4000x256xbf16>, vector<256x256xbf16>, vector<4000x256xf32> -> vector<4000x256xf32>
    %get3A_28 = arith.constant 0 : index
    %get3A_29 = arith.constant 0 : index
    %get3A_30 = vector.load %arg7[%get3A_28, %get3A_29] : memref<16x256xbf16, #tpu.memory_space<vmem>>, vector<16x256xbf16>
    %dot_general3A_31 = arith.constant dense<0.000000e+00> : vector<4000x256xf32>
    %dot_general3A_32 = tpu.matmul %convert_element_type3A_5, %get3A_30, %dot_general3A_31 {dimension_numbers = #tpu.dot_dimension_numbers<[1], [0], [0], [1], [0, 0, 1, 1], [], []>, transpose_lhs_hint = false} : vector<4000x16xbf16>, vector<16x256xbf16>, vector<4000x256xf32> -> vector<4000x256xf32>
    %add3A_33 = arith.addf %dot_general3A_27, %dot_general3A_32 : vector<4000x256xf32>
    %get3A_34 = arith.constant 0 : index
    %get3A_35 = arith.constant 0 : index
    %get3A_36 = vector.load %arg8[%get3A_34, %get3A_35] : memref<1x256xf32, #tpu.memory_space<vmem>>, vector<1x256xf32>
    %add3A_37 = vector.broadcast %get3A_36 : vector<1x256xf32> to vector<4000x256xf32>
    %add3A_38 = arith.addf %add3A_33, %add3A_37 : vector<4000x256xf32>
    %slice3A = vector.extract_strided_slice %add3A_38 {offsets = [0, 0], sizes = [4000, 128], strides = [1, 1]} : vector<4000x256xf32> to vector<4000x128xf32>
    %swap3A = arith.constant 0 : index
    %swap3A_39 = arith.constant 0 : index
    %swap3A_40 = vector.load %arg11[%swap3A, %swap3A_39] : memref<4000x128xf32, #tpu.memory_space<vmem>>, vector<4000x128xf32>
    tpu.vector_store %arg11[%swap3A, %swap3A_39], %slice3A {strides = array<i32>} : memref<4000x128xf32, #tpu.memory_space<vmem>>, vector<4000x128xf32>,
    %slice3A_41 = vector.extract_strided_slice %add3A_38 {offsets = [0, 128], sizes = [4000, 128], strides = [1, 1]} : vector<4000x256xf32> to vector<4000x128xf32>
    %reduce_sum3A = arith.constant dense<0.000000e+00> : vector<4000xf32>
    %reduce_sum3A_42 = vector.multi_reduction <add>, %slice3A_41, %reduce_sum3A [1] : vector<4000x128xf32> to vector<4000xf32>
    %broadcast_in_dim3A = vector.shape_cast %reduce_sum3A_42 : vector<4000xf32> to vector<4000x1xf32>
    %div3A = arith.constant 1.280000e+02 : f32
    %div3A_43 = vector.broadcast %div3A : f32 to vector<4000x1xf32>
    %div3A_44 = arith.divf %broadcast_in_dim3A, %div3A_43 : vector<4000x1xf32>
    %sub3A = vector.broadcast %div3A_44 : vector<4000x1xf32> to vector<4000x128xf32>
    %sub3A_45 = arith.subf %slice3A_41, %sub3A : vector<4000x128xf32>
    %integer_pow3A = arith.mulf %sub3A_45, %sub3A_45 : vector<4000x128xf32>
    %reduce_sum3A_46 = arith.constant dense<0.000000e+00> : vector<4000xf32>
    %reduce_sum3A_47 = vector.multi_reduction <add>, %integer_pow3A, %reduce_sum3A_46 [1] : vector<4000x128xf32> to vector<4000xf32>
    %broadcast_in_dim3A_48 = vector.shape_cast %reduce_sum3A_47 : vector<4000xf32> to vector<4000x1xf32>
    %div3A_49 = arith.constant 1.280000e+02 : f32
    %div3A_50 = vector.broadcast %div3A_49 : f32 to vector<4000x1xf32>
    %div3A_51 = arith.divf %broadcast_in_dim3A_48, %div3A_50 : vector<4000x1xf32>
    %sub3A_52 = vector.broadcast %div3A_44 : vector<4000x1xf32> to vector<4000x128xf32>
    %sub3A_53 = arith.subf %slice3A_41, %sub3A_52 : vector<4000x128xf32>
    %add3A_54 = arith.constant 9.99999997E-7 : f32
    %add3A_55 = vector.broadcast %add3A_54 : f32 to vector<4000x1xf32>
    %add3A_56 = arith.addf %div3A_51, %add3A_55 : vector<4000x1xf32>
    %rsqrt3A = math.rsqrt %add3A_56 : vector<4000x1xf32>
    %mul3A = vector.broadcast %rsqrt3A : vector<4000x1xf32> to vector<4000x128xf32>
    %mul3A_57 = arith.mulf %sub3A_53, %mul3A : vector<4000x128xf32>
    %get3A_58 = arith.constant 0 : index
    %get3A_59 = arith.constant 0 : index
    %get3A_60 = vector.load %arg9[%get3A_58, %get3A_59] : memref<1x128xf32, #tpu.memory_space<vmem>>, vector<1x128xf32>
    %mul3A_61 = vector.broadcast %get3A_60 : vector<1x128xf32> to vector<4000x128xf32>
    %mul3A_62 = arith.mulf %mul3A_57, %mul3A_61 : vector<4000x128xf32>
    %get3A_63 = arith.constant 0 : index
    %get3A_64 = arith.constant 0 : index
    %get3A_65 = vector.load %arg10[%get3A_63, %get3A_64] : memref<1x128xf32, #tpu.memory_space<vmem>>, vector<1x128xf32>
    %add3A_66 = vector.broadcast %get3A_65 : vector<1x128xf32> to vector<4000x128xf32>
    %add3A_67 = arith.addf %mul3A_62, %add3A_66 : vector<4000x128xf32>
    %swap3A_68 = arith.constant 0 : index
    %swap3A_69 = arith.constant 0 : index
    %swap3A_70 = vector.load %arg12[%swap3A_68, %swap3A_69] : memref<4000x128xf32, #tpu.memory_space<vmem>>, vector<4000x128xf32>
    tpu.vector_store %arg12[%swap3A_68, %swap3A_69], %add3A_67 {strides = array<i32>} : memref<4000x128xf32, #tpu.memory_space<vmem>>, vector<4000x128xf32>,
    return
  }
  func.func @transform_0(%arg0: i32) -> (i32, i32) {
    %c0_i32 = arith.constant 0 : i32
    %c0_i32_0 = arith.constant 0 : i32
    return %arg0, %c0_i32 : i32, i32
  }
  func.func @transform_1(%arg0: i32) -> (i32, i32) {
    %add3A = arith.constant 0 : i32
    %add3A_0 = arith.addi %arg0, %add3A : i32
    %c0_i32 = arith.constant 0 : i32
    %c0_i32_1 = arith.constant 0 : i32
    return %add3A_0, %c0_i32 : i32, i32
  }
  func.func @transform_2(%arg0: i32) -> (i32, i32) {
    %c0_i32 = arith.constant 0 : i32
    %c0_i32_0 = arith.constant 0 : i32
    %c0_i32_1 = arith.constant 0 : i32
    return %c0_i32, %c0_i32_0 : i32, i32
  }
  func.func @transform_3(%arg0: i32) -> (i32, i32) {
    %c0_i32 = arith.constant 0 : i32
    %c0_i32_0 = arith.constant 0 : i32
    %c0_i32_1 = arith.constant 0 : i32
    return %c0_i32, %c0_i32_0 : i32, i32
  }
  func.func @transform_4(%arg0: i32) -> (i32, i32) {
    %c0_i32 = arith.constant 0 : i32
    %c0_i32_0 = arith.constant 0 : i32
    %c0_i32_1 = arith.constant 0 : i32
    return %c0_i32, %c0_i32_0 : i32, i32
  }
  func.func @transform_5(%arg0: i32) -> (i32, i32) {
    %c0_i32 = arith.constant 0 : i32
    %c0_i32_0 = arith.constant 0 : i32
    %c0_i32_1 = arith.constant 0 : i32
    return %c0_i32, %c0_i32_0 : i32, i32
  }
  func.func @transform_6(%arg0: i32) -> (i32, i32) {
    %c0_i32 = arith.constant 0 : i32
    %c0_i32_0 = arith.constant 0 : i32
    %c0_i32_1 = arith.constant 0 : i32
    return %c0_i32, %c0_i32_0 : i32, i32
  }
  func.func @transform_7(%arg0: i32) -> (i32, i32) {
    %c0_i32 = arith.constant 0 : i32
    %c0_i32_0 = arith.constant 0 : i32
    %c0_i32_1 = arith.constant 0 : i32
    return %c0_i32, %c0_i32_0 : i32, i32
  }
  func.func @transform_8(%arg0: i32) -> (i32, i32) {
    %c0_i32 = arith.constant 0 : i32
    %c0_i32_0 = arith.constant 0 : i32
    %c0_i32_1 = arith.constant 0 : i32
    return %c0_i32, %c0_i32_0 : i32, i32
  }
  func.func @transform_9(%arg0: i32) -> (i32, i32) {
    %c0_i32 = arith.constant 0 : i32
    %c0_i32_0 = arith.constant 0 : i32
    %c0_i32_1 = arith.constant 0 : i32
    return %c0_i32, %c0_i32_0 : i32, i32
  }
  func.func @transform_10(%arg0: i32) -> (i32, i32) {
    %c0_i32 = arith.constant 0 : i32
    %c0_i32_0 = arith.constant 0 : i32
    return %arg0, %c0_i32 : i32, i32
  }
  func.func @transform_11(%arg0: i32) -> (i32, i32) {
    %add3A = arith.constant 0 : i32
    %add3A_0 = arith.addi %arg0, %add3A : i32
    %c0_i32 = arith.constant 0 : i32
    %c0_i32_1 = arith.constant 0 : i32
    return %add3A_0, %c0_i32 : i32, i32
  }
}

module attributes {stable_mosaic.version = 14 : i64} {
  func.func @body(%arg0: i32, %arg1: memref<4000x256xf32, #tpu.memory_space<vmem>>, %arg2: memref<4000x16xf32, #tpu.memory_space<vmem>>, %arg3: memref<256x256xbf16, #tpu.memory_space<vmem>>, %arg4: memref<16x256xbf16, #tpu.memory_space<vmem>>, %arg5: memref<1x256xf32, #tpu.memory_space<vmem>>, %arg6: memref<256x256xbf16, #tpu.memory_space<vmem>>, %arg7: memref<16x256xbf16, #tpu.memory_space<vmem>>, %arg8: memref<1x256xf32, #tpu.memory_space<vmem>>, %arg9: memref<1x128xf32, #tpu.memory_space<vmem>>, %arg10: memref<1x128xf32, #tpu.memory_space<vmem>>, %arg11: memref<320000x128xf32, #tpu.memory_space<any>>, %arg12: memref<4000x128xf32, #tpu.memory_space<vmem>>, %arg13: memref<4000x128xf32, #tpu.memory_space<vmem>>) attributes {dimension_semantics = [#tpu.dimension_semantics<arbitrary>], iteration_bounds = array<i64: 32>, scalar_prefetch = 0 : i64, scratch_operands = 0 : i64, tpu.core_type = #tpu.core_type<tc>, window_params = [{transform_indices = @transform_0, window_bounds = array<i64: 4000, 256>}, {transform_indices = @transform_1, window_bounds = array<i64: 4000, 16>}, {pipeline_mode = #tpu.pipeline_mode<synchronous>, transform_indices = @transform_2, window_bounds = array<i64: 256, 256>}, {pipeline_mode = #tpu.pipeline_mode<synchronous>, transform_indices = @transform_3, window_bounds = array<i64: 16, 256>}, {pipeline_mode = #tpu.pipeline_mode<synchronous>, transform_indices = @transform_4, window_bounds = array<i64: 1, 256>}, {pipeline_mode = #tpu.pipeline_mode<synchronous>, transform_indices = @transform_5, window_bounds = array<i64: 256, 256>}, {pipeline_mode = #tpu.pipeline_mode<synchronous>, transform_indices = @transform_6, window_bounds = array<i64: 16, 256>}, {pipeline_mode = #tpu.pipeline_mode<synchronous>, transform_indices = @transform_7, window_bounds = array<i64: 1, 256>}, {pipeline_mode = #tpu.pipeline_mode<synchronous>, transform_indices = @transform_8, window_bounds = array<i64: 1, 128>}, {pipeline_mode = #tpu.pipeline_mode<synchronous>, transform_indices = @transform_9, window_bounds = array<i64: 1, 128>}, {}, {transform_indices = @transform_11, window_bounds = array<i64: 4000, 128>}, {transform_indices = @transform_12, window_bounds = array<i64: 4000, 128>}]} {
    %get3A = arith.constant 0 : index
    %get3A_0 = arith.constant 0 : index
    %get3A_1 = vector.load %arg1[%get3A, %get3A_0] : memref<4000x256xf32, #tpu.memory_space<vmem>>, vector<4000x256xf32>
    %convert_element_type3A = arith.truncf %get3A_1 : vector<4000x256xf32> to vector<4000x256xbf16>
    %get3A_2 = arith.constant 0 : index
    %get3A_3 = arith.constant 0 : index
    %get3A_4 = vector.load %arg2[%get3A_2, %get3A_3] : memref<4000x16xf32, #tpu.memory_space<vmem>>, vector<4000x16xf32>
    %convert_element_type3A_5 = arith.truncf %get3A_4 : vector<4000x16xf32> to vector<4000x16xbf16>
    %get3A_6 = arith.constant 0 : index
    %get3A_7 = arith.constant 0 : index
    %get3A_8 = vector.load %arg3[%get3A_6, %get3A_7] : memref<256x256xbf16, #tpu.memory_space<vmem>>, vector<256x256xbf16>
    %dot_general3A = arith.constant dense<0.000000e+00> : vector<4000x256xf32>
    %dot_general3A_9 = tpu.matmul %convert_element_type3A, %get3A_8, %dot_general3A {dimension_numbers = #tpu.dot_dimension_numbers<[1], [0], [0], [1], [0, 0, 1, 1], [], []>, transpose_lhs_hint = false} : vector<4000x256xbf16>, vector<256x256xbf16>, vector<4000x256xf32> -> vector<4000x256xf32>
    %get3A_10 = arith.constant 0 : index
    %get3A_11 = arith.constant 0 : index
    %get3A_12 = vector.load %arg4[%get3A_10, %get3A_11] : memref<16x256xbf16, #tpu.memory_space<vmem>>, vector<16x256xbf16>
    %dot_general3A_13 = arith.constant dense<0.000000e+00> : vector<4000x256xf32>
    %dot_general3A_14 = tpu.matmul %convert_element_type3A_5, %get3A_12, %dot_general3A_13 {dimension_numbers = #tpu.dot_dimension_numbers<[1], [0], [0], [1], [0, 0, 1, 1], [], []>, transpose_lhs_hint = false} : vector<4000x16xbf16>, vector<16x256xbf16>, vector<4000x256xf32> -> vector<4000x256xf32>
    %add3A = arith.addf %dot_general3A_9, %dot_general3A_14 : vector<4000x256xf32>
    %get3A_15 = arith.constant 0 : index
    %get3A_16 = arith.constant 0 : index
    %get3A_17 = vector.load %arg5[%get3A_15, %get3A_16] : memref<1x256xf32, #tpu.memory_space<vmem>>, vector<1x256xf32>
    %add3A_18 = vector.broadcast %get3A_17 : vector<1x256xf32> to vector<4000x256xf32>
    %add3A_19 = arith.addf %add3A, %add3A_18 : vector<4000x256xf32>
    %max3A = arith.constant 0.000000e+00 : f32
    %max3A_20 = vector.broadcast %max3A : f32 to vector<4000x256xf32>
    %max3A_21 = arith.maximumf %add3A_19, %max3A_20 : vector<4000x256xf32>
    %convert_element_type3A_22 = arith.truncf %max3A_21 : vector<4000x256xf32> to vector<4000x256xbf16>
    %get3A_23 = arith.constant 0 : index
    %get3A_24 = arith.constant 0 : index
    %get3A_25 = vector.load %arg6[%get3A_23, %get3A_24] : memref<256x256xbf16, #tpu.memory_space<vmem>>, vector<256x256xbf16>
    %dot_general3A_26 = arith.constant dense<0.000000e+00> : vector<4000x256xf32>
    %dot_general3A_27 = tpu.matmul %convert_element_type3A_22, %get3A_25, %dot_general3A_26 {dimension_numbers = #tpu.dot_dimension_numbers<[1], [0], [0], [1], [0, 0, 1, 1], [], []>, transpose_lhs_hint = false} : vector<4000x256xbf16>, vector<256x256xbf16>, vector<4000x256xf32> -> vector<4000x256xf32>
    %get3A_28 = arith.constant 0 : index
    %get3A_29 = arith.constant 0 : index
    %get3A_30 = vector.load %arg7[%get3A_28, %get3A_29] : memref<16x256xbf16, #tpu.memory_space<vmem>>, vector<16x256xbf16>
    %dot_general3A_31 = arith.constant dense<0.000000e+00> : vector<4000x256xf32>
    %dot_general3A_32 = tpu.matmul %convert_element_type3A_5, %get3A_30, %dot_general3A_31 {dimension_numbers = #tpu.dot_dimension_numbers<[1], [0], [0], [1], [0, 0, 1, 1], [], []>, transpose_lhs_hint = false} : vector<4000x16xbf16>, vector<16x256xbf16>, vector<4000x256xf32> -> vector<4000x256xf32>
    %add3A_33 = arith.addf %dot_general3A_27, %dot_general3A_32 : vector<4000x256xf32>
    %get3A_34 = arith.constant 0 : index
    %get3A_35 = arith.constant 0 : index
    %get3A_36 = vector.load %arg8[%get3A_34, %get3A_35] : memref<1x256xf32, #tpu.memory_space<vmem>>, vector<1x256xf32>
    %add3A_37 = vector.broadcast %get3A_36 : vector<1x256xf32> to vector<4000x256xf32>
    %add3A_38 = arith.addf %add3A_33, %add3A_37 : vector<4000x256xf32>
    %slice3A = vector.extract_strided_slice %add3A_38 {offsets = [0, 0], sizes = [4000, 128], strides = [1, 1]} : vector<4000x256xf32> to vector<4000x128xf32>
    %swap3A = arith.constant 0 : index
    %swap3A_39 = arith.constant 0 : index
    %swap3A_40 = vector.load %arg12[%swap3A, %swap3A_39] : memref<4000x128xf32, #tpu.memory_space<vmem>>, vector<4000x128xf32>
    tpu.vector_store %arg12[%swap3A, %swap3A_39], %slice3A {strides = array<i32>} : memref<4000x128xf32, #tpu.memory_space<vmem>>, vector<4000x128xf32>,
    %slice3A_41 = vector.extract_strided_slice %add3A_38 {offsets = [0, 128], sizes = [4000, 128], strides = [1, 1]} : vector<4000x256xf32> to vector<4000x128xf32>
    %reduce_sum3A = arith.constant dense<0.000000e+00> : vector<4000xf32>
    %reduce_sum3A_42 = vector.multi_reduction <add>, %slice3A_41, %reduce_sum3A [1] : vector<4000x128xf32> to vector<4000xf32>
    %broadcast_in_dim3A = vector.shape_cast %reduce_sum3A_42 : vector<4000xf32> to vector<4000x1xf32>
    %div3A = arith.constant 1.280000e+02 : f32
    %div3A_43 = vector.broadcast %div3A : f32 to vector<4000x1xf32>
    %div3A_44 = arith.divf %broadcast_in_dim3A, %div3A_43 : vector<4000x1xf32>
    %sub3A = vector.broadcast %div3A_44 : vector<4000x1xf32> to vector<4000x128xf32>
    %sub3A_45 = arith.subf %slice3A_41, %sub3A : vector<4000x128xf32>
    %integer_pow3A = arith.mulf %sub3A_45, %sub3A_45 : vector<4000x128xf32>
    %reduce_sum3A_46 = arith.constant dense<0.000000e+00> : vector<4000xf32>
    %reduce_sum3A_47 = vector.multi_reduction <add>, %integer_pow3A, %reduce_sum3A_46 [1] : vector<4000x128xf32> to vector<4000xf32>
    %broadcast_in_dim3A_48 = vector.shape_cast %reduce_sum3A_47 : vector<4000xf32> to vector<4000x1xf32>
    %div3A_49 = arith.constant 1.280000e+02 : f32
    %div3A_50 = vector.broadcast %div3A_49 : f32 to vector<4000x1xf32>
    %div3A_51 = arith.divf %broadcast_in_dim3A_48, %div3A_50 : vector<4000x1xf32>
    %sub3A_52 = vector.broadcast %div3A_44 : vector<4000x1xf32> to vector<4000x128xf32>
    %sub3A_53 = arith.subf %slice3A_41, %sub3A_52 : vector<4000x128xf32>
    %add3A_54 = arith.constant 9.99999997E-7 : f32
    %add3A_55 = vector.broadcast %add3A_54 : f32 to vector<4000x1xf32>
    %add3A_56 = arith.addf %div3A_51, %add3A_55 : vector<4000x1xf32>
    %rsqrt3A = math.rsqrt %add3A_56 : vector<4000x1xf32>
    %mul3A = vector.broadcast %rsqrt3A : vector<4000x1xf32> to vector<4000x128xf32>
    %mul3A_57 = arith.mulf %sub3A_53, %mul3A : vector<4000x128xf32>
    %get3A_58 = arith.constant 0 : index
    %get3A_59 = arith.constant 0 : index
    %get3A_60 = vector.load %arg9[%get3A_58, %get3A_59] : memref<1x128xf32, #tpu.memory_space<vmem>>, vector<1x128xf32>
    %mul3A_61 = vector.broadcast %get3A_60 : vector<1x128xf32> to vector<4000x128xf32>
    %mul3A_62 = arith.mulf %mul3A_57, %mul3A_61 : vector<4000x128xf32>
    %get3A_63 = arith.constant 0 : index
    %get3A_64 = arith.constant 0 : index
    %get3A_65 = vector.load %arg10[%get3A_63, %get3A_64] : memref<1x128xf32, #tpu.memory_space<vmem>>, vector<1x128xf32>
    %add3A_66 = vector.broadcast %get3A_65 : vector<1x128xf32> to vector<4000x128xf32>
    %add3A_67 = arith.addf %mul3A_62, %add3A_66 : vector<4000x128xf32>
    %swap3A_68 = arith.constant 0 : index
    %swap3A_69 = arith.constant 0 : index
    %swap3A_70 = vector.load %arg13[%swap3A_68, %swap3A_69] : memref<4000x128xf32, #tpu.memory_space<vmem>>, vector<4000x128xf32>
    tpu.vector_store %arg13[%swap3A_68, %swap3A_69], %add3A_67 {strides = array<i32>} : memref<4000x128xf32, #tpu.memory_space<vmem>>, vector<4000x128xf32>,
    return
  }
  func.func @transform_0(%arg0: i32) -> (i32, i32) {
    %c0_i32 = arith.constant 0 : i32
    %c0_i32_0 = arith.constant 0 : i32
    return %arg0, %c0_i32 : i32, i32
  }
  func.func @transform_1(%arg0: i32) -> (i32, i32) {
    %add3A = arith.constant 48 : i32
    %add3A_0 = arith.addi %arg0, %add3A : i32
    %c0_i32 = arith.constant 0 : i32
    %c0_i32_1 = arith.constant 0 : i32
    return %add3A_0, %c0_i32 : i32, i32
  }
  func.func @transform_2(%arg0: i32) -> (i32, i32) {
    %c0_i32 = arith.constant 0 : i32
    %c0_i32_0 = arith.constant 0 : i32
    %c0_i32_1 = arith.constant 0 : i32
    return %c0_i32, %c0_i32_0 : i32, i32
  }
  func.func @transform_3(%arg0: i32) -> (i32, i32) {
    %c0_i32 = arith.constant 0 : i32
    %c0_i32_0 = arith.constant 0 : i32
    %c0_i32_1 = arith.constant 0 : i32
    return %c0_i32, %c0_i32_0 : i32, i32
  }
  func.func @transform_4(%arg0: i32) -> (i32, i32) {
    %c0_i32 = arith.constant 0 : i32
    %c0_i32_0 = arith.constant 0 : i32
    %c0_i32_1 = arith.constant 0 : i32
    return %c0_i32, %c0_i32_0 : i32, i32
  }
  func.func @transform_5(%arg0: i32) -> (i32, i32) {
    %c0_i32 = arith.constant 0 : i32
    %c0_i32_0 = arith.constant 0 : i32
    %c0_i32_1 = arith.constant 0 : i32
    return %c0_i32, %c0_i32_0 : i32, i32
  }
  func.func @transform_6(%arg0: i32) -> (i32, i32) {
    %c0_i32 = arith.constant 0 : i32
    %c0_i32_0 = arith.constant 0 : i32
    %c0_i32_1 = arith.constant 0 : i32
    return %c0_i32, %c0_i32_0 : i32, i32
  }
  func.func @transform_7(%arg0: i32) -> (i32, i32) {
    %c0_i32 = arith.constant 0 : i32
    %c0_i32_0 = arith.constant 0 : i32
    %c0_i32_1 = arith.constant 0 : i32
    return %c0_i32, %c0_i32_0 : i32, i32
  }
  func.func @transform_8(%arg0: i32) -> (i32, i32) {
    %c0_i32 = arith.constant 0 : i32
    %c0_i32_0 = arith.constant 0 : i32
    %c0_i32_1 = arith.constant 0 : i32
    return %c0_i32, %c0_i32_0 : i32, i32
  }
  func.func @transform_9(%arg0: i32) -> (i32, i32) {
    %c0_i32 = arith.constant 0 : i32
    %c0_i32_0 = arith.constant 0 : i32
    %c0_i32_1 = arith.constant 0 : i32
    return %c0_i32, %c0_i32_0 : i32, i32
  }
  func.func @transform_11(%arg0: i32) -> (i32, i32) {
    %c0_i32 = arith.constant 0 : i32
    %c0_i32_0 = arith.constant 0 : i32
    return %arg0, %c0_i32 : i32, i32
  }
  func.func @transform_12(%arg0: i32) -> (i32, i32) {
    %add3A = arith.constant 48 : i32
    %add3A_0 = arith.addi %arg0, %add3A : i32
    %c0_i32 = arith.constant 0 : i32
    %c0_i32_1 = arith.constant 0 : i32
    return %add3A_0, %c0_i32 : i32, i32
  }
}

module attributes {stable_mosaic.version = 14 : i64} {
  func.func @body(%arg0: i32, %arg1: memref<2000x128xf32, #tpu.memory_space<vmem>>, %arg2: memref<2000x128xf32, #tpu.memory_space<vmem>>, %arg3: memref<2000x128xf32, #tpu.memory_space<vmem>>, %arg4: memref<128x128xbf16, #tpu.memory_space<vmem>>, %arg5: memref<128x128xbf16, #tpu.memory_space<vmem>>, %arg6: memref<1x128xf32, #tpu.memory_space<vmem>>, %arg7: memref<128x128xbf16, #tpu.memory_space<vmem>>, %arg8: memref<1x128xf32, #tpu.memory_space<vmem>>, %arg9: memref<128x128xbf16, #tpu.memory_space<vmem>>, %arg10: memref<1x128xf32, #tpu.memory_space<vmem>>, %arg11: memref<1x128xf32, #tpu.memory_space<vmem>>, %arg12: memref<2000x128xf32, #tpu.memory_space<vmem>>) attributes {dimension_semantics = [#tpu.dimension_semantics<arbitrary>], iteration_bounds = array<i64: 5>, scalar_prefetch = 0 : i64, scratch_operands = 0 : i64, tpu.core_type = #tpu.core_type<tc>, window_params = [{transform_indices = @transform_0, window_bounds = array<i64: 2000, 128>}, {transform_indices = @transform_1, window_bounds = array<i64: 2000, 128>}, {transform_indices = @transform_2, window_bounds = array<i64: 2000, 128>}, {pipeline_mode = #tpu.pipeline_mode<synchronous>, transform_indices = @transform_3, window_bounds = array<i64: 128, 128>}, {pipeline_mode = #tpu.pipeline_mode<synchronous>, transform_indices = @transform_4, window_bounds = array<i64: 128, 128>}, {pipeline_mode = #tpu.pipeline_mode<synchronous>, transform_indices = @transform_5, window_bounds = array<i64: 1, 128>}, {pipeline_mode = #tpu.pipeline_mode<synchronous>, transform_indices = @transform_6, window_bounds = array<i64: 128, 128>}, {pipeline_mode = #tpu.pipeline_mode<synchronous>, transform_indices = @transform_7, window_bounds = array<i64: 1, 128>}, {pipeline_mode = #tpu.pipeline_mode<synchronous>, transform_indices = @transform_8, window_bounds = array<i64: 128, 128>}, {pipeline_mode = #tpu.pipeline_mode<synchronous>, transform_indices = @transform_9, window_bounds = array<i64: 1, 128>}, {pipeline_mode = #tpu.pipeline_mode<synchronous>, transform_indices = @transform_10, window_bounds = array<i64: 1, 128>}, {transform_indices = @transform_11, window_bounds = array<i64: 2000, 128>}]} {
    %get3A = arith.constant 0 : index
    %get3A_0 = arith.constant 0 : index
    %get3A_1 = vector.load %arg1[%get3A, %get3A_0] : memref<2000x128xf32, #tpu.memory_space<vmem>>, vector<2000x128xf32>
    %convert_element_type3A = arith.truncf %get3A_1 : vector<2000x128xf32> to vector<2000x128xbf16>
    %get3A_2 = arith.constant 0 : index
    %get3A_3 = arith.constant 0 : index
    %get3A_4 = vector.load %arg2[%get3A_2, %get3A_3] : memref<2000x128xf32, #tpu.memory_space<vmem>>, vector<2000x128xf32>
    %get3A_5 = arith.constant 0 : index
    %get3A_6 = arith.constant 0 : index
    %get3A_7 = vector.load %arg3[%get3A_5, %get3A_6] : memref<2000x128xf32, #tpu.memory_space<vmem>>, vector<2000x128xf32>
    %add3A = arith.addf %get3A_4, %get3A_7 : vector<2000x128xf32>
    %convert_element_type3A_8 = arith.truncf %add3A : vector<2000x128xf32> to vector<2000x128xbf16>
    %get3A_9 = arith.constant 0 : index
    %get3A_10 = arith.constant 0 : index
    %get3A_11 = vector.load %arg4[%get3A_9, %get3A_10] : memref<128x128xbf16, #tpu.memory_space<vmem>>, vector<128x128xbf16>
    %dot_general3A = arith.constant dense<0.000000e+00> : vector<2000x128xf32>
    %dot_general3A_12 = tpu.matmul %convert_element_type3A, %get3A_11, %dot_general3A {dimension_numbers = #tpu.dot_dimension_numbers<[1], [0], [0], [1], [0, 0, 1, 1], [], []>, transpose_lhs_hint = false} : vector<2000x128xbf16>, vector<128x128xbf16>, vector<2000x128xf32> -> vector<2000x128xf32>
    %get3A_13 = arith.constant 0 : index
    %get3A_14 = arith.constant 0 : index
    %get3A_15 = vector.load %arg5[%get3A_13, %get3A_14] : memref<128x128xbf16, #tpu.memory_space<vmem>>, vector<128x128xbf16>
    %dot_general3A_16 = arith.constant dense<0.000000e+00> : vector<2000x128xf32>
    %dot_general3A_17 = tpu.matmul %convert_element_type3A_8, %get3A_15, %dot_general3A_16 {dimension_numbers = #tpu.dot_dimension_numbers<[1], [0], [0], [1], [0, 0, 1, 1], [], []>, transpose_lhs_hint = false} : vector<2000x128xbf16>, vector<128x128xbf16>, vector<2000x128xf32> -> vector<2000x128xf32>
    %add3A_18 = arith.addf %dot_general3A_12, %dot_general3A_17 : vector<2000x128xf32>
    %get3A_19 = arith.constant 0 : index
    %get3A_20 = arith.constant 0 : index
    %get3A_21 = vector.load %arg6[%get3A_19, %get3A_20] : memref<1x128xf32, #tpu.memory_space<vmem>>, vector<1x128xf32>
    %add3A_22 = vector.broadcast %get3A_21 : vector<1x128xf32> to vector<2000x128xf32>
    %add3A_23 = arith.addf %add3A_18, %add3A_22 : vector<2000x128xf32>
    %max3A = arith.constant 0.000000e+00 : f32
    %max3A_24 = vector.broadcast %max3A : f32 to vector<2000x128xf32>
    %max3A_25 = arith.maximumf %add3A_23, %max3A_24 : vector<2000x128xf32>
    %convert_element_type3A_26 = arith.truncf %max3A_25 : vector<2000x128xf32> to vector<2000x128xbf16>
    %get3A_27 = arith.constant 0 : index
    %get3A_28 = arith.constant 0 : index
    %get3A_29 = vector.load %arg9[%get3A_27, %get3A_28] : memref<128x128xbf16, #tpu.memory_space<vmem>>, vector<128x128xbf16>
    %dot_general3A_30 = arith.constant dense<0.000000e+00> : vector<2000x128xf32>
    %dot_general3A_31 = tpu.matmul %convert_element_type3A, %get3A_29, %dot_general3A_30 {dimension_numbers = #tpu.dot_dimension_numbers<[1], [0], [0], [1], [0, 0, 1, 1], [], []>, transpose_lhs_hint = false} : vector<2000x128xbf16>, vector<128x128xbf16>, vector<2000x128xf32> -> vector<2000x128xf32>
    %get3A_32 = arith.constant 0 : index
    %get3A_33 = arith.constant 0 : index
    %get3A_34 = vector.load %arg7[%get3A_32, %get3A_33] : memref<128x128xbf16, #tpu.memory_space<vmem>>, vector<128x128xbf16>
    %dot_general3A_35 = arith.constant dense<0.000000e+00> : vector<2000x128xf32>
    %dot_general3A_36 = tpu.matmul %convert_element_type3A_26, %get3A_34, %dot_general3A_35 {dimension_numbers = #tpu.dot_dimension_numbers<[1], [0], [0], [1], [0, 0, 1, 1], [], []>, transpose_lhs_hint = false} : vector<2000x128xbf16>, vector<128x128xbf16>, vector<2000x128xf32> -> vector<2000x128xf32>
    %add3A_37 = arith.addf %dot_general3A_31, %dot_general3A_36 : vector<2000x128xf32>
    %get3A_38 = arith.constant 0 : index
    %get3A_39 = arith.constant 0 : index
    %get3A_40 = vector.load %arg8[%get3A_38, %get3A_39] : memref<1x128xf32, #tpu.memory_space<vmem>>, vector<1x128xf32>
    %add3A_41 = vector.broadcast %get3A_40 : vector<1x128xf32> to vector<2000x128xf32>
    %add3A_42 = arith.addf %add3A_37, %add3A_41 : vector<2000x128xf32>
    %reduce_sum3A = arith.constant dense<0.000000e+00> : vector<2000xf32>
    %reduce_sum3A_43 = vector.multi_reduction <add>, %add3A_42, %reduce_sum3A [1] : vector<2000x128xf32> to vector<2000xf32>
    %broadcast_in_dim3A = vector.shape_cast %reduce_sum3A_43 : vector<2000xf32> to vector<2000x1xf32>
    %div3A = arith.constant 1.280000e+02 : f32
    %div3A_44 = vector.broadcast %div3A : f32 to vector<2000x1xf32>
    %div3A_45 = arith.divf %broadcast_in_dim3A, %div3A_44 : vector<2000x1xf32>
    %sub3A = vector.broadcast %div3A_45 : vector<2000x1xf32> to vector<2000x128xf32>
    %sub3A_46 = arith.subf %add3A_42, %sub3A : vector<2000x128xf32>
    %integer_pow3A = arith.mulf %sub3A_46, %sub3A_46 : vector<2000x128xf32>
    %reduce_sum3A_47 = arith.constant dense<0.000000e+00> : vector<2000xf32>
    %reduce_sum3A_48 = vector.multi_reduction <add>, %integer_pow3A, %reduce_sum3A_47 [1] : vector<2000x128xf32> to vector<2000xf32>
    %broadcast_in_dim3A_49 = vector.shape_cast %reduce_sum3A_48 : vector<2000xf32> to vector<2000x1xf32>
    %div3A_50 = arith.constant 1.280000e+02 : f32
    %div3A_51 = vector.broadcast %div3A_50 : f32 to vector<2000x1xf32>
    %div3A_52 = arith.divf %broadcast_in_dim3A_49, %div3A_51 : vector<2000x1xf32>
    %sub3A_53 = vector.broadcast %div3A_45 : vector<2000x1xf32> to vector<2000x128xf32>
    %sub3A_54 = arith.subf %add3A_42, %sub3A_53 : vector<2000x128xf32>
    %add3A_55 = arith.constant 9.99999997E-7 : f32
    %add3A_56 = vector.broadcast %add3A_55 : f32 to vector<2000x1xf32>
    %add3A_57 = arith.addf %div3A_52, %add3A_56 : vector<2000x1xf32>
    %rsqrt3A = math.rsqrt %add3A_57 : vector<2000x1xf32>
    %mul3A = vector.broadcast %rsqrt3A : vector<2000x1xf32> to vector<2000x128xf32>
    %mul3A_58 = arith.mulf %sub3A_54, %mul3A : vector<2000x128xf32>
    %get3A_59 = arith.constant 0 : index
    %get3A_60 = arith.constant 0 : index
    %get3A_61 = vector.load %arg10[%get3A_59, %get3A_60] : memref<1x128xf32, #tpu.memory_space<vmem>>, vector<1x128xf32>
    %mul3A_62 = vector.broadcast %get3A_61 : vector<1x128xf32> to vector<2000x128xf32>
    %mul3A_63 = arith.mulf %mul3A_58, %mul3A_62 : vector<2000x128xf32>
    %get3A_64 = arith.constant 0 : index
    %get3A_65 = arith.constant 0 : index
    %get3A_66 = vector.load %arg11[%get3A_64, %get3A_65] : memref<1x128xf32, #tpu.memory_space<vmem>>, vector<1x128xf32>
    %add3A_67 = vector.broadcast %get3A_66 : vector<1x128xf32> to vector<2000x128xf32>
    %add3A_68 = arith.addf %mul3A_63, %add3A_67 : vector<2000x128xf32>
    %swap3A = arith.constant 0 : index
    %swap3A_69 = arith.constant 0 : index
    %swap3A_70 = vector.load %arg12[%swap3A, %swap3A_69] : memref<2000x128xf32, #tpu.memory_space<vmem>>, vector<2000x128xf32>
    tpu.vector_store %arg12[%swap3A, %swap3A_69], %add3A_68 {strides = array<i32>} : memref<2000x128xf32, #tpu.memory_space<vmem>>, vector<2000x128xf32>,
    return
  }
  func.func @transform_0(%arg0: i32) -> (i32, i32) {
    %c0_i32 = arith.constant 0 : i32
    %c0_i32_0 = arith.constant 0 : i32
    return %arg0, %c0_i32 : i32, i32
  }
  func.func @transform_1(%arg0: i32) -> (i32, i32) {
    %c0_i32 = arith.constant 0 : i32
    %c0_i32_0 = arith.constant 0 : i32
    return %arg0, %c0_i32 : i32, i32
  }
  func.func @transform_2(%arg0: i32) -> (i32, i32) {
    %c0_i32 = arith.constant 0 : i32
    %c0_i32_0 = arith.constant 0 : i32
    return %arg0, %c0_i32 : i32, i32
  }
  func.func @transform_3(%arg0: i32) -> (i32, i32) {
    %c0_i32 = arith.constant 0 : i32
    %c0_i32_0 = arith.constant 0 : i32
    %c0_i32_1 = arith.constant 0 : i32
    return %c0_i32, %c0_i32_0 : i32, i32
  }
  func.func @transform_4(%arg0: i32) -> (i32, i32) {
    %c0_i32 = arith.constant 0 : i32
    %c0_i32_0 = arith.constant 0 : i32
    %c0_i32_1 = arith.constant 0 : i32
    return %c0_i32, %c0_i32_0 : i32, i32
  }
  func.func @transform_5(%arg0: i32) -> (i32, i32) {
    %c0_i32 = arith.constant 0 : i32
    %c0_i32_0 = arith.constant 0 : i32
    %c0_i32_1 = arith.constant 0 : i32
    return %c0_i32, %c0_i32_0 : i32, i32
  }
  func.func @transform_6(%arg0: i32) -> (i32, i32) {
    %c0_i32 = arith.constant 0 : i32
    %c0_i32_0 = arith.constant 0 : i32
    %c0_i32_1 = arith.constant 0 : i32
    return %c0_i32, %c0_i32_0 : i32, i32
  }
  func.func @transform_7(%arg0: i32) -> (i32, i32) {
    %c0_i32 = arith.constant 0 : i32
    %c0_i32_0 = arith.constant 0 : i32
    %c0_i32_1 = arith.constant 0 : i32
    return %c0_i32, %c0_i32_0 : i32, i32
  }
  func.func @transform_8(%arg0: i32) -> (i32, i32) {
    %c0_i32 = arith.constant 0 : i32
    %c0_i32_0 = arith.constant 0 : i32
    %c0_i32_1 = arith.constant 0 : i32
    return %c0_i32, %c0_i32_0 : i32, i32
  }
  func.func @transform_9(%arg0: i32) -> (i32, i32) {
    %c0_i32 = arith.constant 0 : i32
    %c0_i32_0 = arith.constant 0 : i32
    %c0_i32_1 = arith.constant 0 : i32
    return %c0_i32, %c0_i32_0 : i32, i32
  }
  func.func @transform_10(%arg0: i32) -> (i32, i32) {
    %c0_i32 = arith.constant 0 : i32
    %c0_i32_0 = arith.constant 0 : i32
    %c0_i32_1 = arith.constant 0 : i32
    return %c0_i32, %c0_i32_0 : i32, i32
  }
  func.func @transform_11(%arg0: i32) -> (i32, i32) {
    %c0_i32 = arith.constant 0 : i32
    %c0_i32_0 = arith.constant 0 : i32
    return %arg0, %c0_i32 : i32, i32
  }
}

</mosaic_0001>

<sc_bundles>
// kernel: kernel.10.cloned.1.call-start
scs
__scs_entry_jumppad:
0x0: {  	(pc) =	sbr.rel $0x88, $3  }
0x1: {  	(tag) =	ssettag $0x0;
	lr =	simm.s32 $0x1  }
0x2: {  	[smem:$0x3F8D] =	sst lr;
	_ =	strace $0xD0000000  }
0x3: {  	_ = 	snop  }
0x4: {  	_ = 	snop  }
0x5: {  	_ = 	snop  }
0x6: {  	_ = 	snop  }
0x7: {  	_ = 	snop  }
__scs_overlays_trampoline_lowered:
0x8: {  	[smem:$0x3F9C] =	sst s0  }
0x9: {  	[smem:$0x3F9D] =	sst s1  }
0xa: {  	[smem:$0x3F9E] =	sst s2  }
0xb: {  	[smem:$0x3F9F] =	sst s3  }
0xc: {  	[smem:$0x3FA0] =	sst s4  }
0xd: {  	[smem:$0x3FA1] =	sst s5  }
0xe: {  	[smem:$0x3FA2] =	sst s6  }
0xf: {  	[smem:$0x3FA3] =	sst s7  }
0x10: {  	[smem:$0x3FA4] =	sst s8  }
0x11: {  	[smem:$0x3FA5] =	sst s9;
	s0 =	simm.s32 @!p0 $0x0  }
0x12: {  	s1 =	sld [smem:$0x3F8B];
	s0 =	simm.s32 @p0 $0x1  }
0x13: {  	[smem:$0x3FA6] =	sst s0;
	s0 =	simm.s32 @!p1 $0x0  }
0x14: {  	s2 =	sld [smem:$0x3F8A];
	s0 =	simm.s32 @p1 $0x1  }
0x15: {  	[smem:$0x3FA7] =	sst s0;
	s0 =	simm.s32 @!p2 $0x0  }
0x16: {  	s3 =	sld [smem:$0x3FDB];
	s0 =	simm.s32 @p2 $0x1  }
0x17: {  	s4 =	simm.s32 $0x1BF5;
	[smem:$0x3FA9] =	sst s0  }
0x18: {  	s0 =	sld [smem:$0x3F8C];
	_ =	swait.ge [sflag:s4], $0x0  }
0x19: {  	s7 =	sld [smem:$0x3F8D]  }
0x1a: {  	s8 =	sadd.s32 $0xFFFFE003, lr  }
0x1b: {  	s9 =	sadd.s32 $0xFFFFFEF7, lr;
	s5 =	simm.s32 $0xFFFFFFFF;
	p2 =	slt.u32 s8, $0xFFFFF086  }
0x1c: {  	p1 =	slt.u32 s9, $0xF7A;
	s5 =	simm.s32 @!p2 $0x0  }
0x1d: {  	s5 =	simm.s32 @p1 $0x1;
	p0 =	seq.s32 s7, s2  }
0x1e: {  	s7 =	smul.u32 @!p0 $0xF7A, s2;
	p2 =	seq.s32 @!p0 s5, $0x0  }
0x1f: {  	s9 =	smul.u32 $0xF7A, s1;
	s8 =	simm.s32 @!p0 $0x1BF5;
	p2 =	por !p2, p0  }
0x20: {  	[sflag:s8] =	ssyncset.s32 @!p0 $0xFFFFF086;
	s6 =	sadd.s32 @!p0 s3, s7;
	s7 =	simm.s32 @!p0 $0x108  }
0x21: {  	s3 =	sadd.s32 s3, s9;
	s6 =	sadd.s32 @!p0 $0x88, s6;
	s7 =	simm.s32 @p2 $0x1082  }
0x22: {  	[simem:s7], [sflag:s8] =	dma.local @!p0 [hbm:s6], $0xF7A  }
0x23: {  	s9 =	sor.u32 $0xD0000000, s2;
	s6 =	simm.s32 $0x108;
	_ =	swait.ge @!p0 [sflag:s8], $0x0  }
0x24: {  	s3 =	sadd.s32 $0x88, s3;
	s6 =	simm.s32 @!p1 $0x1082;
	[sflag:s4] =	ssyncset.s32 $0xFFFFF086  }
0x25: {  	[simem:s6], [sflag:s4] =	dma.local [hbm:s3], $0xF7A  }
0x26: {  	[smem:$0x3F8D] =	sst s1;
	(tag) =	ssettag s2;
	_ =	strace s9  }
0x27: {  	s1 =	sld [smem:$0x3F9D]  }
0x28: {  	s2 =	sld [smem:$0x3F9E]  }
0x29: {  	s4 =	sld [smem:$0x3FA0]  }
0x2a: {  	p0 =	seq.s32 s5, $0x0;
	s5 =	sld [smem:$0x3FA1]  }
0x2b: {  	s6 =	sld [smem:$0x3FA2]  }
0x2c: {  	s7 =	sld [smem:$0x3FA3]  }
0x2d: {  	s3 =	simm.s32 $0x108;
	s8 =	sld [smem:$0x3FA4]  }
0x2e: {  	s3 =	simm.s32 @!p0 $0x1082;
	s9 =	sld [smem:$0x3FA5]  }
0x2f: {  	lr =	sadd.s32 s0, s3;
	s0 =	sld [smem:$0x3F9C]  }
0x30: {  	s3 =	sld [smem:$0x3F9F]  }
0x31: {  	[smem:$0x3FA8] =	sst s10  }
0x32: {  	s10 =	sld [smem:$0x3FA6];
	_ =	sdelay $0x3  }
0x33: {  	p0 =	seq.s32 s10, $0x1;
	s10 =	sld [smem:$0x3FA8];
	_ =	sdelay $0x3  }
0x34: {  	[smem:$0x3FA8] =	sst s10  }
0x35: {  	s10 =	sld [smem:$0x3FA7];
	_ =	sdelay $0x3  }
0x36: {  	p1 =	seq.s32 s10, $0x1;
	s10 =	sld [smem:$0x3FA8];
	_ =	sdelay $0x3  }
0x37: {  	[smem:$0x3FA8] =	sst s10  }
0x38: {  	s10 =	sld [smem:$0x3FA9]  }
0x39: {  	_ = 	snop;
	(pc) =	sbr.ind lr, $3  }
0x3a: {  	_ = 	snop  }
0x3b: {  	_ = 	snop  }
0x3c: {  	p2 =	seq.s32 s10, $0x1;
	s10 =	sld [smem:$0x3FA8]  }
0x3d: {  	_ =	shalt  }
0x3e: {  	_ =	shalt  }
0x3f: {  	_ =	shalt  }
0x40: {  	_ =	shalt  }
0x41: {  	_ =	shalt  }
0x42: {  	_ =	shalt  }
0x43: {  	_ =	shalt  }
0x44: {  	_ =	shalt  }
0x45: {  	_ =	shalt  }
0x46: {  	_ =	shalt  }
0x47: {  	_ =	shalt  }
0x48: {  	_ =	shalt  }
0x49: {  	_ =	shalt  }
0x4a: {  	_ =	shalt  }
0x4b: {  	_ =	shalt  }
0x4c: {  	_ =	shalt  }
0x4d: {  	_ =	shalt  }
0x4e: {  	_ =	shalt  }
0x4f: {  	_ =	shalt  }
0x50: {  	_ =	shalt  }
0x51: {  	_ =	shalt  }
0x52: {  	_ =	shalt  }
0x53: {  	_ =	shalt  }
0x54: {  	_ =	shalt  }
0x55: {  	_ =	shalt  }
0x56: {  	_ =	shalt  }
0x57: {  	_ =	shalt  }
0x58: {  	_ =	shalt  }
0x59: {  	_ =	shalt  }
0x5a: {  	_ =	shalt  }
0x5b: {  	_ =	shalt  }
0x5c: {  	_ =	shalt  }
0x5d: {  	_ =	shalt  }
0x5e: {  	_ =	shalt  }
0x5f: {  	_ =	shalt  }
0x60: {  	_ =	shalt  }
0x61: {  	_ =	shalt  }
0x62: {  	_ =	shalt  }
0x63: {  	_ =	shalt  }
0x64: {  	_ =	shalt  }
0x65: {  	_ =	shalt  }
0x66: {  	_ =	shalt  }
0x67: {  	_ =	shalt  }
0x68: {  	_ =	shalt  }
0x69: {  	_ =	shalt  }
0x6a: {  	_ =	shalt  }
0x6b: {  	_ =	shalt  }
0x6c: {  	_ =	shalt  }
0x6d: {  	_ =	shalt  }
0x6e: {  	_ =	shalt  }
0x6f: {  	_ =	shalt  }
0x70: {  	_ =	shalt  }
0x71: {  	_ =	shalt  }
0x72: {  	_ =	shalt  }
0x73: {  	_ =	shalt  }
0x74: {  	_ =	shalt  }
0x75: {  	_ =	shalt  }
0x76: {  	_ =	shalt  }
0x77: {  	_ =	shalt  }
0x78: {  	_ =	shalt  }
0x79: {  	_ =	shalt  }
0x7a: {  	_ =	shalt  }
0x7b: {  	_ =	shalt  }
0x7c: {  	_ =	shalt  }
0x7d: {  	_ =	shalt  }
0x7e: {  	_ =	shalt  }
0x7f: {  	_ =	shalt  }
0x80: {  	_ =	shalt  }
0x81: {  	_ =	shalt  }
0x82: {  	_ =	shalt  }
0x83: {  	_ =	shalt  }
0x84: {  	_ =	shalt  }
0x85: {  	_ =	shalt  }
0x86: {  	_ =	shalt  }
0x87: {  	_ =	shalt  }
.Lfunc_end0:
.L_simem_size_0:
called_computation_lowered:
.L_overlay_start_0:
0x88: {  	s2 =	sld [smem:$0x3FD9]  }
0x89: {  	s3 =	sld [smem:$0x3FFE];
	_ =	sdelay $0x1  }
0x8a: {  	s1 =	srdreg.scid  }
0x8b: {  	s0 =	sand.u32 $0x1, s1  }
0x8c: {  	s14 =	sshll.u32 s0, $0xA;
	s2 =	sadd.s32 s3, s2  }
0x8d: {  	s2 =	sadd.s32 s2, s14  }
0x8e: {  	[smem:$0x3FB4] =	sst s2  }
0x8f: {  	_ = 	snop  }
0x90: {  	s2 =	sld [smem:$0x3FD0];
	_ =	sdelay $0x2  }
0x91: {  	s4 =	simm.s32 $0xB;
	s5 =	simm.s32 $0x10;
	s15 =	sld [smem:$0x3FC9]  }
0x92: {  	[smem:s5], [sflag:s4] =	dma.local [hbm:s2], $0x1  }
0x93: {  	_ =	swait.eq [sflag:s4], $0x1  }
0x94: {  	[sflag:s4] =	ssyncset.done $0x0  }
0x95: {  	[sflag:s4] =	ssyncadd.s32 $0xFFFFFFFF  }
0x96: {  	s16 =	sld [smem:$0x11];
	(tm) =	ssettm $0x1  }
0x97: {  	s17 =	sld [smem:$0x3FFB];
	_ =	sdelay $0x3  }
0x98: {  	_ =	strace s17  }
0x99: {  	s4 =	sld [smem:$0x3FFC];
	_ =	sdelay $0x3  }
0x9a: {  	_ =	strace s4  }
0x9b: {  	s4 =	sld [smem:$0x3FFD];
	_ =	sdelay $0x3  }
0x9c: {  	_ =	strace s4  }
0x9d: {  	_ =	strace $0x8FFFFFFF  }
0x9e: {  	s18 =	sld [smem:$0x3FDB];
	_ =	sdelay $0x1  }
0x9f: {  	s19 =	simm.s32 $_scs_section_size  }
0xa0: {  	s6 =	simm.s32 $_size__tile_overlayer_lowered;
	s7 =	simm.s32 $_tile_overlayer_lowered  }
0xa1: {  	s22 =	simm.s32 $0x1BFF;
	s21 =	sshll.u32 s7, $0x1;
	s4 =	sadd.s32 s19, s18  }
0xa2: {  	s8 =	simm.s32 $0x0;
	s20 =	sshll.u32 s6, $0x1;
	s6 =	sadd.s32 s21, s4  }
0xa3: {  	[timem:s8], [sflag:s22] =	dma.local [hbm:s6], s20  }
0xa4: {  	_ =	swait.ge [sflag:s22], s20  }
0xa5: {  	s5 =	ssub.s32 $0x0, s20;
	[sflag:s22] =	ssyncset.done $0x0  }
0xa6: {  	[sflag:s22] =	ssyncadd.s32 s5;
	_ =	sdelay $0x1  }
0xa7: {  	s23 =	simm.s32 $0x1B8B  }
0xa8: {  	_ =	swait.ge [sflag:s23], $0x1  }
0xa9: {  	[sflag:s23] =	ssyncset.done $0x0  }
0xaa: {  	s25 =	simm.s32 $0x1B8E;
	s24 =	sld [smem:$0x3FFE];
	[sflag:s23] =	ssyncadd.s32 $0xFFFFFFFF  }
0xab: {  	s26 =	simm.s32 $execute0_lowered;
	[smem:$0x3FD2] =	sst s25  }
0xac: {  	s6 =	sshll.u32 s26, $0x1;
	_ =	strace $0x80000046;
	[dreg:$0x1] =	wrdreg $0xFFFFFFFF  }
0xad: {  	s28 =	simm.s32 $_size_execute0_lowered;
	s4 =	sadd.s32 s4, s6;
	[dreg:$0x0] =	wrdreg $0x0  }
0xae: {  	s6 =	sshll.u32 s28, $0x1;
	[dreg:$0x2] =	wrdreg s4  }
0xaf: {  	[dreg:$0x3] =	wrdreg s6  }
0xb0: {  	[dreg:$0x4] =	wrdreg $0xC0  }
0xb1: {  	_ =	task [dreg:s8], $0x5FFFF  }
0xb2: {  	[dreg:$0x1] =	wrdreg $0xFFFFFFFF  }
0xb3: {  	[dreg:$0x0] =	wrdreg $0x60  }
0xb4: {  	[dreg:$0x2] =	wrdreg s15  }
0xb5: {  	[dreg:$0x3] =	wrdreg s24  }
0xb6: {  	[dreg:$0x4] =	wrdreg s16  }
0xb7: {  	[dreg:$0x5] =	wrdreg $0xA  }
0xb8: {  	_ =	task.clear_ibuf [dreg:s8], $0x6FFFF;
	_ =	strace $0x90000046  }
0xb9: {  	s29 =	simm.s32 $0xA;
	_ =	strace $0x80000048  }
0xba: {  	_ =	swait.ge [sflag:s29], $0x1  }
0xbb: {  	[sflag:s29] =	ssyncadd.s32 $0xFFFFFFFF  }
0xbc: {  	_ =	strace $0x90000048  }
0xbd: {  	_ =	sfence  }
0xbe: {  	s30 =	sld [smem:$0x0];
	_ =	sdelay $0x2  }
0xbf: {  	s31 =	sshll.u32 s1, $0xD;
	s1 =	sshrl.u32 s1, $0x2  }
0xc0: {  	s3 =	sand.u32 $0x4000, s31;
	s1 =	sadd.s32 s1, s30  }
0xc1: {  	s0 =	sor.u32 s3, s0;
	s1 =	sshll.u32 s1, $0x11  }
0xc2: {  	s0 =	sor.u32 s1, s0  }
0xc3: {  	s0 =	sadd.s32 $0x8F2B, s0  }
0xc4: {  	[sflag:s0] =	ssyncadd.remote.s32 $0x1  }
0xc5: {  	_ =	sfence.sel $0xFFFF  }
0xc6: {  	[dreg:$0x0] =	wrdreg $0xFFFFFFFF;
	(pc) =	sbr.abs _section_cstart, $3  }
0xc7: {  	[dreg:$0x1] =	wrdreg $0xFFFFFFFF  }
0xc8: {  	_ =	task.clear_ibuf [dreg:s8], $0x2FFFF;
	_ =	strace $0x9FFFFFFF  }
0xc9: {  	(tm) =	ssettm $0x7FFFFFFF  }
tec
execute0_lowered:
.L_overlay_start_1:
0x0: {  	(tag) =	ssettag $0x1  }
0x1: {  	s1 =	rddreg [dreg:$0x0]  }
0x2: {  	s4 =	rddreg [dreg:$0x1]  }
0x3: {  	s8 =	rddreg [dreg:$0x2]  }
0x4: {  	s0 =	rddreg [dreg:$0x3];
	s3 =	simm.s32 $0x0;
	s2 =	stileid.u32  }
0x5: {  	s7 =	srdreg.scid;
	[smem:$0x7FF] =	sst s3  }
0x6: {  	s6 =	sadd.s32 $0x4400, s4;
	s5 =	sshll.u32 s2, $0xD;
	s7 =	sand.u32 $0x1, s7  }
0x7: {  	s22 =	sshll.u32 s2, $0x1;
	s24 =	sshll.u32 s2, $0x5;
	_ =	strace $0x80000047  }
0x8: {  	s9 =	sadd.s32 s5, s4;
	s23 =	ssub.s32 $0x2, s7;
	s10 =	sor.u32 s7, s22  }
0x9: {  	s13 =	sand.u32 $0x180, s24;
	s7 =	sshll.u32 s7, $0xC;
	s11 =	sshrl.u32 s23, $0x1  }
0xa: {  	s12 =	sshll.u32 s10, $0x4;
	s28 =	sadd.s32 s13, s6;
	s5 =	sor.u32 $0x20, s10  }
0xb: {  	s29 =	sadd.s32 s13, s8;
	s7 =	sadd.s32 s7, s9;
	s26 =	sand.u32 $0x70, s12  }
0xc: {  	s9 =	simm.s32 $0x2;
	s25 =	ssub.s32 s23, s11;
	s12 =	sadd.s32 s26, s28  }
0xd: {  	s30 =	sshll.u32 s5, $0x4;
	s10 =	sadd.s32 s26, s29;
	[dreg:$0x4] =	wrdreg s12  }
0xe: {  	s4 =	smax.u32 s25, $0x1;
	s12 =	sand.u32 $0x380, s30;
	[dreg:$0x5] =	wrdreg s10  }
0xf: {  	s10 =	simm.s32 $0x3;
	s31 =	sadd.s32 s12, s6;
	s8 =	sadd.s32 s12, s8  }
0x10: {  	s6 =	sadd.s32 $0xA200, s7;
	s7 =	sadd.s32 s26, s31;
	s8 =	sadd.s32 s26, s8  }
.LBB2_1:
0x11: {  	s11 =	sadd.s32 $0xFFFFFFE0, s5  }
0x12: {  	p0 =	sgt.u32 s11, $0x5DB  }
0x13: {  	p1 =	por @!p0 $0x1, $0x1  }
0x14: {  	p1 =	por p1, p0  }
0x15: {  	s11 =	simm.s32 @!p1 $0x2  }
0x16: {  	_ =	swait.ge @!p1 [sflag:s11], $0x4000  }
0x17: {  	[sflag:s11] =	ssyncset.done @!p1 $0x0  }
0x18: {  	[sflag:s11] =	ssyncadd.s32 @!p1 $0xFFFFC000  }
0x19: {  	_ =	swait.ge @!p1 [sflag:s11], $0x4000  }
0x1a: {  	s13 =	simm.s32 @!p0 $0x4;
	s12 =	rddreg [dreg:$0x4];
	[sflag:s11] =	ssyncset.done @!p1 $0x0  }
0x1b: {  	[sflag:s11] =	ssyncadd.s32 @!p1 $0xFFFFC000;
	s11 =	sadd.s32 @!p0 $0x0, s12;
	s12 =	simm.s32 @!p0 $0x0  }
0x1c: {  	[tilespmem:s12], [sflag:$0x4] =	stream.linear.gather @!p0 [hbm4b:s11+s12], $0x80, $0x38;
	[tilespmem:$0x10200] =	vst v63  }
0x1d: {  	_ =	swait.ge @!p0 [sflag:s13], $0x80  }
0x1e: {  	s11 =	rddreg [dreg:$0x5];
	[sflag:s13] =	ssyncset.done @!p0 $0x0  }
0x1f: {  	s14 =	simm.s32 @!p0 $0x100;
	[sflag:s13] =	ssyncadd.s32 @!p0 $0xFFFFFF80;
	s11 =	sadd.s32 @!p0 $0x0, s11  }
0x20: {  	[tilespmem:s14], [sflag:$0x4] =	stream.linear.gather @!p0 [hbm4b:s11+s12], $0x80, $0x38;
	[tilespmem:$0x10200] =	vst v63  }
0x21: {  	_ =	swait.ge @!p0 [sflag:s13], $0x80  }
0x22: {  	[sflag:s13] =	ssyncset.done @!p0 $0x0  }
0x23: {  	s11 =	simm.s32 @!p0 $0x80;
	[sflag:s13] =	ssyncadd.s32 @!p0 $0xFFFFFF80;
	s13 =	simm.s32 @!p0 $0x200  }
0x24: {  	[tilespmem:s13], [sflag:$0x1] =	stream.indirect.gather @!p0 [hbm4b:s1+s11], $0x80, s12, s11, $0xb8;
	[tilespmem:$0x10200] =	vst v63  }
0x25: {  	s15 =	simm.s32 @!p0 $0x1;
	s12 =	simm.s32 @!p0 $0x8200  }
0x26: {  	[tilespmem:s12], [sflag:$0x1] =	stream.indirect.gather @!p0 [hbm4b:s1+s11], $0x80, s14, s11, $0xb8;
	[tilespmem:$0x10200] =	vst v63  }
0x27: {  	_ =	swait.ge @!p0 [sflag:s15], $0x4000  }
0x28: {  	[sflag:s15] =	ssyncset.done @!p0 $0x0  }
0x29: {  	[sflag:s15] =	ssyncadd.s32 @!p0 $0xFFFFC000  }
0x2a: {  	p1 =	sgt.u32 s5, $0x5DB;
	_ =	swait.ge @!p0 [sflag:s15], $0x4000  }
0x2b: {  	p2 =	por @!p1 $0x1, $0x1;
	[sflag:s15] =	ssyncset.done @!p0 $0x0  }
0x2c: {  	s11 =	simm.s32 @!p0 $0x800;
	s14 =	simm.s32 @!p0 $0x400;
	[sflag:s15] =	ssyncadd.s32 @!p0 $0xFFFFC000  }
0x2d: {  	[hbm4b:s6+s14] =	stream.strided.scatter @!p0 [tilespmem:s13], [sflag:$0x2], $0x4000, s11, s14, $0x38;
	[tilespmem:$0x10200] =	vst v63  }
0x2e: {  	p2 =	por p2, p1;
	s13 =	sadd.s32 @!p0 $0x80, s6  }
0x2f: {  	[hbm4b:s13+s14] =	stream.strided.scatter @!p0 [tilespmem:s12], [sflag:$0x2], $0x4000, s11, s14, $0x38;
	[tilespmem:$0x10200] =	vst v63  }
0x30: {  	s11 =	simm.s32 @!p2 $0x3  }
0x31: {  	_ =	swait.ge @!p2 [sflag:s11], $0x4000  }
0x32: {  	[sflag:s11] =	ssyncset.done @!p2 $0x0  }
0x33: {  	[sflag:s11] =	ssyncadd.s32 @!p2 $0xFFFFC000  }
0x34: {  	_ =	swait.ge @!p2 [sflag:s11], $0x4000  }
0x35: {  	s12 =	simm.s32 @!p1 $0x80;
	s13 =	simm.s32 @!p1 $0x4;
	[sflag:s11] =	ssyncset.done @!p2 $0x0  }
0x36: {  	s14 =	simm.s32 @!p1 $0x0;
	[sflag:s11] =	ssyncadd.s32 @!p2 $0xFFFFC000;
	s11 =	sadd.s32 @!p1 $0x0, s7  }
0x37: {  	[tilespmem:s12], [sflag:$0x4] =	stream.linear.gather @!p1 [hbm4b:s11+s14], $0x80, $0x38;
	[tilespmem:$0x10200] =	vst v63  }
0x38: {  	_ =	swait.ge @!p1 [sflag:s13], $0x80  }
0x39: {  	[sflag:s13] =	ssyncset.done @!p1 $0x0  }
0x3a: {  	s15 =	simm.s32 @!p1 $0x180;
	s11 =	sadd.s32 @!p1 $0x0, s8;
	[sflag:s13] =	ssyncadd.s32 @!p1 $0xFFFFFF80  }
0x3b: {  	[tilespmem:s15], [sflag:$0x4] =	stream.linear.gather @!p1 [hbm4b:s11+s14], $0x80, $0x38;
	[tilespmem:$0x10200] =	vst v63  }
0x3c: {  	_ =	swait.ge @!p1 [sflag:s13], $0x80  }
0x3d: {  	[sflag:s13] =	ssyncset.done @!p1 $0x0  }
0x3e: {  	s21 =	simm.s32 @!p1 $0x4200;
	[sflag:s13] =	ssyncadd.s32 @!p1 $0xFFFFFF80  }
0x3f: {  	[tilespmem:s21], [sflag:$0x1] =	stream.indirect.gather @!p1 [hbm4b:s1+s12], $0x80, s12, s12, $0xb8;
	[tilespmem:$0x10200] =	vst v63  }
0x40: {  	s20 =	simm.s32 @!p1 $0xC200;
	s16 =	simm.s32 @!p1 $0x1;
	s18 =	sadd.s32 @!p1 $0x20000, s6  }
0x41: {  	[tilespmem:s20], [sflag:$0x1] =	stream.indirect.gather @!p1 [hbm4b:s1+s12], $0x80, s15, s12, $0xb8;
	[tilespmem:$0x10200] =	vst v63  }
0x42: {  	s17 =	simm.s32 @!p1 $0x400;
	s19 =	simm.s32 @!p1 $0x800;
	_ =	swait.ge @!p1 [sflag:s16], $0x4000  }
0x43: {  	s14 =	simm.s32 $0x800;
	s13 =	sadd.s32 $0x40, s5;
	[sflag:s16] =	ssyncset.done @!p1 $0x0  }
0x44: {  	s11 =	sadd.s32 $0x40000, s6;
	s31 =	sadd.s32 $0xFFFFFFE0, s13;
	[sflag:s16] =	ssyncadd.s32 @!p1 $0xFFFFC000  }
0x45: {  	p0 =	sgt.u32 s31, $0x5DB;
	s12 =	simm.s32 $0x400;
	_ =	swait.ge @!p1 [sflag:s16], $0x4000  }
0x46: {  	p3 =	por @!p0 $0x0, $0x0;
	s15 =	smov.u32 s6;
	[sflag:s16] =	ssyncset.done @!p1 $0x0  }
.LBB2_2:
0x47: {  	p3 =	por p3, p0;
	[sflag:s16] =	ssyncadd.s32 @!p1 $0xFFFFC000  }
0x48: {  	[hbm4b:s18+s17] =	stream.strided.scatter @!p1 [tilespmem:s21], [sflag:$0x3], $0x4000, s19, s17, $0x38;
	[tilespmem:$0x10200] =	vst v63  }
0x49: {  	s15 =	sadd.s32 @!p1 $0x20080, s15;
	s18 =	simm.s32 @!p3 $0x2  }
0x4a: {  	[hbm4b:s15+s17] =	stream.strided.scatter @!p1 [tilespmem:s20], [sflag:$0x3], $0x4000, s19, s17, $0x38;
	[tilespmem:$0x10200] =	vst v63  }
0x4b: {  	_ =	swait.ge @!p3 [sflag:s18], $0x4000  }
0x4c: {  	[sflag:s18] =	ssyncset.done @!p3 $0x0  }
0x4d: {  	[sflag:s18] =	ssyncadd.s32 @!p3 $0xFFFFC000  }
0x4e: {  	_ =	swait.ge @!p3 [sflag:s18], $0x4000  }
0x4f: {  	s19 =	simm.s32 @!p0 $0x4;
	[sflag:s18] =	ssyncset.done @!p3 $0x0;
	s17 =	rddreg [dreg:$0x4]  }
0x50: {  	[sflag:s18] =	ssyncadd.s32 @!p3 $0xFFFFC000;
	s17 =	sadd.s32 @!p0 s12, s17;
	s18 =	simm.s32 @!p0 $0x0  }
0x51: {  	[tilespmem:s18], [sflag:$0x4] =	stream.linear.gather @!p0 [hbm4b:s17+s18], $0x80, $0x38;
	[tilespmem:$0x10200] =	vst v63  }
0x52: {  	_ =	swait.ge @!p0 [sflag:s19], $0x80  }
0x53: {  	[sflag:s19] =	ssyncset.done @!p0 $0x0;
	s17 =	rddreg [dreg:$0x5]  }
0x54: {  	s20 =	simm.s32 @!p0 $0x100;
	[sflag:s19] =	ssyncadd.s32 @!p0 $0xFFFFFF80;
	s17 =	sadd.s32 @!p0 s12, s17  }
0x55: {  	[tilespmem:s20], [sflag:$0x4] =	stream.linear.gather @!p0 [hbm4b:s17+s18], $0x80, $0x38;
	[tilespmem:$0x10200] =	vst v63  }
0x56: {  	_ =	swait.ge @!p0 [sflag:s19], $0x80  }
0x57: {  	[sflag:s19] =	ssyncset.done @!p0 $0x0  }
0x58: {  	s17 =	simm.s32 @!p0 $0x80;
	[sflag:s19] =	ssyncadd.s32 @!p0 $0xFFFFFF80;
	s19 =	simm.s32 @!p0 $0x200  }
0x59: {  	[tilespmem:s19], [sflag:$0x1] =	stream.indirect.gather @!p0 [hbm4b:s1+s17], $0x80, s18, s17, $0xb8;
	[tilespmem:$0x10200] =	vst v63  }
0x5a: {  	s21 =	simm.s32 @!p0 $0x8200;
	s18 =	simm.s32 @!p0 $0x1  }
0x5b: {  	[tilespmem:s21], [sflag:$0x1] =	stream.indirect.gather @!p0 [hbm4b:s1+s17], $0x80, s20, s17, $0xb8;
	[tilespmem:$0x10200] =	vst v63  }
0x5c: {  	_ =	swait.ge @!p0 [sflag:s18], $0x4000  }
0x5d: {  	[sflag:s18] =	ssyncset.done @!p0 $0x0  }
0x5e: {  	[sflag:s18] =	ssyncadd.s32 @!p0 $0xFFFFC000  }
0x5f: {  	p1 =	sgt.u32 s13, $0x5DB;
	_ =	swait.ge @!p0 [sflag:s18], $0x4000  }
0x60: {  	p3 =	seq.s32 @!p1 s12, $0x0;
	[sflag:s18] =	ssyncset.done @!p0 $0x0  }
0x61: {  	s17 =	simm.s32 @!p0 $0x800;
	s20 =	simm.s32 @!p0 $0x400;
	[sflag:s18] =	ssyncadd.s32 @!p0 $0xFFFFC000  }
0x62: {  	[hbm4b:s11+s20] =	stream.strided.scatter @!p0 [tilespmem:s19], [sflag:$0x2], $0x4000, s17, s20, $0x38;
	[tilespmem:$0x10200] =	vst v63  }
0x63: {  	p3 =	por p3, p1;
	s19 =	sadd.s32 @!p0 $0x80, s11  }
0x64: {  	[hbm4b:s19+s20] =	stream.strided.scatter @!p0 [tilespmem:s21], [sflag:$0x2], $0x4000, s17, s20, $0x38;
	[tilespmem:$0x10200] =	vst v63  }
0x65: {  	s20 =	simm.s32 @!p3 $0x3  }
0x66: {  	_ =	swait.ge @!p3 [sflag:s20], $0x4000  }
0x67: {  	[sflag:s20] =	ssyncset.done @!p3 $0x0  }
0x68: {  	[sflag:s20] =	ssyncadd.s32 @!p3 $0xFFFFC000  }
0x69: {  	_ =	swait.ge @!p3 [sflag:s20], $0x4000  }
0x6a: {  	s22 =	simm.s32 @!p1 $0x80;
	s23 =	simm.s32 @!p1 $0x0;
	[sflag:s20] =	ssyncset.done @!p3 $0x0  }
0x6b: {  	s21 =	simm.s32 @!p1 $0x4;
	[sflag:s20] =	ssyncadd.s32 @!p3 $0xFFFFC000;
	s20 =	sadd.s32 @!p1 s12, s7  }
0x6c: {  	[tilespmem:s22], [sflag:$0x4] =	stream.linear.gather @!p1 [hbm4b:s20+s23], $0x80, $0x38;
	[tilespmem:$0x10200] =	vst v63  }
0x6d: {  	_ =	swait.ge @!p1 [sflag:s21], $0x80  }
0x6e: {  	[sflag:s21] =	ssyncset.done @!p1 $0x0  }
0x6f: {  	s24 =	simm.s32 @!p1 $0x180;
	s12 =	sadd.s32 @!p1 s12, s8;
	[sflag:s21] =	ssyncadd.s32 @!p1 $0xFFFFFF80  }
0x70: {  	[tilespmem:s24], [sflag:$0x4] =	stream.linear.gather @!p1 [hbm4b:s12+s23], $0x80, $0x38;
	[tilespmem:$0x10200] =	vst v63  }
0x71: {  	_ =	swait.ge @!p1 [sflag:s21], $0x80  }
0x72: {  	s30 =	smov.u32 s14;
	s14 =	sadd.s32 $0x400, s14;
	[sflag:s21] =	ssyncset.done @!p1 $0x0  }
0x73: {  	p2 =	sne.s32 s14, $0x6000;
	[sflag:s21] =	ssyncadd.s32 @!p1 $0xFFFFFF80;
	s21 =	simm.s32 @!p1 $0x4200  }
0x74: {  	[tilespmem:s21], [sflag:$0x1] =	stream.indirect.gather @!p1 [hbm4b:s1+s22], $0x80, s22, s22, $0xb8;
	[tilespmem:$0x10200] =	vst v63  }
0x75: {  	s15 =	smov.u32 s11;
	s16 =	simm.s32 @!p1 $0x1;
	s20 =	simm.s32 @!p1 $0xC200  }
0x76: {  	[tilespmem:s20], [sflag:$0x1] =	stream.indirect.gather @!p1 [hbm4b:s1+s22], $0x80, s24, s22, $0xb8;
	[tilespmem:$0x10200] =	vst v63  }
.Ltmp0:
0x77: {  	s13 =	sadd.s32 $0x40, s13;
	_ =	swait.ge @!p1 [sflag:s16], $0x4000;
	(pc) =	sbr.rel @p2 .LBB2_2-.Ltmp0, $4  }
0x78: {  	s31 =	sadd.s32 $0xFFFFFFE0, s13;
	s18 =	sadd.s32 @!p1 $0x20000, s11;
	[sflag:s16] =	ssyncset.done @!p1 $0x0  }
0x79: {  	s11 =	sadd.s32 $0x40000, s11;
	s17 =	simm.s32 @!p1 $0x400;
	[sflag:s16] =	ssyncadd.s32 @!p1 $0xFFFFC000  }
0x7a: {  	p0 =	sgt.u32 s31, $0x5DB;
	s12 =	smov.u32 s30;
	_ =	swait.ge @!p1 [sflag:s16], $0x4000  }
0x7b: {  	s19 =	simm.s32 @!p1 $0x800;
	p3 =	seq.s32 @!p0 s12, $0x0;
	[sflag:s16] =	ssyncset.done @!p1 $0x0  }
0x7c: {  	p2 =	por p3, p0;
	[sflag:s16] =	ssyncadd.s32 @!p1 $0xFFFFC000  }
0x7d: {  	[hbm4b:s18+s17] =	stream.strided.scatter @!p1 [tilespmem:s21], [sflag:$0x3], $0x4000, s19, s17, $0x38;
	[tilespmem:$0x10200] =	vst v63  }
0x7e: {  	s15 =	sadd.s32 @!p1 $0x20080, s15;
	s14 =	simm.s32 @!p2 $0x2  }
0x7f: {  	[hbm4b:s15+s17] =	stream.strided.scatter @!p1 [tilespmem:s20], [sflag:$0x3], $0x4000, s19, s17, $0x38;
	[tilespmem:$0x10200] =	vst v63  }
0x80: {  	_ =	swait.ge @!p2 [sflag:s14], $0x4000  }
0x81: {  	[sflag:s14] =	ssyncset.done @!p2 $0x0  }
0x82: {  	[sflag:s14] =	ssyncadd.s32 @!p2 $0xFFFFC000  }
0x83: {  	_ =	swait.ge @!p2 [sflag:s14], $0x4000  }
0x84: {  	s16 =	simm.s32 @!p0 $0x4;
	s15 =	rddreg [dreg:$0x4];
	[sflag:s14] =	ssyncset.done @!p2 $0x0  }
0x85: {  	[sflag:s14] =	ssyncadd.s32 @!p2 $0xFFFFC000;
	s14 =	sadd.s32 @!p0 s12, s15;
	s15 =	simm.s32 @!p0 $0x0  }
0x86: {  	[tilespmem:s15], [sflag:$0x4] =	stream.linear.gather @!p0 [hbm4b:s14+s15], $0x80, $0x38;
	[tilespmem:$0x10200] =	vst v63  }
0x87: {  	_ =	swait.ge @!p0 [sflag:s16], $0x80  }
0x88: {  	s14 =	rddreg [dreg:$0x5];
	[sflag:s16] =	ssyncset.done @!p0 $0x0  }
0x89: {  	s17 =	simm.s32 @!p0 $0x100;
	[sflag:s16] =	ssyncadd.s32 @!p0 $0xFFFFFF80;
	s14 =	sadd.s32 @!p0 s12, s14  }
0x8a: {  	[tilespmem:s17], [sflag:$0x4] =	stream.linear.gather @!p0 [hbm4b:s14+s15], $0x80, $0x38;
	[tilespmem:$0x10200] =	vst v63  }
0x8b: {  	_ =	swait.ge @!p0 [sflag:s16], $0x80  }
0x8c: {  	[sflag:s16] =	ssyncset.done @!p0 $0x0  }
0x8d: {  	s14 =	simm.s32 @!p0 $0x80;
	[sflag:s16] =	ssyncadd.s32 @!p0 $0xFFFFFF80;
	s16 =	simm.s32 @!p0 $0x200  }
0x8e: {  	[tilespmem:s16], [sflag:$0x1] =	stream.indirect.gather @!p0 [hbm4b:s1+s14], $0x80, s15, s14, $0xb8;
	[tilespmem:$0x10200] =	vst v63  }
0x8f: {  	s18 =	simm.s32 @!p0 $0x1;
	s15 =	simm.s32 @!p0 $0x8200  }
0x90: {  	[tilespmem:s15], [sflag:$0x1] =	stream.indirect.gather @!p0 [hbm4b:s1+s14], $0x80, s17, s14, $0xb8;
	[tilespmem:$0x10200] =	vst v63  }
0x91: {  	_ =	swait.ge @!p0 [sflag:s18], $0x4000  }
0x92: {  	[sflag:s18] =	ssyncset.done @!p0 $0x0  }
0x93: {  	[sflag:s18] =	ssyncadd.s32 @!p0 $0xFFFFC000  }
0x94: {  	_ =	swait.ge @!p0 [sflag:s18], $0x4000  }
0x95: {  	p1 =	sgt.u32 s13, $0x5DB;
	s13 =	simm.s32 @!p0 $0x400;
	[sflag:s18] =	ssyncset.done @!p0 $0x0  }
0x96: {  	p2 =	seq.s32 @!p1 s12, $0x0;
	s14 =	simm.s32 @!p0 $0x800;
	[sflag:s18] =	ssyncadd.s32 @!p0 $0xFFFFC000  }
0x97: {  	[hbm4b:s11+s13] =	stream.strided.scatter @!p0 [tilespmem:s16], [sflag:$0x2], $0x4000, s14, s13, $0x38;
	[tilespmem:$0x10200] =	vst v63  }
0x98: {  	p2 =	por p2, p1;
	s16 =	sadd.s32 @!p0 $0x80, s11  }
0x99: {  	[hbm4b:s16+s13] =	stream.strided.scatter @!p0 [tilespmem:s15], [sflag:$0x2], $0x4000, s14, s13, $0x38;
	[tilespmem:$0x10200] =	vst v63  }
0x9a: {  	s13 =	simm.s32 @!p2 $0x3  }
0x9b: {  	_ =	swait.ge @!p2 [sflag:s13], $0x4000  }
0x9c: {  	[sflag:s13] =	ssyncset.done @!p2 $0x0  }
0x9d: {  	[sflag:s13] =	ssyncadd.s32 @!p2 $0xFFFFC000  }
0x9e: {  	_ =	swait.ge @!p2 [sflag:s13], $0x4000  }
0x9f: {  	s14 =	simm.s32 @!p1 $0x80;
	s15 =	simm.s32 @!p1 $0x4;
	[sflag:s13] =	ssyncset.done @!p2 $0x0  }
0xa0: {  	s16 =	simm.s32 @!p1 $0x0;
	[sflag:s13] =	ssyncadd.s32 @!p2 $0xFFFFC000;
	s13 =	sadd.s32 @!p1 s12, s7  }
0xa1: {  	[tilespmem:s14], [sflag:$0x4] =	stream.linear.gather @!p1 [hbm4b:s13+s16], $0x80, $0x38;
	[tilespmem:$0x10200] =	vst v63  }
0xa2: {  	_ =	swait.ge @!p1 [sflag:s15], $0x80  }
0xa3: {  	[sflag:s15] =	ssyncset.done @!p1 $0x0  }
0xa4: {  	s12 =	sadd.s32 @!p1 s12, s8;
	s13 =	simm.s32 @!p1 $0x180;
	[sflag:s15] =	ssyncadd.s32 @!p1 $0xFFFFFF80  }
0xa5: {  	[tilespmem:s13], [sflag:$0x4] =	stream.linear.gather @!p1 [hbm4b:s12+s16], $0x80, $0x38;
	[tilespmem:$0x10200] =	vst v63  }
0xa6: {  	_ =	swait.ge @!p1 [sflag:s15], $0x80  }
0xa7: {  	[sflag:s15] =	ssyncset.done @!p1 $0x0  }
0xa8: {  	s12 =	simm.s32 @!p1 $0x4200;
	[sflag:s15] =	ssyncadd.s32 @!p1 $0xFFFFFF80  }
0xa9: {  	[tilespmem:s12], [sflag:$0x1] =	stream.indirect.gather @!p1 [hbm4b:s1+s14], $0x80, s14, s14, $0xb8;
	[tilespmem:$0x10200] =	vst v63  }
0xaa: {  	s16 =	simm.s32 @!p1 $0x1;
	s15 =	simm.s32 @!p1 $0xC200  }
0xab: {  	[tilespmem:s15], [sflag:$0x1] =	stream.indirect.gather @!p1 [hbm4b:s1+s14], $0x80, s13, s14, $0xb8;
	[tilespmem:$0x10200] =	vst v63  }
0xac: {  	_ =	swait.ge @!p1 [sflag:s16], $0x4000  }
0xad: {  	[sflag:s16] =	ssyncset.done @!p1 $0x0  }
0xae: {  	[sflag:s16] =	ssyncadd.s32 @!p1 $0xFFFFC000  }
0xaf: {  	_ =	swait.ge @!p1 [sflag:s16], $0x4000  }
0xb0: {  	s17 =	simm.s32 @!p1 $0x800;
	[sflag:s16] =	ssyncset.done @!p1 $0x0  }
0xb1: {  	s13 =	sadd.s32 @!p1 $0x20000, s11;
	s14 =	simm.s32 @!p1 $0x400;
	[sflag:s16] =	ssyncadd.s32 @!p1 $0xFFFFC000  }
0xb2: {  	[hbm4b:s13+s14] =	stream.strided.scatter @!p1 [tilespmem:s12], [sflag:$0x3], $0x4000, s17, s14, $0x38;
	[tilespmem:$0x10200] =	vst v63  }
0xb3: {  	s11 =	sadd.s32 @!p1 $0x20080, s11  }
0xb4: {  	[hbm4b:s11+s14] =	stream.strided.scatter @!p1 [tilespmem:s15], [sflag:$0x3], $0x4000, s17, s14, $0x38;
	[tilespmem:$0x10200] =	vst v63  }
0xb5: {  	_ =	swait.ge [sflag:s9], $0x4000  }
0xb6: {  	[sflag:s9] =	ssyncset.done $0x0  }
0xb7: {  	[sflag:s9] =	ssyncadd.s32 $0xFFFFC000  }
0xb8: {  	_ =	swait.ge [sflag:s9], $0x4000  }
0xb9: {  	[sflag:s9] =	ssyncset.done $0x0  }
0xba: {  	s3 =	sadd.s32 $0x1, s3;
	[sflag:s9] =	ssyncadd.s32 $0xFFFFC000  }
0xbb: {  	p0 =	sne.s32 s3, s4;
	_ =	swait.ge [sflag:s10], $0x4000  }
.Ltmp1:
0xbc: {  	[sflag:s10] =	ssyncset.done $0x0;
	(pc) =	sbr.rel @p0 .LBB2_1-.Ltmp1, $4  }
0xbd: {  	[sflag:s10] =	ssyncadd.s32 $0xFFFFC000  }
0xbe: {  	_ =	swait.ge [sflag:s10], $0x4000  }
0xbf: {  	[sflag:s10] =	ssyncset.done $0x0  }
0xc0: {  	[sflag:s10] =	ssyncadd.s32 $0xFFFFC000  }
0xc1: {  	_ =	sfence.sel $0x180000  }
0xc2: {  	[bflag:$0x0] =	sbarrier.arrive $0xFFFF  }
0xc3: {  	p0 =	sne.s32 s2, $0x0;
	_ =	strace $0x90000047  }
0xc4: {  	s0 =	sadd.s32 @!p0 $0x100000, s0;
	[bflag:$0x2] =	sbarrier.arrive $0xFFFF  }
0xc5: {  	[sflag:s0] =	ssyncadd.tile.s32 @!p0 $0x1;
	_ =	shalt  }
.Lfunc_end2:
_tile_overlayer_lowered:
.L_overlay_start_2:
0xc6: {  	(tag) =	ssettag $0x2  }
0xc7: {  	s0 =	rddreg [dreg:$0x0];
	s2 =	stileid.u32  }
0xc8: {  	s1 =	rddreg [dreg:$0x1];
	p0 =	sne.s32 s2, $0x0  }
0xc9: {  	s3 =	rddreg [dreg:$0x2];
	[bflag:$0x3] =	sbarrier.arrive $0xFFFF;
	s2 =	simm.s32 @!p0 $0x1C04  }
0xca: {  	[timem:s3], [sflag:s2] =	dma.local @!p0 [hbm:s0], s1  }
0xcb: {  	s0 =	simm.s32 @!p0 $0x4  }
0xcc: {  	_ =	swait.ge @!p0 [sflag:s0], s1  }
0xcd: {  	s1 =	ssub.s32 @!p0 $0x0, s1;
	[sflag:s0] =	ssyncset.done @!p0 $0x0  }
0xce: {  	[sflag:s0] =	ssyncadd.s32 @!p0 s1  }
0xcf: {  	[bflag:$0x3] =	sbarrier.arrive $0xFFFF  }
0xd0: {  	_ =	shalt  }

// kernel: kernel.13.cloned.1.call-start
scs
__scs_entry_jumppad:
0x0: {  	(pc) =	sbr.rel $0x88, $3  }
0x1: {  	(tag) =	ssettag $0x0;
	lr =	simm.s32 $0x1  }
0x2: {  	[smem:$0x3F8D] =	sst lr;
	_ =	strace $0xD0000000  }
0x3: {  	_ = 	snop  }
0x4: {  	_ = 	snop  }
0x5: {  	_ = 	snop  }
0x6: {  	_ = 	snop  }
0x7: {  	_ = 	snop  }
__scs_overlays_trampoline_lowered:
0x8: {  	[smem:$0x3F9C] =	sst s0  }
0x9: {  	[smem:$0x3F9D] =	sst s1  }
0xa: {  	[smem:$0x3F9E] =	sst s2  }
0xb: {  	[smem:$0x3F9F] =	sst s3  }
0xc: {  	[smem:$0x3FA0] =	sst s4  }
0xd: {  	[smem:$0x3FA1] =	sst s5  }
0xe: {  	[smem:$0x3FA2] =	sst s6  }
0xf: {  	[smem:$0x3FA3] =	sst s7  }
0x10: {  	[smem:$0x3FA4] =	sst s8  }
0x11: {  	[smem:$0x3FA5] =	sst s9;
	s0 =	simm.s32 @!p0 $0x0  }
0x12: {  	s1 =	sld [smem:$0x3F8B];
	s0 =	simm.s32 @p0 $0x1  }
0x13: {  	[smem:$0x3FA6] =	sst s0;
	s0 =	simm.s32 @!p1 $0x0  }
0x14: {  	s2 =	sld [smem:$0x3F8A];
	s0 =	simm.s32 @p1 $0x1  }
0x15: {  	[smem:$0x3FA7] =	sst s0;
	s0 =	simm.s32 @!p2 $0x0  }
0x16: {  	s3 =	sld [smem:$0x3FDB];
	s0 =	simm.s32 @p2 $0x1  }
0x17: {  	s4 =	simm.s32 $0x1BF5;
	[smem:$0x3FA9] =	sst s0  }
0x18: {  	s0 =	sld [smem:$0x3F8C];
	_ =	swait.ge [sflag:s4], $0x0  }
0x19: {  	s7 =	sld [smem:$0x3F8D]  }
0x1a: {  	s8 =	sadd.s32 $0xFFFFE003, lr  }
0x1b: {  	s9 =	sadd.s32 $0xFFFFFEF7, lr;
	s5 =	simm.s32 $0xFFFFFFFF;
	p2 =	slt.u32 s8, $0xFFFFF086  }
0x1c: {  	p1 =	slt.u32 s9, $0xF7A;
	s5 =	simm.s32 @!p2 $0x0  }
0x1d: {  	s5 =	simm.s32 @p1 $0x1;
	p0 =	seq.s32 s7, s2  }
0x1e: {  	s7 =	smul.u32 @!p0 $0xF7A, s2;
	p2 =	seq.s32 @!p0 s5, $0x0  }
0x1f: {  	s9 =	smul.u32 $0xF7A, s1;
	s8 =	simm.s32 @!p0 $0x1BF5;
	p2 =	por !p2, p0  }
0x20: {  	[sflag:s8] =	ssyncset.s32 @!p0 $0xFFFFF086;
	s6 =	sadd.s32 @!p0 s3, s7;
	s7 =	simm.s32 @!p0 $0x108  }
0x21: {  	s3 =	sadd.s32 s3, s9;
	s6 =	sadd.s32 @!p0 $0x88, s6;
	s7 =	simm.s32 @p2 $0x1082  }
0x22: {  	[simem:s7], [sflag:s8] =	dma.local @!p0 [hbm:s6], $0xF7A  }
0x23: {  	s9 =	sor.u32 $0xD0000000, s2;
	s6 =	simm.s32 $0x108;
	_ =	swait.ge @!p0 [sflag:s8], $0x0  }
0x24: {  	s3 =	sadd.s32 $0x88, s3;
	s6 =	simm.s32 @!p1 $0x1082;
	[sflag:s4] =	ssyncset.s32 $0xFFFFF086  }
0x25: {  	[simem:s6], [sflag:s4] =	dma.local [hbm:s3], $0xF7A  }
0x26: {  	[smem:$0x3F8D] =	sst s1;
	(tag) =	ssettag s2;
	_ =	strace s9  }
0x27: {  	s1 =	sld [smem:$0x3F9D]  }
0x28: {  	s2 =	sld [smem:$0x3F9E]  }
0x29: {  	s4 =	sld [smem:$0x3FA0]  }
0x2a: {  	p0 =	seq.s32 s5, $0x0;
	s5 =	sld [smem:$0x3FA1]  }
0x2b: {  	s6 =	sld [smem:$0x3FA2]  }
0x2c: {  	s7 =	sld [smem:$0x3FA3]  }
0x2d: {  	s3 =	simm.s32 $0x108;
	s8 =	sld [smem:$0x3FA4]  }
0x2e: {  	s3 =	simm.s32 @!p0 $0x1082;
	s9 =	sld [smem:$0x3FA5]  }
0x2f: {  	lr =	sadd.s32 s0, s3;
	s0 =	sld [smem:$0x3F9C]  }
0x30: {  	s3 =	sld [smem:$0x3F9F]  }
0x31: {  	[smem:$0x3FA8] =	sst s10  }
0x32: {  	s10 =	sld [smem:$0x3FA6];
	_ =	sdelay $0x3  }
0x33: {  	p0 =	seq.s32 s10, $0x1;
	s10 =	sld [smem:$0x3FA8];
	_ =	sdelay $0x3  }
0x34: {  	[smem:$0x3FA8] =	sst s10  }
0x35: {  	s10 =	sld [smem:$0x3FA7];
	_ =	sdelay $0x3  }
0x36: {  	p1 =	seq.s32 s10, $0x1;
	s10 =	sld [smem:$0x3FA8];
	_ =	sdelay $0x3  }
0x37: {  	[smem:$0x3FA8] =	sst s10  }
0x38: {  	s10 =	sld [smem:$0x3FA9]  }
0x39: {  	_ = 	snop;
	(pc) =	sbr.ind lr, $3  }
0x3a: {  	_ = 	snop  }
0x3b: {  	_ = 	snop  }
0x3c: {  	p2 =	seq.s32 s10, $0x1;
	s10 =	sld [smem:$0x3FA8]  }
0x3d: {  	_ =	shalt  }
0x3e: {  	_ =	shalt  }
0x3f: {  	_ =	shalt  }
0x40: {  	_ =	shalt  }
0x41: {  	_ =	shalt  }
0x42: {  	_ =	shalt  }
0x43: {  	_ =	shalt  }
0x44: {  	_ =	shalt  }
0x45: {  	_ =	shalt  }
0x46: {  	_ =	shalt  }
0x47: {  	_ =	shalt  }
0x48: {  	_ =	shalt  }
0x49: {  	_ =	shalt  }
0x4a: {  	_ =	shalt  }
0x4b: {  	_ =	shalt  }
0x4c: {  	_ =	shalt  }
0x4d: {  	_ =	shalt  }
0x4e: {  	_ =	shalt  }
0x4f: {  	_ =	shalt  }
0x50: {  	_ =	shalt  }
0x51: {  	_ =	shalt  }
0x52: {  	_ =	shalt  }
0x53: {  	_ =	shalt  }
0x54: {  	_ =	shalt  }
0x55: {  	_ =	shalt  }
0x56: {  	_ =	shalt  }
0x57: {  	_ =	shalt  }
0x58: {  	_ =	shalt  }
0x59: {  	_ =	shalt  }
0x5a: {  	_ =	shalt  }
0x5b: {  	_ =	shalt  }
0x5c: {  	_ =	shalt  }
0x5d: {  	_ =	shalt  }
0x5e: {  	_ =	shalt  }
0x5f: {  	_ =	shalt  }
0x60: {  	_ =	shalt  }
0x61: {  	_ =	shalt  }
0x62: {  	_ =	shalt  }
0x63: {  	_ =	shalt  }
0x64: {  	_ =	shalt  }
0x65: {  	_ =	shalt  }
0x66: {  	_ =	shalt  }
0x67: {  	_ =	shalt  }
0x68: {  	_ =	shalt  }
0x69: {  	_ =	shalt  }
0x6a: {  	_ =	shalt  }
0x6b: {  	_ =	shalt  }
0x6c: {  	_ =	shalt  }
0x6d: {  	_ =	shalt  }
0x6e: {  	_ =	shalt  }
0x6f: {  	_ =	shalt  }
0x70: {  	_ =	shalt  }
0x71: {  	_ =	shalt  }
0x72: {  	_ =	shalt  }
0x73: {  	_ =	shalt  }
0x74: {  	_ =	shalt  }
0x75: {  	_ =	shalt  }
0x76: {  	_ =	shalt  }
0x77: {  	_ =	shalt  }
0x78: {  	_ =	shalt  }
0x79: {  	_ =	shalt  }
0x7a: {  	_ =	shalt  }
0x7b: {  	_ =	shalt  }
0x7c: {  	_ =	shalt  }
0x7d: {  	_ =	shalt  }
0x7e: {  	_ =	shalt  }
0x7f: {  	_ =	shalt  }
0x80: {  	_ =	shalt  }
0x81: {  	_ =	shalt  }
0x82: {  	_ =	shalt  }
0x83: {  	_ =	shalt  }
0x84: {  	_ =	shalt  }
0x85: {  	_ =	shalt  }
0x86: {  	_ =	shalt  }
0x87: {  	_ =	shalt  }
.Lfunc_end0:
.L_simem_size_0:
called_computation.1_lowered:
.L_overlay_start_0:
0x88: {  	s2 =	sld [smem:$0x3FD9]  }
0x89: {  	s3 =	sld [smem:$0x3FFE];
	_ =	sdelay $0x1  }
0x8a: {  	s1 =	srdreg.scid  }
0x8b: {  	s0 =	sand.u32 $0x1, s1  }
0x8c: {  	s17 =	sshll.u32 s0, $0xA;
	s2 =	sadd.s32 s3, s2  }
0x8d: {  	s2 =	sadd.s32 s2, s17  }
0x8e: {  	[smem:$0x3FB4] =	sst s2  }
0x8f: {  	_ = 	snop  }
0x90: {  	s18 =	sld [smem:$0x3FC9];
	(tm) =	ssettm $0x1  }
0x91: {  	s19 =	sld [smem:$0x3FFB];
	_ =	sdelay $0x3  }
0x92: {  	_ =	strace s19  }
0x93: {  	s2 =	sld [smem:$0x3FFC];
	_ =	sdelay $0x3  }
0x94: {  	_ =	strace s2  }
0x95: {  	s2 =	sld [smem:$0x3FFD];
	_ =	sdelay $0x3  }
0x96: {  	_ =	strace s2  }
0x97: {  	_ =	strace $0x8FFFFFFF  }
0x98: {  	s20 =	sld [smem:$0x3FDB];
	_ =	sdelay $0x1  }
0x99: {  	s4 =	simm.s32 $_scs_section_size  }
0x9a: {  	s5 =	simm.s32 $_size__tile_overlayer_lowered;
	s6 =	simm.s32 $_tile_overlayer_lowered  }
0x9b: {  	s7 =	simm.s32 $0x1BFF;
	s21 =	sshll.u32 s6, $0x1;
	s4 =	sadd.s32 s4, s20  }
0x9c: {  	s22 =	simm.s32 $0x0;
	s5 =	sshll.u32 s5, $0x1;
	s6 =	sadd.s32 s21, s4  }
0x9d: {  	[timem:s22], [sflag:s7] =	dma.local [hbm:s6], s5  }
0x9e: {  	_ =	swait.ge [sflag:s7], s5  }
0x9f: {  	s5 =	ssub.s32 $0x0, s5;
	[sflag:s7] =	ssyncset.done $0x0  }
0xa0: {  	[sflag:s7] =	ssyncadd.s32 s5;
	_ =	sdelay $0x1  }
0xa1: {  	s23 =	simm.s32 $0x1B8B  }
0xa2: {  	_ =	swait.ge [sflag:s23], $0x1  }
0xa3: {  	[sflag:s23] =	ssyncset.done $0x0  }
0xa4: {  	[sflag:s23] =	ssyncadd.s32 $0xFFFFFFFF  }
0xa5: {  	s5 =	sld [smem:$0x0]  }
0xa6: {  	s6 =	sand.u32 $0xFFFFFFFE, s1  }
0xa7: {  	p0 =	sne.s32 s1, s6  }
0xa8: {  	s6 =	sshll.u32 @p0 s6, $0xE  }
0xa9: {  	s6 =	sadd.s32 @p0 $0x11B8D, s6;
	s7 =	sshll.u32 @p0 s5, $0x11  }
0xaa: {  	s6 =	sor.u32 @p0 s7, s6  }
0xab: {  	[sflag:s6] =	ssyncadd.remote.s32 @p0 $0x1;
	_ =	sdelay $0x1  }
0xac: {  	s6 =	simm.s32 @p0 $0x1B8D  }
0xad: {  	_ =	swait.eq @p0 [sflag:s6], $0x1  }
0xae: {  	[sflag:s6] =	ssyncadd.s32 @p0 $0xFFFFFFFF  }
0xaf: {  	s7 =	sshll.u32 @!p0 s1, $0xE  }
0xb0: {  	s7 =	sor.u32 @!p0 $0x4000, s7;
	s6 =	simm.s32 @!p0 $0x1B8D  }
0xb1: {  	s5 =	sshll.u32 @!p0 s5, $0x11;
	s7 =	sadd.s32 @!p0 $0x11B8D, s7;
	_ =	swait.eq @!p0 [sflag:s6], $0x1  }
0xb2: {  	s5 =	sor.u32 @!p0 s5, s7;
	[sflag:s6] =	ssyncadd.s32 @!p0 $0xFFFFFFFF  }
0xb3: {  	s25 =	simm.s32 $0x1B8E;
	s24 =	sld [smem:$0x3FFE];
	[sflag:s5] =	ssyncadd.remote.s32 @!p0 $0x1  }
0xb4: {  	s26 =	simm.s32 $execute0_lowered;
	[smem:$0x3FD2] =	sst s25  }
0xb5: {  	s6 =	sshll.u32 s26, $0x1;
	_ =	strace $0x80000049;
	[dreg:$0x1] =	wrdreg $0xFFFFFFFF  }
0xb6: {  	s28 =	simm.s32 $_size_execute0_lowered;
	s4 =	sadd.s32 s4, s6;
	[dreg:$0x0] =	wrdreg $0x0  }
0xb7: {  	s6 =	sshll.u32 s28, $0x1;
	[dreg:$0x2] =	wrdreg s4  }
0xb8: {  	[dreg:$0x3] =	wrdreg s6  }
0xb9: {  	[dreg:$0x4] =	wrdreg $0xC0  }
0xba: {  	_ =	task [dreg:s22], $0x5FFFF  }
0xbb: {  	[dreg:$0x1] =	wrdreg $0xFFFFFFFF  }
0xbc: {  	[dreg:$0x0] =	wrdreg $0x60  }
0xbd: {  	[dreg:$0x2] =	wrdreg s18  }
0xbe: {  	[dreg:$0x3] =	wrdreg s24  }
0xbf: {  	[dreg:$0x4] =	wrdreg $0x9  }
0xc0: {  	_ =	task.clear_ibuf [dreg:s22], $0x5FFFF;
	_ =	strace $0x90000049  }
0xc1: {  	s29 =	simm.s32 $0x9;
	_ =	strace $0x8000004B  }
0xc2: {  	_ =	swait.ge [sflag:s29], $0x1  }
0xc3: {  	[sflag:s29] =	ssyncadd.s32 $0xFFFFFFFF  }
0xc4: {  	_ =	strace $0x9000004B  }
0xc5: {  	_ =	sfence  }
0xc6: {  	s30 =	sld [smem:$0x0];
	_ =	sdelay $0x2  }
0xc7: {  	s31 =	sshll.u32 s1, $0xD;
	s1 =	sshrl.u32 s1, $0x2  }
0xc8: {  	s4 =	sand.u32 $0x4000, s31;
	s1 =	sadd.s32 s1, s30  }
0xc9: {  	s0 =	sor.u32 s4, s0;
	s1 =	sshll.u32 s1, $0x11  }
0xca: {  	s0 =	sor.u32 s1, s0  }
0xcb: {  	s0 =	sadd.s32 $0x8F2B, s0  }
0xcc: {  	[sflag:s0] =	ssyncadd.remote.s32 $0x1  }
0xcd: {  	_ =	sfence.sel $0xFFFF  }
0xce: {  	[dreg:$0x0] =	wrdreg $0xFFFFFFFF;
	(pc) =	sbr.abs _section_cstart, $3  }
0xcf: {  	[dreg:$0x1] =	wrdreg $0xFFFFFFFF  }
0xd0: {  	_ =	task.clear_ibuf [dreg:s22], $0x2FFFF;
	_ =	strace $0x9FFFFFFF  }
0xd1: {  	(tm) =	ssettm $0x7FFFFFFF  }
tec
execute0_lowered:
.L_overlay_start_1:
0x0: {  	(tag) =	ssettag $0x1  }
0x1: {  	s1 =	rddreg [dreg:$0x0]  }
0x2: {  	s5 =	rddreg [dreg:$0x1];
	s3 =	simm.s32 $0x0  }
0x3: {  	s0 =	stileid.u32;
	s4 =	srdreg.scid;
	s16 =	simm.s32 $0x2  }
0x4: {  	s17 =	simm.s32 $0x3;
	s18 =	simm.s32 $0x0;
	[smem:$0x7FF] =	sst s3  }
0x5: {  	s7 =	sand.u32 $0x1, s4;
	s24 =	sshll.u32 s0, $0x1;
	s8 =	sadd.s32 $0x5E6200, s5  }
0x6: {  	s9 =	sadd.s32 $0x5EA200, s5;
	s6 =	sshll.u32 s0, $0xD;
	s12 =	sshll.u32 s0, $0x5  }
0x7: {  	_ =	strace $0x8000004A;
	s4 =	sor.u32 s7, s24;
	s10 =	ssub.s32 $0x2, s7  }
0x8: {  	s13 =	sshll.u32 s7, $0x4;
	s15 =	sadd.s32 s6, s5;
	s7 =	sshll.u32 s7, $0xC  }
0x9: {  	s4 =	sor.u32 $0x20, s4;
	s14 =	sshrl.u32 s10, $0x1;
	s12 =	sor.u32 s13, s12  }
0xa: {  	s7 =	sadd.s32 s7, s15;
	s13 =	simm.s32 $0x1;
	s15 =	simm.s32 $0x800  }
0xb: {  	s11 =	sshll.u32 s4, $0x4;
	s10 =	ssub.s32 s10, s14;
	s26 =	sand.u32 $0x70, s12  }
0xc: {  	s30 =	sand.u32 $0x180, s12;
	s7 =	sadd.s32 $0x60E280, s7;
	s12 =	simm.s32 $0x8200  }
0xd: {  	s14 =	simm.s32 $0x400;
	s11 =	sand.u32 $0x380, s11;
	s5 =	smax.u32 s10, $0x1  }
0xe: {  	s10 =	simm.s32 $0x80;
	s25 =	sadd.s32 s11, s8;
	s29 =	sadd.s32 s11, s9  }
0xf: {  	s8 =	sadd.s32 s30, s8;
	s9 =	sadd.s32 s30, s9;
	s28 =	sadd.s32 s26, s25  }
0x10: {  	s11 =	simm.s32 $0x200;
	s8 =	sadd.s32 s26, s8;
	[dreg:$0x5] =	wrdreg s28  }
0x11: {  	s6 =	sadd.s32 s26, s29;
	s31 =	sadd.s32 s26, s9;
	[dreg:$0x3] =	wrdreg s8  }
0x12: {  	s9 =	simm.s32 $0x100;
	[dreg:$0x4] =	wrdreg s31;
	s8 =	simm.s32 $0x4  }
.LBB2_1:
0x13: {  	p0 =	por $0x1, $0x1  }
0x14: {  	s19 =	simm.s32 @!p0 $0x2  }
0x15: {  	_ =	swait.ge @!p0 [sflag:s19], $0x4000  }
0x16: {  	[sflag:s19] =	ssyncset.done @!p0 $0x0  }
0x17: {  	[sflag:s19] =	ssyncadd.s32 @!p0 $0xFFFFC000  }
0x18: {  	_ =	swait.ge @!p0 [sflag:s19], $0x4000  }
0x19: {  	s20 =	rddreg [dreg:$0x3];
	[sflag:s19] =	ssyncset.done @!p0 $0x0  }
0x1a: {  	[sflag:s19] =	ssyncadd.s32 @!p0 $0xFFFFC000;
	s24 =	sadd.s32 $0x0, s20  }
0x1b: {  	[tilespmem:s3], [sflag:$0x4] =	stream.linear.gather [hbm4b:s24+s3], $0x80, $0x38;
	[tilespmem:$0x10200] =	vst v63  }
0x1c: {  	_ =	swait.ge [sflag:s8], $0x80  }
0x1d: {  	s25 =	rddreg [dreg:$0x4];
	[sflag:s8] =	ssyncset.done $0x0  }
0x1e: {  	[sflag:s8] =	ssyncadd.s32 $0xFFFFFF80;
	s19 =	sadd.s32 $0x0, s25  }
0x1f: {  	[tilespmem:s9], [sflag:$0x4] =	stream.linear.gather [hbm4b:s19+s3], $0x80, $0x38;
	[tilespmem:$0x10200] =	vst v63  }
0x20: {  	_ =	swait.ge [sflag:s8], $0x80  }
0x21: {  	[sflag:s8] =	ssyncset.done $0x0  }
0x22: {  	[sflag:s8] =	ssyncadd.s32 $0xFFFFFF80  }
0x23: {  	[tilespmem:s11], [sflag:$0x1] =	stream.indirect.gather [hbm4b:s1+s10], $0x80, s3, s10, $0xb8;
	[tilespmem:$0x10200] =	vst v63  }
0x24: {  	_ = 	snop  }
0x25: {  	[tilespmem:s12], [sflag:$0x1] =	stream.indirect.gather [hbm4b:s1+s10], $0x80, s9, s10, $0xb8;
	[tilespmem:$0x10200] =	vst v63  }
0x26: {  	_ =	swait.ge [sflag:s13], $0x4000  }
0x27: {  	[sflag:s13] =	ssyncset.done $0x0  }
0x28: {  	[sflag:s13] =	ssyncadd.s32 $0xFFFFC000  }
0x29: {  	p0 =	sgt.u32 s4, $0x3E7;
	_ =	swait.ge [sflag:s13], $0x4000  }
0x2a: {  	p1 =	por @!p0 $0x1, $0x1;
	[sflag:s13] =	ssyncset.done $0x0  }
0x2b: {  	s26 =	sadd.s32 $0xFFFDFF80, s7;
	p1 =	por p1, p0;
	[sflag:s13] =	ssyncadd.s32 $0xFFFFC000  }
0x2c: {  	[hbm4b:s26+s14] =	stream.strided.scatter [tilespmem:s11], [sflag:$0x2], $0x4000, s15, s14, $0x38;
	[tilespmem:$0x10200] =	vst v63  }
0x2d: {  	s31 =	sadd.s32 $0xFFFE0000, s7;
	s20 =	simm.s32 @!p1 $0x3  }
0x2e: {  	[hbm4b:s31+s14] =	stream.strided.scatter [tilespmem:s12], [sflag:$0x2], $0x4000, s15, s14, $0x38;
	[tilespmem:$0x10200] =	vst v63  }
0x2f: {  	_ =	swait.ge @!p1 [sflag:s20], $0x4000  }
0x30: {  	[sflag:s20] =	ssyncset.done @!p1 $0x0  }
0x31: {  	[sflag:s20] =	ssyncadd.s32 @!p1 $0xFFFFC000  }
0x32: {  	s21 =	simm.s32 @!p0 $0x0;
	_ =	swait.ge @!p1 [sflag:s20], $0x4000  }
0x33: {  	s22 =	simm.s32 @!p0 $0x80;
	s19 =	rddreg [dreg:$0x5];
	[sflag:s20] =	ssyncset.done @!p1 $0x0  }
0x34: {  	[sflag:s20] =	ssyncadd.s32 @!p1 $0xFFFFC000;
	s20 =	simm.s32 @!p0 $0x4;
	s19 =	sadd.s32 @!p0 $0x0, s19  }
0x35: {  	[tilespmem:s22], [sflag:$0x4] =	stream.linear.gather @!p0 [hbm4b:s19+s21], $0x80, $0x38;
	[tilespmem:$0x10200] =	vst v63  }
0x36: {  	_ =	swait.ge @!p0 [sflag:s20], $0x80  }
0x37: {  	[sflag:s20] =	ssyncset.done @!p0 $0x0  }
0x38: {  	s23 =	simm.s32 @!p0 $0x180;
	s19 =	sadd.s32 @!p0 $0x0, s6;
	[sflag:s20] =	ssyncadd.s32 @!p0 $0xFFFFFF80  }
0x39: {  	[tilespmem:s23], [sflag:$0x4] =	stream.linear.gather @!p0 [hbm4b:s19+s21], $0x80, $0x38;
	[tilespmem:$0x10200] =	vst v63  }
0x3a: {  	_ =	swait.ge @!p0 [sflag:s20], $0x80  }
0x3b: {  	[sflag:s20] =	ssyncset.done @!p0 $0x0  }
0x3c: {  	s30 =	simm.s32 @!p0 $0x4200;
	[sflag:s20] =	ssyncadd.s32 @!p0 $0xFFFFFF80  }
0x3d: {  	[tilespmem:s30], [sflag:$0x1] =	stream.indirect.gather @!p0 [hbm4b:s1+s22], $0x80, s22, s22, $0xb8;
	[tilespmem:$0x10200] =	vst v63  }
0x3e: {  	s29 =	simm.s32 @!p0 $0xC200;
	s24 =	simm.s32 @!p0 $0x1  }
0x3f: {  	[tilespmem:s29], [sflag:$0x1] =	stream.indirect.gather @!p0 [hbm4b:s1+s22], $0x80, s23, s22, $0xb8;
	[tilespmem:$0x10200] =	vst v63  }
0x40: {  	_ =	swait.ge @!p0 [sflag:s24], $0x4000  }
0x41: {  	s28 =	simm.s32 @!p0 $0x800;
	s25 =	simm.s32 @!p0 $0x400;
	[sflag:s24] =	ssyncset.done @!p0 $0x0  }
0x42: {  	s26 =	sadd.s32 @!p0 $0xFFFFFF80, s7;
	s19 =	simm.s32 $0x400;
	[sflag:s24] =	ssyncadd.s32 @!p0 $0xFFFFC000  }
0x43: {  	s21 =	sadd.s32 $0x40, s4;
	s20 =	smov.u32 s7;
	_ =	swait.ge @!p0 [sflag:s24], $0x4000  }
0x44: {  	s22 =	simm.s32 $0x800;
	s23 =	smov.u32 s7;
	[sflag:s24] =	ssyncset.done @!p0 $0x0  }
.LBB2_2:
0x45: {  	[sflag:s24] =	ssyncadd.s32 @!p0 $0xFFFFC000  }
0x46: {  	[hbm4b:s26+s25] =	stream.strided.scatter @!p0 [tilespmem:s30], [sflag:$0x3], $0x4000, s28, s25, $0x38;
	[tilespmem:$0x10200] =	vst v63  }
0x47: {  	p2 =	seq.s32 s19, $0x0  }
0x48: {  	[hbm4b:s23+s25] =	stream.strided.scatter @!p0 [tilespmem:s29], [sflag:$0x3], $0x4000, s28, s25, $0x38;
	[tilespmem:$0x10200] =	vst v63  }
0x49: {  	s25 =	simm.s32 @!p2 $0x2  }
0x4a: {  	_ =	swait.ge @!p2 [sflag:s25], $0x4000  }
0x4b: {  	[sflag:s25] =	ssyncset.done @!p2 $0x0  }
0x4c: {  	[sflag:s25] =	ssyncadd.s32 @!p2 $0xFFFFC000  }
0x4d: {  	_ =	swait.ge @!p2 [sflag:s25], $0x4000  }
0x4e: {  	[sflag:s25] =	ssyncset.done @!p2 $0x0;
	s2 =	rddreg [dreg:$0x3]  }
0x4f: {  	[sflag:s25] =	ssyncadd.s32 @!p2 $0xFFFFC000;
	s26 =	sadd.s32 s19, s2  }
0x50: {  	[tilespmem:s3], [sflag:$0x4] =	stream.linear.gather [hbm4b:s26+s3], $0x80, $0x38;
	[tilespmem:$0x10200] =	vst v63  }
0x51: {  	_ =	swait.ge [sflag:s8], $0x80  }
0x52: {  	s31 =	rddreg [dreg:$0x4];
	[sflag:s8] =	ssyncset.done $0x0  }
0x53: {  	[sflag:s8] =	ssyncadd.s32 $0xFFFFFF80;
	s25 =	sadd.s32 s19, s31  }
0x54: {  	[tilespmem:s9], [sflag:$0x4] =	stream.linear.gather [hbm4b:s25+s3], $0x80, $0x38;
	[tilespmem:$0x10200] =	vst v63  }
0x55: {  	_ =	swait.ge [sflag:s8], $0x80  }
0x56: {  	[sflag:s8] =	ssyncset.done $0x0  }
0x57: {  	[sflag:s8] =	ssyncadd.s32 $0xFFFFFF80  }
0x58: {  	[tilespmem:s11], [sflag:$0x1] =	stream.indirect.gather [hbm4b:s1+s10], $0x80, s3, s10, $0xb8;
	[tilespmem:$0x10200] =	vst v63  }
0x59: {  	_ = 	snop  }
0x5a: {  	[tilespmem:s12], [sflag:$0x1] =	stream.indirect.gather [hbm4b:s1+s10], $0x80, s9, s10, $0xb8;
	[tilespmem:$0x10200] =	vst v63  }
0x5b: {  	_ =	swait.ge [sflag:s13], $0x4000  }
0x5c: {  	[sflag:s13] =	ssyncset.done $0x0  }
0x5d: {  	[sflag:s13] =	ssyncadd.s32 $0xFFFFC000  }
0x5e: {  	p0 =	sgt.u32 s21, $0x3E7;
	_ =	swait.ge [sflag:s13], $0x4000  }
0x5f: {  	s20 =	sadd.s32 $0x40000, s20;
	p2 =	seq.s32 @!p0 s19, $0x0;
	[sflag:s13] =	ssyncset.done $0x0  }
0x60: {  	s29 =	sadd.s32 $0xFFFDFF80, s20;
	p2 =	por p2, p0;
	[sflag:s13] =	ssyncadd.s32 $0xFFFFC000  }
0x61: {  	[hbm4b:s29+s14] =	stream.strided.scatter [tilespmem:s11], [sflag:$0x2], $0x4000, s15, s14, $0x38;
	[tilespmem:$0x10200] =	vst v63  }
0x62: {  	s30 =	simm.s32 @!p2 $0x3;
	s29 =	sadd.s32 $0xFFFE0000, s20  }
0x63: {  	[hbm4b:s29+s14] =	stream.strided.scatter [tilespmem:s12], [sflag:$0x2], $0x4000, s15, s14, $0x38;
	[tilespmem:$0x10200] =	vst v63  }
0x64: {  	_ =	swait.ge @!p2 [sflag:s30], $0x4000  }
0x65: {  	[sflag:s30] =	ssyncset.done @!p2 $0x0  }
0x66: {  	[sflag:s30] =	ssyncadd.s32 @!p2 $0xFFFFC000  }
0x67: {  	s0 =	simm.s32 @!p0 $0x80;
	_ =	swait.ge @!p2 [sflag:s30], $0x4000  }
0x68: {  	s31 =	simm.s32 @!p0 $0x0;
	[sflag:s30] =	ssyncset.done @!p2 $0x0;
	s29 =	rddreg [dreg:$0x5]  }
0x69: {  	[sflag:s30] =	ssyncadd.s32 @!p2 $0xFFFFC000;
	s30 =	simm.s32 @!p0 $0x4;
	s29 =	sadd.s32 @!p0 s19, s29  }
0x6a: {  	[tilespmem:s0], [sflag:$0x4] =	stream.linear.gather @!p0 [hbm4b:s29+s31], $0x80, $0x38;
	[tilespmem:$0x10200] =	vst v63  }
0x6b: {  	_ =	swait.ge @!p0 [sflag:s30], $0x80  }
0x6c: {  	[sflag:s30] =	ssyncset.done @!p0 $0x0  }
0x6d: {  	s2 =	simm.s32 @!p0 $0x180;
	s19 =	sadd.s32 @!p0 s19, s6;
	[sflag:s30] =	ssyncadd.s32 @!p0 $0xFFFFFF80  }
0x6e: {  	[tilespmem:s2], [sflag:$0x4] =	stream.linear.gather @!p0 [hbm4b:s19+s31], $0x80, $0x38;
	[tilespmem:$0x10200] =	vst v63  }
0x6f: {  	_ =	swait.ge @!p0 [sflag:s30], $0x80  }
0x70: {  	s24 =	smov.u32 s22;
	s22 =	sadd.s32 $0x400, s22;
	[sflag:s30] =	ssyncset.done @!p0 $0x0  }
0x71: {  	p1 =	sne.s32 s22, $0x4000;
	[sflag:s30] =	ssyncadd.s32 @!p0 $0xFFFFFF80;
	s30 =	simm.s32 @!p0 $0x4200  }
0x72: {  	[tilespmem:s30], [sflag:$0x1] =	stream.indirect.gather @!p0 [hbm4b:s1+s0], $0x80, s0, s0, $0xb8;
	[tilespmem:$0x10200] =	vst v63  }
0x73: {  	s29 =	simm.s32 @!p0 $0xC200;
	s19 =	smov.u32 s24;
	s24 =	simm.s32 @!p0 $0x1  }
0x74: {  	[tilespmem:s29], [sflag:$0x1] =	stream.indirect.gather @!p0 [hbm4b:s1+s0], $0x80, s2, s0, $0xb8;
	[tilespmem:$0x10200] =	vst v63  }
.Ltmp0:
0x75: {  	_ =	swait.ge @!p0 [sflag:s24], $0x4000;
	(pc) =	sbr.rel @p1 .LBB2_2-.Ltmp0, $4  }
0x76: {  	[sflag:s24] =	ssyncset.done @!p0 $0x0  }
0x77: {  	s23 =	smov.u32 s20;
	[sflag:s24] =	ssyncadd.s32 @!p0 $0xFFFFC000  }
0x78: {  	s21 =	sadd.s32 $0x40, s21;
	s28 =	simm.s32 @!p0 $0x800;
	_ =	swait.ge @!p0 [sflag:s24], $0x4000  }
0x79: {  	s26 =	sadd.s32 @!p0 $0xFFFFFF80, s20;
	s25 =	simm.s32 @!p0 $0x400;
	[sflag:s24] =	ssyncset.done @!p0 $0x0  }
0x7a: {  	[sflag:s24] =	ssyncadd.s32 @!p0 $0xFFFFC000;
	p1 =	seq.s32 s19, $0x0  }
0x7b: {  	[hbm4b:s26+s25] =	stream.strided.scatter @!p0 [tilespmem:s30], [sflag:$0x3], $0x4000, s28, s25, $0x38;
	[tilespmem:$0x10200] =	vst v63  }
0x7c: {  	s0 =	simm.s32 @!p1 $0x2  }
0x7d: {  	[hbm4b:s23+s25] =	stream.strided.scatter @!p0 [tilespmem:s29], [sflag:$0x3], $0x4000, s28, s25, $0x38;
	[tilespmem:$0x10200] =	vst v63  }
0x7e: {  	_ =	swait.ge @!p1 [sflag:s0], $0x4000  }
0x7f: {  	[sflag:s0] =	ssyncset.done @!p1 $0x0  }
0x80: {  	[sflag:s0] =	ssyncadd.s32 @!p1 $0xFFFFC000  }
0x81: {  	_ =	swait.ge @!p1 [sflag:s0], $0x4000  }
0x82: {  	s2 =	rddreg [dreg:$0x3];
	[sflag:s0] =	ssyncset.done @!p1 $0x0  }
0x83: {  	[sflag:s0] =	ssyncadd.s32 @!p1 $0xFFFFC000;
	s28 =	sadd.s32 s19, s2  }
0x84: {  	[tilespmem:s3], [sflag:$0x4] =	stream.linear.gather [hbm4b:s28+s3], $0x80, $0x38;
	[tilespmem:$0x10200] =	vst v63  }
0x85: {  	_ =	swait.ge [sflag:s8], $0x80  }
0x86: {  	s29 =	rddreg [dreg:$0x4];
	[sflag:s8] =	ssyncset.done $0x0  }
0x87: {  	[sflag:s8] =	ssyncadd.s32 $0xFFFFFF80;
	s0 =	sadd.s32 s19, s29  }
0x88: {  	[tilespmem:s9], [sflag:$0x4] =	stream.linear.gather [hbm4b:s0+s3], $0x80, $0x38;
	[tilespmem:$0x10200] =	vst v63  }
0x89: {  	_ =	swait.ge [sflag:s8], $0x80  }
0x8a: {  	[sflag:s8] =	ssyncset.done $0x0  }
0x8b: {  	[sflag:s8] =	ssyncadd.s32 $0xFFFFFF80  }
0x8c: {  	[tilespmem:s11], [sflag:$0x1] =	stream.indirect.gather [hbm4b:s1+s10], $0x80, s3, s10, $0xb8;
	[tilespmem:$0x10200] =	vst v63  }
0x8d: {  	_ = 	snop  }
0x8e: {  	[tilespmem:s12], [sflag:$0x1] =	stream.indirect.gather [hbm4b:s1+s10], $0x80, s9, s10, $0xb8;
	[tilespmem:$0x10200] =	vst v63  }
0x8f: {  	_ =	swait.ge [sflag:s13], $0x4000  }
0x90: {  	[sflag:s13] =	ssyncset.done $0x0  }
0x91: {  	[sflag:s13] =	ssyncadd.s32 $0xFFFFC000  }
0x92: {  	p0 =	sgt.u32 s21, $0x3E7;
	_ =	swait.ge [sflag:s13], $0x4000  }
0x93: {  	p1 =	seq.s32 @!p0 s19, $0x0;
	s0 =	sadd.s32 $0x40000, s20;
	[sflag:s13] =	ssyncset.done $0x0  }
0x94: {  	p1 =	por p1, p0;
	s30 =	sadd.s32 $0xFFFDFF80, s0;
	[sflag:s13] =	ssyncadd.s32 $0xFFFFC000  }
0x95: {  	[hbm4b:s30+s14] =	stream.strided.scatter [tilespmem:s11], [sflag:$0x2], $0x4000, s15, s14, $0x38;
	[tilespmem:$0x10200] =	vst v63  }
0x96: {  	s20 =	simm.s32 @!p1 $0x3;
	s31 =	sadd.s32 $0xFFFE0000, s0  }
0x97: {  	[hbm4b:s31+s14] =	stream.strided.scatter [tilespmem:s12], [sflag:$0x2], $0x4000, s15, s14, $0x38;
	[tilespmem:$0x10200] =	vst v63  }
0x98: {  	_ =	swait.ge @!p1 [sflag:s20], $0x4000  }
0x99: {  	[sflag:s20] =	ssyncset.done @!p1 $0x0  }
0x9a: {  	[sflag:s20] =	ssyncadd.s32 @!p1 $0xFFFFC000  }
0x9b: {  	s21 =	simm.s32 @!p0 $0x0;
	_ =	swait.ge @!p1 [sflag:s20], $0x4000  }
0x9c: {  	s22 =	simm.s32 @!p0 $0x80;
	s2 =	rddreg [dreg:$0x5];
	[sflag:s20] =	ssyncset.done @!p1 $0x0  }
0x9d: {  	[sflag:s20] =	ssyncadd.s32 @!p1 $0xFFFFC000;
	s20 =	simm.s32 @!p0 $0x4;
	s2 =	sadd.s32 @!p0 s19, s2  }
0x9e: {  	[tilespmem:s22], [sflag:$0x4] =	stream.linear.gather @!p0 [hbm4b:s2+s21], $0x80, $0x38;
	[tilespmem:$0x10200] =	vst v63  }
0x9f: {  	_ =	swait.ge @!p0 [sflag:s20], $0x80  }
0xa0: {  	[sflag:s20] =	ssyncset.done @!p0 $0x0  }
0xa1: {  	s2 =	sadd.s32 @!p0 s19, s6;
	s19 =	simm.s32 @!p0 $0x180;
	[sflag:s20] =	ssyncadd.s32 @!p0 $0xFFFFFF80  }
0xa2: {  	[tilespmem:s19], [sflag:$0x4] =	stream.linear.gather @!p0 [hbm4b:s2+s21], $0x80, $0x38;
	[tilespmem:$0x10200] =	vst v63  }
0xa3: {  	_ =	swait.ge @!p0 [sflag:s20], $0x80  }
0xa4: {  	[sflag:s20] =	ssyncset.done @!p0 $0x0  }
0xa5: {  	s2 =	simm.s32 @!p0 $0x4200;
	[sflag:s20] =	ssyncadd.s32 @!p0 $0xFFFFFF80  }
0xa6: {  	[tilespmem:s2], [sflag:$0x1] =	stream.indirect.gather @!p0 [hbm4b:s1+s22], $0x80, s22, s22, $0xb8;
	[tilespmem:$0x10200] =	vst v63  }
0xa7: {  	s21 =	simm.s32 @!p0 $0x1;
	s20 =	simm.s32 @!p0 $0xC200  }
0xa8: {  	[tilespmem:s20], [sflag:$0x1] =	stream.indirect.gather @!p0 [hbm4b:s1+s22], $0x80, s19, s22, $0xb8;
	[tilespmem:$0x10200] =	vst v63  }
0xa9: {  	_ =	swait.ge @!p0 [sflag:s21], $0x4000  }
0xaa: {  	[sflag:s21] =	ssyncset.done @!p0 $0x0  }
0xab: {  	[sflag:s21] =	ssyncadd.s32 @!p0 $0xFFFFC000  }
0xac: {  	_ =	swait.ge @!p0 [sflag:s21], $0x4000  }
0xad: {  	s23 =	simm.s32 @!p0 $0x800;
	[sflag:s21] =	ssyncset.done @!p0 $0x0  }
0xae: {  	s19 =	sadd.s32 @!p0 $0xFFFFFF80, s0;
	s22 =	simm.s32 @!p0 $0x400;
	[sflag:s21] =	ssyncadd.s32 @!p0 $0xFFFFC000  }
0xaf: {  	[hbm4b:s19+s22] =	stream.strided.scatter @!p0 [tilespmem:s2], [sflag:$0x3], $0x4000, s23, s22, $0x38;
	[tilespmem:$0x10200] =	vst v63  }
0xb0: {  	_ = 	snop  }
0xb1: {  	[hbm4b:s0+s22] =	stream.strided.scatter @!p0 [tilespmem:s20], [sflag:$0x3], $0x4000, s23, s22, $0x38;
	[tilespmem:$0x10200] =	vst v63  }
0xb2: {  	_ =	swait.ge [sflag:s16], $0x4000  }
0xb3: {  	[sflag:s16] =	ssyncset.done $0x0  }
0xb4: {  	[sflag:s16] =	ssyncadd.s32 $0xFFFFC000  }
0xb5: {  	_ =	swait.ge [sflag:s16], $0x4000  }
0xb6: {  	[sflag:s16] =	ssyncset.done $0x0  }
0xb7: {  	s18 =	sadd.s32 $0x1, s18;
	[sflag:s16] =	ssyncadd.s32 $0xFFFFC000  }
0xb8: {  	p0 =	sne.s32 s18, s5;
	_ =	swait.ge [sflag:s17], $0x4000  }
.Ltmp1:
0xb9: {  	[sflag:s17] =	ssyncset.done $0x0;
	(pc) =	sbr.rel @p0 .LBB2_1-.Ltmp1, $4  }
0xba: {  	[sflag:s17] =	ssyncadd.s32 $0xFFFFC000  }
0xbb: {  	_ =	swait.ge [sflag:s17], $0x4000  }
0xbc: {  	[sflag:s17] =	ssyncset.done $0x0  }
0xbd: {  	[sflag:s17] =	ssyncadd.s32 $0xFFFFC000  }
0xbe: {  	_ =	sfence.sel $0x180000  }
0xbf: {  	[bflag:$0x0] =	sbarrier.arrive $0xFFFF  }
0xc0: {  	_ =	strace $0x9000004A  }
0xc1: {  	s0 =	stileid.u32;
	[bflag:$0x2] =	sbarrier.arrive $0xFFFF  }
0xc2: {  	p0 =	sne.s32 s0, $0x0;
	s0 =	rddreg [dreg:$0x2]  }
0xc3: {  	s0 =	sadd.s32 @!p0 $0x100000, s0  }
0xc4: {  	[sflag:s0] =	ssyncadd.tile.s32 @!p0 $0x1;
	_ =	shalt  }
.Lfunc_end2:
_tile_overlayer_lowered:
.L_overlay_start_2:
0xc5: {  	(tag) =	ssettag $0x2  }
0xc6: {  	s0 =	rddreg [dreg:$0x0];
	s2 =	stileid.u32  }
0xc7: {  	s1 =	rddreg [dreg:$0x1];
	p0 =	sne.s32 s2, $0x0  }
0xc8: {  	s3 =	rddreg [dreg:$0x2];
	[bflag:$0x3] =	sbarrier.arrive $0xFFFF;
	s2 =	simm.s32 @!p0 $0x1C04  }
0xc9: {  	[timem:s3], [sflag:s2] =	dma.local @!p0 [hbm:s0], s1  }
0xca: {  	s0 =	simm.s32 @!p0 $0x4  }
0xcb: {  	_ =	swait.ge @!p0 [sflag:s0], s1  }
0xcc: {  	s1 =	ssub.s32 @!p0 $0x0, s1;
	[sflag:s0] =	ssyncset.done @!p0 $0x0  }
0xcd: {  	[sflag:s0] =	ssyncadd.s32 @!p0 s1  }
0xce: {  	[bflag:$0x3] =	sbarrier.arrive $0xFFFF  }
0xcf: {  	_ =	shalt  }

// kernel: kernel.16.cloned.1.call-start
scs
__scs_entry_jumppad:
0x0: {  	(pc) =	sbr.rel $0x88, $3  }
0x1: {  	(tag) =	ssettag $0x0;
	lr =	simm.s32 $0x1  }
0x2: {  	[smem:$0x3F8D] =	sst lr;
	_ =	strace $0xD0000000  }
0x3: {  	_ = 	snop  }
0x4: {  	_ = 	snop  }
0x5: {  	_ = 	snop  }
0x6: {  	_ = 	snop  }
0x7: {  	_ = 	snop  }
__scs_overlays_trampoline_lowered:
0x8: {  	[smem:$0x3F9C] =	sst s0  }
0x9: {  	[smem:$0x3F9D] =	sst s1  }
0xa: {  	[smem:$0x3F9E] =	sst s2  }
0xb: {  	[smem:$0x3F9F] =	sst s3  }
0xc: {  	[smem:$0x3FA0] =	sst s4  }
0xd: {  	[smem:$0x3FA1] =	sst s5  }
0xe: {  	[smem:$0x3FA2] =	sst s6  }
0xf: {  	[smem:$0x3FA3] =	sst s7  }
0x10: {  	[smem:$0x3FA4] =	sst s8  }
0x11: {  	[smem:$0x3FA5] =	sst s9;
	s0 =	simm.s32 @!p0 $0x0  }
0x12: {  	s1 =	sld [smem:$0x3F8B];
	s0 =	simm.s32 @p0 $0x1  }
0x13: {  	[smem:$0x3FA6] =	sst s0;
	s0 =	simm.s32 @!p1 $0x0  }
0x14: {  	s2 =	sld [smem:$0x3F8A];
	s0 =	simm.s32 @p1 $0x1  }
0x15: {  	[smem:$0x3FA7] =	sst s0;
	s0 =	simm.s32 @!p2 $0x0  }
0x16: {  	s3 =	sld [smem:$0x3FDB];
	s0 =	simm.s32 @p2 $0x1  }
0x17: {  	s4 =	simm.s32 $0x1BF5;
	[smem:$0x3FA9] =	sst s0  }
0x18: {  	s0 =	sld [smem:$0x3F8C];
	_ =	swait.ge [sflag:s4], $0x0  }
0x19: {  	s7 =	sld [smem:$0x3F8D]  }
0x1a: {  	s8 =	sadd.s32 $0xFFFFE003, lr  }
0x1b: {  	s9 =	sadd.s32 $0xFFFFFEF7, lr;
	s5 =	simm.s32 $0xFFFFFFFF;
	p2 =	slt.u32 s8, $0xFFFFF086  }
0x1c: {  	p1 =	slt.u32 s9, $0xF7A;
	s5 =	simm.s32 @!p2 $0x0  }
0x1d: {  	s5 =	simm.s32 @p1 $0x1;
	p0 =	seq.s32 s7, s2  }
0x1e: {  	s7 =	smul.u32 @!p0 $0xF7A, s2;
	p2 =	seq.s32 @!p0 s5, $0x0  }
0x1f: {  	s9 =	smul.u32 $0xF7A, s1;
	s8 =	simm.s32 @!p0 $0x1BF5;
	p2 =	por !p2, p0  }
0x20: {  	[sflag:s8] =	ssyncset.s32 @!p0 $0xFFFFF086;
	s6 =	sadd.s32 @!p0 s3, s7;
	s7 =	simm.s32 @!p0 $0x108  }
0x21: {  	s3 =	sadd.s32 s3, s9;
	s6 =	sadd.s32 @!p0 $0x88, s6;
	s7 =	simm.s32 @p2 $0x1082  }
0x22: {  	[simem:s7], [sflag:s8] =	dma.local @!p0 [hbm:s6], $0xF7A  }
0x23: {  	s9 =	sor.u32 $0xD0000000, s2;
	s6 =	simm.s32 $0x108;
	_ =	swait.ge @!p0 [sflag:s8], $0x0  }
0x24: {  	s3 =	sadd.s32 $0x88, s3;
	s6 =	simm.s32 @!p1 $0x1082;
	[sflag:s4] =	ssyncset.s32 $0xFFFFF086  }
0x25: {  	[simem:s6], [sflag:s4] =	dma.local [hbm:s3], $0xF7A  }
0x26: {  	[smem:$0x3F8D] =	sst s1;
	(tag) =	ssettag s2;
	_ =	strace s9  }
0x27: {  	s1 =	sld [smem:$0x3F9D]  }
0x28: {  	s2 =	sld [smem:$0x3F9E]  }
0x29: {  	s4 =	sld [smem:$0x3FA0]  }
0x2a: {  	p0 =	seq.s32 s5, $0x0;
	s5 =	sld [smem:$0x3FA1]  }
0x2b: {  	s6 =	sld [smem:$0x3FA2]  }
0x2c: {  	s7 =	sld [smem:$0x3FA3]  }
0x2d: {  	s3 =	simm.s32 $0x108;
	s8 =	sld [smem:$0x3FA4]  }
0x2e: {  	s3 =	simm.s32 @!p0 $0x1082;
	s9 =	sld [smem:$0x3FA5]  }
0x2f: {  	lr =	sadd.s32 s0, s3;
	s0 =	sld [smem:$0x3F9C]  }
0x30: {  	s3 =	sld [smem:$0x3F9F]  }
0x31: {  	[smem:$0x3FA8] =	sst s10  }
0x32: {  	s10 =	sld [smem:$0x3FA6];
	_ =	sdelay $0x3  }
0x33: {  	p0 =	seq.s32 s10, $0x1;
	s10 =	sld [smem:$0x3FA8];
	_ =	sdelay $0x3  }
0x34: {  	[smem:$0x3FA8] =	sst s10  }
0x35: {  	s10 =	sld [smem:$0x3FA7];
	_ =	sdelay $0x3  }
0x36: {  	p1 =	seq.s32 s10, $0x1;
	s10 =	sld [smem:$0x3FA8];
	_ =	sdelay $0x3  }
0x37: {  	[smem:$0x3FA8] =	sst s10  }
0x38: {  	s10 =	sld [smem:$0x3FA9]  }
0x39: {  	_ = 	snop;
	(pc) =	sbr.ind lr, $3  }
0x3a: {  	_ = 	snop  }
0x3b: {  	_ = 	snop  }
0x3c: {  	p2 =	seq.s32 s10, $0x1;
	s10 =	sld [smem:$0x3FA8]  }
0x3d: {  	_ =	shalt  }
0x3e: {  	_ =	shalt  }
0x3f: {  	_ =	shalt  }
0x40: {  	_ =	shalt  }
0x41: {  	_ =	shalt  }
0x42: {  	_ =	shalt  }
0x43: {  	_ =	shalt  }
0x44: {  	_ =	shalt  }
0x45: {  	_ =	shalt  }
0x46: {  	_ =	shalt  }
0x47: {  	_ =	shalt  }
0x48: {  	_ =	shalt  }
0x49: {  	_ =	shalt  }
0x4a: {  	_ =	shalt  }
0x4b: {  	_ =	shalt  }
0x4c: {  	_ =	shalt  }
0x4d: {  	_ =	shalt  }
0x4e: {  	_ =	shalt  }
0x4f: {  	_ =	shalt  }
0x50: {  	_ =	shalt  }
0x51: {  	_ =	shalt  }
0x52: {  	_ =	shalt  }
0x53: {  	_ =	shalt  }
0x54: {  	_ =	shalt  }
0x55: {  	_ =	shalt  }
0x56: {  	_ =	shalt  }
0x57: {  	_ =	shalt  }
0x58: {  	_ =	shalt  }
0x59: {  	_ =	shalt  }
0x5a: {  	_ =	shalt  }
0x5b: {  	_ =	shalt  }
0x5c: {  	_ =	shalt  }
0x5d: {  	_ =	shalt  }
0x5e: {  	_ =	shalt  }
0x5f: {  	_ =	shalt  }
0x60: {  	_ =	shalt  }
0x61: {  	_ =	shalt  }
0x62: {  	_ =	shalt  }
0x63: {  	_ =	shalt  }
0x64: {  	_ =	shalt  }
0x65: {  	_ =	shalt  }
0x66: {  	_ =	shalt  }
0x67: {  	_ =	shalt  }
0x68: {  	_ =	shalt  }
0x69: {  	_ =	shalt  }
0x6a: {  	_ =	shalt  }
0x6b: {  	_ =	shalt  }
0x6c: {  	_ =	shalt  }
0x6d: {  	_ =	shalt  }
0x6e: {  	_ =	shalt  }
0x6f: {  	_ =	shalt  }
0x70: {  	_ =	shalt  }
0x71: {  	_ =	shalt  }
0x72: {  	_ =	shalt  }
0x73: {  	_ =	shalt  }
0x74: {  	_ =	shalt  }
0x75: {  	_ =	shalt  }
0x76: {  	_ =	shalt  }
0x77: {  	_ =	shalt  }
0x78: {  	_ =	shalt  }
0x79: {  	_ =	shalt  }
0x7a: {  	_ =	shalt  }
0x7b: {  	_ =	shalt  }
0x7c: {  	_ =	shalt  }
0x7d: {  	_ =	shalt  }
0x7e: {  	_ =	shalt  }
0x7f: {  	_ =	shalt  }
0x80: {  	_ =	shalt  }
0x81: {  	_ =	shalt  }
0x82: {  	_ =	shalt  }
0x83: {  	_ =	shalt  }
0x84: {  	_ =	shalt  }
0x85: {  	_ =	shalt  }
0x86: {  	_ =	shalt  }
0x87: {  	_ =	shalt  }
.Lfunc_end0:
.L_simem_size_0:
called_computation.2_lowered:
.L_overlay_start_0:
0x88: {  	s2 =	sld [smem:$0x3FD9]  }
0x89: {  	s3 =	sld [smem:$0x3FFE];
	_ =	sdelay $0x1  }
0x8a: {  	s1 =	srdreg.scid  }
0x8b: {  	s0 =	sand.u32 $0x1, s1  }
0x8c: {  	s15 =	sshll.u32 s0, $0xA;
	s2 =	sadd.s32 s3, s2  }
0x8d: {  	s2 =	sadd.s32 s2, s15  }
0x8e: {  	[smem:$0x3FB4] =	sst s2  }
0x8f: {  	_ = 	snop  }
0x90: {  	s2 =	sld [smem:$0x3FD0];
	_ =	sdelay $0x2  }
0x91: {  	s16 =	simm.s32 $0xB;
	s4 =	simm.s32 $0x10  }
0x92: {  	[smem:s4], [sflag:s16] =	dma.local [hbm:s2], $0x1  }
0x93: {  	_ =	swait.eq [sflag:s16], $0x1  }
0x94: {  	[sflag:s16] =	ssyncset.done $0x0  }
0x95: {  	[sflag:s16] =	ssyncadd.s32 $0xFFFFFFFF  }
0x96: {  	s17 =	sld [smem:$0x10];
	(tm) =	ssettm $0x1  }
0x97: {  	s18 =	sld [smem:$0x3FFB];
	_ =	sdelay $0x3  }
0x98: {  	_ =	strace s18  }
0x99: {  	s2 =	sld [smem:$0x3FFC];
	_ =	sdelay $0x3  }
0x9a: {  	_ =	strace s2  }
0x9b: {  	s2 =	sld [smem:$0x3FFD];
	_ =	sdelay $0x3  }
0x9c: {  	_ =	strace s2  }
0x9d: {  	_ =	strace $0x8FFFFFFF  }
0x9e: {  	s19 =	sld [smem:$0x3FDB];
	_ =	sdelay $0x1  }
0x9f: {  	s20 =	simm.s32 $_scs_section_size  }
0xa0: {  	s5 =	simm.s32 $_size__tile_overlayer_lowered;
	s6 =	simm.s32 $_tile_overlayer_lowered  }
0xa1: {  	s7 =	simm.s32 $0x1BFF;
	s21 =	sshll.u32 s6, $0x1;
	s4 =	sadd.s32 s20, s19  }
0xa2: {  	s22 =	simm.s32 $0x0;
	s5 =	sshll.u32 s5, $0x1;
	s6 =	sadd.s32 s21, s4  }
0xa3: {  	[timem:s22], [sflag:s7] =	dma.local [hbm:s6], s5  }
0xa4: {  	_ =	swait.ge [sflag:s7], s5  }
0xa5: {  	s5 =	ssub.s32 $0x0, s5;
	[sflag:s7] =	ssyncset.done $0x0  }
0xa6: {  	[sflag:s7] =	ssyncadd.s32 s5;
	_ =	sdelay $0x1  }
0xa7: {  	s23 =	simm.s32 $0x1B8B  }
0xa8: {  	_ =	swait.ge [sflag:s23], $0x1  }
0xa9: {  	[sflag:s23] =	ssyncset.done $0x0  }
0xaa: {  	[sflag:s23] =	ssyncadd.s32 $0xFFFFFFFF  }
0xab: {  	s5 =	sld [smem:$0x0]  }
0xac: {  	s6 =	sand.u32 $0xFFFFFFFE, s1  }
0xad: {  	p0 =	sne.s32 s1, s6  }
0xae: {  	s6 =	sshll.u32 @p0 s6, $0xE  }
0xaf: {  	s6 =	sadd.s32 @p0 $0x11B8D, s6;
	s7 =	sshll.u32 @p0 s5, $0x11  }
0xb0: {  	s6 =	sor.u32 @p0 s7, s6  }
0xb1: {  	[sflag:s6] =	ssyncadd.remote.s32 @p0 $0x1;
	_ =	sdelay $0x1  }
0xb2: {  	s6 =	simm.s32 @p0 $0x1B8D  }
0xb3: {  	_ =	swait.eq @p0 [sflag:s6], $0x1  }
0xb4: {  	[sflag:s6] =	ssyncadd.s32 @p0 $0xFFFFFFFF  }
0xb5: {  	s7 =	sshll.u32 @!p0 s1, $0xE  }
0xb6: {  	s7 =	sor.u32 @!p0 $0x4000, s7;
	s6 =	simm.s32 @!p0 $0x1B8D  }
0xb7: {  	s5 =	sshll.u32 @!p0 s5, $0x11;
	s7 =	sadd.s32 @!p0 $0x11B8D, s7;
	_ =	swait.eq @!p0 [sflag:s6], $0x1  }
0xb8: {  	s5 =	sor.u32 @!p0 s5, s7;
	[sflag:s6] =	ssyncadd.s32 @!p0 $0xFFFFFFFF  }
0xb9: {  	s25 =	simm.s32 $0x1B8E;
	s24 =	sld [smem:$0x3FFE];
	[sflag:s5] =	ssyncadd.remote.s32 @!p0 $0x1  }
0xba: {  	s26 =	simm.s32 $execute0_lowered;
	[smem:$0x3FD2] =	sst s25  }
0xbb: {  	s6 =	sshll.u32 s26, $0x1;
	_ =	strace $0x8000004C;
	[dreg:$0x1] =	wrdreg $0xFFFFFFFF  }
0xbc: {  	s28 =	simm.s32 $_size_execute0_lowered;
	s4 =	sadd.s32 s4, s6;
	[dreg:$0x0] =	wrdreg $0x0  }
0xbd: {  	s6 =	sshll.u32 s28, $0x1;
	[dreg:$0x2] =	wrdreg s4  }
0xbe: {  	[dreg:$0x3] =	wrdreg s6  }
0xbf: {  	[dreg:$0x4] =	wrdreg $0xC0  }
0xc0: {  	_ =	task [dreg:s22], $0x5FFFF  }
0xc1: {  	[dreg:$0x1] =	wrdreg $0xFFFFFFFF  }
0xc2: {  	[dreg:$0x0] =	wrdreg $0x60  }
0xc3: {  	[dreg:$0x2] =	wrdreg s24  }
0xc4: {  	[dreg:$0x3] =	wrdreg s17  }
0xc5: {  	[dreg:$0x4] =	wrdreg $0x112000  }
0xc6: {  	[dreg:$0x5] =	wrdreg $0xA  }
0xc7: {  	_ =	task.clear_ibuf [dreg:s22], $0x6FFFF;
	_ =	strace $0x9000004C  }
0xc8: {  	s29 =	simm.s32 $0xA;
	_ =	strace $0x8000004E  }
0xc9: {  	_ =	swait.ge [sflag:s29], $0x1  }
0xca: {  	[sflag:s29] =	ssyncadd.s32 $0xFFFFFFFF  }
0xcb: {  	_ =	strace $0x9000004E  }
0xcc: {  	_ =	sfence  }
0xcd: {  	s30 =	sld [smem:$0x0];
	_ =	sdelay $0x2  }
0xce: {  	s31 =	sshll.u32 s1, $0xD;
	s1 =	sshrl.u32 s1, $0x2  }
0xcf: {  	s4 =	sand.u32 $0x4000, s31;
	s1 =	sadd.s32 s1, s30  }
0xd0: {  	s0 =	sor.u32 s4, s0;
	s1 =	sshll.u32 s1, $0x11  }
0xd1: {  	s0 =	sor.u32 s1, s0  }
0xd2: {  	s0 =	sadd.s32 $0x8F2B, s0  }
0xd3: {  	[sflag:s0] =	ssyncadd.remote.s32 $0x1  }
0xd4: {  	_ =	sfence.sel $0xFFFF  }
0xd5: {  	[dreg:$0x0] =	wrdreg $0xFFFFFFFF;
	(pc) =	sbr.abs _section_cstart, $3  }
0xd6: {  	[dreg:$0x1] =	wrdreg $0xFFFFFFFF  }
0xd7: {  	_ =	task.clear_ibuf [dreg:s22], $0x2FFFF;
	_ =	strace $0x9FFFFFFF  }
0xd8: {  	(tm) =	ssettm $0x7FFFFFFF  }
0xd9: {  	_ =	shalt  }
tec
execute0_lowered:
.L_overlay_start_1:
0x0: {  	(tag) =	ssettag $0x1  }
0x1: {  	s4 =	rddreg [dreg:$0x0]  }
0x2: {  	s20 =	rddreg [dreg:$0x1]  }
0x3: {  	s0 =	srdreg.scid;
	s1 =	stileid.u32  }
0x4: {  	s2 =	rddreg [dreg:$0x2];
	s3 =	simm.s32 $0x0;
	s7 =	smul.u32 $0xB000, s1  }
0x5: {  	s5 =	sand.u32 $0x1, s0;
	[smem:$0x7FF] =	sst s3;
	s23 =	smul.u32 $0x2C000, s1  }
0x6: {  	s8 =	sshll.u32 s1, $0xC;
	s15 =	sshll.u32 s1, $0x8;
	s6 =	smul.u32 $0xB0000, s5  }
0x7: {  	_ =	strace $0x8000004D;
	s18 =	sadd.s32 s8, s4;
	s17 =	smul.u32 $0x4E400, s5  }
0x8: {  	s24 =	sand.u32 $0xC00, s15;
	s5 =	ssub.s32 $0x2, s5;
	s19 =	sand.u32 $0x300, s15  }
0x9: {  	s16 =	sor.u32 $0x1000, s15;
	s22 =	sor.u32 $0x2000, s15;
	s26 =	sadd.s32 $0xEB8200, s18  }
0xa: {  	s25 =	sshrl.u32 s5, $0x1;
	s22 =	sand.u32 $0x2C00, s22;
	s18 =	sadd.s32 $0xEC8200, s18  }
0xb: {  	s6 =	sadd.s32 s7, s6;
	s7 =	ssub.s32 s5, s25;
	[dreg:$0x4] =	wrdreg s26  }
0xc: {  	s22 =	sadd.s32 s22, s17;
	s6 =	sshrl.u32 s6, $0x3;
	s29 =	smax.u32 s7, $0x1  }
0xd: {  	s21 =	sadd.s32 s6, s4;
	s6 =	sadd.s32 s17, s24;
	s4 =	sshrl.u32 s23, $0x2  }
0xe: {  	[dreg:$0x6] =	wrdreg s29;
	s23 =	sand.u32 $0x1C00, s16;
	s6 =	sor.u32 s19, s6  }
0xf: {  	s4 =	sadd.s32 s4, s2;
	s23 =	sadd.s32 s23, s17;
	s21 =	sadd.s32 $0x4400, s21  }
0x10: {  	s6 =	sshrl.u32 s6, $0x3;
	s8 =	sadd.s32 $0x1000, s4;
	s9 =	sadd.s32 $0x2000, s4  }
0x11: {  	s10 =	sadd.s32 $0x3000, s4;
	s11 =	sadd.s32 $0x4000, s4;
	s12 =	sadd.s32 $0x5000, s4  }
0x12: {  	s13 =	sadd.s32 $0x6000, s4;
	s14 =	sadd.s32 $0x7000, s4;
	s15 =	sadd.s32 $0x8000, s4  }
0x13: {  	s16 =	sadd.s32 $0x9000, s4;
	s17 =	sadd.s32 $0xA000, s4;
	s23 =	sor.u32 s19, s23  }
0x14: {  	s19 =	sor.u32 s19, s22;
	s22 =	simm.s32 $0x10200;
	s28 =	sadd.s32 s20, s6  }
0x15: {  	s30 =	sshrl.u32 s23, $0x3;
	s31 =	sshrl.u32 s19, $0x3;
	s23 =	simm.s32 $0x3  }
0x16: {  	v0 =	vimm.f32 $0.0e+00;
	[dreg:$0x5] =	wrdreg s28;
	s19 =	sadd.s32 s30, s20;
	s20 =	sadd.s32 s31, s20  }
.LBB2_1:
0x17: {  	s25 =	simm.s32 $0x0;
	s26 =	simm.s32 $0x200  }
.LBB2_2:
0x18: {  	p0 =	sne.s32 s26, $0x3E00;
	[tilespmem:s25+$0x10270] =	vst v0  }
0x19: {  	[tilespmem:s25+$0x10200] =	vst v0  }
0x1a: {  	[tilespmem:s25+$0x10210] =	vst v0  }
.Ltmp0:
0x1b: {  	[tilespmem:s25+$0x10220] =	vst v0;
	(pc) =	sbr.rel @p0 .LBB2_2-.Ltmp0, $4  }
0x1c: {  	[tilespmem:s25+$0x10230] =	vst v0  }
0x1d: {  	[tilespmem:s25+$0x10240] =	vst v0  }
0x1e: {  	[tilespmem:s25+$0x10250] =	vst v0  }
0x1f: {  	[tilespmem:s25+$0x10260] =	vst v0;
	s25 =	sshra.s32 s26, $0x2;
	s26 =	sadd.s32 $0x200, s26  }
0x20: {  	[tilespmem:s25+$0x10270] =	vst v0  }
0x21: {  	[tilespmem:s25+$0x10200] =	vst v0  }
0x22: {  	[tilespmem:s25+$0x10210] =	vst v0  }
0x23: {  	[tilespmem:s25+$0x10220] =	vst v0  }
0x24: {  	[tilespmem:s25+$0x10230] =	vst v0  }
0x25: {  	[tilespmem:s25+$0x10240] =	vst v0  }
0x26: {  	[tilespmem:s25+$0x10250] =	vst v0  }
0x27: {  	[tilespmem:s25+$0x10260] =	vst v0  }
0x28: {  	[spmem:s4] =	stream.linear.scatter [tilespmem:s22], [sflag:$0x3], $0x1000, $0x38;
	[tilespmem:$0x1C200] =	vst v63  }
0x29: {  	_ =	swait.ge [sflag:s23], $0x1000  }
0x2a: {  	[sflag:s23] =	ssyncset.done $0x0  }
0x2b: {  	[sflag:s23] =	ssyncadd.s32 $0xFFFFF000  }
0x2c: {  	[spmem:s8] =	stream.linear.scatter [tilespmem:s22], [sflag:$0x3], $0x1000, $0x38;
	[tilespmem:$0x1C200] =	vst v63  }
0x2d: {  	_ =	swait.ge [sflag:s23], $0x1000  }
0x2e: {  	[sflag:s23] =	ssyncset.done $0x0  }
0x2f: {  	[sflag:s23] =	ssyncadd.s32 $0xFFFFF000  }
0x30: {  	[spmem:s9] =	stream.linear.scatter [tilespmem:s22], [sflag:$0x3], $0x1000, $0x38;
	[tilespmem:$0x1C200] =	vst v63  }
0x31: {  	_ =	swait.ge [sflag:s23], $0x1000  }
0x32: {  	[sflag:s23] =	ssyncset.done $0x0  }
0x33: {  	[sflag:s23] =	ssyncadd.s32 $0xFFFFF000  }
0x34: {  	[spmem:s10] =	stream.linear.scatter [tilespmem:s22], [sflag:$0x3], $0x1000, $0x38;
	[tilespmem:$0x1C200] =	vst v63  }
0x35: {  	_ =	swait.ge [sflag:s23], $0x1000  }
0x36: {  	[sflag:s23] =	ssyncset.done $0x0  }
0x37: {  	[sflag:s23] =	ssyncadd.s32 $0xFFFFF000  }
0x38: {  	[spmem:s11] =	stream.linear.scatter [tilespmem:s22], [sflag:$0x3], $0x1000, $0x38;
	[tilespmem:$0x1C200] =	vst v63  }
0x39: {  	_ =	swait.ge [sflag:s23], $0x1000  }
0x3a: {  	[sflag:s23] =	ssyncset.done $0x0  }
0x3b: {  	[sflag:s23] =	ssyncadd.s32 $0xFFFFF000  }
0x3c: {  	[spmem:s12] =	stream.linear.scatter [tilespmem:s22], [sflag:$0x3], $0x1000, $0x38;
	[tilespmem:$0x1C200] =	vst v63  }
0x3d: {  	_ =	swait.ge [sflag:s23], $0x1000  }
0x3e: {  	[sflag:s23] =	ssyncset.done $0x0  }
0x3f: {  	[sflag:s23] =	ssyncadd.s32 $0xFFFFF000  }
0x40: {  	[spmem:s13] =	stream.linear.scatter [tilespmem:s22], [sflag:$0x3], $0x1000, $0x38;
	[tilespmem:$0x1C200] =	vst v63  }
0x41: {  	_ =	swait.ge [sflag:s23], $0x1000  }
0x42: {  	[sflag:s23] =	ssyncset.done $0x0  }
0x43: {  	[sflag:s23] =	ssyncadd.s32 $0xFFFFF000  }
0x44: {  	[spmem:s14] =	stream.linear.scatter [tilespmem:s22], [sflag:$0x3], $0x1000, $0x38;
	[tilespmem:$0x1C200] =	vst v63  }
0x45: {  	_ =	swait.ge [sflag:s23], $0x1000  }
0x46: {  	[sflag:s23] =	ssyncset.done $0x0  }
0x47: {  	[sflag:s23] =	ssyncadd.s32 $0xFFFFF000  }
0x48: {  	[spmem:s15] =	stream.linear.scatter [tilespmem:s22], [sflag:$0x3], $0x1000, $0x38;
	[tilespmem:$0x1C200] =	vst v63  }
0x49: {  	_ =	swait.ge [sflag:s23], $0x1000  }
0x4a: {  	[sflag:s23] =	ssyncset.done $0x0  }
0x4b: {  	[sflag:s23] =	ssyncadd.s32 $0xFFFFF000  }
0x4c: {  	[spmem:s16] =	stream.linear.scatter [tilespmem:s22], [sflag:$0x3], $0x1000, $0x38;
	[tilespmem:$0x1C200] =	vst v63  }
0x4d: {  	_ =	swait.ge [sflag:s23], $0x1000  }
0x4e: {  	[sflag:s23] =	ssyncset.done $0x0  }
0x4f: {  	[sflag:s23] =	ssyncadd.s32 $0xFFFFF000  }
0x50: {  	[spmem:s17] =	stream.linear.scatter [tilespmem:s22], [sflag:$0x3], $0x1000, $0x38;
	[tilespmem:$0x1C200] =	vst v63  }
0x51: {  	_ =	swait.ge [sflag:s23], $0x1000  }
0x52: {  	[sflag:s23] =	ssyncset.done $0x0  }
0x53: {  	[sflag:s23] =	ssyncadd.s32 $0xFFFFF000  }
0x54: {  	s26 =	simm.s32 $0x0;
	s7 =	sadd.s32 $0x0, s1;
	[bflag:$0x0] =	sbarrier.arrive $0xFFFF  }
0x55: {  	s5 =	simm.s32 $0x200;
	p1 =	sgt.u32 s7, $0x2ED;
	s0 =	rddreg [dreg:$0x4]  }
0x56: {  	[tilespmem:s5], [sflag:$0x1] =	stream.linear.gather [hbm4b:s0+s26], $0x8000, $0x38;
	[tilespmem:$0x1C200] =	vst v63  }
0x57: {  	s25 =	simm.s32 @!p1 $0x1;
	s6 =	rddreg [dreg:$0x5]  }
0x58: {  	[tilespmem:s26], [sflag:$0x1] =	stream.linear.gather [hbm4b:s6+s26], $0x100, $0x38;
	[tilespmem:$0x1C200] =	vst v63  }
0x59: {  	_ =	swait.ge @!p1 [sflag:s25], $0x8000  }
0x5a: {  	s26 =	sadd.s32 @!p1 $0x0, s1;
	[sflag:s25] =	ssyncset.done @!p1 $0x0  }
0x5b: {  	s26 =	sadd.s32 @!p1 $0x10, s26;
	[sflag:s25] =	ssyncadd.s32 @!p1 $0xFFFF8000  }
0x5c: {  	p2 =	sgt.u32 @!p1 s26, $0x2ED;
	_ =	swait.ge @!p1 [sflag:s25], $0x100  }
0x5d: {  	p0 =	por p2, p1;
	[sflag:s25] =	ssyncset.done @!p1 $0x0  }
0x5e: {  	s28 =	simm.s32 @!p0 $0x0;
	s29 =	simm.s32 @!p0 $0x8200;
	[sflag:s25] =	ssyncadd.s32 @!p1 $0xFFFFFF00  }
0x5f: {  	[tilespmem:s29], [sflag:$0x2] =	stream.linear.gather @!p0 [hbm4b:s18+s28], $0x8000, $0x38;
	[tilespmem:$0x1C200] =	vst v63  }
0x60: {  	s25 =	simm.s32 @!p0 $0x100  }
0x61: {  	[tilespmem:s25], [sflag:$0x2] =	stream.linear.gather @!p0 [hbm4b:s19+s28], $0x100, $0x38;
	[tilespmem:$0x1C200] =	vst v63  }
0x62: {  	s30 =	simm.s32 @!p1 $0x0;
	s31 =	simm.s32 @!p1 $0x200;
	s28 =	simm.s32 @!p1 $0x80  }
0x63: {  	[spmem:s2] =	stream.indirect.scatter.add.f32 @!p1 [tilespmem:s31], [sflag:$0x4], $0x80, s30, s28, $0xb8;
	[tilespmem:$0x1C200] =	vst v63  }
0x64: {  	s30 =	simm.s32 @!p1 $0x4  }
0x65: {  	_ =	swait.ge @!p1 [sflag:s30], $0x4000  }
0x66: {  	[sflag:s30] =	ssyncset.done @!p1 $0x0  }
0x67: {  	s31 =	simm.s32 @!p1 $0x4200;
	[sflag:s30] =	ssyncadd.s32 @!p1 $0xFFFFC000  }
0x68: {  	[spmem:s2] =	stream.indirect.scatter.add.f32 @!p1 [tilespmem:s31], [sflag:$0x4], $0x80, s28, s28, $0xb8;
	[tilespmem:$0x1C200] =	vst v63  }
0x69: {  	_ =	swait.ge @!p1 [sflag:s30], $0x4000  }
0x6a: {  	[sflag:s30] =	ssyncset.done @!p1 $0x0  }
0x6b: {  	s28 =	simm.s32 @!p0 $0x2;
	[sflag:s30] =	ssyncadd.s32 @!p1 $0xFFFFC000  }
0x6c: {  	_ =	swait.ge @!p0 [sflag:s28], $0x8000  }
0x6d: {  	p3 =	sgt.u32 @!p0 s26, $0x2DD;
	[sflag:s28] =	ssyncset.done @!p0 $0x0  }
0x6e: {  	p2 =	por @!p1 p3, p2;
	[sflag:s28] =	ssyncadd.s32 @!p0 $0xFFFF8000  }
0x6f: {  	p1 =	por p2, p1;
	_ =	swait.ge @!p0 [sflag:s28], $0x100  }
0x70: {  	s26 =	sadd.s32 @!p1 $0x10000, s18;
	[sflag:s28] =	ssyncset.done @!p0 $0x0  }
0x71: {  	s30 =	simm.s32 @!p1 $0x0;
	[sflag:s28] =	ssyncadd.s32 @!p0 $0xFFFFFF00;
	s28 =	simm.s32 @!p1 $0x200  }
0x72: {  	[tilespmem:s28], [sflag:$0x1] =	stream.linear.gather @!p1 [hbm4b:s26+s30], $0x8000, $0x38;
	[tilespmem:$0x1C200] =	vst v63  }
0x73: {  	_ = 	snop  }
0x74: {  	[tilespmem:s30], [sflag:$0x1] =	stream.linear.gather @!p1 [hbm4b:s20+s30], $0x100, $0x38;
	[tilespmem:$0x1C200] =	vst v63  }
0x75: {  	s26 =	simm.s32 @!p0 $0x80;
	s28 =	simm.s32 @!p0 $0x4  }
0x76: {  	[spmem:s2] =	stream.indirect.scatter.add.f32 @!p0 [tilespmem:s29], [sflag:$0x4], $0x80, s25, s26, $0xb8;
	[tilespmem:$0x1C200] =	vst v63  }
0x77: {  	s24 =	sadd.s32 $0x20, s1;
	_ =	swait.ge @!p0 [sflag:s28], $0x4000  }
0x78: {  	s31 =	simm.s32 @!p0 $0x180;
	s30 =	simm.s32 $0x40;
	[sflag:s28] =	ssyncset.done @!p0 $0x0  }
0x79: {  	p1 =	sgt.u32 s24, $0x2ED;
	[sflag:s28] =	ssyncadd.s32 @!p0 $0xFFFFC000;
	s28 =	simm.s32 @!p0 $0xC200  }
0x7a: {  	[spmem:s2] =	stream.indirect.scatter.add.f32 @!p0 [tilespmem:s28], [sflag:$0x3], $0x80, s31, s26, $0xb8;
	[tilespmem:$0x1C200] =	vst v63  }
0x7b: {  	s29 =	simm.s32 $0x20;
	s25 =	sadd.s32 $0x400, s20;
	s31 =	simm.s32 @!p0 $0x3  }
0x7c: {  	s28 =	sadd.s32 $0x400, s19;
	s26 =	sadd.s32 $0x20000, s18;
	_ =	swait.ge @!p0 [sflag:s31], $0x4000  }
.LBB2_4:
0x7d: {  	s0 =	simm.s32 @!p1 $0x1  }
0x7e: {  	[sflag:s31] =	ssyncset.done @!p0 $0x0;
	s24 =	smov.u32 s30;
	s30 =	sadd.s32 $0x20, s30  }
0x7f: {  	p2 =	sne.s32 s30, $0x300;
	[sflag:s31] =	ssyncadd.s32 @!p0 $0xFFFFC000  }
0x80: {  	s31 =	sadd.s32 @!p1 s29, s1;
	s29 =	smov.u32 s24;
	_ =	swait.ge @!p1 [sflag:s0], $0x8000  }
0x81: {  	s24 =	sadd.s32 @!p1 $0x10, s31;
	[sflag:s0] =	ssyncset.done @!p1 $0x0  }
0x82: {  	p3 =	sgt.u32 @!p1 s24, $0x2ED;
	[sflag:s0] =	ssyncadd.s32 @!p1 $0xFFFF8000  }
0x83: {  	p0 =	por p3, p1;
	_ =	swait.ge @!p1 [sflag:s0], $0x100  }
0x84: {  	s31 =	simm.s32 @!p0 $0x0;
	s5 =	simm.s32 @!p0 $0x8200;
	[sflag:s0] =	ssyncset.done @!p1 $0x0  }
0x85: {  	p4 =	sgt.u32 @!p0 s24, $0x2DD;
	[sflag:s0] =	ssyncadd.s32 @!p1 $0xFFFFFF00  }
0x86: {  	[tilespmem:s5], [sflag:$0x2] =	stream.linear.gather @!p0 [hbm4b:s26+s31], $0x8000, $0x38;
	[tilespmem:$0x1C200] =	vst v63  }
0x87: {  	s24 =	simm.s32 @!p1 $0x4;
	p3 =	por @!p1 p4, p3;
	s0 =	simm.s32 @!p0 $0x100  }
0x88: {  	[tilespmem:s0], [sflag:$0x2] =	stream.linear.gather @!p0 [hbm4b:s28+s31], $0x100, $0x38;
	[tilespmem:$0x1C200] =	vst v63  }
0x89: {  	s6 =	simm.s32 @!p1 $0x0;
	s7 =	simm.s32 @!p1 $0x200;
	s31 =	simm.s32 @!p1 $0x80  }
0x8a: {  	[spmem:s2] =	stream.indirect.scatter.add.f32 @!p1 [tilespmem:s7], [sflag:$0x4], $0x80, s6, s31, $0xb8;
	[tilespmem:$0x1C200] =	vst v63  }
0x8b: {  	_ =	swait.ge @!p1 [sflag:s24], $0x4000  }
0x8c: {  	s6 =	simm.s32 @!p1 $0x4200;
	[sflag:s24] =	ssyncset.done @!p1 $0x0  }
0x8d: {  	[sflag:s24] =	ssyncadd.s32 @!p1 $0xFFFFC000  }
0x8e: {  	[spmem:s2] =	stream.indirect.scatter.add.f32 @!p1 [tilespmem:s6], [sflag:$0x4], $0x80, s31, s31, $0xb8;
	[tilespmem:$0x1C200] =	vst v63  }
0x8f: {  	_ =	swait.ge @!p1 [sflag:s24], $0x4000  }
0x90: {  	s6 =	simm.s32 @!p0 $0x2;
	[sflag:s24] =	ssyncset.done @!p1 $0x0  }
0x91: {  	[sflag:s24] =	ssyncadd.s32 @!p1 $0xFFFFC000  }
0x92: {  	_ =	swait.ge @!p0 [sflag:s6], $0x8000  }
0x93: {  	[sflag:s6] =	ssyncset.done @!p0 $0x0  }
0x94: {  	[sflag:s6] =	ssyncadd.s32 @!p0 $0xFFFF8000  }
0x95: {  	p1 =	por p3, p1;
	_ =	swait.ge @!p0 [sflag:s6], $0x100  }
0x96: {  	s7 =	sadd.s32 @!p1 $0x10000, s26;
	s24 =	simm.s32 @!p1 $0x0;
	[sflag:s6] =	ssyncset.done @!p0 $0x0  }
0x97: {  	[sflag:s6] =	ssyncadd.s32 @!p0 $0xFFFFFF00;
	s6 =	simm.s32 @!p1 $0x200  }
0x98: {  	[tilespmem:s6], [sflag:$0x1] =	stream.linear.gather @!p1 [hbm4b:s7+s24], $0x8000, $0x38;
	[tilespmem:$0x1C200] =	vst v63  }
0x99: {  	s6 =	simm.s32 @!p0 $0x80  }
0x9a: {  	[tilespmem:s24], [sflag:$0x1] =	stream.linear.gather @!p1 [hbm4b:s25+s24], $0x100, $0x38;
	[tilespmem:$0x1C200] =	vst v63  }
0x9b: {  	s7 =	simm.s32 @!p0 $0x4;
	s25 =	sadd.s32 $0x400, s25  }
0x9c: {  	[spmem:s2] =	stream.indirect.scatter.add.f32 @!p0 [tilespmem:s5], [sflag:$0x4], $0x80, s0, s6, $0xb8;
	[tilespmem:$0x1C200] =	vst v63  }
.Ltmp1:
0x9d: {  	s28 =	sadd.s32 $0x400, s28;
	_ =	swait.ge @!p0 [sflag:s7], $0x4000;
	(pc) =	sbr.rel @p2 .LBB2_4-.Ltmp1, $4  }
0x9e: {  	s0 =	simm.s32 @!p0 $0x180;
	s5 =	simm.s32 @!p0 $0xC200;
	[sflag:s7] =	ssyncset.done @!p0 $0x0  }
0x9f: {  	s31 =	simm.s32 @!p0 $0x3;
	s24 =	sadd.s32 s29, s1;
	[sflag:s7] =	ssyncadd.s32 @!p0 $0xFFFFC000  }
0xa0: {  	[spmem:s2] =	stream.indirect.scatter.add.f32 @!p0 [tilespmem:s5], [sflag:$0x3], $0x80, s0, s6, $0xb8;
	[tilespmem:$0x1C200] =	vst v63  }
0xa1: {  	s26 =	sadd.s32 $0x20000, s26;
	p1 =	sgt.u32 s24, $0x2ED;
	_ =	swait.ge @!p0 [sflag:s31], $0x4000  }
0xa2: {  	[sflag:s31] =	ssyncset.done @!p0 $0x0  }
0xa3: {  	s0 =	simm.s32 @!p1 $0x1;
	[sflag:s31] =	ssyncadd.s32 @!p0 $0xFFFFC000  }
0xa4: {  	_ =	swait.ge @!p1 [sflag:s0], $0x8000  }
0xa5: {  	s5 =	sadd.s32 @!p1 s29, s1;
	[sflag:s0] =	ssyncset.done @!p1 $0x0  }
0xa6: {  	s5 =	sadd.s32 @!p1 $0x10, s5;
	[sflag:s0] =	ssyncadd.s32 @!p1 $0xFFFF8000  }
0xa7: {  	p2 =	sgt.u32 @!p1 s5, $0x2ED;
	_ =	swait.ge @!p1 [sflag:s0], $0x100  }
0xa8: {  	p0 =	por p2, p1;
	[sflag:s0] =	ssyncset.done @!p1 $0x0  }
0xa9: {  	s6 =	simm.s32 @!p0 $0x0;
	s7 =	simm.s32 @!p0 $0x8200;
	[sflag:s0] =	ssyncadd.s32 @!p1 $0xFFFFFF00  }
0xaa: {  	[tilespmem:s7], [sflag:$0x2] =	stream.linear.gather @!p0 [hbm4b:s26+s6], $0x8000, $0x38;
	[tilespmem:$0x1C200] =	vst v63  }
0xab: {  	s0 =	simm.s32 @!p0 $0x100  }
0xac: {  	[tilespmem:s0], [sflag:$0x2] =	stream.linear.gather @!p0 [hbm4b:s28+s6], $0x100, $0x38;
	[tilespmem:$0x1C200] =	vst v63  }
0xad: {  	s24 =	simm.s32 @!p1 $0x0;
	s6 =	simm.s32 @!p1 $0x80;
	s28 =	simm.s32 @!p1 $0x200  }
0xae: {  	[spmem:s2] =	stream.indirect.scatter.add.f32 @!p1 [tilespmem:s28], [sflag:$0x4], $0x80, s24, s6, $0xb8;
	[tilespmem:$0x1C200] =	vst v63  }
0xaf: {  	s24 =	simm.s32 @!p1 $0x4  }
0xb0: {  	_ =	swait.ge @!p1 [sflag:s24], $0x4000  }
0xb1: {  	[sflag:s24] =	ssyncset.done @!p1 $0x0  }
0xb2: {  	s28 =	simm.s32 @!p1 $0x4200;
	[sflag:s24] =	ssyncadd.s32 @!p1 $0xFFFFC000  }
0xb3: {  	[spmem:s2] =	stream.indirect.scatter.add.f32 @!p1 [tilespmem:s28], [sflag:$0x4], $0x80, s6, s6, $0xb8;
	[tilespmem:$0x1C200] =	vst v63  }
0xb4: {  	_ =	swait.ge @!p1 [sflag:s24], $0x4000  }
0xb5: {  	[sflag:s24] =	ssyncset.done @!p1 $0x0  }
0xb6: {  	s6 =	simm.s32 @!p0 $0x2;
	[sflag:s24] =	ssyncadd.s32 @!p1 $0xFFFFC000  }
0xb7: {  	_ =	swait.ge @!p0 [sflag:s6], $0x8000  }
0xb8: {  	p3 =	sgt.u32 @!p0 s5, $0x2DD;
	[sflag:s6] =	ssyncset.done @!p0 $0x0  }
0xb9: {  	p2 =	por @!p1 p3, p2;
	[sflag:s6] =	ssyncadd.s32 @!p0 $0xFFFF8000  }
0xba: {  	p1 =	por p2, p1;
	_ =	swait.ge @!p0 [sflag:s6], $0x100  }
0xbb: {  	s5 =	sadd.s32 @!p1 $0x10000, s26;
	[sflag:s6] =	ssyncset.done @!p0 $0x0  }
0xbc: {  	s24 =	simm.s32 @!p1 $0x0;
	[sflag:s6] =	ssyncadd.s32 @!p0 $0xFFFFFF00;
	s6 =	simm.s32 @!p1 $0x200  }
0xbd: {  	[tilespmem:s6], [sflag:$0x1] =	stream.linear.gather @!p1 [hbm4b:s5+s24], $0x8000, $0x38;
	[tilespmem:$0x1C200] =	vst v63  }
0xbe: {  	_ = 	snop  }
0xbf: {  	[tilespmem:s24], [sflag:$0x1] =	stream.linear.gather @!p1 [hbm4b:s25+s24], $0x100, $0x38;
	[tilespmem:$0x1C200] =	vst v63  }
0xc0: {  	s5 =	simm.s32 @!p0 $0x80;
	s6 =	simm.s32 @!p0 $0x4  }
0xc1: {  	[spmem:s2] =	stream.indirect.scatter.add.f32 @!p0 [tilespmem:s7], [sflag:$0x4], $0x80, s0, s5, $0xb8;
	[tilespmem:$0x1C200] =	vst v63  }
0xc2: {  	_ =	swait.ge @!p0 [sflag:s6], $0x4000  }
0xc3: {  	s0 =	simm.s32 @!p0 $0x180;
	[sflag:s6] =	ssyncset.done @!p0 $0x0  }
0xc4: {  	s7 =	simm.s32 @!p0 $0xC200;
	[sflag:s6] =	ssyncadd.s32 @!p0 $0xFFFFC000;
	s6 =	simm.s32 @!p0 $0x3  }
0xc5: {  	[spmem:s2] =	stream.indirect.scatter.add.f32 @!p0 [tilespmem:s7], [sflag:$0x3], $0x80, s0, s5, $0xb8;
	[tilespmem:$0x1C200] =	vst v63  }
0xc6: {  	_ =	swait.ge @!p0 [sflag:s6], $0x4000  }
0xc7: {  	[sflag:s6] =	ssyncset.done @!p0 $0x0  }
0xc8: {  	s29 =	sshll.u32 s1, $0x6;
	s30 =	sadd.s32 $0x0, s21;
	[sflag:s6] =	ssyncadd.s32 @!p0 $0xFFFFC000  }
0xc9: {  	s31 =	sshrl.u32 s4, $0x3;
	s25 =	sor.u32 $0x1C03, s29;
	[bflag:$0x0] =	sbarrier.arrive $0xFFFF  }
0xca: {  	[hbm:s30], [sflag:s25] =	dma.local [spmem:s31], $0x200  }
0xcb: {  	s28 =	smov.u32 s8;
	s26 =	simm.s32 $0x200;
	_ =	swait.ge [sflag:s23], $0x200  }
.LBB2_6:
0xcc: {  	s0 =	sadd.s32 s26, s21;
	[sflag:s23] =	ssyncset.done $0x0;
	p0 =	sne.s32 s26, $0x1400  }
.Ltmp2:
0xcd: {  	s5 =	sshrl.u32 s28, $0x3;
	[sflag:s23] =	ssyncadd.s32 $0xFFFFFE00;
	(pc) =	sbr.rel @p0 .LBB2_6-.Ltmp2, $3  }
0xce: {  	[hbm:s0], [sflag:s25] =	dma.local [spmem:s5], $0x200  }
0xcf: {  	s26 =	sadd.s32 $0x200, s26;
	_ =	sdelay $0x1  }
0xd0: {  	s28 =	sadd.s32 $0x1000, s28;
	_ =	swait.ge [sflag:s23], $0x200  }
0xd1: {  	s3 =	sadd.s32 $0x1, s3;
	s0 =	rddreg [dreg:$0x6]  }
0xd2: {  	p0 =	sne.s32 s3, s0  }
.Ltmp3:
0xd3: {  	_ = 	snop;
	(pc) =	sbr.rel @p0 .LBB2_1-.Ltmp3, $3  }
0xd4: {  	_ =	sdelay $0x1  }
0xd5: {  	[sflag:s23] =	ssyncset.done $0x0  }
0xd6: {  	[sflag:s23] =	ssyncadd.s32 $0xFFFFFE00  }
0xd7: {  	_ =	sfence.sel $0x180000  }
0xd8: {  	[bflag:$0x0] =	sbarrier.arrive $0xFFFF  }
0xd9: {  	_ =	strace $0x9000004D  }
0xda: {  	[bflag:$0x2] =	sbarrier.arrive $0xFFFF  }
0xdb: {  	p0 =	sne.s32 s1, $0x0;
	s0 =	rddreg [dreg:$0x3]  }
0xdc: {  	s0 =	sadd.s32 @!p0 $0x100000, s0  }
0xdd: {  	[sflag:s0] =	ssyncadd.tile.s32 @!p0 $0x1;
	_ =	shalt  }
.Lfunc_end2:
_tile_overlayer_lowered:
.L_overlay_start_2:
0xde: {  	(tag) =	ssettag $0x2  }
0xdf: {  	s0 =	rddreg [dreg:$0x0];
	s2 =	stileid.u32  }
0xe0: {  	s1 =	rddreg [dreg:$0x1];
	p0 =	sne.s32 s2, $0x0  }
0xe1: {  	s3 =	rddreg [dreg:$0x2];
	[bflag:$0x3] =	sbarrier.arrive $0xFFFF;
	s2 =	simm.s32 @!p0 $0x1C03  }
0xe2: {  	[timem:s3], [sflag:s2] =	dma.local @!p0 [hbm:s0], s1  }
0xe3: {  	s0 =	simm.s32 @!p0 $0x3  }
0xe4: {  	_ =	swait.ge @!p0 [sflag:s0], s1  }
0xe5: {  	s1 =	ssub.s32 @!p0 $0x0, s1;
	[sflag:s0] =	ssyncset.done @!p0 $0x0  }
0xe6: {  	[sflag:s0] =	ssyncadd.s32 @!p0 s1  }
0xe7: {  	[bflag:$0x3] =	sbarrier.arrive $0xFFFF  }
0xe8: {  	_ =	shalt  }

// kernel: kernel.19.cloned.1.call-start
scs
__scs_entry_jumppad:
0x0: {  	(pc) =	sbr.rel $0x88, $3  }
0x1: {  	(tag) =	ssettag $0x0;
	lr =	simm.s32 $0x1  }
0x2: {  	[smem:$0x3F8D] =	sst lr;
	_ =	strace $0xD0000000  }
0x3: {  	_ = 	snop  }
0x4: {  	_ = 	snop  }
0x5: {  	_ = 	snop  }
0x6: {  	_ = 	snop  }
0x7: {  	_ = 	snop  }
__scs_overlays_trampoline_lowered:
0x8: {  	[smem:$0x3F9C] =	sst s0  }
0x9: {  	[smem:$0x3F9D] =	sst s1  }
0xa: {  	[smem:$0x3F9E] =	sst s2  }
0xb: {  	[smem:$0x3F9F] =	sst s3  }
0xc: {  	[smem:$0x3FA0] =	sst s4  }
0xd: {  	[smem:$0x3FA1] =	sst s5  }
0xe: {  	[smem:$0x3FA2] =	sst s6  }
0xf: {  	[smem:$0x3FA3] =	sst s7  }
0x10: {  	[smem:$0x3FA4] =	sst s8  }
0x11: {  	[smem:$0x3FA5] =	sst s9;
	s0 =	simm.s32 @!p0 $0x0  }
0x12: {  	s1 =	sld [smem:$0x3F8B];
	s0 =	simm.s32 @p0 $0x1  }
0x13: {  	[smem:$0x3FA6] =	sst s0;
	s0 =	simm.s32 @!p1 $0x0  }
0x14: {  	s2 =	sld [smem:$0x3F8A];
	s0 =	simm.s32 @p1 $0x1  }
0x15: {  	[smem:$0x3FA7] =	sst s0;
	s0 =	simm.s32 @!p2 $0x0  }
0x16: {  	s3 =	sld [smem:$0x3FDB];
	s0 =	simm.s32 @p2 $0x1  }
0x17: {  	s4 =	simm.s32 $0x1BF5;
	[smem:$0x3FA9] =	sst s0  }
0x18: {  	s0 =	sld [smem:$0x3F8C];
	_ =	swait.ge [sflag:s4], $0x0  }
0x19: {  	s7 =	sld [smem:$0x3F8D]  }
0x1a: {  	s8 =	sadd.s32 $0xFFFFE003, lr  }
0x1b: {  	s9 =	sadd.s32 $0xFFFFFEF7, lr;
	s5 =	simm.s32 $0xFFFFFFFF;
	p2 =	slt.u32 s8, $0xFFFFF086  }
0x1c: {  	p1 =	slt.u32 s9, $0xF7A;
	s5 =	simm.s32 @!p2 $0x0  }
0x1d: {  	s5 =	simm.s32 @p1 $0x1;
	p0 =	seq.s32 s7, s2  }
0x1e: {  	s7 =	smul.u32 @!p0 $0xF7A, s2;
	p2 =	seq.s32 @!p0 s5, $0x0  }
0x1f: {  	s9 =	smul.u32 $0xF7A, s1;
	s8 =	simm.s32 @!p0 $0x1BF5;
	p2 =	por !p2, p0  }
0x20: {  	[sflag:s8] =	ssyncset.s32 @!p0 $0xFFFFF086;
	s6 =	sadd.s32 @!p0 s3, s7;
	s7 =	simm.s32 @!p0 $0x108  }
0x21: {  	s3 =	sadd.s32 s3, s9;
	s6 =	sadd.s32 @!p0 $0x88, s6;
	s7 =	simm.s32 @p2 $0x1082  }
0x22: {  	[simem:s7], [sflag:s8] =	dma.local @!p0 [hbm:s6], $0xF7A  }
0x23: {  	s9 =	sor.u32 $0xD0000000, s2;
	s6 =	simm.s32 $0x108;
	_ =	swait.ge @!p0 [sflag:s8], $0x0  }
0x24: {  	s3 =	sadd.s32 $0x88, s3;
	s6 =	simm.s32 @!p1 $0x1082;
	[sflag:s4] =	ssyncset.s32 $0xFFFFF086  }
0x25: {  	[simem:s6], [sflag:s4] =	dma.local [hbm:s3], $0xF7A  }
0x26: {  	[smem:$0x3F8D] =	sst s1;
	(tag) =	ssettag s2;
	_ =	strace s9  }
0x27: {  	s1 =	sld [smem:$0x3F9D]  }
0x28: {  	s2 =	sld [smem:$0x3F9E]  }
0x29: {  	s4 =	sld [smem:$0x3FA0]  }
0x2a: {  	p0 =	seq.s32 s5, $0x0;
	s5 =	sld [smem:$0x3FA1]  }
0x2b: {  	s6 =	sld [smem:$0x3FA2]  }
0x2c: {  	s7 =	sld [smem:$0x3FA3]  }
0x2d: {  	s3 =	simm.s32 $0x108;
	s8 =	sld [smem:$0x3FA4]  }
0x2e: {  	s3 =	simm.s32 @!p0 $0x1082;
	s9 =	sld [smem:$0x3FA5]  }
0x2f: {  	lr =	sadd.s32 s0, s3;
	s0 =	sld [smem:$0x3F9C]  }
0x30: {  	s3 =	sld [smem:$0x3F9F]  }
0x31: {  	[smem:$0x3FA8] =	sst s10  }
0x32: {  	s10 =	sld [smem:$0x3FA6];
	_ =	sdelay $0x3  }
0x33: {  	p0 =	seq.s32 s10, $0x1;
	s10 =	sld [smem:$0x3FA8];
	_ =	sdelay $0x3  }
0x34: {  	[smem:$0x3FA8] =	sst s10  }
0x35: {  	s10 =	sld [smem:$0x3FA7];
	_ =	sdelay $0x3  }
0x36: {  	p1 =	seq.s32 s10, $0x1;
	s10 =	sld [smem:$0x3FA8];
	_ =	sdelay $0x3  }
0x37: {  	[smem:$0x3FA8] =	sst s10  }
0x38: {  	s10 =	sld [smem:$0x3FA9]  }
0x39: {  	_ = 	snop;
	(pc) =	sbr.ind lr, $3  }
0x3a: {  	_ = 	snop  }
0x3b: {  	_ = 	snop  }
0x3c: {  	p2 =	seq.s32 s10, $0x1;
	s10 =	sld [smem:$0x3FA8]  }
0x3d: {  	_ =	shalt  }
0x3e: {  	_ =	shalt  }
0x3f: {  	_ =	shalt  }
0x40: {  	_ =	shalt  }
0x41: {  	_ =	shalt  }
0x42: {  	_ =	shalt  }
0x43: {  	_ =	shalt  }
0x44: {  	_ =	shalt  }
0x45: {  	_ =	shalt  }
0x46: {  	_ =	shalt  }
0x47: {  	_ =	shalt  }
0x48: {  	_ =	shalt  }
0x49: {  	_ =	shalt  }
0x4a: {  	_ =	shalt  }
0x4b: {  	_ =	shalt  }
0x4c: {  	_ =	shalt  }
0x4d: {  	_ =	shalt  }
0x4e: {  	_ =	shalt  }
0x4f: {  	_ =	shalt  }
0x50: {  	_ =	shalt  }
0x51: {  	_ =	shalt  }
0x52: {  	_ =	shalt  }
0x53: {  	_ =	shalt  }
0x54: {  	_ =	shalt  }
0x55: {  	_ =	shalt  }
0x56: {  	_ =	shalt  }
0x57: {  	_ =	shalt  }
0x58: {  	_ =	shalt  }
0x59: {  	_ =	shalt  }
0x5a: {  	_ =	shalt  }
0x5b: {  	_ =	shalt  }
0x5c: {  	_ =	shalt  }
0x5d: {  	_ =	shalt  }
0x5e: {  	_ =	shalt  }
0x5f: {  	_ =	shalt  }
0x60: {  	_ =	shalt  }
0x61: {  	_ =	shalt  }
0x62: {  	_ =	shalt  }
0x63: {  	_ =	shalt  }
0x64: {  	_ =	shalt  }
0x65: {  	_ =	shalt  }
0x66: {  	_ =	shalt  }
0x67: {  	_ =	shalt  }
0x68: {  	_ =	shalt  }
0x69: {  	_ =	shalt  }
0x6a: {  	_ =	shalt  }
0x6b: {  	_ =	shalt  }
0x6c: {  	_ =	shalt  }
0x6d: {  	_ =	shalt  }
0x6e: {  	_ =	shalt  }
0x6f: {  	_ =	shalt  }
0x70: {  	_ =	shalt  }
0x71: {  	_ =	shalt  }
0x72: {  	_ =	shalt  }
0x73: {  	_ =	shalt  }
0x74: {  	_ =	shalt  }
0x75: {  	_ =	shalt  }
0x76: {  	_ =	shalt  }
0x77: {  	_ =	shalt  }
0x78: {  	_ =	shalt  }
0x79: {  	_ =	shalt  }
0x7a: {  	_ =	shalt  }
0x7b: {  	_ =	shalt  }
0x7c: {  	_ =	shalt  }
0x7d: {  	_ =	shalt  }
0x7e: {  	_ =	shalt  }
0x7f: {  	_ =	shalt  }
0x80: {  	_ =	shalt  }
0x81: {  	_ =	shalt  }
0x82: {  	_ =	shalt  }
0x83: {  	_ =	shalt  }
0x84: {  	_ =	shalt  }
0x85: {  	_ =	shalt  }
0x86: {  	_ =	shalt  }
0x87: {  	_ =	shalt  }
.Lfunc_end0:
.L_simem_size_0:
called_computation.3_lowered:
.L_overlay_start_0:
0x88: {  	s2 =	sld [smem:$0x3FD9]  }
0x89: {  	s3 =	sld [smem:$0x3FFE];
	_ =	sdelay $0x1  }
0x8a: {  	s1 =	srdreg.scid  }
0x8b: {  	s0 =	sand.u32 $0x1, s1  }
0x8c: {  	s15 =	sshll.u32 s0, $0xA;
	s2 =	sadd.s32 s3, s2  }
0x8d: {  	s2 =	sadd.s32 s2, s15  }
0x8e: {  	[smem:$0x3FB4] =	sst s2  }
0x8f: {  	_ = 	snop  }
0x90: {  	s2 =	sld [smem:$0x3FD0];
	_ =	sdelay $0x2  }
0x91: {  	s16 =	simm.s32 $0xB;
	s4 =	simm.s32 $0x10  }
0x92: {  	[smem:s4], [sflag:s16] =	dma.local [hbm:s2], $0x1  }
0x93: {  	_ =	swait.eq [sflag:s16], $0x1  }
0x94: {  	[sflag:s16] =	ssyncset.done $0x0  }
0x95: {  	[sflag:s16] =	ssyncadd.s32 $0xFFFFFFFF  }
0x96: {  	s17 =	sld [smem:$0x10];
	(tm) =	ssettm $0x1  }
0x97: {  	s18 =	sld [smem:$0x3FFB];
	_ =	sdelay $0x3  }
0x98: {  	_ =	strace s18  }
0x99: {  	s2 =	sld [smem:$0x3FFC];
	_ =	sdelay $0x3  }
0x9a: {  	_ =	strace s2  }
0x9b: {  	s2 =	sld [smem:$0x3FFD];
	_ =	sdelay $0x3  }
0x9c: {  	_ =	strace s2  }
0x9d: {  	_ =	strace $0x8FFFFFFF  }
0x9e: {  	s19 =	sld [smem:$0x3FDB];
	_ =	sdelay $0x1  }
0x9f: {  	s20 =	simm.s32 $_scs_section_size  }
0xa0: {  	s5 =	simm.s32 $_size__tile_overlayer_lowered;
	s6 =	simm.s32 $_tile_overlayer_lowered  }
0xa1: {  	s7 =	simm.s32 $0x1BFF;
	s21 =	sshll.u32 s6, $0x1;
	s4 =	sadd.s32 s20, s19  }
0xa2: {  	s22 =	simm.s32 $0x0;
	s5 =	sshll.u32 s5, $0x1;
	s6 =	sadd.s32 s21, s4  }
0xa3: {  	[timem:s22], [sflag:s7] =	dma.local [hbm:s6], s5  }
0xa4: {  	_ =	swait.ge [sflag:s7], s5  }
0xa5: {  	s5 =	ssub.s32 $0x0, s5;
	[sflag:s7] =	ssyncset.done $0x0  }
0xa6: {  	[sflag:s7] =	ssyncadd.s32 s5;
	_ =	sdelay $0x1  }
0xa7: {  	s23 =	simm.s32 $0x1B8B  }
0xa8: {  	_ =	swait.ge [sflag:s23], $0x1  }
0xa9: {  	[sflag:s23] =	ssyncset.done $0x0  }
0xaa: {  	[sflag:s23] =	ssyncadd.s32 $0xFFFFFFFF  }
0xab: {  	s5 =	sld [smem:$0x0]  }
0xac: {  	s6 =	sand.u32 $0xFFFFFFFE, s1  }
0xad: {  	p0 =	sne.s32 s1, s6  }
0xae: {  	s6 =	sshll.u32 @p0 s6, $0xE  }
0xaf: {  	s6 =	sadd.s32 @p0 $0x11B8D, s6;
	s7 =	sshll.u32 @p0 s5, $0x11  }
0xb0: {  	s6 =	sor.u32 @p0 s7, s6  }
0xb1: {  	[sflag:s6] =	ssyncadd.remote.s32 @p0 $0x1;
	_ =	sdelay $0x1  }
0xb2: {  	s6 =	simm.s32 @p0 $0x1B8D  }
0xb3: {  	_ =	swait.eq @p0 [sflag:s6], $0x1  }
0xb4: {  	[sflag:s6] =	ssyncadd.s32 @p0 $0xFFFFFFFF  }
0xb5: {  	s7 =	sshll.u32 @!p0 s1, $0xE  }
0xb6: {  	s7 =	sor.u32 @!p0 $0x4000, s7;
	s6 =	simm.s32 @!p0 $0x1B8D  }
0xb7: {  	s5 =	sshll.u32 @!p0 s5, $0x11;
	s7 =	sadd.s32 @!p0 $0x11B8D, s7;
	_ =	swait.eq @!p0 [sflag:s6], $0x1  }
0xb8: {  	s5 =	sor.u32 @!p0 s5, s7;
	[sflag:s6] =	ssyncadd.s32 @!p0 $0xFFFFFFFF  }
0xb9: {  	s25 =	simm.s32 $0x1B8E;
	s24 =	sld [smem:$0x3FFE];
	[sflag:s5] =	ssyncadd.remote.s32 @!p0 $0x1  }
0xba: {  	s26 =	simm.s32 $execute0_lowered;
	[smem:$0x3FD2] =	sst s25  }
0xbb: {  	s6 =	sshll.u32 s26, $0x1;
	_ =	strace $0x8000004F;
	[dreg:$0x1] =	wrdreg $0xFFFFFFFF  }
0xbc: {  	s28 =	simm.s32 $_size_execute0_lowered;
	s4 =	sadd.s32 s4, s6;
	[dreg:$0x0] =	wrdreg $0x0  }
0xbd: {  	s6 =	sshll.u32 s28, $0x1;
	[dreg:$0x2] =	wrdreg s4  }
0xbe: {  	[dreg:$0x3] =	wrdreg s6  }
0xbf: {  	[dreg:$0x4] =	wrdreg $0xC0  }
0xc0: {  	_ =	task [dreg:s22], $0x5FFFF  }
0xc1: {  	[dreg:$0x1] =	wrdreg $0xFFFFFFFF  }
0xc2: {  	[dreg:$0x0] =	wrdreg $0x60  }
0xc3: {  	[dreg:$0x2] =	wrdreg s24  }
0xc4: {  	[dreg:$0x3] =	wrdreg s17  }
0xc5: {  	[dreg:$0x4] =	wrdreg $0x112000  }
0xc6: {  	[dreg:$0x5] =	wrdreg $0x9  }
0xc7: {  	_ =	task.clear_ibuf [dreg:s22], $0x6FFFF;
	_ =	strace $0x9000004F  }
0xc8: {  	s29 =	simm.s32 $0x9;
	_ =	strace $0x80000051  }
0xc9: {  	_ =	swait.ge [sflag:s29], $0x1  }
0xca: {  	[sflag:s29] =	ssyncadd.s32 $0xFFFFFFFF  }
0xcb: {  	_ =	strace $0x90000051  }
0xcc: {  	_ =	sfence  }
0xcd: {  	s30 =	sld [smem:$0x0];
	_ =	sdelay $0x2  }
0xce: {  	s31 =	sshll.u32 s1, $0xD;
	s1 =	sshrl.u32 s1, $0x2  }
0xcf: {  	s4 =	sand.u32 $0x4000, s31;
	s1 =	sadd.s32 s1, s30  }
0xd0: {  	s0 =	sor.u32 s4, s0;
	s1 =	sshll.u32 s1, $0x11  }
0xd1: {  	s0 =	sor.u32 s1, s0  }
0xd2: {  	s0 =	sadd.s32 $0x8F2B, s0  }
0xd3: {  	[sflag:s0] =	ssyncadd.remote.s32 $0x1  }
0xd4: {  	_ =	sfence.sel $0xFFFF  }
0xd5: {  	[dreg:$0x0] =	wrdreg $0xFFFFFFFF;
	(pc) =	sbr.abs _section_cstart, $3  }
0xd6: {  	[dreg:$0x1] =	wrdreg $0xFFFFFFFF  }
0xd7: {  	_ =	task.clear_ibuf [dreg:s22], $0x2FFFF;
	_ =	strace $0x9FFFFFFF  }
0xd8: {  	(tm) =	ssettm $0x7FFFFFFF  }
0xd9: {  	_ =	shalt  }
tec
execute0_lowered:
.L_overlay_start_1:
0x0: {  	(tag) =	ssettag $0x1  }
0x1: {  	s0 =	rddreg [dreg:$0x0]  }
0x2: {  	s2 =	rddreg [dreg:$0x1]  }
0x3: {  	s1 =	rddreg [dreg:$0x2];
	s3 =	srdreg.scid  }
0x4: {  	s11 =	stileid.u32;
	s28 =	simm.s32 $0x4;
	s29 =	simm.s32 $0x4200  }
0x5: {  	s30 =	simm.s32 $0x0;
	s4 =	sand.u32 $0x1, s3;
	s7 =	smul.u32 $0xB000, s11  }
0x6: {  	s3 =	simm.s32 $0x0;
	s6 =	sshll.u32 s11, $0xC;
	s10 =	smul.u32 $0x2C000, s11  }
0x7: {  	s14 =	sshll.u32 s11, $0x8;
	s5 =	smul.u32 $0xB0000, s4;
	[smem:$0x7FF] =	sst s3  }
0x8: {  	s6 =	sadd.s32 s6, s0;
	s18 =	smul.u32 $0x4E400, s4;
	s8 =	sadd.s32 $0x2EE00, s14  }
0x9: {  	s4 =	ssub.s32 $0x2, s4;
	s31 =	sadd.s32 $0x30E00, s14;
	s15 =	sadd.s32 $0x2FE00, s14  }
0xa: {  	_ =	strace $0x80000050;
	s9 =	sand.u32 $0x2FC00, s8;
	s17 =	sand.u32 $0x300, s8  }
0xb: {  	s19 =	sshrl.u32 s4, $0x1;
	s21 =	sshrl.u32 s10, $0x2;
	s16 =	sand.u32 $0x3FC00, s15  }
0xc: {  	s5 =	sadd.s32 s7, s5;
	s9 =	sadd.s32 s18, s9;
	s20 =	ssub.s32 s4, s19  }
0xd: {  	s4 =	sadd.s32 s21, s1;
	s7 =	sadd.s32 s16, s18;
	s19 =	sadd.s32 $0x2FE, s11  }
0xe: {  	s5 =	sshrl.u32 s5, $0x3;
	s8 =	sor.u32 s17, s9;
	s23 =	smax.u32 s20, $0x1  }
0xf: {  	s24 =	sadd.s32 $0x2000, s4;
	s25 =	sadd.s32 $0x3000, s4;
	s26 =	sadd.s32 $0x4000, s4  }
0x10: {  	s12 =	sadd.s32 $0x5000, s4;
	s13 =	sadd.s32 $0x6000, s4;
	s14 =	sadd.s32 $0x7000, s4  }
0x11: {  	s15 =	sadd.s32 $0x8000, s4;
	s16 =	sadd.s32 $0x9000, s4;
	[dreg:$0x5] =	wrdreg s23  }
0x12: {  	s7 =	sor.u32 s17, s7;
	s0 =	sadd.s32 s5, s0;
	[dreg:$0x6] =	wrdreg s24  }
0x13: {  	s8 =	sshrl.u32 s8, $0x3;
	s5 =	sadd.s32 $0x30400, s6;
	[dreg:$0x7] =	wrdreg s25  }
0x14: {  	[dreg:$0x8] =	wrdreg s26;
	s6 =	sand.u32 $0x31C00, s31;
	s7 =	sshrl.u32 s7, $0x3  }
0x15: {  	s23 =	simm.s32 $0x3;
	s24 =	simm.s32 $0x200;
	s25 =	simm.s32 $0x1  }
0x16: {  	s26 =	simm.s32 $0x80;
	s22 =	sadd.s32 s2, s8;
	s6 =	sadd.s32 s6, s18  }
0x17: {  	s8 =	sadd.s32 $0x1000, s4;
	s20 =	sadd.s32 s7, s2;
	s6 =	sor.u32 s17, s6  }
0x18: {  	s21 =	sadd.s32 $0x224400, s0;
	[dreg:$0x4] =	wrdreg s22;
	s6 =	sshrl.u32 s6, $0x3  }
0x19: {  	v0 =	vimm.f32 $0.0e+00;
	s17 =	sadd.s32 $0xA000, s4;
	s22 =	simm.s32 $0x10200;
	s6 =	sadd.s32 s6, s2  }
.LBB2_1:
0x1a: {  	s0 =	simm.s32 $0x0;
	s2 =	simm.s32 $0x200  }
.LBB2_2:
0x1b: {  	p0 =	sne.s32 s2, $0x3E00;
	[tilespmem:s0+$0x10270] =	vst v0  }
0x1c: {  	[tilespmem:s0+$0x10200] =	vst v0  }
0x1d: {  	[tilespmem:s0+$0x10210] =	vst v0  }
.Ltmp0:
0x1e: {  	[tilespmem:s0+$0x10220] =	vst v0;
	(pc) =	sbr.rel @p0 .LBB2_2-.Ltmp0, $4  }
0x1f: {  	[tilespmem:s0+$0x10230] =	vst v0  }
0x20: {  	[tilespmem:s0+$0x10240] =	vst v0  }
0x21: {  	[tilespmem:s0+$0x10250] =	vst v0  }
0x22: {  	[tilespmem:s0+$0x10260] =	vst v0;
	s0 =	sshra.s32 s2, $0x2;
	s2 =	sadd.s32 $0x200, s2  }
0x23: {  	[tilespmem:s0+$0x10270] =	vst v0  }
0x24: {  	[tilespmem:s0+$0x10200] =	vst v0  }
0x25: {  	[tilespmem:s0+$0x10210] =	vst v0  }
0x26: {  	[tilespmem:s0+$0x10220] =	vst v0  }
0x27: {  	[tilespmem:s0+$0x10230] =	vst v0  }
0x28: {  	[tilespmem:s0+$0x10240] =	vst v0  }
0x29: {  	[tilespmem:s0+$0x10250] =	vst v0  }
0x2a: {  	[tilespmem:s0+$0x10260] =	vst v0  }
0x2b: {  	[spmem:s4] =	stream.linear.scatter [tilespmem:s22], [sflag:$0x3], $0x1000, $0x38;
	[tilespmem:$0x1C200] =	vst v63  }
0x2c: {  	_ =	swait.ge [sflag:s23], $0x1000  }
0x2d: {  	[sflag:s23] =	ssyncset.done $0x0  }
0x2e: {  	[sflag:s23] =	ssyncadd.s32 $0xFFFFF000  }
0x2f: {  	[spmem:s8] =	stream.linear.scatter [tilespmem:s22], [sflag:$0x3], $0x1000, $0x38;
	[tilespmem:$0x1C200] =	vst v63  }
0x30: {  	_ =	swait.ge [sflag:s23], $0x1000  }
0x31: {  	[sflag:s23] =	ssyncset.done $0x0  }
0x32: {  	s7 =	rddreg [dreg:$0x6];
	[sflag:s23] =	ssyncadd.s32 $0xFFFFF000  }
0x33: {  	[spmem:s7] =	stream.linear.scatter [tilespmem:s22], [sflag:$0x3], $0x1000, $0x38;
	[tilespmem:$0x1C200] =	vst v63  }
0x34: {  	_ =	swait.ge [sflag:s23], $0x1000  }
0x35: {  	[sflag:s23] =	ssyncset.done $0x0  }
0x36: {  	s9 =	rddreg [dreg:$0x7];
	[sflag:s23] =	ssyncadd.s32 $0xFFFFF000  }
0x37: {  	[spmem:s9] =	stream.linear.scatter [tilespmem:s22], [sflag:$0x3], $0x1000, $0x38;
	[tilespmem:$0x1C200] =	vst v63  }
0x38: {  	_ =	swait.ge [sflag:s23], $0x1000  }
0x39: {  	[sflag:s23] =	ssyncset.done $0x0  }
0x3a: {  	s10 =	rddreg [dreg:$0x8];
	[sflag:s23] =	ssyncadd.s32 $0xFFFFF000  }
0x3b: {  	[spmem:s10] =	stream.linear.scatter [tilespmem:s22], [sflag:$0x3], $0x1000, $0x38;
	[tilespmem:$0x1C200] =	vst v63  }
0x3c: {  	_ =	swait.ge [sflag:s23], $0x1000  }
0x3d: {  	[sflag:s23] =	ssyncset.done $0x0  }
0x3e: {  	[sflag:s23] =	ssyncadd.s32 $0xFFFFF000  }
0x3f: {  	[spmem:s12] =	stream.linear.scatter [tilespmem:s22], [sflag:$0x3], $0x1000, $0x38;
	[tilespmem:$0x1C200] =	vst v63  }
0x40: {  	_ =	swait.ge [sflag:s23], $0x1000  }
0x41: {  	[sflag:s23] =	ssyncset.done $0x0  }
0x42: {  	[sflag:s23] =	ssyncadd.s32 $0xFFFFF000  }
0x43: {  	[spmem:s13] =	stream.linear.scatter [tilespmem:s22], [sflag:$0x3], $0x1000, $0x38;
	[tilespmem:$0x1C200] =	vst v63  }
0x44: {  	_ =	swait.ge [sflag:s23], $0x1000  }
0x45: {  	[sflag:s23] =	ssyncset.done $0x0  }
0x46: {  	[sflag:s23] =	ssyncadd.s32 $0xFFFFF000  }
0x47: {  	[spmem:s14] =	stream.linear.scatter [tilespmem:s22], [sflag:$0x3], $0x1000, $0x38;
	[tilespmem:$0x1C200] =	vst v63  }
0x48: {  	_ =	swait.ge [sflag:s23], $0x1000  }
0x49: {  	[sflag:s23] =	ssyncset.done $0x0  }
0x4a: {  	[sflag:s23] =	ssyncadd.s32 $0xFFFFF000  }
0x4b: {  	[spmem:s15] =	stream.linear.scatter [tilespmem:s22], [sflag:$0x3], $0x1000, $0x38;
	[tilespmem:$0x1C200] =	vst v63  }
0x4c: {  	_ =	swait.ge [sflag:s23], $0x1000  }
0x4d: {  	[sflag:s23] =	ssyncset.done $0x0  }
0x4e: {  	[sflag:s23] =	ssyncadd.s32 $0xFFFFF000  }
0x4f: {  	[spmem:s16] =	stream.linear.scatter [tilespmem:s22], [sflag:$0x3], $0x1000, $0x38;
	[tilespmem:$0x1C200] =	vst v63  }
0x50: {  	_ =	swait.ge [sflag:s23], $0x1000  }
0x51: {  	[sflag:s23] =	ssyncset.done $0x0  }
0x52: {  	[sflag:s23] =	ssyncadd.s32 $0xFFFFF000  }
0x53: {  	[spmem:s17] =	stream.linear.scatter [tilespmem:s22], [sflag:$0x3], $0x1000, $0x38;
	[tilespmem:$0x1C200] =	vst v63  }
0x54: {  	_ =	swait.ge [sflag:s23], $0x1000  }
0x55: {  	[sflag:s23] =	ssyncset.done $0x0  }
0x56: {  	[sflag:s23] =	ssyncadd.s32 $0xFFFFF000  }
0x57: {  	s11 =	simm.s32 $0x0;
	[bflag:$0x0] =	sbarrier.arrive $0xFFFF  }
0x58: {  	[tilespmem:s24], [sflag:$0x1] =	stream.linear.gather [hbm4b:s5+s11], $0x8000, $0x38;
	[tilespmem:$0x1C200] =	vst v63  }
0x59: {  	s2 =	rddreg [dreg:$0x4]  }
0x5a: {  	[tilespmem:s11], [sflag:$0x1] =	stream.linear.gather [hbm4b:s2+s11], $0x100, $0x38;
	[tilespmem:$0x1C200] =	vst v63  }
0x5b: {  	_ =	swait.ge [sflag:s25], $0x8000  }
0x5c: {  	s18 =	sadd.s32 $0xFFFFFFF0, s19;
	[sflag:s25] =	ssyncset.done $0x0  }
0x5d: {  	p0 =	sgt.u32 s18, $0x4D1;
	[sflag:s25] =	ssyncadd.s32 $0xFFFF8000  }
0x5e: {  	s0 =	sadd.s32 @!p0 $0x0, s5;
	_ =	swait.ge [sflag:s25], $0x100  }
0x5f: {  	s0 =	sadd.s32 @!p0 $0x10000, s0;
	[sflag:s25] =	ssyncset.done $0x0  }
0x60: {  	s7 =	simm.s32 @!p0 $0x0;
	s2 =	simm.s32 @!p0 $0x8200;
	[sflag:s25] =	ssyncadd.s32 $0xFFFFFF00  }
0x61: {  	[tilespmem:s2], [sflag:$0x2] =	stream.linear.gather @!p0 [hbm4b:s0+s7], $0x8000, $0x38;
	[tilespmem:$0x1C200] =	vst v63  }
0x62: {  	s0 =	simm.s32 @!p0 $0x100  }
0x63: {  	[tilespmem:s0], [sflag:$0x2] =	stream.linear.gather @!p0 [hbm4b:s20+s7], $0x100, $0x38;
	[tilespmem:$0x1C200] =	vst v63  }
0x64: {  	_ = 	snop  }
0x65: {  	[spmem:s1] =	stream.indirect.scatter.add.f32 [tilespmem:s24], [sflag:$0x4], $0x80, s3, s26, $0xb8;
	[tilespmem:$0x1C200] =	vst v63  }
0x66: {  	_ =	swait.ge [sflag:s28], $0x4000  }
0x67: {  	[sflag:s28] =	ssyncset.done $0x0  }
0x68: {  	[sflag:s28] =	ssyncadd.s32 $0xFFFFC000  }
0x69: {  	[spmem:s1] =	stream.indirect.scatter.add.f32 [tilespmem:s29], [sflag:$0x4], $0x80, s26, s26, $0xb8;
	[tilespmem:$0x1C200] =	vst v63  }
0x6a: {  	_ =	swait.ge [sflag:s28], $0x4000  }
0x6b: {  	p0 =	sgt.u32 s19, $0x4E1;
	[sflag:s28] =	ssyncset.done $0x0  }
0x6c: {  	s0 =	simm.s32 @!p0 $0x2;
	[sflag:s28] =	ssyncadd.s32 $0xFFFFC000  }
0x6d: {  	_ =	swait.ge @!p0 [sflag:s0], $0x8000  }
0x6e: {  	[sflag:s0] =	ssyncset.done @!p0 $0x0  }
0x6f: {  	p1 =	sgt.u32 @!p0 s19, $0x4D1;
	[sflag:s0] =	ssyncadd.s32 @!p0 $0xFFFF8000  }
0x70: {  	p1 =	por p1, p0;
	_ =	swait.ge @!p0 [sflag:s0], $0x100  }
0x71: {  	s2 =	sadd.s32 @!p1 $0x0, s5;
	s7 =	simm.s32 @!p1 $0x200;
	[sflag:s0] =	ssyncset.done @!p0 $0x0  }
0x72: {  	[sflag:s0] =	ssyncadd.s32 @!p0 $0xFFFFFF00;
	s0 =	sadd.s32 @!p1 $0x20000, s2;
	s2 =	simm.s32 @!p1 $0x0  }
0x73: {  	[tilespmem:s7], [sflag:$0x1] =	stream.linear.gather @!p1 [hbm4b:s0+s2], $0x8000, $0x38;
	[tilespmem:$0x1C200] =	vst v63  }
0x74: {  	s18 =	simm.s32 @!p0 $0x8200  }
0x75: {  	[tilespmem:s2], [sflag:$0x1] =	stream.linear.gather @!p1 [hbm4b:s6+s2], $0x100, $0x38;
	[tilespmem:$0x1C200] =	vst v63  }
0x76: {  	s0 =	simm.s32 @!p0 $0x4;
	s7 =	simm.s32 @!p0 $0x100;
	s2 =	simm.s32 @!p0 $0x80  }
0x77: {  	[spmem:s1] =	stream.indirect.scatter.add.f32 @!p0 [tilespmem:s18], [sflag:$0x4], $0x80, s7, s2, $0xb8;
	[tilespmem:$0x1C200] =	vst v63  }
0x78: {  	_ =	swait.ge @!p0 [sflag:s0], $0x4000  }
0x79: {  	s7 =	simm.s32 @!p0 $0x3;
	[sflag:s0] =	ssyncset.done @!p0 $0x0  }
0x7a: {  	s18 =	simm.s32 @!p0 $0xC200;
	[sflag:s0] =	ssyncadd.s32 @!p0 $0xFFFFC000;
	s0 =	simm.s32 @!p0 $0x180  }
0x7b: {  	[spmem:s1] =	stream.indirect.scatter.add.f32 @!p0 [tilespmem:s18], [sflag:$0x3], $0x80, s0, s2, $0xb8;
	[tilespmem:$0x1C200] =	vst v63  }
0x7c: {  	s31 =	simm.s32 $0x20000;
	s0 =	sadd.s32 $0x20, s19;
	_ =	swait.ge @!p0 [sflag:s7], $0x4000  }
0x7d: {  	s2 =	sadd.s32 $0x400, s20;
	s18 =	smov.u32 s6;
	[sflag:s7] =	ssyncset.done @!p0 $0x0  }
.LBB2_4:
0x7e: {  	[sflag:s7] =	ssyncadd.s32 @!p0 $0xFFFFC000  }
0x7f: {  	s18 =	sadd.s32 $0x400, s18;
	s7 =	smov.u32 s31;
	s31 =	sadd.s32 $0x20000, s31  }
0x80: {  	_ =	swait.ge [sflag:s25], $0x8000;
	p1 =	sne.s32 s31, $0x200000  }
0x81: {  	[sflag:s25] =	ssyncset.done $0x0  }
0x82: {  	s9 =	sadd.s32 $0xFFFFFFF0, s0;
	[sflag:s25] =	ssyncadd.s32 $0xFFFF8000  }
0x83: {  	p0 =	sgt.u32 s9, $0x4D1;
	_ =	swait.ge [sflag:s25], $0x100  }
0x84: {  	s9 =	sadd.s32 @!p0 s7, s5;
	s10 =	simm.s32 @!p0 $0x8200;
	[sflag:s25] =	ssyncset.done $0x0  }
0x85: {  	s11 =	simm.s32 @!p0 $0x0;
	s9 =	sadd.s32 @!p0 $0x10000, s9;
	[sflag:s25] =	ssyncadd.s32 $0xFFFFFF00  }
0x86: {  	[tilespmem:s10], [sflag:$0x2] =	stream.linear.gather @!p0 [hbm4b:s9+s11], $0x8000, $0x38;
	[tilespmem:$0x1C200] =	vst v63  }
0x87: {  	s9 =	simm.s32 @!p0 $0x100  }
0x88: {  	[tilespmem:s9], [sflag:$0x2] =	stream.linear.gather @!p0 [hbm4b:s2+s11], $0x100, $0x38;
	[tilespmem:$0x1C200] =	vst v63  }
0x89: {  	_ = 	snop  }
0x8a: {  	[spmem:s1] =	stream.indirect.scatter.add.f32 [tilespmem:s24], [sflag:$0x4], $0x80, s3, s26, $0xb8;
	[tilespmem:$0x1C200] =	vst v63  }
0x8b: {  	_ =	swait.ge [sflag:s28], $0x4000  }
0x8c: {  	[sflag:s28] =	ssyncset.done $0x0  }
0x8d: {  	[sflag:s28] =	ssyncadd.s32 $0xFFFFC000  }
0x8e: {  	[spmem:s1] =	stream.indirect.scatter.add.f32 [tilespmem:s29], [sflag:$0x4], $0x80, s26, s26, $0xb8;
	[tilespmem:$0x1C200] =	vst v63  }
0x8f: {  	_ =	swait.ge [sflag:s28], $0x4000  }
0x90: {  	p0 =	sgt.u32 s0, $0x4E1;
	[sflag:s28] =	ssyncset.done $0x0  }
0x91: {  	s9 =	simm.s32 @!p0 $0x2;
	p2 =	sgt.u32 @!p0 s0, $0x4D1;
	[sflag:s28] =	ssyncadd.s32 $0xFFFFC000  }
0x92: {  	_ =	swait.ge @!p0 [sflag:s9], $0x8000  }
0x93: {  	[sflag:s9] =	ssyncset.done @!p0 $0x0  }
0x94: {  	[sflag:s9] =	ssyncadd.s32 @!p0 $0xFFFF8000  }
0x95: {  	p2 =	por p2, p0;
	_ =	swait.ge @!p0 [sflag:s9], $0x100  }
0x96: {  	s7 =	sadd.s32 @!p2 s7, s5;
	s10 =	simm.s32 @!p2 $0x200;
	[sflag:s9] =	ssyncset.done @!p0 $0x0  }
0x97: {  	s7 =	sadd.s32 @!p2 $0x20000, s7;
	[sflag:s9] =	ssyncadd.s32 @!p0 $0xFFFFFF00;
	s9 =	simm.s32 @!p2 $0x0  }
0x98: {  	[tilespmem:s10], [sflag:$0x1] =	stream.linear.gather @!p2 [hbm4b:s7+s9], $0x8000, $0x38;
	[tilespmem:$0x1C200] =	vst v63  }
0x99: {  	s10 =	simm.s32 @!p0 $0x4  }
0x9a: {  	[tilespmem:s9], [sflag:$0x1] =	stream.linear.gather @!p2 [hbm4b:s18+s9], $0x100, $0x38;
	[tilespmem:$0x1C200] =	vst v63  }
0x9b: {  	s11 =	simm.s32 @!p0 $0x8200;
	s7 =	simm.s32 @!p0 $0x100;
	s9 =	simm.s32 @!p0 $0x80  }
0x9c: {  	[spmem:s1] =	stream.indirect.scatter.add.f32 @!p0 [tilespmem:s11], [sflag:$0x4], $0x80, s7, s9, $0xb8;
	[tilespmem:$0x1C200] =	vst v63  }
0x9d: {  	_ =	swait.ge @!p0 [sflag:s10], $0x4000  }
.Ltmp1:
0x9e: {  	s7 =	simm.s32 @!p0 $0x3;
	[sflag:s10] =	ssyncset.done @!p0 $0x0;
	(pc) =	sbr.rel @p1 .LBB2_4-.Ltmp1, $4  }
0x9f: {  	s11 =	simm.s32 @!p0 $0xC200;
	[sflag:s10] =	ssyncadd.s32 @!p0 $0xFFFFC000;
	s10 =	simm.s32 @!p0 $0x180  }
0xa0: {  	[spmem:s1] =	stream.indirect.scatter.add.f32 @!p0 [tilespmem:s11], [sflag:$0x3], $0x80, s10, s9, $0xb8;
	[tilespmem:$0x1C200] =	vst v63  }
0xa1: {  	_ =	swait.ge @!p0 [sflag:s7], $0x4000  }
0xa2: {  	s2 =	sadd.s32 $0x400, s2;
	s0 =	sadd.s32 $0x20, s0;
	[sflag:s7] =	ssyncset.done @!p0 $0x0  }
0xa3: {  	s0 =	stileid.u32  }
0xa4: {  	[sflag:s7] =	ssyncadd.s32 @!p0 $0xFFFFC000;
	s2 =	sadd.s32 $0x0, s21;
	s0 =	sshll.u32 s0, $0x6  }
0xa5: {  	s31 =	sshrl.u32 s4, $0x3;
	[bflag:$0x0] =	sbarrier.arrive $0xFFFF;
	s0 =	sor.u32 $0x1C03, s0  }
0xa6: {  	[hbm:s2], [sflag:s0] =	dma.local [spmem:s31], $0x200  }
0xa7: {  	s7 =	smov.u32 s8;
	s2 =	simm.s32 $0x200;
	_ =	swait.ge [sflag:s23], $0x200  }
.LBB2_6:
0xa8: {  	s9 =	sadd.s32 s2, s21;
	[sflag:s23] =	ssyncset.done $0x0;
	p0 =	sne.s32 s2, $0x1400  }
.Ltmp2:
0xa9: {  	s10 =	sshrl.u32 s7, $0x3;
	[sflag:s23] =	ssyncadd.s32 $0xFFFFFE00;
	(pc) =	sbr.rel @p0 .LBB2_6-.Ltmp2, $3  }
0xaa: {  	[hbm:s9], [sflag:s0] =	dma.local [spmem:s10], $0x200  }
0xab: {  	s2 =	sadd.s32 $0x200, s2;
	_ =	sdelay $0x1  }
0xac: {  	s7 =	sadd.s32 $0x1000, s7;
	_ =	swait.ge [sflag:s23], $0x200  }
0xad: {  	s30 =	sadd.s32 $0x1, s30;
	s0 =	rddreg [dreg:$0x5]  }
0xae: {  	p0 =	sne.s32 s30, s0  }
.Ltmp3:
0xaf: {  	_ = 	snop;
	(pc) =	sbr.rel @p0 .LBB2_1-.Ltmp3, $3  }
0xb0: {  	_ =	sdelay $0x1  }
0xb1: {  	[sflag:s23] =	ssyncset.done $0x0  }
0xb2: {  	[sflag:s23] =	ssyncadd.s32 $0xFFFFFE00  }
0xb3: {  	_ =	sfence.sel $0x180000  }
0xb4: {  	[bflag:$0x0] =	sbarrier.arrive $0xFFFF  }
0xb5: {  	_ =	strace $0x90000050  }
0xb6: {  	s0 =	stileid.u32;
	[bflag:$0x2] =	sbarrier.arrive $0xFFFF  }
0xb7: {  	p0 =	sne.s32 s0, $0x0;
	s0 =	rddreg [dreg:$0x3]  }
0xb8: {  	s0 =	sadd.s32 @!p0 $0x100000, s0  }
0xb9: {  	[sflag:s0] =	ssyncadd.tile.s32 @!p0 $0x1;
	_ =	shalt  }
.Lfunc_end2:
_tile_overlayer_lowered:
.L_overlay_start_2:
0xba: {  	(tag) =	ssettag $0x2  }
0xbb: {  	s0 =	rddreg [dreg:$0x0];
	s2 =	stileid.u32  }
0xbc: {  	s1 =	rddreg [dreg:$0x1];
	p0 =	sne.s32 s2, $0x0  }
0xbd: {  	s3 =	rddreg [dreg:$0x2];
	[bflag:$0x3] =	sbarrier.arrive $0xFFFF;
	s2 =	simm.s32 @!p0 $0x1C03  }
0xbe: {  	[timem:s3], [sflag:s2] =	dma.local @!p0 [hbm:s0], s1  }
0xbf: {  	s0 =	simm.s32 @!p0 $0x3  }
0xc0: {  	_ =	swait.ge @!p0 [sflag:s0], s1  }
0xc1: {  	s1 =	ssub.s32 @!p0 $0x0, s1;
	[sflag:s0] =	ssyncset.done @!p0 $0x0  }
0xc2: {  	[sflag:s0] =	ssyncadd.s32 @!p0 s1  }
0xc3: {  	[bflag:$0x3] =	sbarrier.arrive $0xFFFF  }
0xc4: {  	_ =	shalt  }

</sc_bundles>
